<compile_context>
chip_gen: v7x
topology: tpu7x:2x2x1
jax: 0.10.2.dev20260603
libtpu: 0.0.44.dev20260713+nightly
codegen_flags: <defaults>
</compile_context>

<pallas_src>
import functools

import jax
import jax.numpy as jnp
from jax import lax
from jax.experimental import pallas as pl
from jax.experimental.pallas import tpu as pltpu
from jax.experimental.pallas import tpu_sc as plsc

N_NODES = 10000
N_PAD = 10240
N_EDGES = 320000
NW = 32
K = 8
G = 10
NB = K * G
E_PAD = NW * NB * 128
D_FEAT = 128
D_HID = 16
N_CLASSES = 7
ROWS_PER_TILE = N_PAD // 16


def _sc_mesh():
    return plsc.VectorSubcoreMesh(
        core_axis_name="c", subcore_axis_name="s", num_cores=2, num_subcores=16
    )



def _deg_body(eg, degp, dst_v, ones_v, zbuf_v, deg_sh, sem):
    c = lax.axis_index("c")
    s = lax.axis_index("s")
    wid = c * 16 + s

    def fill_ones(i, carry):
        ones_v[pl.ds(i * 16, 16)] = jnp.ones((16,), jnp.float32)
        return carry

    lax.fori_loop(0, 8, fill_ones, 0)

    def fill_zeros(i, carry):
        zbuf_v[pl.ds(i * 16, 16)] = jnp.zeros((16,), jnp.float32)
        return carry

    lax.fori_loop(0, ROWS_PER_TILE // 16, fill_zeros, 0)

    pltpu.sync_copy(eg.at[1, wid], dst_v)
    pltpu.sync_copy(zbuf_v, deg_sh.at[pl.ds(s * ROWS_PER_TILE, ROWS_PER_TILE)])
    plsc.subcore_barrier()

    def body(g, carry):
        descs = [
            pltpu.async_copy(ones_v, deg_sh.at[dst_v.at[g * K + b]], sem, add=True)
            for b in range(K)
        ]
        for d in descs:
            d.wait()
        return carry

    lax.fori_loop(0, G, body, 0)
    plsc.subcore_barrier()

    pltpu.sync_copy(deg_sh.at[pl.ds(s * ROWS_PER_TILE, ROWS_PER_TILE)], zbuf_v)
    pltpu.sync_copy(zbuf_v, degp.at[c, pl.ds(s * ROWS_PER_TILE, ROWS_PER_TILE)])


def _sc_degree(eg):
    kern = functools.partial(
        pl.kernel,
        out_type=jax.ShapeDtypeStruct((2, N_PAD), jnp.float32),
        mesh=_sc_mesh(),
        scratch_types=[
            pltpu.VMEM((NB, 128), jnp.int32),
            pltpu.VMEM((128,), jnp.float32),
            pltpu.VMEM((ROWS_PER_TILE,), jnp.float32),
            pltpu.VMEM_SHARED((N_PAD,), jnp.float32),
            pltpu.SemaphoreType.DMA,
        ],
        compiler_params=pltpu.CompilerParams(use_tc_tiling_on_sc=False),
    )(_deg_body)
    return kern(eg)


def _agg_body(table, eg, aggp, src_v, dst_v, rows_v, zbuf_v, acc_sh,
              table_sh, gsem, ssem):
    c = lax.axis_index("c")
    s = lax.axis_index("s")
    wid = c * 16 + s

    tile_rows = pl.ds(s * ROWS_PER_TILE, ROWS_PER_TILE)
    pltpu.sync_copy(table.at[tile_rows], zbuf_v)
    pltpu.sync_copy(zbuf_v, table_sh.at[tile_rows])

    def fill_zeros(i, carry):
        zbuf_v[i, :] = jnp.zeros((16,), jnp.float32)
        return carry

    lax.fori_loop(0, ROWS_PER_TILE, fill_zeros, 0)

    pltpu.sync_copy(eg.at[0, wid], src_v)
    pltpu.sync_copy(eg.at[1, wid], dst_v)
    pltpu.sync_copy(zbuf_v, acc_sh.at[tile_rows])
    plsc.subcore_barrier()

    def issue_gathers(g, setidx):
        for b in range(K):
            pltpu.async_copy(
                table_sh.at[src_v.at[g * K + b]], rows_v.at[setidx, b], gsem
            )

    issue_gathers(0, 0)

    def body(g, carry):
        cur = lax.rem(g, 2)
        nxt = lax.rem(g + 1, 2)

        @pl.when(g + 1 < G)
        def _():
            issue_gathers(g + 1, nxt)

        for b in range(K):
            pltpu.make_async_copy(
                table_sh.at[src_v.at[g * K + b]], rows_v.at[cur, b], gsem
            ).wait()
        descs = [
            pltpu.async_copy(
                rows_v.at[cur, b], acc_sh.at[dst_v.at[g * K + b]], ssem, add=True
            )
            for b in range(K)
        ]
        for d in descs:
            d.wait()
        return carry

    lax.fori_loop(0, G, body, 0)
    plsc.subcore_barrier()

    pltpu.sync_copy(acc_sh.at[tile_rows], zbuf_v)
    pltpu.sync_copy(zbuf_v, aggp.at[c, tile_rows])


def _sc_aggregate(table, eg):
    kern = functools.partial(
        pl.kernel,
        out_type=jax.ShapeDtypeStruct((2, N_PAD, D_HID), jnp.float32),
        mesh=_sc_mesh(),
        scratch_types=[
            pltpu.VMEM((NB, 128), jnp.int32),
            pltpu.VMEM((NB, 128), jnp.int32),
            pltpu.VMEM((2, K, 128, D_HID), jnp.float32),
            pltpu.VMEM((ROWS_PER_TILE, D_HID), jnp.float32),
            pltpu.VMEM_SHARED((N_PAD, D_HID), jnp.float32),
            pltpu.VMEM_SHARED((N_PAD, D_HID), jnp.float32),
            pltpu.SemaphoreType.DMA,
            pltpu.SemaphoreType.DMA,
        ],
        compiler_params=pltpu.CompilerParams(use_tc_tiling_on_sc=False),
    )(_agg_body)
    return kern(table, eg)



RT = N_PAD // 8
RX = N_NODES // 8


def _tc_table1_body(degp_ref, x_ref, w1e_ref, e8_ref, out_ref, dinv_ref):
    deg = degp_ref[0, :, :] + degp_ref[1, :, :] + 1.0
    dinv_n = lax.rsqrt(deg)
    dinv8 = jnp.dot(dinv_n, e8_ref[...], preferred_element_type=jnp.float32,
                    precision=lax.Precision.HIGHEST)
    dinv_ref[...] = dinv8
    h = jnp.dot(x_ref[...], w1e_ref[...], preferred_element_type=jnp.float32)
    out_ref[pl.ds(0, RX), :] = h * dinv8[0:RX, :]
    out_ref[pl.ds(RX, RT - RX), :] = jnp.zeros((RT - RX, 128), jnp.float32)


def _tc_table2_body(aggp_ref, t1_ref, dinv_ref, b1_ref, w2bd_ref, out_ref):
    agg = aggp_ref[0, :, :] + aggp_ref[1, :, :] + t1_ref[...]
    z1 = jnp.maximum(agg * dinv_ref[...] + b1_ref[...], 0.0)
    h2 = jnp.dot(z1, w2bd_ref[...], preferred_element_type=jnp.float32)
    out_ref[...] = h2 * dinv_ref[...]


def _tc_out_body(aggp_ref, t2_ref, dinv_ref, b2_ref, perm_ref, ones_ref,
                 out_ref):
    agg = aggp_ref[0, :, :] + aggp_ref[1, :, :] + t2_ref[...]
    z = agg * dinv_ref[...] + b2_ref[...]
    col = lax.broadcasted_iota(jnp.int32, (RT, 128), 1)
    zm = jnp.where(col % 16 < N_CLASSES, z, -1e30)
    m = zm
    for p in range(4):
        m = jnp.maximum(
            m,
            jnp.dot(m, perm_ref[p, :, :], preferred_element_type=jnp.float32,
                    precision=lax.Precision.HIGHEST),
        )
    e = jnp.exp(zm - m)
    ssum = jnp.dot(e, ones_ref[...], preferred_element_type=jnp.float32,
                   precision=lax.Precision.HIGHEST)
    out_ref[...] = z - m - jnp.log(ssum)



def kernel(x, edge_index, W1, b1, W2, b2):
    f32 = jnp.float32
    eg = jnp.pad(
        edge_index, ((0, 0), (0, E_PAD - N_EDGES)),
        constant_values=N_PAD - 1,
    ).reshape(2, NW, NB, 128)

    e8 = jnp.repeat(jnp.eye(8, dtype=f32), 16, axis=1)
    w1e = jnp.stack(
        [jnp.pad(W1, ((0, 0), (16 * s, 112 - 16 * s))) for s in range(8)]
    ).reshape(1024, 128)
    w2p = jnp.pad(W2, ((0, 0), (0, D_HID - N_CLASSES)))
    w2bd = jnp.kron(jnp.eye(8, dtype=f32), w2p)
    b1t = jnp.tile(b1, 8).reshape(1, 128)
    b2t = jnp.tile(jnp.pad(b2, (0, D_HID - N_CLASSES)), 8).reshape(1, 128)
    perm = jnp.stack(
        [
            jnp.kron(jnp.eye(8, dtype=f32),
                     jnp.roll(jnp.eye(16, dtype=f32), sh, axis=1))
            for sh in (1, 2, 4, 8)
        ]
    )
    ones_bd = jnp.kron(jnp.eye(8, dtype=f32), jnp.ones((16, 16), f32))

    degp = _sc_degree(eg)

    t1_8, dinv8 = pl.pallas_call(
        _tc_table1_body,
        out_shape=(
            jax.ShapeDtypeStruct((RT, 128), f32),
            jax.ShapeDtypeStruct((RT, 128), f32),
        ),
    )(degp.reshape(2, RT, 8), x.reshape(RX, 1024), w1e, e8)

    agg1p = _sc_aggregate(t1_8.reshape(N_PAD, D_HID), eg)

    t2_8 = pl.pallas_call(
        _tc_table2_body,
        out_shape=jax.ShapeDtypeStruct((RT, 128), f32),
    )(agg1p.reshape(2, RT, 128), t1_8, dinv8, b1t, w2bd)

    agg2p = _sc_aggregate(t2_8.reshape(N_PAD, D_HID), eg)

    out8 = pl.pallas_call(
        _tc_out_body,
        out_shape=jax.ShapeDtypeStruct((RT, 128), f32),
    )(agg2p.reshape(2, RT, 128), t2_8, dinv8, b2t, perm, ones_bd)

    return out8[:RX, :].reshape(N_NODES, D_HID)[:, :N_CLASSES]

# --- scband reference (transcript-rebuilt; emitter-appended) ---
"""Pipeline reference for scband-gcn-59244778881669 (READ-ONLY COPY).

The authoritative reference and input builder live on the scoring server;
editing this copy changes nothing except your own understanding.
"""

import jax, jax.numpy as jnp
import numpy as np

N_NODES = 10000
N_EDGES = 320000
D_FEAT = 128
D_HID = 16
N_CLASSES = 7


def setup_inputs(seed: int = 0) -> dict:
    key = jax.random.key(seed)
    k1, k2, k3, k4 = jax.random.split(key, 4)
    x = jax.random.normal(k1, (N_NODES, D_FEAT), dtype=jnp.float32)
    edge_index = jax.random.randint(k2, (2, N_EDGES), 0, N_NODES, dtype=jnp.int32)
    # GCNConv parameters (glorot-ish init for weights, zeros for bias)
    W1 = jax.random.normal(k3, (D_FEAT, D_HID), dtype=jnp.float32) * (1.0 / np.sqrt(D_FEAT))
    b1 = jnp.zeros((D_HID,), dtype=jnp.float32)
    W2 = jax.random.normal(k4, (D_HID, N_CLASSES), dtype=jnp.float32) * (1.0 / np.sqrt(D_HID))
    b2 = jnp.zeros((N_CLASSES,), dtype=jnp.float32)
    return {"x": x, "edge_index": edge_index, "W1": W1, "b1": b1, "W2": W2, "b2": b2}


def _gcn_conv(x, edge_index, W, b):
    # Faithful PyG GCNConv: add self-loops, symmetric normalization,
    # linear transform, scatter-add aggregation at dst, add bias.
    n = x.shape[0]
    src = edge_index[0]
    dst = edge_index[1]
    loop = jnp.arange(n, dtype=edge_index.dtype)
    src = jnp.concatenate([src, loop], axis=0)
    dst = jnp.concatenate([dst, loop], axis=0)
    h = x @ W
    ones = jnp.ones(src.shape[0], dtype=h.dtype)
    deg = jax.ops.segment_sum(ones, dst, num_segments=n)
    dinv = jnp.where(deg > 0, jax.lax.rsqrt(deg), 0.0)
    norm = dinv[src] * dinv[dst]
    msg = h[src] * norm[:, None]          # gather
    out = jax.ops.segment_sum(msg, dst, num_segments=n)  # scatter-add
    return out + b


def reference(x, edge_index, W1, b1, W2, b2):
    h = _gcn_conv(x, edge_index, W1, b1)
    h = jax.nn.relu(h)
    # dropout is identity in eval mode
    h = _gcn_conv(h, edge_index, W2, b2)
    return jax.nn.log_softmax(h, axis=1)

if __name__ == "__main__":
    import jax
    _d = setup_inputs()
    print(jax.jit(kernel)(*tuple(_d.values())))

</pallas_src>

<mosaic_0001>
#map = affine_map<(d0, d1) -> (0, 0, 0, 0)>
#map1 = affine_map<(d0, d1) -> (0, 0)>
module attributes {stable_mosaic.version = 14 : i64} {
  func.func @_deg_body(%arg0: i32, %arg1: i32, %arg2: memref<2x32x80x128xi32, #tpu.memory_space<hbm>>, %arg3: memref<2x10240xf32, #tpu.memory_space<hbm>>, %arg4: memref<80x128xi32, #tpu.memory_space<vmem>>, %arg5: memref<128xf32, #tpu.memory_space<vmem>>, %arg6: memref<640xf32, #tpu.memory_space<vmem>>, %arg7: memref<10240xf32, #tpu.memory_space<vmem_shared>>, %arg8: memref<!tpu.dma_semaphore, #tpu.memory_space<semaphore_mem>>) attributes {dimension_semantics = [#tpu.dimension_semantics<core_parallel>, #tpu.dimension_semantics<subcore_parallel>], iteration_bounds = array<i64: 2, 16>, scalar_prefetch = 0 : i64, scratch_operands = 5 : i64, tpu.core_type = #tpu.core_type<sc_vector_subcore>, window_params = [{transform_indices = #map}, {transform_indices = #map1}]} {
    %mul3A = arith.constant 16 : i32
    %mul3A_0 = arith.muli %arg0, %mul3A : i32
    %add3A = arith.addi %mul3A_0, %arg1 : i32
    %scan3A = arith.constant 0 : i32
    %scan3A_1 = arith.constant 0 : i32
    %scan3A_2 = arith.constant 8 : i32
    %scan3A_3 = arith.addi %scan3A_1, %scan3A_2 : i32
    %scan3A_4 = arith.constant 1 : i32
    scf.for %scan3A_25 = %scan3A_1 to %scan3A_3 step %scan3A_4  : i32 {
      %broadcast_in_dim3A = arith.constant 1.000000e+00 : f32
      %broadcast_in_dim3A_26 = vector.broadcast %broadcast_in_dim3A : f32 to vector<16xf32>
      %mul3A_27 = arith.constant 16 : i32
      %mul3A_28 = arith.muli %scan3A_25, %mul3A_27 : i32
      %swap3A = arith.index_cast %mul3A_28 : i32 to index
      %swap3A_29 = tpu.vector_load %arg5[%swap3A] {strides = array<i32>} : memref<128xf32, #tpu.memory_space<vmem>>, vector<16xf32>,
      %swap3A_30 = vector.shape_cast %swap3A_29 : vector<16xf32> to vector<16xf32>
      %swap3A_31 = vector.shape_cast %broadcast_in_dim3A_26 : vector<16xf32> to vector<16xf32>
      tpu.vector_store %arg5[%swap3A], %swap3A_31 {strides = array<i32>} : memref<128xf32, #tpu.memory_space<vmem>>, vector<16xf32>,
    }
    %scan3A_5 = arith.constant 8 : i32
    %scan3A_6 = arith.constant 0 : i32
    %scan3A_7 = arith.constant 0 : i32
    %scan3A_8 = arith.constant 40 : i32
    %scan3A_9 = arith.addi %scan3A_7, %scan3A_8 : i32
    %scan3A_10 = arith.constant 1 : i32
    scf.for %scan3A_25 = %scan3A_7 to %scan3A_9 step %scan3A_10  : i32 {
      %broadcast_in_dim3A = arith.constant 0.000000e+00 : f32
      %broadcast_in_dim3A_26 = vector.broadcast %broadcast_in_dim3A : f32 to vector<16xf32>
      %mul3A_27 = arith.constant 16 : i32
      %mul3A_28 = arith.muli %scan3A_25, %mul3A_27 : i32
      %swap3A = arith.index_cast %mul3A_28 : i32 to index
      %swap3A_29 = tpu.vector_load %arg6[%swap3A] {strides = array<i32>} : memref<640xf32, #tpu.memory_space<vmem>>, vector<16xf32>,
      %swap3A_30 = vector.shape_cast %swap3A_29 : vector<16xf32> to vector<16xf32>
      %swap3A_31 = vector.shape_cast %broadcast_in_dim3A_26 : vector<16xf32> to vector<16xf32>
      tpu.vector_store %arg6[%swap3A], %swap3A_31 {strides = array<i32>} : memref<640xf32, #tpu.memory_space<vmem>>, vector<16xf32>,
    }
    %scan3A_11 = arith.constant 40 : i32
    %run_scoped3A = arith.constant 1 : i32
    "tpu.region"() ({
      %run_scoped3A_25 = tpu.sem_alloc : memref<!tpu.dma_semaphore, #tpu.memory_space<semaphore_mem>>
      %dma_start3A = arith.constant 0 : i32
      %dma_start3A_26 = arith.constant 0 : i32
      %dma_start3A_27 = tpu.memref_slice %arg2[%run_scoped3A, %add3A, %dma_start3A, %dma_start3A_26] : memref<2x32x80x128xi32, #tpu.memory_space<hbm>> -> memref<1x1x80x128xi32, #tpu.memory_space<hbm>>
      %dma_start3A_28 = tpu.memref_squeeze %dma_start3A_27 : memref<1x1x80x128xi32, #tpu.memory_space<hbm>> -> memref<80x128xi32, #tpu.memory_space<hbm>>
      %dma_start3A_29 = arith.constant 0 : i32
      %dma_start3A_30 = arith.constant 0 : i32
      %dma_start3A_31 = tpu.memref_slice %arg2[%run_scoped3A, %add3A, %dma_start3A_29, %dma_start3A_30] : memref<2x32x80x128xi32, #tpu.memory_space<hbm>> -> memref<1x1x80x128xi32, #tpu.memory_space<hbm>>
      %dma_start3A_32 = tpu.memref_squeeze %dma_start3A_31 : memref<1x1x80x128xi32, #tpu.memory_space<hbm>> -> memref<80x128xi32, #tpu.memory_space<hbm>>
      tpu.enqueue_dma source(%dma_start3A_32 : memref<80x128xi32, #tpu.memory_space<hbm>>) target(%arg4 : memref<80x128xi32, #tpu.memory_space<vmem>>) target_semaphore(%run_scoped3A_25 : memref<!tpu.dma_semaphore, #tpu.memory_space<semaphore_mem>>)
      %dma_wait3A = arith.constant 0 : i32
      %dma_wait3A_33 = arith.constant 0 : i32
      %dma_wait3A_34 = tpu.memref_slice %arg2[%run_scoped3A, %add3A, %dma_wait3A, %dma_wait3A_33] : memref<2x32x80x128xi32, #tpu.memory_space<hbm>> -> memref<1x1x80x128xi32, #tpu.memory_space<hbm>>
      %dma_wait3A_35 = tpu.memref_squeeze %dma_wait3A_34 : memref<1x1x80x128xi32, #tpu.memory_space<hbm>> -> memref<80x128xi32, #tpu.memory_space<hbm>>
      %dma_wait3A_36 = arith.constant 0 : i32
      %dma_wait3A_37 = arith.constant 0 : i32
      %dma_wait3A_38 = tpu.memref_slice %arg2[%run_scoped3A, %add3A, %dma_wait3A_36, %dma_wait3A_37] : memref<2x32x80x128xi32, #tpu.memory_space<hbm>> -> memref<1x1x80x128xi32, #tpu.memory_space<hbm>>
      %dma_wait3A_39 = tpu.memref_squeeze %dma_wait3A_38 : memref<1x1x80x128xi32, #tpu.memory_space<hbm>> -> memref<80x128xi32, #tpu.memory_space<hbm>>
      tpu.wait_dma2 semaphore(%run_scoped3A_25 : memref<!tpu.dma_semaphore, #tpu.memory_space<semaphore_mem>>) src(%dma_wait3A_39 : memref<80x128xi32, #tpu.memory_space<hbm>>) dst(%arg4 : memref<80x128xi32, #tpu.memory_space<vmem>>)
      tpu.yield
    }) : () -> ()
    %mul3A_12 = arith.constant 640 : i32
    %mul3A_13 = arith.muli %arg1, %mul3A_12 : i32
    "tpu.region"() ({
      %run_scoped3A_25 = tpu.sem_alloc : memref<!tpu.dma_semaphore, #tpu.memory_space<semaphore_mem>>
      %dma_start3A = tpu.memref_slice %arg7[%mul3A_13] : memref<10240xf32, #tpu.memory_space<vmem_shared>> -> memref<640xf32, #tpu.memory_space<vmem_shared>>
      %dma_start3A_26 = tpu.memref_slice %arg7[%mul3A_13] : memref<10240xf32, #tpu.memory_space<vmem_shared>> -> memref<640xf32, #tpu.memory_space<vmem_shared>>
      tpu.enqueue_dma source(%arg6 : memref<640xf32, #tpu.memory_space<vmem>>) target(%dma_start3A_26 : memref<640xf32, #tpu.memory_space<vmem_shared>>) target_semaphore(%run_scoped3A_25 : memref<!tpu.dma_semaphore, #tpu.memory_space<semaphore_mem>>)
      %dma_wait3A = tpu.memref_slice %arg7[%mul3A_13] : memref<10240xf32, #tpu.memory_space<vmem_shared>> -> memref<640xf32, #tpu.memory_space<vmem_shared>>
      %dma_wait3A_27 = tpu.memref_slice %arg7[%mul3A_13] : memref<10240xf32, #tpu.memory_space<vmem_shared>> -> memref<640xf32, #tpu.memory_space<vmem_shared>>
      tpu.wait_dma2 semaphore(%run_scoped3A_25 : memref<!tpu.dma_semaphore, #tpu.memory_space<semaphore_mem>>) src(%arg6 : memref<640xf32, #tpu.memory_space<vmem>>) dst(%dma_wait3A_27 : memref<640xf32, #tpu.memory_space<vmem_shared>>)
      tpu.yield
    }) : () -> ()
    %barrier3A = arith.constant 0 : index
    tpu.barrier barrier_id(%barrier3A)
    %scan3A_14 = arith.constant 0 : i32
    %scan3A_15 = arith.constant 0 : i32
    %scan3A_16 = arith.constant 10 : i32
    %scan3A_17 = arith.addi %scan3A_15, %scan3A_16 : i32
    %scan3A_18 = arith.constant 1 : i32
    scf.for %scan3A_25 = %scan3A_15 to %scan3A_17 step %scan3A_18  : i32 {
      %mul3A_26 = arith.constant 8 : i32
      %mul3A_27 = arith.muli %scan3A_25, %mul3A_26 : i32
      %add3A_28 = arith.constant 0 : i32
      %add3A_29 = arith.addi %mul3A_27, %add3A_28 : i32
      %dma_start3A = arith.constant 0 : i32
      %dma_start3A_30 = tpu.memref_slice %arg4[%add3A_29, %dma_start3A] : memref<80x128xi32, #tpu.memory_space<vmem>> -> memref<1x128xi32, #tpu.memory_space<vmem>>
      %dma_start3A_31 = tpu.memref_squeeze %dma_start3A_30 : memref<1x128xi32, #tpu.memory_space<vmem>> -> memref<128xi32, #tpu.memory_space<vmem>>
      %dma_start3A_32 = arith.constant 0 : i32
      %dma_start3A_33 = tpu.memref_slice %arg7[%dma_start3A_32] : memref<10240xf32, #tpu.memory_space<vmem_shared>> -> memref<10240xf32, #tpu.memory_space<vmem_shared>>
      tpu.enqueue_indirect_dma source(%arg5 : memref<128xf32, #tpu.memory_space<vmem>>) target(%dma_start3A_33 : memref<10240xf32, #tpu.memory_space<vmem_shared>>) offsets(%dma_start3A_31 : memref<128xi32, #tpu.memory_space<vmem>>) semaphore(%arg8 : memref<!tpu.dma_semaphore, #tpu.memory_space<semaphore_mem>>) {add = true}
      %mul3A_34 = arith.constant 8 : i32
      %mul3A_35 = arith.muli %scan3A_25, %mul3A_34 : i32
      %add3A_36 = arith.constant 1 : i32
      %add3A_37 = arith.addi %mul3A_35, %add3A_36 : i32
      %dma_start3A_38 = arith.constant 0 : i32
      %dma_start3A_39 = tpu.memref_slice %arg4[%add3A_37, %dma_start3A_38] : memref<80x128xi32, #tpu.memory_space<vmem>> -> memref<1x128xi32, #tpu.memory_space<vmem>>
      %dma_start3A_40 = tpu.memref_squeeze %dma_start3A_39 : memref<1x128xi32, #tpu.memory_space<vmem>> -> memref<128xi32, #tpu.memory_space<vmem>>
      %dma_start3A_41 = arith.constant 0 : i32
      %dma_start3A_42 = tpu.memref_slice %arg7[%dma_start3A_41] : memref<10240xf32, #tpu.memory_space<vmem_shared>> -> memref<10240xf32, #tpu.memory_space<vmem_shared>>
      tpu.enqueue_indirect_dma source(%arg5 : memref<128xf32, #tpu.memory_space<vmem>>) target(%dma_start3A_42 : memref<10240xf32, #tpu.memory_space<vmem_shared>>) offsets(%dma_start3A_40 : memref<128xi32, #tpu.memory_space<vmem>>) semaphore(%arg8 : memref<!tpu.dma_semaphore, #tpu.memory_space<semaphore_mem>>) {add = true}
      %mul3A_43 = arith.constant 8 : i32
      %mul3A_44 = arith.muli %scan3A_25, %mul3A_43 : i32
      %add3A_45 = arith.constant 2 : i32
      %add3A_46 = arith.addi %mul3A_44, %add3A_45 : i32
      %dma_start3A_47 = arith.constant 0 : i32
      %dma_start3A_48 = tpu.memref_slice %arg4[%add3A_46, %dma_start3A_47] : memref<80x128xi32, #tpu.memory_space<vmem>> -> memref<1x128xi32, #tpu.memory_space<vmem>>
      %dma_start3A_49 = tpu.memref_squeeze %dma_start3A_48 : memref<1x128xi32, #tpu.memory_space<vmem>> -> memref<128xi32, #tpu.memory_space<vmem>>
      %dma_start3A_50 = arith.constant 0 : i32
      %dma_start3A_51 = tpu.memref_slice %arg7[%dma_start3A_50] : memref<10240xf32, #tpu.memory_space<vmem_shared>> -> memref<10240xf32, #tpu.memory_space<vmem_shared>>
      tpu.enqueue_indirect_dma source(%arg5 : memref<128xf32, #tpu.memory_space<vmem>>) target(%dma_start3A_51 : memref<10240xf32, #tpu.memory_space<vmem_shared>>) offsets(%dma_start3A_49 : memref<128xi32, #tpu.memory_space<vmem>>) semaphore(%arg8 : memref<!tpu.dma_semaphore, #tpu.memory_space<semaphore_mem>>) {add = true}
      %mul3A_52 = arith.constant 8 : i32
      %mul3A_53 = arith.muli %scan3A_25, %mul3A_52 : i32
      %add3A_54 = arith.constant 3 : i32
      %add3A_55 = arith.addi %mul3A_53, %add3A_54 : i32
      %dma_start3A_56 = arith.constant 0 : i32
      %dma_start3A_57 = tpu.memref_slice %arg4[%add3A_55, %dma_start3A_56] : memref<80x128xi32, #tpu.memory_space<vmem>> -> memref<1x128xi32, #tpu.memory_space<vmem>>
      %dma_start3A_58 = tpu.memref_squeeze %dma_start3A_57 : memref<1x128xi32, #tpu.memory_space<vmem>> -> memref<128xi32, #tpu.memory_space<vmem>>
      %dma_start3A_59 = arith.constant 0 : i32
      %dma_start3A_60 = tpu.memref_slice %arg7[%dma_start3A_59] : memref<10240xf32, #tpu.memory_space<vmem_shared>> -> memref<10240xf32, #tpu.memory_space<vmem_shared>>
      tpu.enqueue_indirect_dma source(%arg5 : memref<128xf32, #tpu.memory_space<vmem>>) target(%dma_start3A_60 : memref<10240xf32, #tpu.memory_space<vmem_shared>>) offsets(%dma_start3A_58 : memref<128xi32, #tpu.memory_space<vmem>>) semaphore(%arg8 : memref<!tpu.dma_semaphore, #tpu.memory_space<semaphore_mem>>) {add = true}
      %mul3A_61 = arith.constant 8 : i32
      %mul3A_62 = arith.muli %scan3A_25, %mul3A_61 : i32
      %add3A_63 = arith.constant 4 : i32
      %add3A_64 = arith.addi %mul3A_62, %add3A_63 : i32
      %dma_start3A_65 = arith.constant 0 : i32
      %dma_start3A_66 = tpu.memref_slice %arg4[%add3A_64, %dma_start3A_65] : memref<80x128xi32, #tpu.memory_space<vmem>> -> memref<1x128xi32, #tpu.memory_space<vmem>>
      %dma_start3A_67 = tpu.memref_squeeze %dma_start3A_66 : memref<1x128xi32, #tpu.memory_space<vmem>> -> memref<128xi32, #tpu.memory_space<vmem>>
      %dma_start3A_68 = arith.constant 0 : i32
      %dma_start3A_69 = tpu.memref_slice %arg7[%dma_start3A_68] : memref<10240xf32, #tpu.memory_space<vmem_shared>> -> memref<10240xf32, #tpu.memory_space<vmem_shared>>
      tpu.enqueue_indirect_dma source(%arg5 : memref<128xf32, #tpu.memory_space<vmem>>) target(%dma_start3A_69 : memref<10240xf32, #tpu.memory_space<vmem_shared>>) offsets(%dma_start3A_67 : memref<128xi32, #tpu.memory_space<vmem>>) semaphore(%arg8 : memref<!tpu.dma_semaphore, #tpu.memory_space<semaphore_mem>>) {add = true}
      %mul3A_70 = arith.constant 8 : i32
      %mul3A_71 = arith.muli %scan3A_25, %mul3A_70 : i32
      %add3A_72 = arith.constant 5 : i32
      %add3A_73 = arith.addi %mul3A_71, %add3A_72 : i32
      %dma_start3A_74 = arith.constant 0 : i32
      %dma_start3A_75 = tpu.memref_slice %arg4[%add3A_73, %dma_start3A_74] : memref<80x128xi32, #tpu.memory_space<vmem>> -> memref<1x128xi32, #tpu.memory_space<vmem>>
      %dma_start3A_76 = tpu.memref_squeeze %dma_start3A_75 : memref<1x128xi32, #tpu.memory_space<vmem>> -> memref<128xi32, #tpu.memory_space<vmem>>
      %dma_start3A_77 = arith.constant 0 : i32
      %dma_start3A_78 = tpu.memref_slice %arg7[%dma_start3A_77] : memref<10240xf32, #tpu.memory_space<vmem_shared>> -> memref<10240xf32, #tpu.memory_space<vmem_shared>>
      tpu.enqueue_indirect_dma source(%arg5 : memref<128xf32, #tpu.memory_space<vmem>>) target(%dma_start3A_78 : memref<10240xf32, #tpu.memory_space<vmem_shared>>) offsets(%dma_start3A_76 : memref<128xi32, #tpu.memory_space<vmem>>) semaphore(%arg8 : memref<!tpu.dma_semaphore, #tpu.memory_space<semaphore_mem>>) {add = true}
      %mul3A_79 = arith.constant 8 : i32
      %mul3A_80 = arith.muli %scan3A_25, %mul3A_79 : i32
      %add3A_81 = arith.constant 6 : i32
      %add3A_82 = arith.addi %mul3A_80, %add3A_81 : i32
      %dma_start3A_83 = arith.constant 0 : i32
      %dma_start3A_84 = tpu.memref_slice %arg4[%add3A_82, %dma_start3A_83] : memref<80x128xi32, #tpu.memory_space<vmem>> -> memref<1x128xi32, #tpu.memory_space<vmem>>
      %dma_start3A_85 = tpu.memref_squeeze %dma_start3A_84 : memref<1x128xi32, #tpu.memory_space<vmem>> -> memref<128xi32, #tpu.memory_space<vmem>>
      %dma_start3A_86 = arith.constant 0 : i32
      %dma_start3A_87 = tpu.memref_slice %arg7[%dma_start3A_86] : memref<10240xf32, #tpu.memory_space<vmem_shared>> -> memref<10240xf32, #tpu.memory_space<vmem_shared>>
      tpu.enqueue_indirect_dma source(%arg5 : memref<128xf32, #tpu.memory_space<vmem>>) target(%dma_start3A_87 : memref<10240xf32, #tpu.memory_space<vmem_shared>>) offsets(%dma_start3A_85 : memref<128xi32, #tpu.memory_space<vmem>>) semaphore(%arg8 : memref<!tpu.dma_semaphore, #tpu.memory_space<semaphore_mem>>) {add = true}
      %mul3A_88 = arith.constant 8 : i32
      %mul3A_89 = arith.muli %scan3A_25, %mul3A_88 : i32
      %add3A_90 = arith.constant 7 : i32
      %add3A_91 = arith.addi %mul3A_89, %add3A_90 : i32
      %dma_start3A_92 = arith.constant 0 : i32
      %dma_start3A_93 = tpu.memref_slice %arg4[%add3A_91, %dma_start3A_92] : memref<80x128xi32, #tpu.memory_space<vmem>> -> memref<1x128xi32, #tpu.memory_space<vmem>>
      %dma_start3A_94 = tpu.memref_squeeze %dma_start3A_93 : memref<1x128xi32, #tpu.memory_space<vmem>> -> memref<128xi32, #tpu.memory_space<vmem>>
      %dma_start3A_95 = arith.constant 0 : i32
      %dma_start3A_96 = tpu.memref_slice %arg7[%dma_start3A_95] : memref<10240xf32, #tpu.memory_space<vmem_shared>> -> memref<10240xf32, #tpu.memory_space<vmem_shared>>
      tpu.enqueue_indirect_dma source(%arg5 : memref<128xf32, #tpu.memory_space<vmem>>) target(%dma_start3A_96 : memref<10240xf32, #tpu.memory_space<vmem_shared>>) offsets(%dma_start3A_94 : memref<128xi32, #tpu.memory_space<vmem>>) semaphore(%arg8 : memref<!tpu.dma_semaphore, #tpu.memory_space<semaphore_mem>>) {add = true}
      %dma_wait3A = arith.constant 0 : i32
      %dma_wait3A_97 = tpu.memref_slice %arg4[%add3A_29, %dma_wait3A] : memref<80x128xi32, #tpu.memory_space<vmem>> -> memref<1x128xi32, #tpu.memory_space<vmem>>
      %dma_wait3A_98 = tpu.memref_squeeze %dma_wait3A_97 : memref<1x128xi32, #tpu.memory_space<vmem>> -> memref<128xi32, #tpu.memory_space<vmem>>
      %dma_wait3A_99 = arith.constant 0 : i32
      %dma_wait3A_100 = tpu.memref_slice %arg7[%dma_wait3A_99] : memref<10240xf32, #tpu.memory_space<vmem_shared>> -> memref<10240xf32, #tpu.memory_space<vmem_shared>>
      tpu.wait_indirect_dma semaphore(%arg8 : memref<!tpu.dma_semaphore, #tpu.memory_space<semaphore_mem>>) src(%arg5 : memref<128xf32, #tpu.memory_space<vmem>>) dst(%dma_wait3A_100 : memref<10240xf32, #tpu.memory_space<vmem_shared>>)
      %dma_wait3A_101 = arith.constant 0 : i32
      %dma_wait3A_102 = tpu.memref_slice %arg4[%add3A_37, %dma_wait3A_101] : memref<80x128xi32, #tpu.memory_space<vmem>> -> memref<1x128xi32, #tpu.memory_space<vmem>>
      %dma_wait3A_103 = tpu.memref_squeeze %dma_wait3A_102 : memref<1x128xi32, #tpu.memory_space<vmem>> -> memref<128xi32, #tpu.memory_space<vmem>>
      %dma_wait3A_104 = arith.constant 0 : i32
      %dma_wait3A_105 = tpu.memref_slice %arg7[%dma_wait3A_104] : memref<10240xf32, #tpu.memory_space<vmem_shared>> -> memref<10240xf32, #tpu.memory_space<vmem_shared>>
      tpu.wait_indirect_dma semaphore(%arg8 : memref<!tpu.dma_semaphore, #tpu.memory_space<semaphore_mem>>) src(%arg5 : memref<128xf32, #tpu.memory_space<vmem>>) dst(%dma_wait3A_105 : memref<10240xf32, #tpu.memory_space<vmem_shared>>)
      %dma_wait3A_106 = arith.constant 0 : i32
      %dma_wait3A_107 = tpu.memref_slice %arg4[%add3A_46, %dma_wait3A_106] : memref<80x128xi32, #tpu.memory_space<vmem>> -> memref<1x128xi32, #tpu.memory_space<vmem>>
      %dma_wait3A_108 = tpu.memref_squeeze %dma_wait3A_107 : memref<1x128xi32, #tpu.memory_space<vmem>> -> memref<128xi32, #tpu.memory_space<vmem>>
      %dma_wait3A_109 = arith.constant 0 : i32
      %dma_wait3A_110 = tpu.memref_slice %arg7[%dma_wait3A_109] : memref<10240xf32, #tpu.memory_space<vmem_shared>> -> memref<10240xf32, #tpu.memory_space<vmem_shared>>
      tpu.wait_indirect_dma semaphore(%arg8 : memref<!tpu.dma_semaphore, #tpu.memory_space<semaphore_mem>>) src(%arg5 : memref<128xf32, #tpu.memory_space<vmem>>) dst(%dma_wait3A_110 : memref<10240xf32, #tpu.memory_space<vmem_shared>>)
      %dma_wait3A_111 = arith.constant 0 : i32
      %dma_wait3A_112 = tpu.memref_slice %arg4[%add3A_55, %dma_wait3A_111] : memref<80x128xi32, #tpu.memory_space<vmem>> -> memref<1x128xi32, #tpu.memory_space<vmem>>
      %dma_wait3A_113 = tpu.memref_squeeze %dma_wait3A_112 : memref<1x128xi32, #tpu.memory_space<vmem>> -> memref<128xi32, #tpu.memory_space<vmem>>
      %dma_wait3A_114 = arith.constant 0 : i32
      %dma_wait3A_115 = tpu.memref_slice %arg7[%dma_wait3A_114] : memref<10240xf32, #tpu.memory_space<vmem_shared>> -> memref<10240xf32, #tpu.memory_space<vmem_shared>>
      tpu.wait_indirect_dma semaphore(%arg8 : memref<!tpu.dma_semaphore, #tpu.memory_space<semaphore_mem>>) src(%arg5 : memref<128xf32, #tpu.memory_space<vmem>>) dst(%dma_wait3A_115 : memref<10240xf32, #tpu.memory_space<vmem_shared>>)
      %dma_wait3A_116 = arith.constant 0 : i32
      %dma_wait3A_117 = tpu.memref_slice %arg4[%add3A_64, %dma_wait3A_116] : memref<80x128xi32, #tpu.memory_space<vmem>> -> memref<1x128xi32, #tpu.memory_space<vmem>>
      %dma_wait3A_118 = tpu.memref_squeeze %dma_wait3A_117 : memref<1x128xi32, #tpu.memory_space<vmem>> -> memref<128xi32, #tpu.memory_space<vmem>>
      %dma_wait3A_119 = arith.constant 0 : i32
      %dma_wait3A_120 = tpu.memref_slice %arg7[%dma_wait3A_119] : memref<10240xf32, #tpu.memory_space<vmem_shared>> -> memref<10240xf32, #tpu.memory_space<vmem_shared>>
      tpu.wait_indirect_dma semaphore(%arg8 : memref<!tpu.dma_semaphore, #tpu.memory_space<semaphore_mem>>) src(%arg5 : memref<128xf32, #tpu.memory_space<vmem>>) dst(%dma_wait3A_120 : memref<10240xf32, #tpu.memory_space<vmem_shared>>)
      %dma_wait3A_121 = arith.constant 0 : i32
      %dma_wait3A_122 = tpu.memref_slice %arg4[%add3A_73, %dma_wait3A_121] : memref<80x128xi32, #tpu.memory_space<vmem>> -> memref<1x128xi32, #tpu.memory_space<vmem>>
      %dma_wait3A_123 = tpu.memref_squeeze %dma_wait3A_122 : memref<1x128xi32, #tpu.memory_space<vmem>> -> memref<128xi32, #tpu.memory_space<vmem>>
      %dma_wait3A_124 = arith.constant 0 : i32
      %dma_wait3A_125 = tpu.memref_slice %arg7[%dma_wait3A_124] : memref<10240xf32, #tpu.memory_space<vmem_shared>> -> memref<10240xf32, #tpu.memory_space<vmem_shared>>
      tpu.wait_indirect_dma semaphore(%arg8 : memref<!tpu.dma_semaphore, #tpu.memory_space<semaphore_mem>>) src(%arg5 : memref<128xf32, #tpu.memory_space<vmem>>) dst(%dma_wait3A_125 : memref<10240xf32, #tpu.memory_space<vmem_shared>>)
      %dma_wait3A_126 = arith.constant 0 : i32
      %dma_wait3A_127 = tpu.memref_slice %arg4[%add3A_82, %dma_wait3A_126] : memref<80x128xi32, #tpu.memory_space<vmem>> -> memref<1x128xi32, #tpu.memory_space<vmem>>
      %dma_wait3A_128 = tpu.memref_squeeze %dma_wait3A_127 : memref<1x128xi32, #tpu.memory_space<vmem>> -> memref<128xi32, #tpu.memory_space<vmem>>
      %dma_wait3A_129 = arith.constant 0 : i32
      %dma_wait3A_130 = tpu.memref_slice %arg7[%dma_wait3A_129] : memref<10240xf32, #tpu.memory_space<vmem_shared>> -> memref<10240xf32, #tpu.memory_space<vmem_shared>>
      tpu.wait_indirect_dma semaphore(%arg8 : memref<!tpu.dma_semaphore, #tpu.memory_space<semaphore_mem>>) src(%arg5 : memref<128xf32, #tpu.memory_space<vmem>>) dst(%dma_wait3A_130 : memref<10240xf32, #tpu.memory_space<vmem_shared>>)
      %dma_wait3A_131 = arith.constant 0 : i32
      %dma_wait3A_132 = tpu.memref_slice %arg4[%add3A_91, %dma_wait3A_131] : memref<80x128xi32, #tpu.memory_space<vmem>> -> memref<1x128xi32, #tpu.memory_space<vmem>>
      %dma_wait3A_133 = tpu.memref_squeeze %dma_wait3A_132 : memref<1x128xi32, #tpu.memory_space<vmem>> -> memref<128xi32, #tpu.memory_space<vmem>>
      %dma_wait3A_134 = arith.constant 0 : i32
      %dma_wait3A_135 = tpu.memref_slice %arg7[%dma_wait3A_134] : memref<10240xf32, #tpu.memory_space<vmem_shared>> -> memref<10240xf32, #tpu.memory_space<vmem_shared>>
      tpu.wait_indirect_dma semaphore(%arg8 : memref<!tpu.dma_semaphore, #tpu.memory_space<semaphore_mem>>) src(%arg5 : memref<128xf32, #tpu.memory_space<vmem>>) dst(%dma_wait3A_135 : memref<10240xf32, #tpu.memory_space<vmem_shared>>)
    }
    %scan3A_19 = arith.constant 10 : i32
    %barrier3A_20 = arith.constant 0 : index
    tpu.barrier barrier_id(%barrier3A_20)
    %mul3A_21 = arith.constant 640 : i32
    %mul3A_22 = arith.muli %arg1, %mul3A_21 : i32
    "tpu.region"() ({
      %run_scoped3A_25 = tpu.sem_alloc : memref<!tpu.dma_semaphore, #tpu.memory_space<semaphore_mem>>
      %dma_start3A = tpu.memref_slice %arg7[%mul3A_22] : memref<10240xf32, #tpu.memory_space<vmem_shared>> -> memref<640xf32, #tpu.memory_space<vmem_shared>>
      %dma_start3A_26 = tpu.memref_slice %arg7[%mul3A_22] : memref<10240xf32, #tpu.memory_space<vmem_shared>> -> memref<640xf32, #tpu.memory_space<vmem_shared>>
      tpu.enqueue_dma source(%dma_start3A_26 : memref<640xf32, #tpu.memory_space<vmem_shared>>) target(%arg6 : memref<640xf32, #tpu.memory_space<vmem>>) target_semaphore(%run_scoped3A_25 : memref<!tpu.dma_semaphore, #tpu.memory_space<semaphore_mem>>)
      %dma_wait3A = tpu.memref_slice %arg7[%mul3A_22] : memref<10240xf32, #tpu.memory_space<vmem_shared>> -> memref<640xf32, #tpu.memory_space<vmem_shared>>
      %dma_wait3A_27 = tpu.memref_slice %arg7[%mul3A_22] : memref<10240xf32, #tpu.memory_space<vmem_shared>> -> memref<640xf32, #tpu.memory_space<vmem_shared>>
      tpu.wait_dma2 semaphore(%run_scoped3A_25 : memref<!tpu.dma_semaphore, #tpu.memory_space<semaphore_mem>>) src(%dma_wait3A_27 : memref<640xf32, #tpu.memory_space<vmem_shared>>) dst(%arg6 : memref<640xf32, #tpu.memory_space<vmem>>)
      tpu.yield
    }) : () -> ()
    %mul3A_23 = arith.constant 640 : i32
    %mul3A_24 = arith.muli %arg1, %mul3A_23 : i32
    "tpu.region"() ({
      %run_scoped3A_25 = tpu.sem_alloc : memref<!tpu.dma_semaphore, #tpu.memory_space<semaphore_mem>>
      %dma_start3A = tpu.memref_slice %arg3[%arg0, %mul3A_24] : memref<2x10240xf32, #tpu.memory_space<hbm>> -> memref<1x640xf32, #tpu.memory_space<hbm>>
      %dma_start3A_26 = tpu.memref_squeeze %dma_start3A : memref<1x640xf32, #tpu.memory_space<hbm>> -> memref<640xf32, #tpu.memory_space<hbm>>
      %dma_start3A_27 = tpu.memref_slice %arg3[%arg0, %mul3A_24] : memref<2x10240xf32, #tpu.memory_space<hbm>> -> memref<1x640xf32, #tpu.memory_space<hbm>>
      %dma_start3A_28 = tpu.memref_squeeze %dma_start3A_27 : memref<1x640xf32, #tpu.memory_space<hbm>> -> memref<640xf32, #tpu.memory_space<hbm>>
      tpu.enqueue_dma source(%arg6 : memref<640xf32, #tpu.memory_space<vmem>>) target(%dma_start3A_28 : memref<640xf32, #tpu.memory_space<hbm>>) target_semaphore(%run_scoped3A_25 : memref<!tpu.dma_semaphore, #tpu.memory_space<semaphore_mem>>)
      %dma_wait3A = tpu.memref_slice %arg3[%arg0, %mul3A_24] : memref<2x10240xf32, #tpu.memory_space<hbm>> -> memref<1x640xf32, #tpu.memory_space<hbm>>
      %dma_wait3A_29 = tpu.memref_squeeze %dma_wait3A : memref<1x640xf32, #tpu.memory_space<hbm>> -> memref<640xf32, #tpu.memory_space<hbm>>
      %dma_wait3A_30 = tpu.memref_slice %arg3[%arg0, %mul3A_24] : memref<2x10240xf32, #tpu.memory_space<hbm>> -> memref<1x640xf32, #tpu.memory_space<hbm>>
      %dma_wait3A_31 = tpu.memref_squeeze %dma_wait3A_30 : memref<1x640xf32, #tpu.memory_space<hbm>> -> memref<640xf32, #tpu.memory_space<hbm>>
      tpu.wait_dma2 semaphore(%run_scoped3A_25 : memref<!tpu.dma_semaphore, #tpu.memory_space<semaphore_mem>>) src(%arg6 : memref<640xf32, #tpu.memory_space<vmem>>) dst(%dma_wait3A_31 : memref<640xf32, #tpu.memory_space<hbm>>)
      tpu.yield
    }) : () -> ()
    return
  }
}

#map = affine_map<(d0, d1) -> (0, 0)>
#map1 = affine_map<(d0, d1) -> (0, 0, 0, 0)>
#map2 = affine_map<(d0, d1) -> (0, 0, 0)>
module attributes {stable_mosaic.version = 14 : i64} {
  func.func @_agg_body(%arg0: i32, %arg1: i32, %arg2: memref<10240x16xf32, #tpu.memory_space<hbm>>, %arg3: memref<2x32x80x128xi32, #tpu.memory_space<hbm>>, %arg4: memref<2x10240x16xf32, #tpu.memory_space<hbm>>, %arg5: memref<80x128xi32, #tpu.memory_space<vmem>>, %arg6: memref<80x128xi32, #tpu.memory_space<vmem>>, %arg7: memref<2x8x128x16xf32, #tpu.memory_space<vmem>>, %arg8: memref<640x16xf32, #tpu.memory_space<vmem>>, %arg9: memref<10240x16xf32, #tpu.memory_space<vmem_shared>>, %arg10: memref<10240x16xf32, #tpu.memory_space<vmem_shared>>, %arg11: memref<!tpu.dma_semaphore, #tpu.memory_space<semaphore_mem>>, %arg12: memref<!tpu.dma_semaphore, #tpu.memory_space<semaphore_mem>>) attributes {dimension_semantics = [#tpu.dimension_semantics<core_parallel>, #tpu.dimension_semantics<subcore_parallel>], iteration_bounds = array<i64: 2, 16>, scalar_prefetch = 0 : i64, scratch_operands = 8 : i64, tpu.core_type = #tpu.core_type<sc_vector_subcore>, window_params = [{transform_indices = #map}, {transform_indices = #map1}, {transform_indices = #map2}]} {
    %mul3A = arith.constant 16 : i32
    %mul3A_0 = arith.muli %arg0, %mul3A : i32
    %add3A = arith.addi %mul3A_0, %arg1 : i32
    %mul3A_1 = arith.constant 640 : i32
    %mul3A_2 = arith.muli %arg1, %mul3A_1 : i32
    "tpu.region"() ({
      %run_scoped3A_119 = tpu.sem_alloc : memref<!tpu.dma_semaphore, #tpu.memory_space<semaphore_mem>>
      %dma_start3A_120 = arith.constant 0 : i32
      %dma_start3A_121 = tpu.memref_slice %arg2[%mul3A_2, %dma_start3A_120] : memref<10240x16xf32, #tpu.memory_space<hbm>> -> memref<640x16xf32, #tpu.memory_space<hbm>>
      %dma_start3A_122 = arith.constant 0 : i32
      %dma_start3A_123 = tpu.memref_slice %arg2[%mul3A_2, %dma_start3A_122] : memref<10240x16xf32, #tpu.memory_space<hbm>> -> memref<640x16xf32, #tpu.memory_space<hbm>>
      tpu.enqueue_dma source(%dma_start3A_123 : memref<640x16xf32, #tpu.memory_space<hbm>>) target(%arg8 : memref<640x16xf32, #tpu.memory_space<vmem>>) target_semaphore(%run_scoped3A_119 : memref<!tpu.dma_semaphore, #tpu.memory_space<semaphore_mem>>)
      %dma_wait3A = arith.constant 0 : i32
      %dma_wait3A_124 = tpu.memref_slice %arg2[%mul3A_2, %dma_wait3A] : memref<10240x16xf32, #tpu.memory_space<hbm>> -> memref<640x16xf32, #tpu.memory_space<hbm>>
      %dma_wait3A_125 = arith.constant 0 : i32
      %dma_wait3A_126 = tpu.memref_slice %arg2[%mul3A_2, %dma_wait3A_125] : memref<10240x16xf32, #tpu.memory_space<hbm>> -> memref<640x16xf32, #tpu.memory_space<hbm>>
      tpu.wait_dma2 semaphore(%run_scoped3A_119 : memref<!tpu.dma_semaphore, #tpu.memory_space<semaphore_mem>>) src(%dma_wait3A_126 : memref<640x16xf32, #tpu.memory_space<hbm>>) dst(%arg8 : memref<640x16xf32, #tpu.memory_space<vmem>>)
      tpu.yield
    }) : () -> ()
    "tpu.region"() ({
      %run_scoped3A_119 = tpu.sem_alloc : memref<!tpu.dma_semaphore, #tpu.memory_space<semaphore_mem>>
      %dma_start3A_120 = arith.constant 0 : i32
      %dma_start3A_121 = tpu.memref_slice %arg10[%mul3A_2, %dma_start3A_120] : memref<10240x16xf32, #tpu.memory_space<vmem_shared>> -> memref<640x16xf32, #tpu.memory_space<vmem_shared>>
      %dma_start3A_122 = arith.constant 0 : i32
      %dma_start3A_123 = tpu.memref_slice %arg10[%mul3A_2, %dma_start3A_122] : memref<10240x16xf32, #tpu.memory_space<vmem_shared>> -> memref<640x16xf32, #tpu.memory_space<vmem_shared>>
      tpu.enqueue_dma source(%arg8 : memref<640x16xf32, #tpu.memory_space<vmem>>) target(%dma_start3A_123 : memref<640x16xf32, #tpu.memory_space<vmem_shared>>) target_semaphore(%run_scoped3A_119 : memref<!tpu.dma_semaphore, #tpu.memory_space<semaphore_mem>>)
      %dma_wait3A = arith.constant 0 : i32
      %dma_wait3A_124 = tpu.memref_slice %arg10[%mul3A_2, %dma_wait3A] : memref<10240x16xf32, #tpu.memory_space<vmem_shared>> -> memref<640x16xf32, #tpu.memory_space<vmem_shared>>
      %dma_wait3A_125 = arith.constant 0 : i32
      %dma_wait3A_126 = tpu.memref_slice %arg10[%mul3A_2, %dma_wait3A_125] : memref<10240x16xf32, #tpu.memory_space<vmem_shared>> -> memref<640x16xf32, #tpu.memory_space<vmem_shared>>
      tpu.wait_dma2 semaphore(%run_scoped3A_119 : memref<!tpu.dma_semaphore, #tpu.memory_space<semaphore_mem>>) src(%arg8 : memref<640x16xf32, #tpu.memory_space<vmem>>) dst(%dma_wait3A_126 : memref<640x16xf32, #tpu.memory_space<vmem_shared>>)
      tpu.yield
    }) : () -> ()
    %scan3A = arith.constant 0 : i32
    %scan3A_3 = arith.constant 0 : i32
    %scan3A_4 = arith.constant 640 : i32
    %scan3A_5 = arith.addi %scan3A_3, %scan3A_4 : i32
    %scan3A_6 = arith.constant 1 : i32
    scf.for %scan3A_119 = %scan3A_3 to %scan3A_5 step %scan3A_6  : i32 {
      %broadcast_in_dim3A = arith.constant 0.000000e+00 : f32
      %broadcast_in_dim3A_120 = vector.broadcast %broadcast_in_dim3A : f32 to vector<16xf32>
      %swap3A = arith.index_cast %scan3A_119 : i32 to index
      %swap3A_121 = arith.constant 0 : index
      %swap3A_122 = tpu.vector_load %arg8[%swap3A, %swap3A_121] {strides = array<i32>} : memref<640x16xf32, #tpu.memory_space<vmem>>, vector<1x16xf32>,
      %swap3A_123 = vector.shape_cast %swap3A_122 : vector<1x16xf32> to vector<16xf32>
      %swap3A_124 = vector.shape_cast %broadcast_in_dim3A_120 : vector<16xf32> to vector<1x16xf32>
      tpu.vector_store %arg8[%swap3A, %swap3A_121], %swap3A_124 {strides = array<i32>} : memref<640x16xf32, #tpu.memory_space<vmem>>, vector<1x16xf32>,
    }
    %scan3A_7 = arith.constant 640 : i32
    %run_scoped3A = arith.constant 0 : i32
    "tpu.region"() ({
      %run_scoped3A_119 = tpu.sem_alloc : memref<!tpu.dma_semaphore, #tpu.memory_space<semaphore_mem>>
      %dma_start3A_120 = arith.constant 0 : i32
      %dma_start3A_121 = arith.constant 0 : i32
      %dma_start3A_122 = tpu.memref_slice %arg3[%run_scoped3A, %add3A, %dma_start3A_120, %dma_start3A_121] : memref<2x32x80x128xi32, #tpu.memory_space<hbm>> -> memref<1x1x80x128xi32, #tpu.memory_space<hbm>>
      %dma_start3A_123 = tpu.memref_squeeze %dma_start3A_122 : memref<1x1x80x128xi32, #tpu.memory_space<hbm>> -> memref<80x128xi32, #tpu.memory_space<hbm>>
      %dma_start3A_124 = arith.constant 0 : i32
      %dma_start3A_125 = arith.constant 0 : i32
      %dma_start3A_126 = tpu.memref_slice %arg3[%run_scoped3A, %add3A, %dma_start3A_124, %dma_start3A_125] : memref<2x32x80x128xi32, #tpu.memory_space<hbm>> -> memref<1x1x80x128xi32, #tpu.memory_space<hbm>>
      %dma_start3A_127 = tpu.memref_squeeze %dma_start3A_126 : memref<1x1x80x128xi32, #tpu.memory_space<hbm>> -> memref<80x128xi32, #tpu.memory_space<hbm>>
      tpu.enqueue_dma source(%dma_start3A_127 : memref<80x128xi32, #tpu.memory_space<hbm>>) target(%arg5 : memref<80x128xi32, #tpu.memory_space<vmem>>) target_semaphore(%run_scoped3A_119 : memref<!tpu.dma_semaphore, #tpu.memory_space<semaphore_mem>>)
      %dma_wait3A = arith.constant 0 : i32
      %dma_wait3A_128 = arith.constant 0 : i32
      %dma_wait3A_129 = tpu.memref_slice %arg3[%run_scoped3A, %add3A, %dma_wait3A, %dma_wait3A_128] : memref<2x32x80x128xi32, #tpu.memory_space<hbm>> -> memref<1x1x80x128xi32, #tpu.memory_space<hbm>>
      %dma_wait3A_130 = tpu.memref_squeeze %dma_wait3A_129 : memref<1x1x80x128xi32, #tpu.memory_space<hbm>> -> memref<80x128xi32, #tpu.memory_space<hbm>>
      %dma_wait3A_131 = arith.constant 0 : i32
      %dma_wait3A_132 = arith.constant 0 : i32
      %dma_wait3A_133 = tpu.memref_slice %arg3[%run_scoped3A, %add3A, %dma_wait3A_131, %dma_wait3A_132] : memref<2x32x80x128xi32, #tpu.memory_space<hbm>> -> memref<1x1x80x128xi32, #tpu.memory_space<hbm>>
      %dma_wait3A_134 = tpu.memref_squeeze %dma_wait3A_133 : memref<1x1x80x128xi32, #tpu.memory_space<hbm>> -> memref<80x128xi32, #tpu.memory_space<hbm>>
      tpu.wait_dma2 semaphore(%run_scoped3A_119 : memref<!tpu.dma_semaphore, #tpu.memory_space<semaphore_mem>>) src(%dma_wait3A_134 : memref<80x128xi32, #tpu.memory_space<hbm>>) dst(%arg5 : memref<80x128xi32, #tpu.memory_space<vmem>>)
      tpu.yield
    }) : () -> ()
    %run_scoped3A_8 = arith.constant 1 : i32
    "tpu.region"() ({
      %run_scoped3A_119 = tpu.sem_alloc : memref<!tpu.dma_semaphore, #tpu.memory_space<semaphore_mem>>
      %dma_start3A_120 = arith.constant 0 : i32
      %dma_start3A_121 = arith.constant 0 : i32
      %dma_start3A_122 = tpu.memref_slice %arg3[%run_scoped3A_8, %add3A, %dma_start3A_120, %dma_start3A_121] : memref<2x32x80x128xi32, #tpu.memory_space<hbm>> -> memref<1x1x80x128xi32, #tpu.memory_space<hbm>>
      %dma_start3A_123 = tpu.memref_squeeze %dma_start3A_122 : memref<1x1x80x128xi32, #tpu.memory_space<hbm>> -> memref<80x128xi32, #tpu.memory_space<hbm>>
      %dma_start3A_124 = arith.constant 0 : i32
      %dma_start3A_125 = arith.constant 0 : i32
      %dma_start3A_126 = tpu.memref_slice %arg3[%run_scoped3A_8, %add3A, %dma_start3A_124, %dma_start3A_125] : memref<2x32x80x128xi32, #tpu.memory_space<hbm>> -> memref<1x1x80x128xi32, #tpu.memory_space<hbm>>
      %dma_start3A_127 = tpu.memref_squeeze %dma_start3A_126 : memref<1x1x80x128xi32, #tpu.memory_space<hbm>> -> memref<80x128xi32, #tpu.memory_space<hbm>>
      tpu.enqueue_dma source(%dma_start3A_127 : memref<80x128xi32, #tpu.memory_space<hbm>>) target(%arg6 : memref<80x128xi32, #tpu.memory_space<vmem>>) target_semaphore(%run_scoped3A_119 : memref<!tpu.dma_semaphore, #tpu.memory_space<semaphore_mem>>)
      %dma_wait3A = arith.constant 0 : i32
      %dma_wait3A_128 = arith.constant 0 : i32
      %dma_wait3A_129 = tpu.memref_slice %arg3[%run_scoped3A_8, %add3A, %dma_wait3A, %dma_wait3A_128] : memref<2x32x80x128xi32, #tpu.memory_space<hbm>> -> memref<1x1x80x128xi32, #tpu.memory_space<hbm>>
      %dma_wait3A_130 = tpu.memref_squeeze %dma_wait3A_129 : memref<1x1x80x128xi32, #tpu.memory_space<hbm>> -> memref<80x128xi32, #tpu.memory_space<hbm>>
      %dma_wait3A_131 = arith.constant 0 : i32
      %dma_wait3A_132 = arith.constant 0 : i32
      %dma_wait3A_133 = tpu.memref_slice %arg3[%run_scoped3A_8, %add3A, %dma_wait3A_131, %dma_wait3A_132] : memref<2x32x80x128xi32, #tpu.memory_space<hbm>> -> memref<1x1x80x128xi32, #tpu.memory_space<hbm>>
      %dma_wait3A_134 = tpu.memref_squeeze %dma_wait3A_133 : memref<1x1x80x128xi32, #tpu.memory_space<hbm>> -> memref<80x128xi32, #tpu.memory_space<hbm>>
      tpu.wait_dma2 semaphore(%run_scoped3A_119 : memref<!tpu.dma_semaphore, #tpu.memory_space<semaphore_mem>>) src(%dma_wait3A_134 : memref<80x128xi32, #tpu.memory_space<hbm>>) dst(%arg6 : memref<80x128xi32, #tpu.memory_space<vmem>>)
      tpu.yield
    }) : () -> ()
    "tpu.region"() ({
      %run_scoped3A_119 = tpu.sem_alloc : memref<!tpu.dma_semaphore, #tpu.memory_space<semaphore_mem>>
      %dma_start3A_120 = arith.constant 0 : i32
      %dma_start3A_121 = tpu.memref_slice %arg9[%mul3A_2, %dma_start3A_120] : memref<10240x16xf32, #tpu.memory_space<vmem_shared>> -> memref<640x16xf32, #tpu.memory_space<vmem_shared>>
      %dma_start3A_122 = arith.constant 0 : i32
      %dma_start3A_123 = tpu.memref_slice %arg9[%mul3A_2, %dma_start3A_122] : memref<10240x16xf32, #tpu.memory_space<vmem_shared>> -> memref<640x16xf32, #tpu.memory_space<vmem_shared>>
      tpu.enqueue_dma source(%arg8 : memref<640x16xf32, #tpu.memory_space<vmem>>) target(%dma_start3A_123 : memref<640x16xf32, #tpu.memory_space<vmem_shared>>) target_semaphore(%run_scoped3A_119 : memref<!tpu.dma_semaphore, #tpu.memory_space<semaphore_mem>>)
      %dma_wait3A = arith.constant 0 : i32
      %dma_wait3A_124 = tpu.memref_slice %arg9[%mul3A_2, %dma_wait3A] : memref<10240x16xf32, #tpu.memory_space<vmem_shared>> -> memref<640x16xf32, #tpu.memory_space<vmem_shared>>
      %dma_wait3A_125 = arith.constant 0 : i32
      %dma_wait3A_126 = tpu.memref_slice %arg9[%mul3A_2, %dma_wait3A_125] : memref<10240x16xf32, #tpu.memory_space<vmem_shared>> -> memref<640x16xf32, #tpu.memory_space<vmem_shared>>
      tpu.wait_dma2 semaphore(%run_scoped3A_119 : memref<!tpu.dma_semaphore, #tpu.memory_space<semaphore_mem>>) src(%arg8 : memref<640x16xf32, #tpu.memory_space<vmem>>) dst(%dma_wait3A_126 : memref<640x16xf32, #tpu.memory_space<vmem_shared>>)
      tpu.yield
    }) : () -> ()
    %barrier3A = arith.constant 0 : index
    tpu.barrier barrier_id(%barrier3A)
    %dma_start3A = arith.constant 0 : i32
    %dma_start3A_9 = arith.constant 0 : i32
    %dma_start3A_10 = arith.constant 0 : i32
    %dma_start3A_11 = arith.constant 0 : i32
    %dma_start3A_12 = arith.constant 0 : i32
    %dma_start3A_13 = tpu.memref_slice %arg7[%dma_start3A_9, %dma_start3A_10, %dma_start3A_11, %dma_start3A_12] : memref<2x8x128x16xf32, #tpu.memory_space<vmem>> -> memref<1x1x128x16xf32, #tpu.memory_space<vmem>>
    %dma_start3A_14 = tpu.memref_squeeze %dma_start3A_13 : memref<1x1x128x16xf32, #tpu.memory_space<vmem>> -> memref<128x16xf32, #tpu.memory_space<vmem>>
    %dma_start3A_15 = arith.constant 0 : i32
    %dma_start3A_16 = tpu.memref_slice %arg5[%dma_start3A, %dma_start3A_15] : memref<80x128xi32, #tpu.memory_space<vmem>> -> memref<1x128xi32, #tpu.memory_space<vmem>>
    %dma_start3A_17 = tpu.memref_squeeze %dma_start3A_16 : memref<1x128xi32, #tpu.memory_space<vmem>> -> memref<128xi32, #tpu.memory_space<vmem>>
    %dma_start3A_18 = arith.constant 0 : i32
    %dma_start3A_19 = arith.constant 0 : i32
    %dma_start3A_20 = tpu.memref_slice %arg10[%dma_start3A_18, %dma_start3A_19] : memref<10240x16xf32, #tpu.memory_space<vmem_shared>> -> memref<10240x16xf32, #tpu.memory_space<vmem_shared>>
    tpu.enqueue_indirect_dma source(%dma_start3A_20 : memref<10240x16xf32, #tpu.memory_space<vmem_shared>>) target(%dma_start3A_14 : memref<128x16xf32, #tpu.memory_space<vmem>>) offsets(%dma_start3A_17 : memref<128xi32, #tpu.memory_space<vmem>>) semaphore(%arg11 : memref<!tpu.dma_semaphore, #tpu.memory_space<semaphore_mem>>)
    %dma_start3A_21 = arith.constant 1 : i32
    %dma_start3A_22 = arith.constant 0 : i32
    %dma_start3A_23 = arith.constant 1 : i32
    %dma_start3A_24 = arith.constant 0 : i32
    %dma_start3A_25 = arith.constant 0 : i32
    %dma_start3A_26 = tpu.memref_slice %arg7[%dma_start3A_22, %dma_start3A_23, %dma_start3A_24, %dma_start3A_25] : memref<2x8x128x16xf32, #tpu.memory_space<vmem>> -> memref<1x1x128x16xf32, #tpu.memory_space<vmem>>
    %dma_start3A_27 = tpu.memref_squeeze %dma_start3A_26 : memref<1x1x128x16xf32, #tpu.memory_space<vmem>> -> memref<128x16xf32, #tpu.memory_space<vmem>>
    %dma_start3A_28 = arith.constant 0 : i32
    %dma_start3A_29 = tpu.memref_slice %arg5[%dma_start3A_21, %dma_start3A_28] : memref<80x128xi32, #tpu.memory_space<vmem>> -> memref<1x128xi32, #tpu.memory_space<vmem>>
    %dma_start3A_30 = tpu.memref_squeeze %dma_start3A_29 : memref<1x128xi32, #tpu.memory_space<vmem>> -> memref<128xi32, #tpu.memory_space<vmem>>
    %dma_start3A_31 = arith.constant 0 : i32
    %dma_start3A_32 = arith.constant 0 : i32
    %dma_start3A_33 = tpu.memref_slice %arg10[%dma_start3A_31, %dma_start3A_32] : memref<10240x16xf32, #tpu.memory_space<vmem_shared>> -> memref<10240x16xf32, #tpu.memory_space<vmem_shared>>
    tpu.enqueue_indirect_dma source(%dma_start3A_33 : memref<10240x16xf32, #tpu.memory_space<vmem_shared>>) target(%dma_start3A_27 : memref<128x16xf32, #tpu.memory_space<vmem>>) offsets(%dma_start3A_30 : memref<128xi32, #tpu.memory_space<vmem>>) semaphore(%arg11 : memref<!tpu.dma_semaphore, #tpu.memory_space<semaphore_mem>>)
    %dma_start3A_34 = arith.constant 2 : i32
    %dma_start3A_35 = arith.constant 0 : i32
    %dma_start3A_36 = arith.constant 2 : i32
    %dma_start3A_37 = arith.constant 0 : i32
    %dma_start3A_38 = arith.constant 0 : i32
    %dma_start3A_39 = tpu.memref_slice %arg7[%dma_start3A_35, %dma_start3A_36, %dma_start3A_37, %dma_start3A_38] : memref<2x8x128x16xf32, #tpu.memory_space<vmem>> -> memref<1x1x128x16xf32, #tpu.memory_space<vmem>>
    %dma_start3A_40 = tpu.memref_squeeze %dma_start3A_39 : memref<1x1x128x16xf32, #tpu.memory_space<vmem>> -> memref<128x16xf32, #tpu.memory_space<vmem>>
    %dma_start3A_41 = arith.constant 0 : i32
    %dma_start3A_42 = tpu.memref_slice %arg5[%dma_start3A_34, %dma_start3A_41] : memref<80x128xi32, #tpu.memory_space<vmem>> -> memref<1x128xi32, #tpu.memory_space<vmem>>
    %dma_start3A_43 = tpu.memref_squeeze %dma_start3A_42 : memref<1x128xi32, #tpu.memory_space<vmem>> -> memref<128xi32, #tpu.memory_space<vmem>>
    %dma_start3A_44 = arith.constant 0 : i32
    %dma_start3A_45 = arith.constant 0 : i32
    %dma_start3A_46 = tpu.memref_slice %arg10[%dma_start3A_44, %dma_start3A_45] : memref<10240x16xf32, #tpu.memory_space<vmem_shared>> -> memref<10240x16xf32, #tpu.memory_space<vmem_shared>>
    tpu.enqueue_indirect_dma source(%dma_start3A_46 : memref<10240x16xf32, #tpu.memory_space<vmem_shared>>) target(%dma_start3A_40 : memref<128x16xf32, #tpu.memory_space<vmem>>) offsets(%dma_start3A_43 : memref<128xi32, #tpu.memory_space<vmem>>) semaphore(%arg11 : memref<!tpu.dma_semaphore, #tpu.memory_space<semaphore_mem>>)
    %dma_start3A_47 = arith.constant 3 : i32
    %dma_start3A_48 = arith.constant 0 : i32
    %dma_start3A_49 = arith.constant 3 : i32
    %dma_start3A_50 = arith.constant 0 : i32
    %dma_start3A_51 = arith.constant 0 : i32
    %dma_start3A_52 = tpu.memref_slice %arg7[%dma_start3A_48, %dma_start3A_49, %dma_start3A_50, %dma_start3A_51] : memref<2x8x128x16xf32, #tpu.memory_space<vmem>> -> memref<1x1x128x16xf32, #tpu.memory_space<vmem>>
    %dma_start3A_53 = tpu.memref_squeeze %dma_start3A_52 : memref<1x1x128x16xf32, #tpu.memory_space<vmem>> -> memref<128x16xf32, #tpu.memory_space<vmem>>
    %dma_start3A_54 = arith.constant 0 : i32
    %dma_start3A_55 = tpu.memref_slice %arg5[%dma_start3A_47, %dma_start3A_54] : memref<80x128xi32, #tpu.memory_space<vmem>> -> memref<1x128xi32, #tpu.memory_space<vmem>>
    %dma_start3A_56 = tpu.memref_squeeze %dma_start3A_55 : memref<1x128xi32, #tpu.memory_space<vmem>> -> memref<128xi32, #tpu.memory_space<vmem>>
    %dma_start3A_57 = arith.constant 0 : i32
    %dma_start3A_58 = arith.constant 0 : i32
    %dma_start3A_59 = tpu.memref_slice %arg10[%dma_start3A_57, %dma_start3A_58] : memref<10240x16xf32, #tpu.memory_space<vmem_shared>> -> memref<10240x16xf32, #tpu.memory_space<vmem_shared>>
    tpu.enqueue_indirect_dma source(%dma_start3A_59 : memref<10240x16xf32, #tpu.memory_space<vmem_shared>>) target(%dma_start3A_53 : memref<128x16xf32, #tpu.memory_space<vmem>>) offsets(%dma_start3A_56 : memref<128xi32, #tpu.memory_space<vmem>>) semaphore(%arg11 : memref<!tpu.dma_semaphore, #tpu.memory_space<semaphore_mem>>)
    %dma_start3A_60 = arith.constant 4 : i32
    %dma_start3A_61 = arith.constant 0 : i32
    %dma_start3A_62 = arith.constant 4 : i32
    %dma_start3A_63 = arith.constant 0 : i32
    %dma_start3A_64 = arith.constant 0 : i32
    %dma_start3A_65 = tpu.memref_slice %arg7[%dma_start3A_61, %dma_start3A_62, %dma_start3A_63, %dma_start3A_64] : memref<2x8x128x16xf32, #tpu.memory_space<vmem>> -> memref<1x1x128x16xf32, #tpu.memory_space<vmem>>
    %dma_start3A_66 = tpu.memref_squeeze %dma_start3A_65 : memref<1x1x128x16xf32, #tpu.memory_space<vmem>> -> memref<128x16xf32, #tpu.memory_space<vmem>>
    %dma_start3A_67 = arith.constant 0 : i32
    %dma_start3A_68 = tpu.memref_slice %arg5[%dma_start3A_60, %dma_start3A_67] : memref<80x128xi32, #tpu.memory_space<vmem>> -> memref<1x128xi32, #tpu.memory_space<vmem>>
    %dma_start3A_69 = tpu.memref_squeeze %dma_start3A_68 : memref<1x128xi32, #tpu.memory_space<vmem>> -> memref<128xi32, #tpu.memory_space<vmem>>
    %dma_start3A_70 = arith.constant 0 : i32
    %dma_start3A_71 = arith.constant 0 : i32
    %dma_start3A_72 = tpu.memref_slice %arg10[%dma_start3A_70, %dma_start3A_71] : memref<10240x16xf32, #tpu.memory_space<vmem_shared>> -> memref<10240x16xf32, #tpu.memory_space<vmem_shared>>
    tpu.enqueue_indirect_dma source(%dma_start3A_72 : memref<10240x16xf32, #tpu.memory_space<vmem_shared>>) target(%dma_start3A_66 : memref<128x16xf32, #tpu.memory_space<vmem>>) offsets(%dma_start3A_69 : memref<128xi32, #tpu.memory_space<vmem>>) semaphore(%arg11 : memref<!tpu.dma_semaphore, #tpu.memory_space<semaphore_mem>>)
    %dma_start3A_73 = arith.constant 5 : i32
    %dma_start3A_74 = arith.constant 0 : i32
    %dma_start3A_75 = arith.constant 5 : i32
    %dma_start3A_76 = arith.constant 0 : i32
    %dma_start3A_77 = arith.constant 0 : i32
    %dma_start3A_78 = tpu.memref_slice %arg7[%dma_start3A_74, %dma_start3A_75, %dma_start3A_76, %dma_start3A_77] : memref<2x8x128x16xf32, #tpu.memory_space<vmem>> -> memref<1x1x128x16xf32, #tpu.memory_space<vmem>>
    %dma_start3A_79 = tpu.memref_squeeze %dma_start3A_78 : memref<1x1x128x16xf32, #tpu.memory_space<vmem>> -> memref<128x16xf32, #tpu.memory_space<vmem>>
    %dma_start3A_80 = arith.constant 0 : i32
    %dma_start3A_81 = tpu.memref_slice %arg5[%dma_start3A_73, %dma_start3A_80] : memref<80x128xi32, #tpu.memory_space<vmem>> -> memref<1x128xi32, #tpu.memory_space<vmem>>
    %dma_start3A_82 = tpu.memref_squeeze %dma_start3A_81 : memref<1x128xi32, #tpu.memory_space<vmem>> -> memref<128xi32, #tpu.memory_space<vmem>>
    %dma_start3A_83 = arith.constant 0 : i32
    %dma_start3A_84 = arith.constant 0 : i32
    %dma_start3A_85 = tpu.memref_slice %arg10[%dma_start3A_83, %dma_start3A_84] : memref<10240x16xf32, #tpu.memory_space<vmem_shared>> -> memref<10240x16xf32, #tpu.memory_space<vmem_shared>>
    tpu.enqueue_indirect_dma source(%dma_start3A_85 : memref<10240x16xf32, #tpu.memory_space<vmem_shared>>) target(%dma_start3A_79 : memref<128x16xf32, #tpu.memory_space<vmem>>) offsets(%dma_start3A_82 : memref<128xi32, #tpu.memory_space<vmem>>) semaphore(%arg11 : memref<!tpu.dma_semaphore, #tpu.memory_space<semaphore_mem>>)
    %dma_start3A_86 = arith.constant 6 : i32
    %dma_start3A_87 = arith.constant 0 : i32
    %dma_start3A_88 = arith.constant 6 : i32
    %dma_start3A_89 = arith.constant 0 : i32
    %dma_start3A_90 = arith.constant 0 : i32
    %dma_start3A_91 = tpu.memref_slice %arg7[%dma_start3A_87, %dma_start3A_88, %dma_start3A_89, %dma_start3A_90] : memref<2x8x128x16xf32, #tpu.memory_space<vmem>> -> memref<1x1x128x16xf32, #tpu.memory_space<vmem>>
    %dma_start3A_92 = tpu.memref_squeeze %dma_start3A_91 : memref<1x1x128x16xf32, #tpu.memory_space<vmem>> -> memref<128x16xf32, #tpu.memory_space<vmem>>
    %dma_start3A_93 = arith.constant 0 : i32
    %dma_start3A_94 = tpu.memref_slice %arg5[%dma_start3A_86, %dma_start3A_93] : memref<80x128xi32, #tpu.memory_space<vmem>> -> memref<1x128xi32, #tpu.memory_space<vmem>>
    %dma_start3A_95 = tpu.memref_squeeze %dma_start3A_94 : memref<1x128xi32, #tpu.memory_space<vmem>> -> memref<128xi32, #tpu.memory_space<vmem>>
    %dma_start3A_96 = arith.constant 0 : i32
    %dma_start3A_97 = arith.constant 0 : i32
    %dma_start3A_98 = tpu.memref_slice %arg10[%dma_start3A_96, %dma_start3A_97] : memref<10240x16xf32, #tpu.memory_space<vmem_shared>> -> memref<10240x16xf32, #tpu.memory_space<vmem_shared>>
    tpu.enqueue_indirect_dma source(%dma_start3A_98 : memref<10240x16xf32, #tpu.memory_space<vmem_shared>>) target(%dma_start3A_92 : memref<128x16xf32, #tpu.memory_space<vmem>>) offsets(%dma_start3A_95 : memref<128xi32, #tpu.memory_space<vmem>>) semaphore(%arg11 : memref<!tpu.dma_semaphore, #tpu.memory_space<semaphore_mem>>)
    %dma_start3A_99 = arith.constant 7 : i32
    %dma_start3A_100 = arith.constant 0 : i32
    %dma_start3A_101 = arith.constant 7 : i32
    %dma_start3A_102 = arith.constant 0 : i32
    %dma_start3A_103 = arith.constant 0 : i32
    %dma_start3A_104 = tpu.memref_slice %arg7[%dma_start3A_100, %dma_start3A_101, %dma_start3A_102, %dma_start3A_103] : memref<2x8x128x16xf32, #tpu.memory_space<vmem>> -> memref<1x1x128x16xf32, #tpu.memory_space<vmem>>
    %dma_start3A_105 = tpu.memref_squeeze %dma_start3A_104 : memref<1x1x128x16xf32, #tpu.memory_space<vmem>> -> memref<128x16xf32, #tpu.memory_space<vmem>>
    %dma_start3A_106 = arith.constant 0 : i32
    %dma_start3A_107 = tpu.memref_slice %arg5[%dma_start3A_99, %dma_start3A_106] : memref<80x128xi32, #tpu.memory_space<vmem>> -> memref<1x128xi32, #tpu.memory_space<vmem>>
    %dma_start3A_108 = tpu.memref_squeeze %dma_start3A_107 : memref<1x128xi32, #tpu.memory_space<vmem>> -> memref<128xi32, #tpu.memory_space<vmem>>
    %dma_start3A_109 = arith.constant 0 : i32
    %dma_start3A_110 = arith.constant 0 : i32
    %dma_start3A_111 = tpu.memref_slice %arg10[%dma_start3A_109, %dma_start3A_110] : memref<10240x16xf32, #tpu.memory_space<vmem_shared>> -> memref<10240x16xf32, #tpu.memory_space<vmem_shared>>
    tpu.enqueue_indirect_dma source(%dma_start3A_111 : memref<10240x16xf32, #tpu.memory_space<vmem_shared>>) target(%dma_start3A_105 : memref<128x16xf32, #tpu.memory_space<vmem>>) offsets(%dma_start3A_108 : memref<128xi32, #tpu.memory_space<vmem>>) semaphore(%arg11 : memref<!tpu.dma_semaphore, #tpu.memory_space<semaphore_mem>>)
    %scan3A_112 = arith.constant 0 : i32
    %scan3A_113 = arith.constant 0 : i32
    %scan3A_114 = arith.constant 10 : i32
    %scan3A_115 = arith.addi %scan3A_113, %scan3A_114 : i32
    %scan3A_116 = arith.constant 1 : i32
    scf.for %scan3A_119 = %scan3A_113 to %scan3A_115 step %scan3A_116  : i32 {
      %rem3A = arith.constant 2 : i32
      %rem3A_120 = arith.remsi %scan3A_119, %rem3A : i32
      %add3A_121 = arith.constant 1 : i32
      %add3A_122 = arith.addi %scan3A_119, %add3A_121 : i32
      %rem3A_123 = arith.constant 2 : i32
      %rem3A_124 = arith.remsi %add3A_122, %rem3A_123 : i32
      %add3A_125 = arith.constant 1 : i32
      %add3A_126 = arith.addi %scan3A_119, %add3A_125 : i32
      %lt3A = arith.constant 10 : i32
      %lt3A_127 = arith.cmpi slt, %add3A_126, %lt3A : i32
      %convert_element_type3A = arith.extui %lt3A_127 : i1 to i32
      %cond3A = arith.constant 0 : i32
      %cond3A_128 = arith.cmpi ne, %convert_element_type3A, %cond3A : i32
      scf.if %cond3A_128 {
        %add3A_456 = arith.constant 1 : i32
        %add3A_457 = arith.addi %scan3A_119, %add3A_456 : i32
        %mul3A_458 = arith.constant 8 : i32
        %mul3A_459 = arith.muli %add3A_457, %mul3A_458 : i32
        %add3A_460 = arith.constant 0 : i32
        %add3A_461 = arith.addi %mul3A_459, %add3A_460 : i32
        %dma_start3A_462 = arith.constant 0 : i32
        %dma_start3A_463 = arith.constant 0 : i32
        %dma_start3A_464 = arith.constant 0 : i32
        %dma_start3A_465 = tpu.memref_slice %arg7[%rem3A_124, %dma_start3A_462, %dma_start3A_463, %dma_start3A_464] : memref<2x8x128x16xf32, #tpu.memory_space<vmem>> -> memref<1x1x128x16xf32, #tpu.memory_space<vmem>>
        %dma_start3A_466 = tpu.memref_squeeze %dma_start3A_465 : memref<1x1x128x16xf32, #tpu.memory_space<vmem>> -> memref<128x16xf32, #tpu.memory_space<vmem>>
        %dma_start3A_467 = arith.constant 0 : i32
        %dma_start3A_468 = tpu.memref_slice %arg5[%add3A_461, %dma_start3A_467] : memref<80x128xi32, #tpu.memory_space<vmem>> -> memref<1x128xi32, #tpu.memory_space<vmem>>
        %dma_start3A_469 = tpu.memref_squeeze %dma_start3A_468 : memref<1x128xi32, #tpu.memory_space<vmem>> -> memref<128xi32, #tpu.memory_space<vmem>>
        %dma_start3A_470 = arith.constant 0 : i32
        %dma_start3A_471 = arith.constant 0 : i32
        %dma_start3A_472 = tpu.memref_slice %arg10[%dma_start3A_470, %dma_start3A_471] : memref<10240x16xf32, #tpu.memory_space<vmem_shared>> -> memref<10240x16xf32, #tpu.memory_space<vmem_shared>>
        tpu.enqueue_indirect_dma source(%dma_start3A_472 : memref<10240x16xf32, #tpu.memory_space<vmem_shared>>) target(%dma_start3A_466 : memref<128x16xf32, #tpu.memory_space<vmem>>) offsets(%dma_start3A_469 : memref<128xi32, #tpu.memory_space<vmem>>) semaphore(%arg11 : memref<!tpu.dma_semaphore, #tpu.memory_space<semaphore_mem>>)
        %mul3A_473 = arith.constant 8 : i32
        %mul3A_474 = arith.muli %add3A_457, %mul3A_473 : i32
        %add3A_475 = arith.constant 1 : i32
        %add3A_476 = arith.addi %mul3A_474, %add3A_475 : i32
        %dma_start3A_477 = arith.constant 1 : i32
        %dma_start3A_478 = arith.constant 0 : i32
        %dma_start3A_479 = arith.constant 0 : i32
        %dma_start3A_480 = tpu.memref_slice %arg7[%rem3A_124, %dma_start3A_477, %dma_start3A_478, %dma_start3A_479] : memref<2x8x128x16xf32, #tpu.memory_space<vmem>> -> memref<1x1x128x16xf32, #tpu.memory_space<vmem>>
        %dma_start3A_481 = tpu.memref_squeeze %dma_start3A_480 : memref<1x1x128x16xf32, #tpu.memory_space<vmem>> -> memref<128x16xf32, #tpu.memory_space<vmem>>
        %dma_start3A_482 = arith.constant 0 : i32
        %dma_start3A_483 = tpu.memref_slice %arg5[%add3A_476, %dma_start3A_482] : memref<80x128xi32, #tpu.memory_space<vmem>> -> memref<1x128xi32, #tpu.memory_space<vmem>>
        %dma_start3A_484 = tpu.memref_squeeze %dma_start3A_483 : memref<1x128xi32, #tpu.memory_space<vmem>> -> memref<128xi32, #tpu.memory_space<vmem>>
        %dma_start3A_485 = arith.constant 0 : i32
        %dma_start3A_486 = arith.constant 0 : i32
        %dma_start3A_487 = tpu.memref_slice %arg10[%dma_start3A_485, %dma_start3A_486] : memref<10240x16xf32, #tpu.memory_space<vmem_shared>> -> memref<10240x16xf32, #tpu.memory_space<vmem_shared>>
        tpu.enqueue_indirect_dma source(%dma_start3A_487 : memref<10240x16xf32, #tpu.memory_space<vmem_shared>>) target(%dma_start3A_481 : memref<128x16xf32, #tpu.memory_space<vmem>>) offsets(%dma_start3A_484 : memref<128xi32, #tpu.memory_space<vmem>>) semaphore(%arg11 : memref<!tpu.dma_semaphore, #tpu.memory_space<semaphore_mem>>)
        %mul3A_488 = arith.constant 8 : i32
        %mul3A_489 = arith.muli %add3A_457, %mul3A_488 : i32
        %add3A_490 = arith.constant 2 : i32
        %add3A_491 = arith.addi %mul3A_489, %add3A_490 : i32
        %dma_start3A_492 = arith.constant 2 : i32
        %dma_start3A_493 = arith.constant 0 : i32
        %dma_start3A_494 = arith.constant 0 : i32
        %dma_start3A_495 = tpu.memref_slice %arg7[%rem3A_124, %dma_start3A_492, %dma_start3A_493, %dma_start3A_494] : memref<2x8x128x16xf32, #tpu.memory_space<vmem>> -> memref<1x1x128x16xf32, #tpu.memory_space<vmem>>
        %dma_start3A_496 = tpu.memref_squeeze %dma_start3A_495 : memref<1x1x128x16xf32, #tpu.memory_space<vmem>> -> memref<128x16xf32, #tpu.memory_space<vmem>>
        %dma_start3A_497 = arith.constant 0 : i32
        %dma_start3A_498 = tpu.memref_slice %arg5[%add3A_491, %dma_start3A_497] : memref<80x128xi32, #tpu.memory_space<vmem>> -> memref<1x128xi32, #tpu.memory_space<vmem>>
        %dma_start3A_499 = tpu.memref_squeeze %dma_start3A_498 : memref<1x128xi32, #tpu.memory_space<vmem>> -> memref<128xi32, #tpu.memory_space<vmem>>
        %dma_start3A_500 = arith.constant 0 : i32
        %dma_start3A_501 = arith.constant 0 : i32
        %dma_start3A_502 = tpu.memref_slice %arg10[%dma_start3A_500, %dma_start3A_501] : memref<10240x16xf32, #tpu.memory_space<vmem_shared>> -> memref<10240x16xf32, #tpu.memory_space<vmem_shared>>
        tpu.enqueue_indirect_dma source(%dma_start3A_502 : memref<10240x16xf32, #tpu.memory_space<vmem_shared>>) target(%dma_start3A_496 : memref<128x16xf32, #tpu.memory_space<vmem>>) offsets(%dma_start3A_499 : memref<128xi32, #tpu.memory_space<vmem>>) semaphore(%arg11 : memref<!tpu.dma_semaphore, #tpu.memory_space<semaphore_mem>>)
        %mul3A_503 = arith.constant 8 : i32
        %mul3A_504 = arith.muli %add3A_457, %mul3A_503 : i32
        %add3A_505 = arith.constant 3 : i32
        %add3A_506 = arith.addi %mul3A_504, %add3A_505 : i32
        %dma_start3A_507 = arith.constant 3 : i32
        %dma_start3A_508 = arith.constant 0 : i32
        %dma_start3A_509 = arith.constant 0 : i32
        %dma_start3A_510 = tpu.memref_slice %arg7[%rem3A_124, %dma_start3A_507, %dma_start3A_508, %dma_start3A_509] : memref<2x8x128x16xf32, #tpu.memory_space<vmem>> -> memref<1x1x128x16xf32, #tpu.memory_space<vmem>>
        %dma_start3A_511 = tpu.memref_squeeze %dma_start3A_510 : memref<1x1x128x16xf32, #tpu.memory_space<vmem>> -> memref<128x16xf32, #tpu.memory_space<vmem>>
        %dma_start3A_512 = arith.constant 0 : i32
        %dma_start3A_513 = tpu.memref_slice %arg5[%add3A_506, %dma_start3A_512] : memref<80x128xi32, #tpu.memory_space<vmem>> -> memref<1x128xi32, #tpu.memory_space<vmem>>
        %dma_start3A_514 = tpu.memref_squeeze %dma_start3A_513 : memref<1x128xi32, #tpu.memory_space<vmem>> -> memref<128xi32, #tpu.memory_space<vmem>>
        %dma_start3A_515 = arith.constant 0 : i32
        %dma_start3A_516 = arith.constant 0 : i32
        %dma_start3A_517 = tpu.memref_slice %arg10[%dma_start3A_515, %dma_start3A_516] : memref<10240x16xf32, #tpu.memory_space<vmem_shared>> -> memref<10240x16xf32, #tpu.memory_space<vmem_shared>>
        tpu.enqueue_indirect_dma source(%dma_start3A_517 : memref<10240x16xf32, #tpu.memory_space<vmem_shared>>) target(%dma_start3A_511 : memref<128x16xf32, #tpu.memory_space<vmem>>) offsets(%dma_start3A_514 : memref<128xi32, #tpu.memory_space<vmem>>) semaphore(%arg11 : memref<!tpu.dma_semaphore, #tpu.memory_space<semaphore_mem>>)
        %mul3A_518 = arith.constant 8 : i32
        %mul3A_519 = arith.muli %add3A_457, %mul3A_518 : i32
        %add3A_520 = arith.constant 4 : i32
        %add3A_521 = arith.addi %mul3A_519, %add3A_520 : i32
        %dma_start3A_522 = arith.constant 4 : i32
        %dma_start3A_523 = arith.constant 0 : i32
        %dma_start3A_524 = arith.constant 0 : i32
        %dma_start3A_525 = tpu.memref_slice %arg7[%rem3A_124, %dma_start3A_522, %dma_start3A_523, %dma_start3A_524] : memref<2x8x128x16xf32, #tpu.memory_space<vmem>> -> memref<1x1x128x16xf32, #tpu.memory_space<vmem>>
        %dma_start3A_526 = tpu.memref_squeeze %dma_start3A_525 : memref<1x1x128x16xf32, #tpu.memory_space<vmem>> -> memref<128x16xf32, #tpu.memory_space<vmem>>
        %dma_start3A_527 = arith.constant 0 : i32
        %dma_start3A_528 = tpu.memref_slice %arg5[%add3A_521, %dma_start3A_527] : memref<80x128xi32, #tpu.memory_space<vmem>> -> memref<1x128xi32, #tpu.memory_space<vmem>>
        %dma_start3A_529 = tpu.memref_squeeze %dma_start3A_528 : memref<1x128xi32, #tpu.memory_space<vmem>> -> memref<128xi32, #tpu.memory_space<vmem>>
        %dma_start3A_530 = arith.constant 0 : i32
        %dma_start3A_531 = arith.constant 0 : i32
        %dma_start3A_532 = tpu.memref_slice %arg10[%dma_start3A_530, %dma_start3A_531] : memref<10240x16xf32, #tpu.memory_space<vmem_shared>> -> memref<10240x16xf32, #tpu.memory_space<vmem_shared>>
        tpu.enqueue_indirect_dma source(%dma_start3A_532 : memref<10240x16xf32, #tpu.memory_space<vmem_shared>>) target(%dma_start3A_526 : memref<128x16xf32, #tpu.memory_space<vmem>>) offsets(%dma_start3A_529 : memref<128xi32, #tpu.memory_space<vmem>>) semaphore(%arg11 : memref<!tpu.dma_semaphore, #tpu.memory_space<semaphore_mem>>)
        %mul3A_533 = arith.constant 8 : i32
        %mul3A_534 = arith.muli %add3A_457, %mul3A_533 : i32
        %add3A_535 = arith.constant 5 : i32
        %add3A_536 = arith.addi %mul3A_534, %add3A_535 : i32
        %dma_start3A_537 = arith.constant 5 : i32
        %dma_start3A_538 = arith.constant 0 : i32
        %dma_start3A_539 = arith.constant 0 : i32
        %dma_start3A_540 = tpu.memref_slice %arg7[%rem3A_124, %dma_start3A_537, %dma_start3A_538, %dma_start3A_539] : memref<2x8x128x16xf32, #tpu.memory_space<vmem>> -> memref<1x1x128x16xf32, #tpu.memory_space<vmem>>
        %dma_start3A_541 = tpu.memref_squeeze %dma_start3A_540 : memref<1x1x128x16xf32, #tpu.memory_space<vmem>> -> memref<128x16xf32, #tpu.memory_space<vmem>>
        %dma_start3A_542 = arith.constant 0 : i32
        %dma_start3A_543 = tpu.memref_slice %arg5[%add3A_536, %dma_start3A_542] : memref<80x128xi32, #tpu.memory_space<vmem>> -> memref<1x128xi32, #tpu.memory_space<vmem>>
        %dma_start3A_544 = tpu.memref_squeeze %dma_start3A_543 : memref<1x128xi32, #tpu.memory_space<vmem>> -> memref<128xi32, #tpu.memory_space<vmem>>
        %dma_start3A_545 = arith.constant 0 : i32
        %dma_start3A_546 = arith.constant 0 : i32
        %dma_start3A_547 = tpu.memref_slice %arg10[%dma_start3A_545, %dma_start3A_546] : memref<10240x16xf32, #tpu.memory_space<vmem_shared>> -> memref<10240x16xf32, #tpu.memory_space<vmem_shared>>
        tpu.enqueue_indirect_dma source(%dma_start3A_547 : memref<10240x16xf32, #tpu.memory_space<vmem_shared>>) target(%dma_start3A_541 : memref<128x16xf32, #tpu.memory_space<vmem>>) offsets(%dma_start3A_544 : memref<128xi32, #tpu.memory_space<vmem>>) semaphore(%arg11 : memref<!tpu.dma_semaphore, #tpu.memory_space<semaphore_mem>>)
        %mul3A_548 = arith.constant 8 : i32
        %mul3A_549 = arith.muli %add3A_457, %mul3A_548 : i32
        %add3A_550 = arith.constant 6 : i32
        %add3A_551 = arith.addi %mul3A_549, %add3A_550 : i32
        %dma_start3A_552 = arith.constant 6 : i32
        %dma_start3A_553 = arith.constant 0 : i32
        %dma_start3A_554 = arith.constant 0 : i32
        %dma_start3A_555 = tpu.memref_slice %arg7[%rem3A_124, %dma_start3A_552, %dma_start3A_553, %dma_start3A_554] : memref<2x8x128x16xf32, #tpu.memory_space<vmem>> -> memref<1x1x128x16xf32, #tpu.memory_space<vmem>>
        %dma_start3A_556 = tpu.memref_squeeze %dma_start3A_555 : memref<1x1x128x16xf32, #tpu.memory_space<vmem>> -> memref<128x16xf32, #tpu.memory_space<vmem>>
        %dma_start3A_557 = arith.constant 0 : i32
        %dma_start3A_558 = tpu.memref_slice %arg5[%add3A_551, %dma_start3A_557] : memref<80x128xi32, #tpu.memory_space<vmem>> -> memref<1x128xi32, #tpu.memory_space<vmem>>
        %dma_start3A_559 = tpu.memref_squeeze %dma_start3A_558 : memref<1x128xi32, #tpu.memory_space<vmem>> -> memref<128xi32, #tpu.memory_space<vmem>>
        %dma_start3A_560 = arith.constant 0 : i32
        %dma_start3A_561 = arith.constant 0 : i32
        %dma_start3A_562 = tpu.memref_slice %arg10[%dma_start3A_560, %dma_start3A_561] : memref<10240x16xf32, #tpu.memory_space<vmem_shared>> -> memref<10240x16xf32, #tpu.memory_space<vmem_shared>>
        tpu.enqueue_indirect_dma source(%dma_start3A_562 : memref<10240x16xf32, #tpu.memory_space<vmem_shared>>) target(%dma_start3A_556 : memref<128x16xf32, #tpu.memory_space<vmem>>) offsets(%dma_start3A_559 : memref<128xi32, #tpu.memory_space<vmem>>) semaphore(%arg11 : memref<!tpu.dma_semaphore, #tpu.memory_space<semaphore_mem>>)
        %mul3A_563 = arith.constant 8 : i32
        %mul3A_564 = arith.muli %add3A_457, %mul3A_563 : i32
        %add3A_565 = arith.constant 7 : i32
        %add3A_566 = arith.addi %mul3A_564, %add3A_565 : i32
        %dma_start3A_567 = arith.constant 7 : i32
        %dma_start3A_568 = arith.constant 0 : i32
        %dma_start3A_569 = arith.constant 0 : i32
        %dma_start3A_570 = tpu.memref_slice %arg7[%rem3A_124, %dma_start3A_567, %dma_start3A_568, %dma_start3A_569] : memref<2x8x128x16xf32, #tpu.memory_space<vmem>> -> memref<1x1x128x16xf32, #tpu.memory_space<vmem>>
        %dma_start3A_571 = tpu.memref_squeeze %dma_start3A_570 : memref<1x1x128x16xf32, #tpu.memory_space<vmem>> -> memref<128x16xf32, #tpu.memory_space<vmem>>
        %dma_start3A_572 = arith.constant 0 : i32
        %dma_start3A_573 = tpu.memref_slice %arg5[%add3A_566, %dma_start3A_572] : memref<80x128xi32, #tpu.memory_space<vmem>> -> memref<1x128xi32, #tpu.memory_space<vmem>>
        %dma_start3A_574 = tpu.memref_squeeze %dma_start3A_573 : memref<1x128xi32, #tpu.memory_space<vmem>> -> memref<128xi32, #tpu.memory_space<vmem>>
        %dma_start3A_575 = arith.constant 0 : i32
        %dma_start3A_576 = arith.constant 0 : i32
        %dma_start3A_577 = tpu.memref_slice %arg10[%dma_start3A_575, %dma_start3A_576] : memref<10240x16xf32, #tpu.memory_space<vmem_shared>> -> memref<10240x16xf32, #tpu.memory_space<vmem_shared>>
        tpu.enqueue_indirect_dma source(%dma_start3A_577 : memref<10240x16xf32, #tpu.memory_space<vmem_shared>>) target(%dma_start3A_571 : memref<128x16xf32, #tpu.memory_space<vmem>>) offsets(%dma_start3A_574 : memref<128xi32, #tpu.memory_space<vmem>>) semaphore(%arg11 : memref<!tpu.dma_semaphore, #tpu.memory_space<semaphore_mem>>)
      } else {
      }
      %mul3A_129 = arith.constant 8 : i32
      %mul3A_130 = arith.muli %scan3A_119, %mul3A_129 : i32
      %add3A_131 = arith.constant 0 : i32
      %add3A_132 = arith.addi %mul3A_130, %add3A_131 : i32
      %dma_wait3A = arith.constant 0 : i32
      %dma_wait3A_133 = arith.constant 0 : i32
      %dma_wait3A_134 = arith.constant 0 : i32
      %dma_wait3A_135 = tpu.memref_slice %arg7[%rem3A_120, %dma_wait3A, %dma_wait3A_133, %dma_wait3A_134] : memref<2x8x128x16xf32, #tpu.memory_space<vmem>> -> memref<1x1x128x16xf32, #tpu.memory_space<vmem>>
      %dma_wait3A_136 = tpu.memref_squeeze %dma_wait3A_135 : memref<1x1x128x16xf32, #tpu.memory_space<vmem>> -> memref<128x16xf32, #tpu.memory_space<vmem>>
      %dma_wait3A_137 = arith.constant 0 : i32
      %dma_wait3A_138 = tpu.memref_slice %arg5[%add3A_132, %dma_wait3A_137] : memref<80x128xi32, #tpu.memory_space<vmem>> -> memref<1x128xi32, #tpu.memory_space<vmem>>
      %dma_wait3A_139 = tpu.memref_squeeze %dma_wait3A_138 : memref<1x128xi32, #tpu.memory_space<vmem>> -> memref<128xi32, #tpu.memory_space<vmem>>
      %dma_wait3A_140 = arith.constant 0 : i32
      %dma_wait3A_141 = arith.constant 0 : i32
      %dma_wait3A_142 = tpu.memref_slice %arg10[%dma_wait3A_140, %dma_wait3A_141] : memref<10240x16xf32, #tpu.memory_space<vmem_shared>> -> memref<10240x16xf32, #tpu.memory_space<vmem_shared>>
      tpu.wait_indirect_dma semaphore(%arg11 : memref<!tpu.dma_semaphore, #tpu.memory_space<semaphore_mem>>) src(%dma_wait3A_142 : memref<10240x16xf32, #tpu.memory_space<vmem_shared>>) dst(%dma_wait3A_136 : memref<128x16xf32, #tpu.memory_space<vmem>>)
      %mul3A_143 = arith.constant 8 : i32
      %mul3A_144 = arith.muli %scan3A_119, %mul3A_143 : i32
      %add3A_145 = arith.constant 1 : i32
      %add3A_146 = arith.addi %mul3A_144, %add3A_145 : i32
      %dma_wait3A_147 = arith.constant 1 : i32
      %dma_wait3A_148 = arith.constant 0 : i32
      %dma_wait3A_149 = arith.constant 0 : i32
      %dma_wait3A_150 = tpu.memref_slice %arg7[%rem3A_120, %dma_wait3A_147, %dma_wait3A_148, %dma_wait3A_149] : memref<2x8x128x16xf32, #tpu.memory_space<vmem>> -> memref<1x1x128x16xf32, #tpu.memory_space<vmem>>
      %dma_wait3A_151 = tpu.memref_squeeze %dma_wait3A_150 : memref<1x1x128x16xf32, #tpu.memory_space<vmem>> -> memref<128x16xf32, #tpu.memory_space<vmem>>
      %dma_wait3A_152 = arith.constant 0 : i32
      %dma_wait3A_153 = tpu.memref_slice %arg5[%add3A_146, %dma_wait3A_152] : memref<80x128xi32, #tpu.memory_space<vmem>> -> memref<1x128xi32, #tpu.memory_space<vmem>>
      %dma_wait3A_154 = tpu.memref_squeeze %dma_wait3A_153 : memref<1x128xi32, #tpu.memory_space<vmem>> -> memref<128xi32, #tpu.memory_space<vmem>>
      %dma_wait3A_155 = arith.constant 0 : i32
      %dma_wait3A_156 = arith.constant 0 : i32
      %dma_wait3A_157 = tpu.memref_slice %arg10[%dma_wait3A_155, %dma_wait3A_156] : memref<10240x16xf32, #tpu.memory_space<vmem_shared>> -> memref<10240x16xf32, #tpu.memory_space<vmem_shared>>
      tpu.wait_indirect_dma semaphore(%arg11 : memref<!tpu.dma_semaphore, #tpu.memory_space<semaphore_mem>>) src(%dma_wait3A_157 : memref<10240x16xf32, #tpu.memory_space<vmem_shared>>) dst(%dma_wait3A_151 : memref<128x16xf32, #tpu.memory_space<vmem>>)
      %mul3A_158 = arith.constant 8 : i32
      %mul3A_159 = arith.muli %scan3A_119, %mul3A_158 : i32
      %add3A_160 = arith.constant 2 : i32
      %add3A_161 = arith.addi %mul3A_159, %add3A_160 : i32
      %dma_wait3A_162 = arith.constant 2 : i32
      %dma_wait3A_163 = arith.constant 0 : i32
      %dma_wait3A_164 = arith.constant 0 : i32
      %dma_wait3A_165 = tpu.memref_slice %arg7[%rem3A_120, %dma_wait3A_162, %dma_wait3A_163, %dma_wait3A_164] : memref<2x8x128x16xf32, #tpu.memory_space<vmem>> -> memref<1x1x128x16xf32, #tpu.memory_space<vmem>>
      %dma_wait3A_166 = tpu.memref_squeeze %dma_wait3A_165 : memref<1x1x128x16xf32, #tpu.memory_space<vmem>> -> memref<128x16xf32, #tpu.memory_space<vmem>>
      %dma_wait3A_167 = arith.constant 0 : i32
      %dma_wait3A_168 = tpu.memref_slice %arg5[%add3A_161, %dma_wait3A_167] : memref<80x128xi32, #tpu.memory_space<vmem>> -> memref<1x128xi32, #tpu.memory_space<vmem>>
      %dma_wait3A_169 = tpu.memref_squeeze %dma_wait3A_168 : memref<1x128xi32, #tpu.memory_space<vmem>> -> memref<128xi32, #tpu.memory_space<vmem>>
      %dma_wait3A_170 = arith.constant 0 : i32
      %dma_wait3A_171 = arith.constant 0 : i32
      %dma_wait3A_172 = tpu.memref_slice %arg10[%dma_wait3A_170, %dma_wait3A_171] : memref<10240x16xf32, #tpu.memory_space<vmem_shared>> -> memref<10240x16xf32, #tpu.memory_space<vmem_shared>>
      tpu.wait_indirect_dma semaphore(%arg11 : memref<!tpu.dma_semaphore, #tpu.memory_space<semaphore_mem>>) src(%dma_wait3A_172 : memref<10240x16xf32, #tpu.memory_space<vmem_shared>>) dst(%dma_wait3A_166 : memref<128x16xf32, #tpu.memory_space<vmem>>)
      %mul3A_173 = arith.constant 8 : i32
      %mul3A_174 = arith.muli %scan3A_119, %mul3A_173 : i32
      %add3A_175 = arith.constant 3 : i32
      %add3A_176 = arith.addi %mul3A_174, %add3A_175 : i32
      %dma_wait3A_177 = arith.constant 3 : i32
      %dma_wait3A_178 = arith.constant 0 : i32
      %dma_wait3A_179 = arith.constant 0 : i32
      %dma_wait3A_180 = tpu.memref_slice %arg7[%rem3A_120, %dma_wait3A_177, %dma_wait3A_178, %dma_wait3A_179] : memref<2x8x128x16xf32, #tpu.memory_space<vmem>> -> memref<1x1x128x16xf32, #tpu.memory_space<vmem>>
      %dma_wait3A_181 = tpu.memref_squeeze %dma_wait3A_180 : memref<1x1x128x16xf32, #tpu.memory_space<vmem>> -> memref<128x16xf32, #tpu.memory_space<vmem>>
      %dma_wait3A_182 = arith.constant 0 : i32
      %dma_wait3A_183 = tpu.memref_slice %arg5[%add3A_176, %dma_wait3A_182] : memref<80x128xi32, #tpu.memory_space<vmem>> -> memref<1x128xi32, #tpu.memory_space<vmem>>
      %dma_wait3A_184 = tpu.memref_squeeze %dma_wait3A_183 : memref<1x128xi32, #tpu.memory_space<vmem>> -> memref<128xi32, #tpu.memory_space<vmem>>
      %dma_wait3A_185 = arith.constant 0 : i32
      %dma_wait3A_186 = arith.constant 0 : i32
      %dma_wait3A_187 = tpu.memref_slice %arg10[%dma_wait3A_185, %dma_wait3A_186] : memref<10240x16xf32, #tpu.memory_space<vmem_shared>> -> memref<10240x16xf32, #tpu.memory_space<vmem_shared>>
      tpu.wait_indirect_dma semaphore(%arg11 : memref<!tpu.dma_semaphore, #tpu.memory_space<semaphore_mem>>) src(%dma_wait3A_187 : memref<10240x16xf32, #tpu.memory_space<vmem_shared>>) dst(%dma_wait3A_181 : memref<128x16xf32, #tpu.memory_space<vmem>>)
      %mul3A_188 = arith.constant 8 : i32
      %mul3A_189 = arith.muli %scan3A_119, %mul3A_188 : i32
      %add3A_190 = arith.constant 4 : i32
      %add3A_191 = arith.addi %mul3A_189, %add3A_190 : i32
      %dma_wait3A_192 = arith.constant 4 : i32
      %dma_wait3A_193 = arith.constant 0 : i32
      %dma_wait3A_194 = arith.constant 0 : i32
      %dma_wait3A_195 = tpu.memref_slice %arg7[%rem3A_120, %dma_wait3A_192, %dma_wait3A_193, %dma_wait3A_194] : memref<2x8x128x16xf32, #tpu.memory_space<vmem>> -> memref<1x1x128x16xf32, #tpu.memory_space<vmem>>
      %dma_wait3A_196 = tpu.memref_squeeze %dma_wait3A_195 : memref<1x1x128x16xf32, #tpu.memory_space<vmem>> -> memref<128x16xf32, #tpu.memory_space<vmem>>
      %dma_wait3A_197 = arith.constant 0 : i32
      %dma_wait3A_198 = tpu.memref_slice %arg5[%add3A_191, %dma_wait3A_197] : memref<80x128xi32, #tpu.memory_space<vmem>> -> memref<1x128xi32, #tpu.memory_space<vmem>>
      %dma_wait3A_199 = tpu.memref_squeeze %dma_wait3A_198 : memref<1x128xi32, #tpu.memory_space<vmem>> -> memref<128xi32, #tpu.memory_space<vmem>>
      %dma_wait3A_200 = arith.constant 0 : i32
      %dma_wait3A_201 = arith.constant 0 : i32
      %dma_wait3A_202 = tpu.memref_slice %arg10[%dma_wait3A_200, %dma_wait3A_201] : memref<10240x16xf32, #tpu.memory_space<vmem_shared>> -> memref<10240x16xf32, #tpu.memory_space<vmem_shared>>
      tpu.wait_indirect_dma semaphore(%arg11 : memref<!tpu.dma_semaphore, #tpu.memory_space<semaphore_mem>>) src(%dma_wait3A_202 : memref<10240x16xf32, #tpu.memory_space<vmem_shared>>) dst(%dma_wait3A_196 : memref<128x16xf32, #tpu.memory_space<vmem>>)
      %mul3A_203 = arith.constant 8 : i32
      %mul3A_204 = arith.muli %scan3A_119, %mul3A_203 : i32
      %add3A_205 = arith.constant 5 : i32
      %add3A_206 = arith.addi %mul3A_204, %add3A_205 : i32
      %dma_wait3A_207 = arith.constant 5 : i32
      %dma_wait3A_208 = arith.constant 0 : i32
      %dma_wait3A_209 = arith.constant 0 : i32
      %dma_wait3A_210 = tpu.memref_slice %arg7[%rem3A_120, %dma_wait3A_207, %dma_wait3A_208, %dma_wait3A_209] : memref<2x8x128x16xf32, #tpu.memory_space<vmem>> -> memref<1x1x128x16xf32, #tpu.memory_space<vmem>>
      %dma_wait3A_211 = tpu.memref_squeeze %dma_wait3A_210 : memref<1x1x128x16xf32, #tpu.memory_space<vmem>> -> memref<128x16xf32, #tpu.memory_space<vmem>>
      %dma_wait3A_212 = arith.constant 0 : i32
      %dma_wait3A_213 = tpu.memref_slice %arg5[%add3A_206, %dma_wait3A_212] : memref<80x128xi32, #tpu.memory_space<vmem>> -> memref<1x128xi32, #tpu.memory_space<vmem>>
      %dma_wait3A_214 = tpu.memref_squeeze %dma_wait3A_213 : memref<1x128xi32, #tpu.memory_space<vmem>> -> memref<128xi32, #tpu.memory_space<vmem>>
      %dma_wait3A_215 = arith.constant 0 : i32
      %dma_wait3A_216 = arith.constant 0 : i32
      %dma_wait3A_217 = tpu.memref_slice %arg10[%dma_wait3A_215, %dma_wait3A_216] : memref<10240x16xf32, #tpu.memory_space<vmem_shared>> -> memref<10240x16xf32, #tpu.memory_space<vmem_shared>>
      tpu.wait_indirect_dma semaphore(%arg11 : memref<!tpu.dma_semaphore, #tpu.memory_space<semaphore_mem>>) src(%dma_wait3A_217 : memref<10240x16xf32, #tpu.memory_space<vmem_shared>>) dst(%dma_wait3A_211 : memref<128x16xf32, #tpu.memory_space<vmem>>)
      %mul3A_218 = arith.constant 8 : i32
      %mul3A_219 = arith.muli %scan3A_119, %mul3A_218 : i32
      %add3A_220 = arith.constant 6 : i32
      %add3A_221 = arith.addi %mul3A_219, %add3A_220 : i32
      %dma_wait3A_222 = arith.constant 6 : i32
      %dma_wait3A_223 = arith.constant 0 : i32
      %dma_wait3A_224 = arith.constant 0 : i32
      %dma_wait3A_225 = tpu.memref_slice %arg7[%rem3A_120, %dma_wait3A_222, %dma_wait3A_223, %dma_wait3A_224] : memref<2x8x128x16xf32, #tpu.memory_space<vmem>> -> memref<1x1x128x16xf32, #tpu.memory_space<vmem>>
      %dma_wait3A_226 = tpu.memref_squeeze %dma_wait3A_225 : memref<1x1x128x16xf32, #tpu.memory_space<vmem>> -> memref<128x16xf32, #tpu.memory_space<vmem>>
      %dma_wait3A_227 = arith.constant 0 : i32
      %dma_wait3A_228 = tpu.memref_slice %arg5[%add3A_221, %dma_wait3A_227] : memref<80x128xi32, #tpu.memory_space<vmem>> -> memref<1x128xi32, #tpu.memory_space<vmem>>
      %dma_wait3A_229 = tpu.memref_squeeze %dma_wait3A_228 : memref<1x128xi32, #tpu.memory_space<vmem>> -> memref<128xi32, #tpu.memory_space<vmem>>
      %dma_wait3A_230 = arith.constant 0 : i32
      %dma_wait3A_231 = arith.constant 0 : i32
      %dma_wait3A_232 = tpu.memref_slice %arg10[%dma_wait3A_230, %dma_wait3A_231] : memref<10240x16xf32, #tpu.memory_space<vmem_shared>> -> memref<10240x16xf32, #tpu.memory_space<vmem_shared>>
      tpu.wait_indirect_dma semaphore(%arg11 : memref<!tpu.dma_semaphore, #tpu.memory_space<semaphore_mem>>) src(%dma_wait3A_232 : memref<10240x16xf32, #tpu.memory_space<vmem_shared>>) dst(%dma_wait3A_226 : memref<128x16xf32, #tpu.memory_space<vmem>>)
      %mul3A_233 = arith.constant 8 : i32
      %mul3A_234 = arith.muli %scan3A_119, %mul3A_233 : i32
      %add3A_235 = arith.constant 7 : i32
      %add3A_236 = arith.addi %mul3A_234, %add3A_235 : i32
      %dma_wait3A_237 = arith.constant 7 : i32
      %dma_wait3A_238 = arith.constant 0 : i32
      %dma_wait3A_239 = arith.constant 0 : i32
      %dma_wait3A_240 = tpu.memref_slice %arg7[%rem3A_120, %dma_wait3A_237, %dma_wait3A_238, %dma_wait3A_239] : memref<2x8x128x16xf32, #tpu.memory_space<vmem>> -> memref<1x1x128x16xf32, #tpu.memory_space<vmem>>
      %dma_wait3A_241 = tpu.memref_squeeze %dma_wait3A_240 : memref<1x1x128x16xf32, #tpu.memory_space<vmem>> -> memref<128x16xf32, #tpu.memory_space<vmem>>
      %dma_wait3A_242 = arith.constant 0 : i32
      %dma_wait3A_243 = tpu.memref_slice %arg5[%add3A_236, %dma_wait3A_242] : memref<80x128xi32, #tpu.memory_space<vmem>> -> memref<1x128xi32, #tpu.memory_space<vmem>>
      %dma_wait3A_244 = tpu.memref_squeeze %dma_wait3A_243 : memref<1x128xi32, #tpu.memory_space<vmem>> -> memref<128xi32, #tpu.memory_space<vmem>>
      %dma_wait3A_245 = arith.constant 0 : i32
      %dma_wait3A_246 = arith.constant 0 : i32
      %dma_wait3A_247 = tpu.memref_slice %arg10[%dma_wait3A_245, %dma_wait3A_246] : memref<10240x16xf32, #tpu.memory_space<vmem_shared>> -> memref<10240x16xf32, #tpu.memory_space<vmem_shared>>
      tpu.wait_indirect_dma semaphore(%arg11 : memref<!tpu.dma_semaphore, #tpu.memory_space<semaphore_mem>>) src(%dma_wait3A_247 : memref<10240x16xf32, #tpu.memory_space<vmem_shared>>) dst(%dma_wait3A_241 : memref<128x16xf32, #tpu.memory_space<vmem>>)
      %mul3A_248 = arith.constant 8 : i32
      %mul3A_249 = arith.muli %scan3A_119, %mul3A_248 : i32
      %add3A_250 = arith.constant 0 : i32
      %add3A_251 = arith.addi %mul3A_249, %add3A_250 : i32
      %dma_start3A_252 = arith.constant 0 : i32
      %dma_start3A_253 = arith.constant 0 : i32
      %dma_start3A_254 = arith.constant 0 : i32
      %dma_start3A_255 = tpu.memref_slice %arg7[%rem3A_120, %dma_start3A_252, %dma_start3A_253, %dma_start3A_254] : memref<2x8x128x16xf32, #tpu.memory_space<vmem>> -> memref<1x1x128x16xf32, #tpu.memory_space<vmem>>
      %dma_start3A_256 = tpu.memref_squeeze %dma_start3A_255 : memref<1x1x128x16xf32, #tpu.memory_space<vmem>> -> memref<128x16xf32, #tpu.memory_space<vmem>>
      %dma_start3A_257 = arith.constant 0 : i32
      %dma_start3A_258 = tpu.memref_slice %arg6[%add3A_251, %dma_start3A_257] : memref<80x128xi32, #tpu.memory_space<vmem>> -> memref<1x128xi32, #tpu.memory_space<vmem>>
      %dma_start3A_259 = tpu.memref_squeeze %dma_start3A_258 : memref<1x128xi32, #tpu.memory_space<vmem>> -> memref<128xi32, #tpu.memory_space<vmem>>
      %dma_start3A_260 = arith.constant 0 : i32
      %dma_start3A_261 = arith.constant 0 : i32
      %dma_start3A_262 = tpu.memref_slice %arg9[%dma_start3A_260, %dma_start3A_261] : memref<10240x16xf32, #tpu.memory_space<vmem_shared>> -> memref<10240x16xf32, #tpu.memory_space<vmem_shared>>
      tpu.enqueue_indirect_dma source(%dma_start3A_256 : memref<128x16xf32, #tpu.memory_space<vmem>>) target(%dma_start3A_262 : memref<10240x16xf32, #tpu.memory_space<vmem_shared>>) offsets(%dma_start3A_259 : memref<128xi32, #tpu.memory_space<vmem>>) semaphore(%arg12 : memref<!tpu.dma_semaphore, #tpu.memory_space<semaphore_mem>>) {add = true}
      %mul3A_263 = arith.constant 8 : i32
      %mul3A_264 = arith.muli %scan3A_119, %mul3A_263 : i32
      %add3A_265 = arith.constant 1 : i32
      %add3A_266 = arith.addi %mul3A_264, %add3A_265 : i32
      %dma_start3A_267 = arith.constant 1 : i32
      %dma_start3A_268 = arith.constant 0 : i32
      %dma_start3A_269 = arith.constant 0 : i32
      %dma_start3A_270 = tpu.memref_slice %arg7[%rem3A_120, %dma_start3A_267, %dma_start3A_268, %dma_start3A_269] : memref<2x8x128x16xf32, #tpu.memory_space<vmem>> -> memref<1x1x128x16xf32, #tpu.memory_space<vmem>>
      %dma_start3A_271 = tpu.memref_squeeze %dma_start3A_270 : memref<1x1x128x16xf32, #tpu.memory_space<vmem>> -> memref<128x16xf32, #tpu.memory_space<vmem>>
      %dma_start3A_272 = arith.constant 0 : i32
      %dma_start3A_273 = tpu.memref_slice %arg6[%add3A_266, %dma_start3A_272] : memref<80x128xi32, #tpu.memory_space<vmem>> -> memref<1x128xi32, #tpu.memory_space<vmem>>
      %dma_start3A_274 = tpu.memref_squeeze %dma_start3A_273 : memref<1x128xi32, #tpu.memory_space<vmem>> -> memref<128xi32, #tpu.memory_space<vmem>>
      %dma_start3A_275 = arith.constant 0 : i32
      %dma_start3A_276 = arith.constant 0 : i32
      %dma_start3A_277 = tpu.memref_slice %arg9[%dma_start3A_275, %dma_start3A_276] : memref<10240x16xf32, #tpu.memory_space<vmem_shared>> -> memref<10240x16xf32, #tpu.memory_space<vmem_shared>>
      tpu.enqueue_indirect_dma source(%dma_start3A_271 : memref<128x16xf32, #tpu.memory_space<vmem>>) target(%dma_start3A_277 : memref<10240x16xf32, #tpu.memory_space<vmem_shared>>) offsets(%dma_start3A_274 : memref<128xi32, #tpu.memory_space<vmem>>) semaphore(%arg12 : memref<!tpu.dma_semaphore, #tpu.memory_space<semaphore_mem>>) {add = true}
      %mul3A_278 = arith.constant 8 : i32
      %mul3A_279 = arith.muli %scan3A_119, %mul3A_278 : i32
      %add3A_280 = arith.constant 2 : i32
      %add3A_281 = arith.addi %mul3A_279, %add3A_280 : i32
      %dma_start3A_282 = arith.constant 2 : i32
      %dma_start3A_283 = arith.constant 0 : i32
      %dma_start3A_284 = arith.constant 0 : i32
      %dma_start3A_285 = tpu.memref_slice %arg7[%rem3A_120, %dma_start3A_282, %dma_start3A_283, %dma_start3A_284] : memref<2x8x128x16xf32, #tpu.memory_space<vmem>> -> memref<1x1x128x16xf32, #tpu.memory_space<vmem>>
      %dma_start3A_286 = tpu.memref_squeeze %dma_start3A_285 : memref<1x1x128x16xf32, #tpu.memory_space<vmem>> -> memref<128x16xf32, #tpu.memory_space<vmem>>
      %dma_start3A_287 = arith.constant 0 : i32
      %dma_start3A_288 = tpu.memref_slice %arg6[%add3A_281, %dma_start3A_287] : memref<80x128xi32, #tpu.memory_space<vmem>> -> memref<1x128xi32, #tpu.memory_space<vmem>>
      %dma_start3A_289 = tpu.memref_squeeze %dma_start3A_288 : memref<1x128xi32, #tpu.memory_space<vmem>> -> memref<128xi32, #tpu.memory_space<vmem>>
      %dma_start3A_290 = arith.constant 0 : i32
      %dma_start3A_291 = arith.constant 0 : i32
      %dma_start3A_292 = tpu.memref_slice %arg9[%dma_start3A_290, %dma_start3A_291] : memref<10240x16xf32, #tpu.memory_space<vmem_shared>> -> memref<10240x16xf32, #tpu.memory_space<vmem_shared>>
      tpu.enqueue_indirect_dma source(%dma_start3A_286 : memref<128x16xf32, #tpu.memory_space<vmem>>) target(%dma_start3A_292 : memref<10240x16xf32, #tpu.memory_space<vmem_shared>>) offsets(%dma_start3A_289 : memref<128xi32, #tpu.memory_space<vmem>>) semaphore(%arg12 : memref<!tpu.dma_semaphore, #tpu.memory_space<semaphore_mem>>) {add = true}
      %mul3A_293 = arith.constant 8 : i32
      %mul3A_294 = arith.muli %scan3A_119, %mul3A_293 : i32
      %add3A_295 = arith.constant 3 : i32
      %add3A_296 = arith.addi %mul3A_294, %add3A_295 : i32
      %dma_start3A_297 = arith.constant 3 : i32
      %dma_start3A_298 = arith.constant 0 : i32
      %dma_start3A_299 = arith.constant 0 : i32
      %dma_start3A_300 = tpu.memref_slice %arg7[%rem3A_120, %dma_start3A_297, %dma_start3A_298, %dma_start3A_299] : memref<2x8x128x16xf32, #tpu.memory_space<vmem>> -> memref<1x1x128x16xf32, #tpu.memory_space<vmem>>
      %dma_start3A_301 = tpu.memref_squeeze %dma_start3A_300 : memref<1x1x128x16xf32, #tpu.memory_space<vmem>> -> memref<128x16xf32, #tpu.memory_space<vmem>>
      %dma_start3A_302 = arith.constant 0 : i32
      %dma_start3A_303 = tpu.memref_slice %arg6[%add3A_296, %dma_start3A_302] : memref<80x128xi32, #tpu.memory_space<vmem>> -> memref<1x128xi32, #tpu.memory_space<vmem>>
      %dma_start3A_304 = tpu.memref_squeeze %dma_start3A_303 : memref<1x128xi32, #tpu.memory_space<vmem>> -> memref<128xi32, #tpu.memory_space<vmem>>
      %dma_start3A_305 = arith.constant 0 : i32
      %dma_start3A_306 = arith.constant 0 : i32
      %dma_start3A_307 = tpu.memref_slice %arg9[%dma_start3A_305, %dma_start3A_306] : memref<10240x16xf32, #tpu.memory_space<vmem_shared>> -> memref<10240x16xf32, #tpu.memory_space<vmem_shared>>
      tpu.enqueue_indirect_dma source(%dma_start3A_301 : memref<128x16xf32, #tpu.memory_space<vmem>>) target(%dma_start3A_307 : memref<10240x16xf32, #tpu.memory_space<vmem_shared>>) offsets(%dma_start3A_304 : memref<128xi32, #tpu.memory_space<vmem>>) semaphore(%arg12 : memref<!tpu.dma_semaphore, #tpu.memory_space<semaphore_mem>>) {add = true}
      %mul3A_308 = arith.constant 8 : i32
      %mul3A_309 = arith.muli %scan3A_119, %mul3A_308 : i32
      %add3A_310 = arith.constant 4 : i32
      %add3A_311 = arith.addi %mul3A_309, %add3A_310 : i32
      %dma_start3A_312 = arith.constant 4 : i32
      %dma_start3A_313 = arith.constant 0 : i32
      %dma_start3A_314 = arith.constant 0 : i32
      %dma_start3A_315 = tpu.memref_slice %arg7[%rem3A_120, %dma_start3A_312, %dma_start3A_313, %dma_start3A_314] : memref<2x8x128x16xf32, #tpu.memory_space<vmem>> -> memref<1x1x128x16xf32, #tpu.memory_space<vmem>>
      %dma_start3A_316 = tpu.memref_squeeze %dma_start3A_315 : memref<1x1x128x16xf32, #tpu.memory_space<vmem>> -> memref<128x16xf32, #tpu.memory_space<vmem>>
      %dma_start3A_317 = arith.constant 0 : i32
      %dma_start3A_318 = tpu.memref_slice %arg6[%add3A_311, %dma_start3A_317] : memref<80x128xi32, #tpu.memory_space<vmem>> -> memref<1x128xi32, #tpu.memory_space<vmem>>
      %dma_start3A_319 = tpu.memref_squeeze %dma_start3A_318 : memref<1x128xi32, #tpu.memory_space<vmem>> -> memref<128xi32, #tpu.memory_space<vmem>>
      %dma_start3A_320 = arith.constant 0 : i32
      %dma_start3A_321 = arith.constant 0 : i32
      %dma_start3A_322 = tpu.memref_slice %arg9[%dma_start3A_320, %dma_start3A_321] : memref<10240x16xf32, #tpu.memory_space<vmem_shared>> -> memref<10240x16xf32, #tpu.memory_space<vmem_shared>>
      tpu.enqueue_indirect_dma source(%dma_start3A_316 : memref<128x16xf32, #tpu.memory_space<vmem>>) target(%dma_start3A_322 : memref<10240x16xf32, #tpu.memory_space<vmem_shared>>) offsets(%dma_start3A_319 : memref<128xi32, #tpu.memory_space<vmem>>) semaphore(%arg12 : memref<!tpu.dma_semaphore, #tpu.memory_space<semaphore_mem>>) {add = true}
      %mul3A_323 = arith.constant 8 : i32
      %mul3A_324 = arith.muli %scan3A_119, %mul3A_323 : i32
      %add3A_325 = arith.constant 5 : i32
      %add3A_326 = arith.addi %mul3A_324, %add3A_325 : i32
      %dma_start3A_327 = arith.constant 5 : i32
      %dma_start3A_328 = arith.constant 0 : i32
      %dma_start3A_329 = arith.constant 0 : i32
      %dma_start3A_330 = tpu.memref_slice %arg7[%rem3A_120, %dma_start3A_327, %dma_start3A_328, %dma_start3A_329] : memref<2x8x128x16xf32, #tpu.memory_space<vmem>> -> memref<1x1x128x16xf32, #tpu.memory_space<vmem>>
      %dma_start3A_331 = tpu.memref_squeeze %dma_start3A_330 : memref<1x1x128x16xf32, #tpu.memory_space<vmem>> -> memref<128x16xf32, #tpu.memory_space<vmem>>
      %dma_start3A_332 = arith.constant 0 : i32
      %dma_start3A_333 = tpu.memref_slice %arg6[%add3A_326, %dma_start3A_332] : memref<80x128xi32, #tpu.memory_space<vmem>> -> memref<1x128xi32, #tpu.memory_space<vmem>>
      %dma_start3A_334 = tpu.memref_squeeze %dma_start3A_333 : memref<1x128xi32, #tpu.memory_space<vmem>> -> memref<128xi32, #tpu.memory_space<vmem>>
      %dma_start3A_335 = arith.constant 0 : i32
      %dma_start3A_336 = arith.constant 0 : i32
      %dma_start3A_337 = tpu.memref_slice %arg9[%dma_start3A_335, %dma_start3A_336] : memref<10240x16xf32, #tpu.memory_space<vmem_shared>> -> memref<10240x16xf32, #tpu.memory_space<vmem_shared>>
      tpu.enqueue_indirect_dma source(%dma_start3A_331 : memref<128x16xf32, #tpu.memory_space<vmem>>) target(%dma_start3A_337 : memref<10240x16xf32, #tpu.memory_space<vmem_shared>>) offsets(%dma_start3A_334 : memref<128xi32, #tpu.memory_space<vmem>>) semaphore(%arg12 : memref<!tpu.dma_semaphore, #tpu.memory_space<semaphore_mem>>) {add = true}
      %mul3A_338 = arith.constant 8 : i32
      %mul3A_339 = arith.muli %scan3A_119, %mul3A_338 : i32
      %add3A_340 = arith.constant 6 : i32
      %add3A_341 = arith.addi %mul3A_339, %add3A_340 : i32
      %dma_start3A_342 = arith.constant 6 : i32
      %dma_start3A_343 = arith.constant 0 : i32
      %dma_start3A_344 = arith.constant 0 : i32
      %dma_start3A_345 = tpu.memref_slice %arg7[%rem3A_120, %dma_start3A_342, %dma_start3A_343, %dma_start3A_344] : memref<2x8x128x16xf32, #tpu.memory_space<vmem>> -> memref<1x1x128x16xf32, #tpu.memory_space<vmem>>
      %dma_start3A_346 = tpu.memref_squeeze %dma_start3A_345 : memref<1x1x128x16xf32, #tpu.memory_space<vmem>> -> memref<128x16xf32, #tpu.memory_space<vmem>>
      %dma_start3A_347 = arith.constant 0 : i32
      %dma_start3A_348 = tpu.memref_slice %arg6[%add3A_341, %dma_start3A_347] : memref<80x128xi32, #tpu.memory_space<vmem>> -> memref<1x128xi32, #tpu.memory_space<vmem>>
      %dma_start3A_349 = tpu.memref_squeeze %dma_start3A_348 : memref<1x128xi32, #tpu.memory_space<vmem>> -> memref<128xi32, #tpu.memory_space<vmem>>
      %dma_start3A_350 = arith.constant 0 : i32
      %dma_start3A_351 = arith.constant 0 : i32
      %dma_start3A_352 = tpu.memref_slice %arg9[%dma_start3A_350, %dma_start3A_351] : memref<10240x16xf32, #tpu.memory_space<vmem_shared>> -> memref<10240x16xf32, #tpu.memory_space<vmem_shared>>
      tpu.enqueue_indirect_dma source(%dma_start3A_346 : memref<128x16xf32, #tpu.memory_space<vmem>>) target(%dma_start3A_352 : memref<10240x16xf32, #tpu.memory_space<vmem_shared>>) offsets(%dma_start3A_349 : memref<128xi32, #tpu.memory_space<vmem>>) semaphore(%arg12 : memref<!tpu.dma_semaphore, #tpu.memory_space<semaphore_mem>>) {add = true}
      %mul3A_353 = arith.constant 8 : i32
      %mul3A_354 = arith.muli %scan3A_119, %mul3A_353 : i32
      %add3A_355 = arith.constant 7 : i32
      %add3A_356 = arith.addi %mul3A_354, %add3A_355 : i32
      %dma_start3A_357 = arith.constant 7 : i32
      %dma_start3A_358 = arith.constant 0 : i32
      %dma_start3A_359 = arith.constant 0 : i32
      %dma_start3A_360 = tpu.memref_slice %arg7[%rem3A_120, %dma_start3A_357, %dma_start3A_358, %dma_start3A_359] : memref<2x8x128x16xf32, #tpu.memory_space<vmem>> -> memref<1x1x128x16xf32, #tpu.memory_space<vmem>>
      %dma_start3A_361 = tpu.memref_squeeze %dma_start3A_360 : memref<1x1x128x16xf32, #tpu.memory_space<vmem>> -> memref<128x16xf32, #tpu.memory_space<vmem>>
      %dma_start3A_362 = arith.constant 0 : i32
      %dma_start3A_363 = tpu.memref_slice %arg6[%add3A_356, %dma_start3A_362] : memref<80x128xi32, #tpu.memory_space<vmem>> -> memref<1x128xi32, #tpu.memory_space<vmem>>
      %dma_start3A_364 = tpu.memref_squeeze %dma_start3A_363 : memref<1x128xi32, #tpu.memory_space<vmem>> -> memref<128xi32, #tpu.memory_space<vmem>>
      %dma_start3A_365 = arith.constant 0 : i32
      %dma_start3A_366 = arith.constant 0 : i32
      %dma_start3A_367 = tpu.memref_slice %arg9[%dma_start3A_365, %dma_start3A_366] : memref<10240x16xf32, #tpu.memory_space<vmem_shared>> -> memref<10240x16xf32, #tpu.memory_space<vmem_shared>>
      tpu.enqueue_indirect_dma source(%dma_start3A_361 : memref<128x16xf32, #tpu.memory_space<vmem>>) target(%dma_start3A_367 : memref<10240x16xf32, #tpu.memory_space<vmem_shared>>) offsets(%dma_start3A_364 : memref<128xi32, #tpu.memory_space<vmem>>) semaphore(%arg12 : memref<!tpu.dma_semaphore, #tpu.memory_space<semaphore_mem>>) {add = true}
      %dma_wait3A_368 = arith.constant 0 : i32
      %dma_wait3A_369 = arith.constant 0 : i32
      %dma_wait3A_370 = arith.constant 0 : i32
      %dma_wait3A_371 = tpu.memref_slice %arg7[%rem3A_120, %dma_wait3A_368, %dma_wait3A_369, %dma_wait3A_370] : memref<2x8x128x16xf32, #tpu.memory_space<vmem>> -> memref<1x1x128x16xf32, #tpu.memory_space<vmem>>
      %dma_wait3A_372 = tpu.memref_squeeze %dma_wait3A_371 : memref<1x1x128x16xf32, #tpu.memory_space<vmem>> -> memref<128x16xf32, #tpu.memory_space<vmem>>
      %dma_wait3A_373 = arith.constant 0 : i32
      %dma_wait3A_374 = tpu.memref_slice %arg6[%add3A_251, %dma_wait3A_373] : memref<80x128xi32, #tpu.memory_space<vmem>> -> memref<1x128xi32, #tpu.memory_space<vmem>>
      %dma_wait3A_375 = tpu.memref_squeeze %dma_wait3A_374 : memref<1x128xi32, #tpu.memory_space<vmem>> -> memref<128xi32, #tpu.memory_space<vmem>>
      %dma_wait3A_376 = arith.constant 0 : i32
      %dma_wait3A_377 = arith.constant 0 : i32
      %dma_wait3A_378 = tpu.memref_slice %arg9[%dma_wait3A_376, %dma_wait3A_377] : memref<10240x16xf32, #tpu.memory_space<vmem_shared>> -> memref<10240x16xf32, #tpu.memory_space<vmem_shared>>
      tpu.wait_indirect_dma semaphore(%arg12 : memref<!tpu.dma_semaphore, #tpu.memory_space<semaphore_mem>>) src(%dma_wait3A_372 : memref<128x16xf32, #tpu.memory_space<vmem>>) dst(%dma_wait3A_378 : memref<10240x16xf32, #tpu.memory_space<vmem_shared>>)
      %dma_wait3A_379 = arith.constant 1 : i32
      %dma_wait3A_380 = arith.constant 0 : i32
      %dma_wait3A_381 = arith.constant 0 : i32
      %dma_wait3A_382 = tpu.memref_slice %arg7[%rem3A_120, %dma_wait3A_379, %dma_wait3A_380, %dma_wait3A_381] : memref<2x8x128x16xf32, #tpu.memory_space<vmem>> -> memref<1x1x128x16xf32, #tpu.memory_space<vmem>>
      %dma_wait3A_383 = tpu.memref_squeeze %dma_wait3A_382 : memref<1x1x128x16xf32, #tpu.memory_space<vmem>> -> memref<128x16xf32, #tpu.memory_space<vmem>>
      %dma_wait3A_384 = arith.constant 0 : i32
      %dma_wait3A_385 = tpu.memref_slice %arg6[%add3A_266, %dma_wait3A_384] : memref<80x128xi32, #tpu.memory_space<vmem>> -> memref<1x128xi32, #tpu.memory_space<vmem>>
      %dma_wait3A_386 = tpu.memref_squeeze %dma_wait3A_385 : memref<1x128xi32, #tpu.memory_space<vmem>> -> memref<128xi32, #tpu.memory_space<vmem>>
      %dma_wait3A_387 = arith.constant 0 : i32
      %dma_wait3A_388 = arith.constant 0 : i32
      %dma_wait3A_389 = tpu.memref_slice %arg9[%dma_wait3A_387, %dma_wait3A_388] : memref<10240x16xf32, #tpu.memory_space<vmem_shared>> -> memref<10240x16xf32, #tpu.memory_space<vmem_shared>>
      tpu.wait_indirect_dma semaphore(%arg12 : memref<!tpu.dma_semaphore, #tpu.memory_space<semaphore_mem>>) src(%dma_wait3A_383 : memref<128x16xf32, #tpu.memory_space<vmem>>) dst(%dma_wait3A_389 : memref<10240x16xf32, #tpu.memory_space<vmem_shared>>)
      %dma_wait3A_390 = arith.constant 2 : i32
      %dma_wait3A_391 = arith.constant 0 : i32
      %dma_wait3A_392 = arith.constant 0 : i32
      %dma_wait3A_393 = tpu.memref_slice %arg7[%rem3A_120, %dma_wait3A_390, %dma_wait3A_391, %dma_wait3A_392] : memref<2x8x128x16xf32, #tpu.memory_space<vmem>> -> memref<1x1x128x16xf32, #tpu.memory_space<vmem>>
      %dma_wait3A_394 = tpu.memref_squeeze %dma_wait3A_393 : memref<1x1x128x16xf32, #tpu.memory_space<vmem>> -> memref<128x16xf32, #tpu.memory_space<vmem>>
      %dma_wait3A_395 = arith.constant 0 : i32
      %dma_wait3A_396 = tpu.memref_slice %arg6[%add3A_281, %dma_wait3A_395] : memref<80x128xi32, #tpu.memory_space<vmem>> -> memref<1x128xi32, #tpu.memory_space<vmem>>
      %dma_wait3A_397 = tpu.memref_squeeze %dma_wait3A_396 : memref<1x128xi32, #tpu.memory_space<vmem>> -> memref<128xi32, #tpu.memory_space<vmem>>
      %dma_wait3A_398 = arith.constant 0 : i32
      %dma_wait3A_399 = arith.constant 0 : i32
      %dma_wait3A_400 = tpu.memref_slice %arg9[%dma_wait3A_398, %dma_wait3A_399] : memref<10240x16xf32, #tpu.memory_space<vmem_shared>> -> memref<10240x16xf32, #tpu.memory_space<vmem_shared>>
      tpu.wait_indirect_dma semaphore(%arg12 : memref<!tpu.dma_semaphore, #tpu.memory_space<semaphore_mem>>) src(%dma_wait3A_394 : memref<128x16xf32, #tpu.memory_space<vmem>>) dst(%dma_wait3A_400 : memref<10240x16xf32, #tpu.memory_space<vmem_shared>>)
      %dma_wait3A_401 = arith.constant 3 : i32
      %dma_wait3A_402 = arith.constant 0 : i32
      %dma_wait3A_403 = arith.constant 0 : i32
      %dma_wait3A_404 = tpu.memref_slice %arg7[%rem3A_120, %dma_wait3A_401, %dma_wait3A_402, %dma_wait3A_403] : memref<2x8x128x16xf32, #tpu.memory_space<vmem>> -> memref<1x1x128x16xf32, #tpu.memory_space<vmem>>
      %dma_wait3A_405 = tpu.memref_squeeze %dma_wait3A_404 : memref<1x1x128x16xf32, #tpu.memory_space<vmem>> -> memref<128x16xf32, #tpu.memory_space<vmem>>
      %dma_wait3A_406 = arith.constant 0 : i32
      %dma_wait3A_407 = tpu.memref_slice %arg6[%add3A_296, %dma_wait3A_406] : memref<80x128xi32, #tpu.memory_space<vmem>> -> memref<1x128xi32, #tpu.memory_space<vmem>>
      %dma_wait3A_408 = tpu.memref_squeeze %dma_wait3A_407 : memref<1x128xi32, #tpu.memory_space<vmem>> -> memref<128xi32, #tpu.memory_space<vmem>>
      %dma_wait3A_409 = arith.constant 0 : i32
      %dma_wait3A_410 = arith.constant 0 : i32
      %dma_wait3A_411 = tpu.memref_slice %arg9[%dma_wait3A_409, %dma_wait3A_410] : memref<10240x16xf32, #tpu.memory_space<vmem_shared>> -> memref<10240x16xf32, #tpu.memory_space<vmem_shared>>
      tpu.wait_indirect_dma semaphore(%arg12 : memref<!tpu.dma_semaphore, #tpu.memory_space<semaphore_mem>>) src(%dma_wait3A_405 : memref<128x16xf32, #tpu.memory_space<vmem>>) dst(%dma_wait3A_411 : memref<10240x16xf32, #tpu.memory_space<vmem_shared>>)
      %dma_wait3A_412 = arith.constant 4 : i32
      %dma_wait3A_413 = arith.constant 0 : i32
      %dma_wait3A_414 = arith.constant 0 : i32
      %dma_wait3A_415 = tpu.memref_slice %arg7[%rem3A_120, %dma_wait3A_412, %dma_wait3A_413, %dma_wait3A_414] : memref<2x8x128x16xf32, #tpu.memory_space<vmem>> -> memref<1x1x128x16xf32, #tpu.memory_space<vmem>>
      %dma_wait3A_416 = tpu.memref_squeeze %dma_wait3A_415 : memref<1x1x128x16xf32, #tpu.memory_space<vmem>> -> memref<128x16xf32, #tpu.memory_space<vmem>>
      %dma_wait3A_417 = arith.constant 0 : i32
      %dma_wait3A_418 = tpu.memref_slice %arg6[%add3A_311, %dma_wait3A_417] : memref<80x128xi32, #tpu.memory_space<vmem>> -> memref<1x128xi32, #tpu.memory_space<vmem>>
      %dma_wait3A_419 = tpu.memref_squeeze %dma_wait3A_418 : memref<1x128xi32, #tpu.memory_space<vmem>> -> memref<128xi32, #tpu.memory_space<vmem>>
      %dma_wait3A_420 = arith.constant 0 : i32
      %dma_wait3A_421 = arith.constant 0 : i32
      %dma_wait3A_422 = tpu.memref_slice %arg9[%dma_wait3A_420, %dma_wait3A_421] : memref<10240x16xf32, #tpu.memory_space<vmem_shared>> -> memref<10240x16xf32, #tpu.memory_space<vmem_shared>>
      tpu.wait_indirect_dma semaphore(%arg12 : memref<!tpu.dma_semaphore, #tpu.memory_space<semaphore_mem>>) src(%dma_wait3A_416 : memref<128x16xf32, #tpu.memory_space<vmem>>) dst(%dma_wait3A_422 : memref<10240x16xf32, #tpu.memory_space<vmem_shared>>)
      %dma_wait3A_423 = arith.constant 5 : i32
      %dma_wait3A_424 = arith.constant 0 : i32
      %dma_wait3A_425 = arith.constant 0 : i32
      %dma_wait3A_426 = tpu.memref_slice %arg7[%rem3A_120, %dma_wait3A_423, %dma_wait3A_424, %dma_wait3A_425] : memref<2x8x128x16xf32, #tpu.memory_space<vmem>> -> memref<1x1x128x16xf32, #tpu.memory_space<vmem>>
      %dma_wait3A_427 = tpu.memref_squeeze %dma_wait3A_426 : memref<1x1x128x16xf32, #tpu.memory_space<vmem>> -> memref<128x16xf32, #tpu.memory_space<vmem>>
      %dma_wait3A_428 = arith.constant 0 : i32
      %dma_wait3A_429 = tpu.memref_slice %arg6[%add3A_326, %dma_wait3A_428] : memref<80x128xi32, #tpu.memory_space<vmem>> -> memref<1x128xi32, #tpu.memory_space<vmem>>
      %dma_wait3A_430 = tpu.memref_squeeze %dma_wait3A_429 : memref<1x128xi32, #tpu.memory_space<vmem>> -> memref<128xi32, #tpu.memory_space<vmem>>
      %dma_wait3A_431 = arith.constant 0 : i32
      %dma_wait3A_432 = arith.constant 0 : i32
      %dma_wait3A_433 = tpu.memref_slice %arg9[%dma_wait3A_431, %dma_wait3A_432] : memref<10240x16xf32, #tpu.memory_space<vmem_shared>> -> memref<10240x16xf32, #tpu.memory_space<vmem_shared>>
      tpu.wait_indirect_dma semaphore(%arg12 : memref<!tpu.dma_semaphore, #tpu.memory_space<semaphore_mem>>) src(%dma_wait3A_427 : memref<128x16xf32, #tpu.memory_space<vmem>>) dst(%dma_wait3A_433 : memref<10240x16xf32, #tpu.memory_space<vmem_shared>>)
      %dma_wait3A_434 = arith.constant 6 : i32
      %dma_wait3A_435 = arith.constant 0 : i32
      %dma_wait3A_436 = arith.constant 0 : i32
      %dma_wait3A_437 = tpu.memref_slice %arg7[%rem3A_120, %dma_wait3A_434, %dma_wait3A_435, %dma_wait3A_436] : memref<2x8x128x16xf32, #tpu.memory_space<vmem>> -> memref<1x1x128x16xf32, #tpu.memory_space<vmem>>
      %dma_wait3A_438 = tpu.memref_squeeze %dma_wait3A_437 : memref<1x1x128x16xf32, #tpu.memory_space<vmem>> -> memref<128x16xf32, #tpu.memory_space<vmem>>
      %dma_wait3A_439 = arith.constant 0 : i32
      %dma_wait3A_440 = tpu.memref_slice %arg6[%add3A_341, %dma_wait3A_439] : memref<80x128xi32, #tpu.memory_space<vmem>> -> memref<1x128xi32, #tpu.memory_space<vmem>>
      %dma_wait3A_441 = tpu.memref_squeeze %dma_wait3A_440 : memref<1x128xi32, #tpu.memory_space<vmem>> -> memref<128xi32, #tpu.memory_space<vmem>>
      %dma_wait3A_442 = arith.constant 0 : i32
      %dma_wait3A_443 = arith.constant 0 : i32
      %dma_wait3A_444 = tpu.memref_slice %arg9[%dma_wait3A_442, %dma_wait3A_443] : memref<10240x16xf32, #tpu.memory_space<vmem_shared>> -> memref<10240x16xf32, #tpu.memory_space<vmem_shared>>
      tpu.wait_indirect_dma semaphore(%arg12 : memref<!tpu.dma_semaphore, #tpu.memory_space<semaphore_mem>>) src(%dma_wait3A_438 : memref<128x16xf32, #tpu.memory_space<vmem>>) dst(%dma_wait3A_444 : memref<10240x16xf32, #tpu.memory_space<vmem_shared>>)
      %dma_wait3A_445 = arith.constant 7 : i32
      %dma_wait3A_446 = arith.constant 0 : i32
      %dma_wait3A_447 = arith.constant 0 : i32
      %dma_wait3A_448 = tpu.memref_slice %arg7[%rem3A_120, %dma_wait3A_445, %dma_wait3A_446, %dma_wait3A_447] : memref<2x8x128x16xf32, #tpu.memory_space<vmem>> -> memref<1x1x128x16xf32, #tpu.memory_space<vmem>>
      %dma_wait3A_449 = tpu.memref_squeeze %dma_wait3A_448 : memref<1x1x128x16xf32, #tpu.memory_space<vmem>> -> memref<128x16xf32, #tpu.memory_space<vmem>>
      %dma_wait3A_450 = arith.constant 0 : i32
      %dma_wait3A_451 = tpu.memref_slice %arg6[%add3A_356, %dma_wait3A_450] : memref<80x128xi32, #tpu.memory_space<vmem>> -> memref<1x128xi32, #tpu.memory_space<vmem>>
      %dma_wait3A_452 = tpu.memref_squeeze %dma_wait3A_451 : memref<1x128xi32, #tpu.memory_space<vmem>> -> memref<128xi32, #tpu.memory_space<vmem>>
      %dma_wait3A_453 = arith.constant 0 : i32
      %dma_wait3A_454 = arith.constant 0 : i32
      %dma_wait3A_455 = tpu.memref_slice %arg9[%dma_wait3A_453, %dma_wait3A_454] : memref<10240x16xf32, #tpu.memory_space<vmem_shared>> -> memref<10240x16xf32, #tpu.memory_space<vmem_shared>>
      tpu.wait_indirect_dma semaphore(%arg12 : memref<!tpu.dma_semaphore, #tpu.memory_space<semaphore_mem>>) src(%dma_wait3A_449 : memref<128x16xf32, #tpu.memory_space<vmem>>) dst(%dma_wait3A_455 : memref<10240x16xf32, #tpu.memory_space<vmem_shared>>)
    }
    %scan3A_117 = arith.constant 10 : i32
    %barrier3A_118 = arith.constant 0 : index
    tpu.barrier barrier_id(%barrier3A_118)
    "tpu.region"() ({
      %run_scoped3A_119 = tpu.sem_alloc : memref<!tpu.dma_semaphore, #tpu.memory_space<semaphore_mem>>
      %dma_start3A_120 = arith.constant 0 : i32
      %dma_start3A_121 = tpu.memref_slice %arg9[%mul3A_2, %dma_start3A_120] : memref<10240x16xf32, #tpu.memory_space<vmem_shared>> -> memref<640x16xf32, #tpu.memory_space<vmem_shared>>
      %dma_start3A_122 = arith.constant 0 : i32
      %dma_start3A_123 = tpu.memref_slice %arg9[%mul3A_2, %dma_start3A_122] : memref<10240x16xf32, #tpu.memory_space<vmem_shared>> -> memref<640x16xf32, #tpu.memory_space<vmem_shared>>
      tpu.enqueue_dma source(%dma_start3A_123 : memref<640x16xf32, #tpu.memory_space<vmem_shared>>) target(%arg8 : memref<640x16xf32, #tpu.memory_space<vmem>>) target_semaphore(%run_scoped3A_119 : memref<!tpu.dma_semaphore, #tpu.memory_space<semaphore_mem>>)
      %dma_wait3A = arith.constant 0 : i32
      %dma_wait3A_124 = tpu.memref_slice %arg9[%mul3A_2, %dma_wait3A] : memref<10240x16xf32, #tpu.memory_space<vmem_shared>> -> memref<640x16xf32, #tpu.memory_space<vmem_shared>>
      %dma_wait3A_125 = arith.constant 0 : i32
      %dma_wait3A_126 = tpu.memref_slice %arg9[%mul3A_2, %dma_wait3A_125] : memref<10240x16xf32, #tpu.memory_space<vmem_shared>> -> memref<640x16xf32, #tpu.memory_space<vmem_shared>>
      tpu.wait_dma2 semaphore(%run_scoped3A_119 : memref<!tpu.dma_semaphore, #tpu.memory_space<semaphore_mem>>) src(%dma_wait3A_126 : memref<640x16xf32, #tpu.memory_space<vmem_shared>>) dst(%arg8 : memref<640x16xf32, #tpu.memory_space<vmem>>)
      tpu.yield
    }) : () -> ()
    "tpu.region"() ({
      %run_scoped3A_119 = tpu.sem_alloc : memref<!tpu.dma_semaphore, #tpu.memory_space<semaphore_mem>>
      %dma_start3A_120 = arith.constant 0 : i32
      %dma_start3A_121 = tpu.memref_slice %arg4[%arg0, %mul3A_2, %dma_start3A_120] : memref<2x10240x16xf32, #tpu.memory_space<hbm>> -> memref<1x640x16xf32, #tpu.memory_space<hbm>>
      %dma_start3A_122 = tpu.memref_squeeze %dma_start3A_121 : memref<1x640x16xf32, #tpu.memory_space<hbm>> -> memref<640x16xf32, #tpu.memory_space<hbm>>
      %dma_start3A_123 = arith.constant 0 : i32
      %dma_start3A_124 = tpu.memref_slice %arg4[%arg0, %mul3A_2, %dma_start3A_123] : memref<2x10240x16xf32, #tpu.memory_space<hbm>> -> memref<1x640x16xf32, #tpu.memory_space<hbm>>
      %dma_start3A_125 = tpu.memref_squeeze %dma_start3A_124 : memref<1x640x16xf32, #tpu.memory_space<hbm>> -> memref<640x16xf32, #tpu.memory_space<hbm>>
      tpu.enqueue_dma source(%arg8 : memref<640x16xf32, #tpu.memory_space<vmem>>) target(%dma_start3A_125 : memref<640x16xf32, #tpu.memory_space<hbm>>) target_semaphore(%run_scoped3A_119 : memref<!tpu.dma_semaphore, #tpu.memory_space<semaphore_mem>>)
      %dma_wait3A = arith.constant 0 : i32
      %dma_wait3A_126 = tpu.memref_slice %arg4[%arg0, %mul3A_2, %dma_wait3A] : memref<2x10240x16xf32, #tpu.memory_space<hbm>> -> memref<1x640x16xf32, #tpu.memory_space<hbm>>
      %dma_wait3A_127 = tpu.memref_squeeze %dma_wait3A_126 : memref<1x640x16xf32, #tpu.memory_space<hbm>> -> memref<640x16xf32, #tpu.memory_space<hbm>>
      %dma_wait3A_128 = arith.constant 0 : i32
      %dma_wait3A_129 = tpu.memref_slice %arg4[%arg0, %mul3A_2, %dma_wait3A_128] : memref<2x10240x16xf32, #tpu.memory_space<hbm>> -> memref<1x640x16xf32, #tpu.memory_space<hbm>>
      %dma_wait3A_130 = tpu.memref_squeeze %dma_wait3A_129 : memref<1x640x16xf32, #tpu.memory_space<hbm>> -> memref<640x16xf32, #tpu.memory_space<hbm>>
      tpu.wait_dma2 semaphore(%run_scoped3A_119 : memref<!tpu.dma_semaphore, #tpu.memory_space<semaphore_mem>>) src(%arg8 : memref<640x16xf32, #tpu.memory_space<vmem>>) dst(%dma_wait3A_130 : memref<640x16xf32, #tpu.memory_space<hbm>>)
      tpu.yield
    }) : () -> ()
    return
  }
}

#map = affine_map<(d0, d1) -> (0, 0)>
#map1 = affine_map<(d0, d1) -> (0, 0, 0, 0)>
#map2 = affine_map<(d0, d1) -> (0, 0, 0)>
module attributes {stable_mosaic.version = 14 : i64} {
  func.func @_agg_body(%arg0: i32, %arg1: i32, %arg2: memref<10240x16xf32, #tpu.memory_space<hbm>>, %arg3: memref<2x32x80x128xi32, #tpu.memory_space<hbm>>, %arg4: memref<2x10240x16xf32, #tpu.memory_space<hbm>>, %arg5: memref<80x128xi32, #tpu.memory_space<vmem>>, %arg6: memref<80x128xi32, #tpu.memory_space<vmem>>, %arg7: memref<2x8x128x16xf32, #tpu.memory_space<vmem>>, %arg8: memref<640x16xf32, #tpu.memory_space<vmem>>, %arg9: memref<10240x16xf32, #tpu.memory_space<vmem_shared>>, %arg10: memref<10240x16xf32, #tpu.memory_space<vmem_shared>>, %arg11: memref<!tpu.dma_semaphore, #tpu.memory_space<semaphore_mem>>, %arg12: memref<!tpu.dma_semaphore, #tpu.memory_space<semaphore_mem>>) attributes {dimension_semantics = [#tpu.dimension_semantics<core_parallel>, #tpu.dimension_semantics<subcore_parallel>], iteration_bounds = array<i64: 2, 16>, scalar_prefetch = 0 : i64, scratch_operands = 8 : i64, tpu.core_type = #tpu.core_type<sc_vector_subcore>, window_params = [{transform_indices = #map}, {transform_indices = #map1}, {transform_indices = #map2}]} {
    %mul3A = arith.constant 16 : i32
    %mul3A_0 = arith.muli %arg0, %mul3A : i32
    %add3A = arith.addi %mul3A_0, %arg1 : i32
    %mul3A_1 = arith.constant 640 : i32
    %mul3A_2 = arith.muli %arg1, %mul3A_1 : i32
    "tpu.region"() ({
      %run_scoped3A_119 = tpu.sem_alloc : memref<!tpu.dma_semaphore, #tpu.memory_space<semaphore_mem>>
      %dma_start3A_120 = arith.constant 0 : i32
      %dma_start3A_121 = tpu.memref_slice %arg2[%mul3A_2, %dma_start3A_120] : memref<10240x16xf32, #tpu.memory_space<hbm>> -> memref<640x16xf32, #tpu.memory_space<hbm>>
      %dma_start3A_122 = arith.constant 0 : i32
      %dma_start3A_123 = tpu.memref_slice %arg2[%mul3A_2, %dma_start3A_122] : memref<10240x16xf32, #tpu.memory_space<hbm>> -> memref<640x16xf32, #tpu.memory_space<hbm>>
      tpu.enqueue_dma source(%dma_start3A_123 : memref<640x16xf32, #tpu.memory_space<hbm>>) target(%arg8 : memref<640x16xf32, #tpu.memory_space<vmem>>) target_semaphore(%run_scoped3A_119 : memref<!tpu.dma_semaphore, #tpu.memory_space<semaphore_mem>>)
      %dma_wait3A = arith.constant 0 : i32
      %dma_wait3A_124 = tpu.memref_slice %arg2[%mul3A_2, %dma_wait3A] : memref<10240x16xf32, #tpu.memory_space<hbm>> -> memref<640x16xf32, #tpu.memory_space<hbm>>
      %dma_wait3A_125 = arith.constant 0 : i32
      %dma_wait3A_126 = tpu.memref_slice %arg2[%mul3A_2, %dma_wait3A_125] : memref<10240x16xf32, #tpu.memory_space<hbm>> -> memref<640x16xf32, #tpu.memory_space<hbm>>
      tpu.wait_dma2 semaphore(%run_scoped3A_119 : memref<!tpu.dma_semaphore, #tpu.memory_space<semaphore_mem>>) src(%dma_wait3A_126 : memref<640x16xf32, #tpu.memory_space<hbm>>) dst(%arg8 : memref<640x16xf32, #tpu.memory_space<vmem>>)
      tpu.yield
    }) : () -> ()
    "tpu.region"() ({
      %run_scoped3A_119 = tpu.sem_alloc : memref<!tpu.dma_semaphore, #tpu.memory_space<semaphore_mem>>
      %dma_start3A_120 = arith.constant 0 : i32
      %dma_start3A_121 = tpu.memref_slice %arg10[%mul3A_2, %dma_start3A_120] : memref<10240x16xf32, #tpu.memory_space<vmem_shared>> -> memref<640x16xf32, #tpu.memory_space<vmem_shared>>
      %dma_start3A_122 = arith.constant 0 : i32
      %dma_start3A_123 = tpu.memref_slice %arg10[%mul3A_2, %dma_start3A_122] : memref<10240x16xf32, #tpu.memory_space<vmem_shared>> -> memref<640x16xf32, #tpu.memory_space<vmem_shared>>
      tpu.enqueue_dma source(%arg8 : memref<640x16xf32, #tpu.memory_space<vmem>>) target(%dma_start3A_123 : memref<640x16xf32, #tpu.memory_space<vmem_shared>>) target_semaphore(%run_scoped3A_119 : memref<!tpu.dma_semaphore, #tpu.memory_space<semaphore_mem>>)
      %dma_wait3A = arith.constant 0 : i32
      %dma_wait3A_124 = tpu.memref_slice %arg10[%mul3A_2, %dma_wait3A] : memref<10240x16xf32, #tpu.memory_space<vmem_shared>> -> memref<640x16xf32, #tpu.memory_space<vmem_shared>>
      %dma_wait3A_125 = arith.constant 0 : i32
      %dma_wait3A_126 = tpu.memref_slice %arg10[%mul3A_2, %dma_wait3A_125] : memref<10240x16xf32, #tpu.memory_space<vmem_shared>> -> memref<640x16xf32, #tpu.memory_space<vmem_shared>>
      tpu.wait_dma2 semaphore(%run_scoped3A_119 : memref<!tpu.dma_semaphore, #tpu.memory_space<semaphore_mem>>) src(%arg8 : memref<640x16xf32, #tpu.memory_space<vmem>>) dst(%dma_wait3A_126 : memref<640x16xf32, #tpu.memory_space<vmem_shared>>)
      tpu.yield
    }) : () -> ()
    %scan3A = arith.constant 0 : i32
    %scan3A_3 = arith.constant 0 : i32
    %scan3A_4 = arith.constant 640 : i32
    %scan3A_5 = arith.addi %scan3A_3, %scan3A_4 : i32
    %scan3A_6 = arith.constant 1 : i32
    scf.for %scan3A_119 = %scan3A_3 to %scan3A_5 step %scan3A_6  : i32 {
      %broadcast_in_dim3A = arith.constant 0.000000e+00 : f32
      %broadcast_in_dim3A_120 = vector.broadcast %broadcast_in_dim3A : f32 to vector<16xf32>
      %swap3A = arith.index_cast %scan3A_119 : i32 to index
      %swap3A_121 = arith.constant 0 : index
      %swap3A_122 = tpu.vector_load %arg8[%swap3A, %swap3A_121] {strides = array<i32>} : memref<640x16xf32, #tpu.memory_space<vmem>>, vector<1x16xf32>,
      %swap3A_123 = vector.shape_cast %swap3A_122 : vector<1x16xf32> to vector<16xf32>
      %swap3A_124 = vector.shape_cast %broadcast_in_dim3A_120 : vector<16xf32> to vector<1x16xf32>
      tpu.vector_store %arg8[%swap3A, %swap3A_121], %swap3A_124 {strides = array<i32>} : memref<640x16xf32, #tpu.memory_space<vmem>>, vector<1x16xf32>,
    }
    %scan3A_7 = arith.constant 640 : i32
    %run_scoped3A = arith.constant 0 : i32
    "tpu.region"() ({
      %run_scoped3A_119 = tpu.sem_alloc : memref<!tpu.dma_semaphore, #tpu.memory_space<semaphore_mem>>
      %dma_start3A_120 = arith.constant 0 : i32
      %dma_start3A_121 = arith.constant 0 : i32
      %dma_start3A_122 = tpu.memref_slice %arg3[%run_scoped3A, %add3A, %dma_start3A_120, %dma_start3A_121] : memref<2x32x80x128xi32, #tpu.memory_space<hbm>> -> memref<1x1x80x128xi32, #tpu.memory_space<hbm>>
      %dma_start3A_123 = tpu.memref_squeeze %dma_start3A_122 : memref<1x1x80x128xi32, #tpu.memory_space<hbm>> -> memref<80x128xi32, #tpu.memory_space<hbm>>
      %dma_start3A_124 = arith.constant 0 : i32
      %dma_start3A_125 = arith.constant 0 : i32
      %dma_start3A_126 = tpu.memref_slice %arg3[%run_scoped3A, %add3A, %dma_start3A_124, %dma_start3A_125] : memref<2x32x80x128xi32, #tpu.memory_space<hbm>> -> memref<1x1x80x128xi32, #tpu.memory_space<hbm>>
      %dma_start3A_127 = tpu.memref_squeeze %dma_start3A_126 : memref<1x1x80x128xi32, #tpu.memory_space<hbm>> -> memref<80x128xi32, #tpu.memory_space<hbm>>
      tpu.enqueue_dma source(%dma_start3A_127 : memref<80x128xi32, #tpu.memory_space<hbm>>) target(%arg5 : memref<80x128xi32, #tpu.memory_space<vmem>>) target_semaphore(%run_scoped3A_119 : memref<!tpu.dma_semaphore, #tpu.memory_space<semaphore_mem>>)
      %dma_wait3A = arith.constant 0 : i32
      %dma_wait3A_128 = arith.constant 0 : i32
      %dma_wait3A_129 = tpu.memref_slice %arg3[%run_scoped3A, %add3A, %dma_wait3A, %dma_wait3A_128] : memref<2x32x80x128xi32, #tpu.memory_space<hbm>> -> memref<1x1x80x128xi32, #tpu.memory_space<hbm>>
      %dma_wait3A_130 = tpu.memref_squeeze %dma_wait3A_129 : memref<1x1x80x128xi32, #tpu.memory_space<hbm>> -> memref<80x128xi32, #tpu.memory_space<hbm>>
      %dma_wait3A_131 = arith.constant 0 : i32
      %dma_wait3A_132 = arith.constant 0 : i32
      %dma_wait3A_133 = tpu.memref_slice %arg3[%run_scoped3A, %add3A, %dma_wait3A_131, %dma_wait3A_132] : memref<2x32x80x128xi32, #tpu.memory_space<hbm>> -> memref<1x1x80x128xi32, #tpu.memory_space<hbm>>
      %dma_wait3A_134 = tpu.memref_squeeze %dma_wait3A_133 : memref<1x1x80x128xi32, #tpu.memory_space<hbm>> -> memref<80x128xi32, #tpu.memory_space<hbm>>
      tpu.wait_dma2 semaphore(%run_scoped3A_119 : memref<!tpu.dma_semaphore, #tpu.memory_space<semaphore_mem>>) src(%dma_wait3A_134 : memref<80x128xi32, #tpu.memory_space<hbm>>) dst(%arg5 : memref<80x128xi32, #tpu.memory_space<vmem>>)
      tpu.yield
    }) : () -> ()
    %run_scoped3A_8 = arith.constant 1 : i32
    "tpu.region"() ({
      %run_scoped3A_119 = tpu.sem_alloc : memref<!tpu.dma_semaphore, #tpu.memory_space<semaphore_mem>>
      %dma_start3A_120 = arith.constant 0 : i32
      %dma_start3A_121 = arith.constant 0 : i32
      %dma_start3A_122 = tpu.memref_slice %arg3[%run_scoped3A_8, %add3A, %dma_start3A_120, %dma_start3A_121] : memref<2x32x80x128xi32, #tpu.memory_space<hbm>> -> memref<1x1x80x128xi32, #tpu.memory_space<hbm>>
      %dma_start3A_123 = tpu.memref_squeeze %dma_start3A_122 : memref<1x1x80x128xi32, #tpu.memory_space<hbm>> -> memref<80x128xi32, #tpu.memory_space<hbm>>
      %dma_start3A_124 = arith.constant 0 : i32
      %dma_start3A_125 = arith.constant 0 : i32
      %dma_start3A_126 = tpu.memref_slice %arg3[%run_scoped3A_8, %add3A, %dma_start3A_124, %dma_start3A_125] : memref<2x32x80x128xi32, #tpu.memory_space<hbm>> -> memref<1x1x80x128xi32, #tpu.memory_space<hbm>>
      %dma_start3A_127 = tpu.memref_squeeze %dma_start3A_126 : memref<1x1x80x128xi32, #tpu.memory_space<hbm>> -> memref<80x128xi32, #tpu.memory_space<hbm>>
      tpu.enqueue_dma source(%dma_start3A_127 : memref<80x128xi32, #tpu.memory_space<hbm>>) target(%arg6 : memref<80x128xi32, #tpu.memory_space<vmem>>) target_semaphore(%run_scoped3A_119 : memref<!tpu.dma_semaphore, #tpu.memory_space<semaphore_mem>>)
      %dma_wait3A = arith.constant 0 : i32
      %dma_wait3A_128 = arith.constant 0 : i32
      %dma_wait3A_129 = tpu.memref_slice %arg3[%run_scoped3A_8, %add3A, %dma_wait3A, %dma_wait3A_128] : memref<2x32x80x128xi32, #tpu.memory_space<hbm>> -> memref<1x1x80x128xi32, #tpu.memory_space<hbm>>
      %dma_wait3A_130 = tpu.memref_squeeze %dma_wait3A_129 : memref<1x1x80x128xi32, #tpu.memory_space<hbm>> -> memref<80x128xi32, #tpu.memory_space<hbm>>
      %dma_wait3A_131 = arith.constant 0 : i32
      %dma_wait3A_132 = arith.constant 0 : i32
      %dma_wait3A_133 = tpu.memref_slice %arg3[%run_scoped3A_8, %add3A, %dma_wait3A_131, %dma_wait3A_132] : memref<2x32x80x128xi32, #tpu.memory_space<hbm>> -> memref<1x1x80x128xi32, #tpu.memory_space<hbm>>
      %dma_wait3A_134 = tpu.memref_squeeze %dma_wait3A_133 : memref<1x1x80x128xi32, #tpu.memory_space<hbm>> -> memref<80x128xi32, #tpu.memory_space<hbm>>
      tpu.wait_dma2 semaphore(%run_scoped3A_119 : memref<!tpu.dma_semaphore, #tpu.memory_space<semaphore_mem>>) src(%dma_wait3A_134 : memref<80x128xi32, #tpu.memory_space<hbm>>) dst(%arg6 : memref<80x128xi32, #tpu.memory_space<vmem>>)
      tpu.yield
    }) : () -> ()
    "tpu.region"() ({
      %run_scoped3A_119 = tpu.sem_alloc : memref<!tpu.dma_semaphore, #tpu.memory_space<semaphore_mem>>
      %dma_start3A_120 = arith.constant 0 : i32
      %dma_start3A_121 = tpu.memref_slice %arg9[%mul3A_2, %dma_start3A_120] : memref<10240x16xf32, #tpu.memory_space<vmem_shared>> -> memref<640x16xf32, #tpu.memory_space<vmem_shared>>
      %dma_start3A_122 = arith.constant 0 : i32
      %dma_start3A_123 = tpu.memref_slice %arg9[%mul3A_2, %dma_start3A_122] : memref<10240x16xf32, #tpu.memory_space<vmem_shared>> -> memref<640x16xf32, #tpu.memory_space<vmem_shared>>
      tpu.enqueue_dma source(%arg8 : memref<640x16xf32, #tpu.memory_space<vmem>>) target(%dma_start3A_123 : memref<640x16xf32, #tpu.memory_space<vmem_shared>>) target_semaphore(%run_scoped3A_119 : memref<!tpu.dma_semaphore, #tpu.memory_space<semaphore_mem>>)
      %dma_wait3A = arith.constant 0 : i32
      %dma_wait3A_124 = tpu.memref_slice %arg9[%mul3A_2, %dma_wait3A] : memref<10240x16xf32, #tpu.memory_space<vmem_shared>> -> memref<640x16xf32, #tpu.memory_space<vmem_shared>>
      %dma_wait3A_125 = arith.constant 0 : i32
      %dma_wait3A_126 = tpu.memref_slice %arg9[%mul3A_2, %dma_wait3A_125] : memref<10240x16xf32, #tpu.memory_space<vmem_shared>> -> memref<640x16xf32, #tpu.memory_space<vmem_shared>>
      tpu.wait_dma2 semaphore(%run_scoped3A_119 : memref<!tpu.dma_semaphore, #tpu.memory_space<semaphore_mem>>) src(%arg8 : memref<640x16xf32, #tpu.memory_space<vmem>>) dst(%dma_wait3A_126 : memref<640x16xf32, #tpu.memory_space<vmem_shared>>)
      tpu.yield
    }) : () -> ()
    %barrier3A = arith.constant 0 : index
    tpu.barrier barrier_id(%barrier3A)
    %dma_start3A = arith.constant 0 : i32
    %dma_start3A_9 = arith.constant 0 : i32
    %dma_start3A_10 = arith.constant 0 : i32
    %dma_start3A_11 = arith.constant 0 : i32
    %dma_start3A_12 = arith.constant 0 : i32
    %dma_start3A_13 = tpu.memref_slice %arg7[%dma_start3A_9, %dma_start3A_10, %dma_start3A_11, %dma_start3A_12] : memref<2x8x128x16xf32, #tpu.memory_space<vmem>> -> memref<1x1x128x16xf32, #tpu.memory_space<vmem>>
    %dma_start3A_14 = tpu.memref_squeeze %dma_start3A_13 : memref<1x1x128x16xf32, #tpu.memory_space<vmem>> -> memref<128x16xf32, #tpu.memory_space<vmem>>
    %dma_start3A_15 = arith.constant 0 : i32
    %dma_start3A_16 = tpu.memref_slice %arg5[%dma_start3A, %dma_start3A_15] : memref<80x128xi32, #tpu.memory_space<vmem>> -> memref<1x128xi32, #tpu.memory_space<vmem>>
    %dma_start3A_17 = tpu.memref_squeeze %dma_start3A_16 : memref<1x128xi32, #tpu.memory_space<vmem>> -> memref<128xi32, #tpu.memory_space<vmem>>
    %dma_start3A_18 = arith.constant 0 : i32
    %dma_start3A_19 = arith.constant 0 : i32
    %dma_start3A_20 = tpu.memref_slice %arg10[%dma_start3A_18, %dma_start3A_19] : memref<10240x16xf32, #tpu.memory_space<vmem_shared>> -> memref<10240x16xf32, #tpu.memory_space<vmem_shared>>
    tpu.enqueue_indirect_dma source(%dma_start3A_20 : memref<10240x16xf32, #tpu.memory_space<vmem_shared>>) target(%dma_start3A_14 : memref<128x16xf32, #tpu.memory_space<vmem>>) offsets(%dma_start3A_17 : memref<128xi32, #tpu.memory_space<vmem>>) semaphore(%arg11 : memref<!tpu.dma_semaphore, #tpu.memory_space<semaphore_mem>>)
    %dma_start3A_21 = arith.constant 1 : i32
    %dma_start3A_22 = arith.constant 0 : i32
    %dma_start3A_23 = arith.constant 1 : i32
    %dma_start3A_24 = arith.constant 0 : i32
    %dma_start3A_25 = arith.constant 0 : i32
    %dma_start3A_26 = tpu.memref_slice %arg7[%dma_start3A_22, %dma_start3A_23, %dma_start3A_24, %dma_start3A_25] : memref<2x8x128x16xf32, #tpu.memory_space<vmem>> -> memref<1x1x128x16xf32, #tpu.memory_space<vmem>>
    %dma_start3A_27 = tpu.memref_squeeze %dma_start3A_26 : memref<1x1x128x16xf32, #tpu.memory_space<vmem>> -> memref<128x16xf32, #tpu.memory_space<vmem>>
    %dma_start3A_28 = arith.constant 0 : i32
    %dma_start3A_29 = tpu.memref_slice %arg5[%dma_start3A_21, %dma_start3A_28] : memref<80x128xi32, #tpu.memory_space<vmem>> -> memref<1x128xi32, #tpu.memory_space<vmem>>
    %dma_start3A_30 = tpu.memref_squeeze %dma_start3A_29 : memref<1x128xi32, #tpu.memory_space<vmem>> -> memref<128xi32, #tpu.memory_space<vmem>>
    %dma_start3A_31 = arith.constant 0 : i32
    %dma_start3A_32 = arith.constant 0 : i32
    %dma_start3A_33 = tpu.memref_slice %arg10[%dma_start3A_31, %dma_start3A_32] : memref<10240x16xf32, #tpu.memory_space<vmem_shared>> -> memref<10240x16xf32, #tpu.memory_space<vmem_shared>>
    tpu.enqueue_indirect_dma source(%dma_start3A_33 : memref<10240x16xf32, #tpu.memory_space<vmem_shared>>) target(%dma_start3A_27 : memref<128x16xf32, #tpu.memory_space<vmem>>) offsets(%dma_start3A_30 : memref<128xi32, #tpu.memory_space<vmem>>) semaphore(%arg11 : memref<!tpu.dma_semaphore, #tpu.memory_space<semaphore_mem>>)
    %dma_start3A_34 = arith.constant 2 : i32
    %dma_start3A_35 = arith.constant 0 : i32
    %dma_start3A_36 = arith.constant 2 : i32
    %dma_start3A_37 = arith.constant 0 : i32
    %dma_start3A_38 = arith.constant 0 : i32
    %dma_start3A_39 = tpu.memref_slice %arg7[%dma_start3A_35, %dma_start3A_36, %dma_start3A_37, %dma_start3A_38] : memref<2x8x128x16xf32, #tpu.memory_space<vmem>> -> memref<1x1x128x16xf32, #tpu.memory_space<vmem>>
    %dma_start3A_40 = tpu.memref_squeeze %dma_start3A_39 : memref<1x1x128x16xf32, #tpu.memory_space<vmem>> -> memref<128x16xf32, #tpu.memory_space<vmem>>
    %dma_start3A_41 = arith.constant 0 : i32
    %dma_start3A_42 = tpu.memref_slice %arg5[%dma_start3A_34, %dma_start3A_41] : memref<80x128xi32, #tpu.memory_space<vmem>> -> memref<1x128xi32, #tpu.memory_space<vmem>>
    %dma_start3A_43 = tpu.memref_squeeze %dma_start3A_42 : memref<1x128xi32, #tpu.memory_space<vmem>> -> memref<128xi32, #tpu.memory_space<vmem>>
    %dma_start3A_44 = arith.constant 0 : i32
    %dma_start3A_45 = arith.constant 0 : i32
    %dma_start3A_46 = tpu.memref_slice %arg10[%dma_start3A_44, %dma_start3A_45] : memref<10240x16xf32, #tpu.memory_space<vmem_shared>> -> memref<10240x16xf32, #tpu.memory_space<vmem_shared>>
    tpu.enqueue_indirect_dma source(%dma_start3A_46 : memref<10240x16xf32, #tpu.memory_space<vmem_shared>>) target(%dma_start3A_40 : memref<128x16xf32, #tpu.memory_space<vmem>>) offsets(%dma_start3A_43 : memref<128xi32, #tpu.memory_space<vmem>>) semaphore(%arg11 : memref<!tpu.dma_semaphore, #tpu.memory_space<semaphore_mem>>)
    %dma_start3A_47 = arith.constant 3 : i32
    %dma_start3A_48 = arith.constant 0 : i32
    %dma_start3A_49 = arith.constant 3 : i32
    %dma_start3A_50 = arith.constant 0 : i32
    %dma_start3A_51 = arith.constant 0 : i32
    %dma_start3A_52 = tpu.memref_slice %arg7[%dma_start3A_48, %dma_start3A_49, %dma_start3A_50, %dma_start3A_51] : memref<2x8x128x16xf32, #tpu.memory_space<vmem>> -> memref<1x1x128x16xf32, #tpu.memory_space<vmem>>
    %dma_start3A_53 = tpu.memref_squeeze %dma_start3A_52 : memref<1x1x128x16xf32, #tpu.memory_space<vmem>> -> memref<128x16xf32, #tpu.memory_space<vmem>>
    %dma_start3A_54 = arith.constant 0 : i32
    %dma_start3A_55 = tpu.memref_slice %arg5[%dma_start3A_47, %dma_start3A_54] : memref<80x128xi32, #tpu.memory_space<vmem>> -> memref<1x128xi32, #tpu.memory_space<vmem>>
    %dma_start3A_56 = tpu.memref_squeeze %dma_start3A_55 : memref<1x128xi32, #tpu.memory_space<vmem>> -> memref<128xi32, #tpu.memory_space<vmem>>
    %dma_start3A_57 = arith.constant 0 : i32
    %dma_start3A_58 = arith.constant 0 : i32
    %dma_start3A_59 = tpu.memref_slice %arg10[%dma_start3A_57, %dma_start3A_58] : memref<10240x16xf32, #tpu.memory_space<vmem_shared>> -> memref<10240x16xf32, #tpu.memory_space<vmem_shared>>
    tpu.enqueue_indirect_dma source(%dma_start3A_59 : memref<10240x16xf32, #tpu.memory_space<vmem_shared>>) target(%dma_start3A_53 : memref<128x16xf32, #tpu.memory_space<vmem>>) offsets(%dma_start3A_56 : memref<128xi32, #tpu.memory_space<vmem>>) semaphore(%arg11 : memref<!tpu.dma_semaphore, #tpu.memory_space<semaphore_mem>>)
    %dma_start3A_60 = arith.constant 4 : i32
    %dma_start3A_61 = arith.constant 0 : i32
    %dma_start3A_62 = arith.constant 4 : i32
    %dma_start3A_63 = arith.constant 0 : i32
    %dma_start3A_64 = arith.constant 0 : i32
    %dma_start3A_65 = tpu.memref_slice %arg7[%dma_start3A_61, %dma_start3A_62, %dma_start3A_63, %dma_start3A_64] : memref<2x8x128x16xf32, #tpu.memory_space<vmem>> -> memref<1x1x128x16xf32, #tpu.memory_space<vmem>>
    %dma_start3A_66 = tpu.memref_squeeze %dma_start3A_65 : memref<1x1x128x16xf32, #tpu.memory_space<vmem>> -> memref<128x16xf32, #tpu.memory_space<vmem>>
    %dma_start3A_67 = arith.constant 0 : i32
    %dma_start3A_68 = tpu.memref_slice %arg5[%dma_start3A_60, %dma_start3A_67] : memref<80x128xi32, #tpu.memory_space<vmem>> -> memref<1x128xi32, #tpu.memory_space<vmem>>
    %dma_start3A_69 = tpu.memref_squeeze %dma_start3A_68 : memref<1x128xi32, #tpu.memory_space<vmem>> -> memref<128xi32, #tpu.memory_space<vmem>>
    %dma_start3A_70 = arith.constant 0 : i32
    %dma_start3A_71 = arith.constant 0 : i32
    %dma_start3A_72 = tpu.memref_slice %arg10[%dma_start3A_70, %dma_start3A_71] : memref<10240x16xf32, #tpu.memory_space<vmem_shared>> -> memref<10240x16xf32, #tpu.memory_space<vmem_shared>>
    tpu.enqueue_indirect_dma source(%dma_start3A_72 : memref<10240x16xf32, #tpu.memory_space<vmem_shared>>) target(%dma_start3A_66 : memref<128x16xf32, #tpu.memory_space<vmem>>) offsets(%dma_start3A_69 : memref<128xi32, #tpu.memory_space<vmem>>) semaphore(%arg11 : memref<!tpu.dma_semaphore, #tpu.memory_space<semaphore_mem>>)
    %dma_start3A_73 = arith.constant 5 : i32
    %dma_start3A_74 = arith.constant 0 : i32
    %dma_start3A_75 = arith.constant 5 : i32
    %dma_start3A_76 = arith.constant 0 : i32
    %dma_start3A_77 = arith.constant 0 : i32
    %dma_start3A_78 = tpu.memref_slice %arg7[%dma_start3A_74, %dma_start3A_75, %dma_start3A_76, %dma_start3A_77] : memref<2x8x128x16xf32, #tpu.memory_space<vmem>> -> memref<1x1x128x16xf32, #tpu.memory_space<vmem>>
    %dma_start3A_79 = tpu.memref_squeeze %dma_start3A_78 : memref<1x1x128x16xf32, #tpu.memory_space<vmem>> -> memref<128x16xf32, #tpu.memory_space<vmem>>
    %dma_start3A_80 = arith.constant 0 : i32
    %dma_start3A_81 = tpu.memref_slice %arg5[%dma_start3A_73, %dma_start3A_80] : memref<80x128xi32, #tpu.memory_space<vmem>> -> memref<1x128xi32, #tpu.memory_space<vmem>>
    %dma_start3A_82 = tpu.memref_squeeze %dma_start3A_81 : memref<1x128xi32, #tpu.memory_space<vmem>> -> memref<128xi32, #tpu.memory_space<vmem>>
    %dma_start3A_83 = arith.constant 0 : i32
    %dma_start3A_84 = arith.constant 0 : i32
    %dma_start3A_85 = tpu.memref_slice %arg10[%dma_start3A_83, %dma_start3A_84] : memref<10240x16xf32, #tpu.memory_space<vmem_shared>> -> memref<10240x16xf32, #tpu.memory_space<vmem_shared>>
    tpu.enqueue_indirect_dma source(%dma_start3A_85 : memref<10240x16xf32, #tpu.memory_space<vmem_shared>>) target(%dma_start3A_79 : memref<128x16xf32, #tpu.memory_space<vmem>>) offsets(%dma_start3A_82 : memref<128xi32, #tpu.memory_space<vmem>>) semaphore(%arg11 : memref<!tpu.dma_semaphore, #tpu.memory_space<semaphore_mem>>)
    %dma_start3A_86 = arith.constant 6 : i32
    %dma_start3A_87 = arith.constant 0 : i32
    %dma_start3A_88 = arith.constant 6 : i32
    %dma_start3A_89 = arith.constant 0 : i32
    %dma_start3A_90 = arith.constant 0 : i32
    %dma_start3A_91 = tpu.memref_slice %arg7[%dma_start3A_87, %dma_start3A_88, %dma_start3A_89, %dma_start3A_90] : memref<2x8x128x16xf32, #tpu.memory_space<vmem>> -> memref<1x1x128x16xf32, #tpu.memory_space<vmem>>
    %dma_start3A_92 = tpu.memref_squeeze %dma_start3A_91 : memref<1x1x128x16xf32, #tpu.memory_space<vmem>> -> memref<128x16xf32, #tpu.memory_space<vmem>>
    %dma_start3A_93 = arith.constant 0 : i32
    %dma_start3A_94 = tpu.memref_slice %arg5[%dma_start3A_86, %dma_start3A_93] : memref<80x128xi32, #tpu.memory_space<vmem>> -> memref<1x128xi32, #tpu.memory_space<vmem>>
    %dma_start3A_95 = tpu.memref_squeeze %dma_start3A_94 : memref<1x128xi32, #tpu.memory_space<vmem>> -> memref<128xi32, #tpu.memory_space<vmem>>
    %dma_start3A_96 = arith.constant 0 : i32
    %dma_start3A_97 = arith.constant 0 : i32
    %dma_start3A_98 = tpu.memref_slice %arg10[%dma_start3A_96, %dma_start3A_97] : memref<10240x16xf32, #tpu.memory_space<vmem_shared>> -> memref<10240x16xf32, #tpu.memory_space<vmem_shared>>
    tpu.enqueue_indirect_dma source(%dma_start3A_98 : memref<10240x16xf32, #tpu.memory_space<vmem_shared>>) target(%dma_start3A_92 : memref<128x16xf32, #tpu.memory_space<vmem>>) offsets(%dma_start3A_95 : memref<128xi32, #tpu.memory_space<vmem>>) semaphore(%arg11 : memref<!tpu.dma_semaphore, #tpu.memory_space<semaphore_mem>>)
    %dma_start3A_99 = arith.constant 7 : i32
    %dma_start3A_100 = arith.constant 0 : i32
    %dma_start3A_101 = arith.constant 7 : i32
    %dma_start3A_102 = arith.constant 0 : i32
    %dma_start3A_103 = arith.constant 0 : i32
    %dma_start3A_104 = tpu.memref_slice %arg7[%dma_start3A_100, %dma_start3A_101, %dma_start3A_102, %dma_start3A_103] : memref<2x8x128x16xf32, #tpu.memory_space<vmem>> -> memref<1x1x128x16xf32, #tpu.memory_space<vmem>>
    %dma_start3A_105 = tpu.memref_squeeze %dma_start3A_104 : memref<1x1x128x16xf32, #tpu.memory_space<vmem>> -> memref<128x16xf32, #tpu.memory_space<vmem>>
    %dma_start3A_106 = arith.constant 0 : i32
    %dma_start3A_107 = tpu.memref_slice %arg5[%dma_start3A_99, %dma_start3A_106] : memref<80x128xi32, #tpu.memory_space<vmem>> -> memref<1x128xi32, #tpu.memory_space<vmem>>
    %dma_start3A_108 = tpu.memref_squeeze %dma_start3A_107 : memref<1x128xi32, #tpu.memory_space<vmem>> -> memref<128xi32, #tpu.memory_space<vmem>>
    %dma_start3A_109 = arith.constant 0 : i32
    %dma_start3A_110 = arith.constant 0 : i32
    %dma_start3A_111 = tpu.memref_slice %arg10[%dma_start3A_109, %dma_start3A_110] : memref<10240x16xf32, #tpu.memory_space<vmem_shared>> -> memref<10240x16xf32, #tpu.memory_space<vmem_shared>>
    tpu.enqueue_indirect_dma source(%dma_start3A_111 : memref<10240x16xf32, #tpu.memory_space<vmem_shared>>) target(%dma_start3A_105 : memref<128x16xf32, #tpu.memory_space<vmem>>) offsets(%dma_start3A_108 : memref<128xi32, #tpu.memory_space<vmem>>) semaphore(%arg11 : memref<!tpu.dma_semaphore, #tpu.memory_space<semaphore_mem>>)
    %scan3A_112 = arith.constant 0 : i32
    %scan3A_113 = arith.constant 0 : i32
    %scan3A_114 = arith.constant 10 : i32
    %scan3A_115 = arith.addi %scan3A_113, %scan3A_114 : i32
    %scan3A_116 = arith.constant 1 : i32
    scf.for %scan3A_119 = %scan3A_113 to %scan3A_115 step %scan3A_116  : i32 {
      %rem3A = arith.constant 2 : i32
      %rem3A_120 = arith.remsi %scan3A_119, %rem3A : i32
      %add3A_121 = arith.constant 1 : i32
      %add3A_122 = arith.addi %scan3A_119, %add3A_121 : i32
      %rem3A_123 = arith.constant 2 : i32
      %rem3A_124 = arith.remsi %add3A_122, %rem3A_123 : i32
      %add3A_125 = arith.constant 1 : i32
      %add3A_126 = arith.addi %scan3A_119, %add3A_125 : i32
      %lt3A = arith.constant 10 : i32
      %lt3A_127 = arith.cmpi slt, %add3A_126, %lt3A : i32
      %convert_element_type3A = arith.extui %lt3A_127 : i1 to i32
      %cond3A = arith.constant 0 : i32
      %cond3A_128 = arith.cmpi ne, %convert_element_type3A, %cond3A : i32
      scf.if %cond3A_128 {
        %add3A_456 = arith.constant 1 : i32
        %add3A_457 = arith.addi %scan3A_119, %add3A_456 : i32
        %mul3A_458 = arith.constant 8 : i32
        %mul3A_459 = arith.muli %add3A_457, %mul3A_458 : i32
        %add3A_460 = arith.constant 0 : i32
        %add3A_461 = arith.addi %mul3A_459, %add3A_460 : i32
        %dma_start3A_462 = arith.constant 0 : i32
        %dma_start3A_463 = arith.constant 0 : i32
        %dma_start3A_464 = arith.constant 0 : i32
        %dma_start3A_465 = tpu.memref_slice %arg7[%rem3A_124, %dma_start3A_462, %dma_start3A_463, %dma_start3A_464] : memref<2x8x128x16xf32, #tpu.memory_space<vmem>> -> memref<1x1x128x16xf32, #tpu.memory_space<vmem>>
        %dma_start3A_466 = tpu.memref_squeeze %dma_start3A_465 : memref<1x1x128x16xf32, #tpu.memory_space<vmem>> -> memref<128x16xf32, #tpu.memory_space<vmem>>
        %dma_start3A_467 = arith.constant 0 : i32
        %dma_start3A_468 = tpu.memref_slice %arg5[%add3A_461, %dma_start3A_467] : memref<80x128xi32, #tpu.memory_space<vmem>> -> memref<1x128xi32, #tpu.memory_space<vmem>>
        %dma_start3A_469 = tpu.memref_squeeze %dma_start3A_468 : memref<1x128xi32, #tpu.memory_space<vmem>> -> memref<128xi32, #tpu.memory_space<vmem>>
        %dma_start3A_470 = arith.constant 0 : i32
        %dma_start3A_471 = arith.constant 0 : i32
        %dma_start3A_472 = tpu.memref_slice %arg10[%dma_start3A_470, %dma_start3A_471] : memref<10240x16xf32, #tpu.memory_space<vmem_shared>> -> memref<10240x16xf32, #tpu.memory_space<vmem_shared>>
        tpu.enqueue_indirect_dma source(%dma_start3A_472 : memref<10240x16xf32, #tpu.memory_space<vmem_shared>>) target(%dma_start3A_466 : memref<128x16xf32, #tpu.memory_space<vmem>>) offsets(%dma_start3A_469 : memref<128xi32, #tpu.memory_space<vmem>>) semaphore(%arg11 : memref<!tpu.dma_semaphore, #tpu.memory_space<semaphore_mem>>)
        %mul3A_473 = arith.constant 8 : i32
        %mul3A_474 = arith.muli %add3A_457, %mul3A_473 : i32
        %add3A_475 = arith.constant 1 : i32
        %add3A_476 = arith.addi %mul3A_474, %add3A_475 : i32
        %dma_start3A_477 = arith.constant 1 : i32
        %dma_start3A_478 = arith.constant 0 : i32
        %dma_start3A_479 = arith.constant 0 : i32
        %dma_start3A_480 = tpu.memref_slice %arg7[%rem3A_124, %dma_start3A_477, %dma_start3A_478, %dma_start3A_479] : memref<2x8x128x16xf32, #tpu.memory_space<vmem>> -> memref<1x1x128x16xf32, #tpu.memory_space<vmem>>
        %dma_start3A_481 = tpu.memref_squeeze %dma_start3A_480 : memref<1x1x128x16xf32, #tpu.memory_space<vmem>> -> memref<128x16xf32, #tpu.memory_space<vmem>>
        %dma_start3A_482 = arith.constant 0 : i32
        %dma_start3A_483 = tpu.memref_slice %arg5[%add3A_476, %dma_start3A_482] : memref<80x128xi32, #tpu.memory_space<vmem>> -> memref<1x128xi32, #tpu.memory_space<vmem>>
        %dma_start3A_484 = tpu.memref_squeeze %dma_start3A_483 : memref<1x128xi32, #tpu.memory_space<vmem>> -> memref<128xi32, #tpu.memory_space<vmem>>
        %dma_start3A_485 = arith.constant 0 : i32
        %dma_start3A_486 = arith.constant 0 : i32
        %dma_start3A_487 = tpu.memref_slice %arg10[%dma_start3A_485, %dma_start3A_486] : memref<10240x16xf32, #tpu.memory_space<vmem_shared>> -> memref<10240x16xf32, #tpu.memory_space<vmem_shared>>
        tpu.enqueue_indirect_dma source(%dma_start3A_487 : memref<10240x16xf32, #tpu.memory_space<vmem_shared>>) target(%dma_start3A_481 : memref<128x16xf32, #tpu.memory_space<vmem>>) offsets(%dma_start3A_484 : memref<128xi32, #tpu.memory_space<vmem>>) semaphore(%arg11 : memref<!tpu.dma_semaphore, #tpu.memory_space<semaphore_mem>>)
        %mul3A_488 = arith.constant 8 : i32
        %mul3A_489 = arith.muli %add3A_457, %mul3A_488 : i32
        %add3A_490 = arith.constant 2 : i32
        %add3A_491 = arith.addi %mul3A_489, %add3A_490 : i32
        %dma_start3A_492 = arith.constant 2 : i32
        %dma_start3A_493 = arith.constant 0 : i32
        %dma_start3A_494 = arith.constant 0 : i32
        %dma_start3A_495 = tpu.memref_slice %arg7[%rem3A_124, %dma_start3A_492, %dma_start3A_493, %dma_start3A_494] : memref<2x8x128x16xf32, #tpu.memory_space<vmem>> -> memref<1x1x128x16xf32, #tpu.memory_space<vmem>>
        %dma_start3A_496 = tpu.memref_squeeze %dma_start3A_495 : memref<1x1x128x16xf32, #tpu.memory_space<vmem>> -> memref<128x16xf32, #tpu.memory_space<vmem>>
        %dma_start3A_497 = arith.constant 0 : i32
        %dma_start3A_498 = tpu.memref_slice %arg5[%add3A_491, %dma_start3A_497] : memref<80x128xi32, #tpu.memory_space<vmem>> -> memref<1x128xi32, #tpu.memory_space<vmem>>
        %dma_start3A_499 = tpu.memref_squeeze %dma_start3A_498 : memref<1x128xi32, #tpu.memory_space<vmem>> -> memref<128xi32, #tpu.memory_space<vmem>>
        %dma_start3A_500 = arith.constant 0 : i32
        %dma_start3A_501 = arith.constant 0 : i32
        %dma_start3A_502 = tpu.memref_slice %arg10[%dma_start3A_500, %dma_start3A_501] : memref<10240x16xf32, #tpu.memory_space<vmem_shared>> -> memref<10240x16xf32, #tpu.memory_space<vmem_shared>>
        tpu.enqueue_indirect_dma source(%dma_start3A_502 : memref<10240x16xf32, #tpu.memory_space<vmem_shared>>) target(%dma_start3A_496 : memref<128x16xf32, #tpu.memory_space<vmem>>) offsets(%dma_start3A_499 : memref<128xi32, #tpu.memory_space<vmem>>) semaphore(%arg11 : memref<!tpu.dma_semaphore, #tpu.memory_space<semaphore_mem>>)
        %mul3A_503 = arith.constant 8 : i32
        %mul3A_504 = arith.muli %add3A_457, %mul3A_503 : i32
        %add3A_505 = arith.constant 3 : i32
        %add3A_506 = arith.addi %mul3A_504, %add3A_505 : i32
        %dma_start3A_507 = arith.constant 3 : i32
        %dma_start3A_508 = arith.constant 0 : i32
        %dma_start3A_509 = arith.constant 0 : i32
        %dma_start3A_510 = tpu.memref_slice %arg7[%rem3A_124, %dma_start3A_507, %dma_start3A_508, %dma_start3A_509] : memref<2x8x128x16xf32, #tpu.memory_space<vmem>> -> memref<1x1x128x16xf32, #tpu.memory_space<vmem>>
        %dma_start3A_511 = tpu.memref_squeeze %dma_start3A_510 : memref<1x1x128x16xf32, #tpu.memory_space<vmem>> -> memref<128x16xf32, #tpu.memory_space<vmem>>
        %dma_start3A_512 = arith.constant 0 : i32
        %dma_start3A_513 = tpu.memref_slice %arg5[%add3A_506, %dma_start3A_512] : memref<80x128xi32, #tpu.memory_space<vmem>> -> memref<1x128xi32, #tpu.memory_space<vmem>>
        %dma_start3A_514 = tpu.memref_squeeze %dma_start3A_513 : memref<1x128xi32, #tpu.memory_space<vmem>> -> memref<128xi32, #tpu.memory_space<vmem>>
        %dma_start3A_515 = arith.constant 0 : i32
        %dma_start3A_516 = arith.constant 0 : i32
        %dma_start3A_517 = tpu.memref_slice %arg10[%dma_start3A_515, %dma_start3A_516] : memref<10240x16xf32, #tpu.memory_space<vmem_shared>> -> memref<10240x16xf32, #tpu.memory_space<vmem_shared>>
        tpu.enqueue_indirect_dma source(%dma_start3A_517 : memref<10240x16xf32, #tpu.memory_space<vmem_shared>>) target(%dma_start3A_511 : memref<128x16xf32, #tpu.memory_space<vmem>>) offsets(%dma_start3A_514 : memref<128xi32, #tpu.memory_space<vmem>>) semaphore(%arg11 : memref<!tpu.dma_semaphore, #tpu.memory_space<semaphore_mem>>)
        %mul3A_518 = arith.constant 8 : i32
        %mul3A_519 = arith.muli %add3A_457, %mul3A_518 : i32
        %add3A_520 = arith.constant 4 : i32
        %add3A_521 = arith.addi %mul3A_519, %add3A_520 : i32
        %dma_start3A_522 = arith.constant 4 : i32
        %dma_start3A_523 = arith.constant 0 : i32
        %dma_start3A_524 = arith.constant 0 : i32
        %dma_start3A_525 = tpu.memref_slice %arg7[%rem3A_124, %dma_start3A_522, %dma_start3A_523, %dma_start3A_524] : memref<2x8x128x16xf32, #tpu.memory_space<vmem>> -> memref<1x1x128x16xf32, #tpu.memory_space<vmem>>
        %dma_start3A_526 = tpu.memref_squeeze %dma_start3A_525 : memref<1x1x128x16xf32, #tpu.memory_space<vmem>> -> memref<128x16xf32, #tpu.memory_space<vmem>>
        %dma_start3A_527 = arith.constant 0 : i32
        %dma_start3A_528 = tpu.memref_slice %arg5[%add3A_521, %dma_start3A_527] : memref<80x128xi32, #tpu.memory_space<vmem>> -> memref<1x128xi32, #tpu.memory_space<vmem>>
        %dma_start3A_529 = tpu.memref_squeeze %dma_start3A_528 : memref<1x128xi32, #tpu.memory_space<vmem>> -> memref<128xi32, #tpu.memory_space<vmem>>
        %dma_start3A_530 = arith.constant 0 : i32
        %dma_start3A_531 = arith.constant 0 : i32
        %dma_start3A_532 = tpu.memref_slice %arg10[%dma_start3A_530, %dma_start3A_531] : memref<10240x16xf32, #tpu.memory_space<vmem_shared>> -> memref<10240x16xf32, #tpu.memory_space<vmem_shared>>
        tpu.enqueue_indirect_dma source(%dma_start3A_532 : memref<10240x16xf32, #tpu.memory_space<vmem_shared>>) target(%dma_start3A_526 : memref<128x16xf32, #tpu.memory_space<vmem>>) offsets(%dma_start3A_529 : memref<128xi32, #tpu.memory_space<vmem>>) semaphore(%arg11 : memref<!tpu.dma_semaphore, #tpu.memory_space<semaphore_mem>>)
        %mul3A_533 = arith.constant 8 : i32
        %mul3A_534 = arith.muli %add3A_457, %mul3A_533 : i32
        %add3A_535 = arith.constant 5 : i32
        %add3A_536 = arith.addi %mul3A_534, %add3A_535 : i32
        %dma_start3A_537 = arith.constant 5 : i32
        %dma_start3A_538 = arith.constant 0 : i32
        %dma_start3A_539 = arith.constant 0 : i32
        %dma_start3A_540 = tpu.memref_slice %arg7[%rem3A_124, %dma_start3A_537, %dma_start3A_538, %dma_start3A_539] : memref<2x8x128x16xf32, #tpu.memory_space<vmem>> -> memref<1x1x128x16xf32, #tpu.memory_space<vmem>>
        %dma_start3A_541 = tpu.memref_squeeze %dma_start3A_540 : memref<1x1x128x16xf32, #tpu.memory_space<vmem>> -> memref<128x16xf32, #tpu.memory_space<vmem>>
        %dma_start3A_542 = arith.constant 0 : i32
        %dma_start3A_543 = tpu.memref_slice %arg5[%add3A_536, %dma_start3A_542] : memref<80x128xi32, #tpu.memory_space<vmem>> -> memref<1x128xi32, #tpu.memory_space<vmem>>
        %dma_start3A_544 = tpu.memref_squeeze %dma_start3A_543 : memref<1x128xi32, #tpu.memory_space<vmem>> -> memref<128xi32, #tpu.memory_space<vmem>>
        %dma_start3A_545 = arith.constant 0 : i32
        %dma_start3A_546 = arith.constant 0 : i32
        %dma_start3A_547 = tpu.memref_slice %arg10[%dma_start3A_545, %dma_start3A_546] : memref<10240x16xf32, #tpu.memory_space<vmem_shared>> -> memref<10240x16xf32, #tpu.memory_space<vmem_shared>>
        tpu.enqueue_indirect_dma source(%dma_start3A_547 : memref<10240x16xf32, #tpu.memory_space<vmem_shared>>) target(%dma_start3A_541 : memref<128x16xf32, #tpu.memory_space<vmem>>) offsets(%dma_start3A_544 : memref<128xi32, #tpu.memory_space<vmem>>) semaphore(%arg11 : memref<!tpu.dma_semaphore, #tpu.memory_space<semaphore_mem>>)
        %mul3A_548 = arith.constant 8 : i32
        %mul3A_549 = arith.muli %add3A_457, %mul3A_548 : i32
        %add3A_550 = arith.constant 6 : i32
        %add3A_551 = arith.addi %mul3A_549, %add3A_550 : i32
        %dma_start3A_552 = arith.constant 6 : i32
        %dma_start3A_553 = arith.constant 0 : i32
        %dma_start3A_554 = arith.constant 0 : i32
        %dma_start3A_555 = tpu.memref_slice %arg7[%rem3A_124, %dma_start3A_552, %dma_start3A_553, %dma_start3A_554] : memref<2x8x128x16xf32, #tpu.memory_space<vmem>> -> memref<1x1x128x16xf32, #tpu.memory_space<vmem>>
        %dma_start3A_556 = tpu.memref_squeeze %dma_start3A_555 : memref<1x1x128x16xf32, #tpu.memory_space<vmem>> -> memref<128x16xf32, #tpu.memory_space<vmem>>
        %dma_start3A_557 = arith.constant 0 : i32
        %dma_start3A_558 = tpu.memref_slice %arg5[%add3A_551, %dma_start3A_557] : memref<80x128xi32, #tpu.memory_space<vmem>> -> memref<1x128xi32, #tpu.memory_space<vmem>>
        %dma_start3A_559 = tpu.memref_squeeze %dma_start3A_558 : memref<1x128xi32, #tpu.memory_space<vmem>> -> memref<128xi32, #tpu.memory_space<vmem>>
        %dma_start3A_560 = arith.constant 0 : i32
        %dma_start3A_561 = arith.constant 0 : i32
        %dma_start3A_562 = tpu.memref_slice %arg10[%dma_start3A_560, %dma_start3A_561] : memref<10240x16xf32, #tpu.memory_space<vmem_shared>> -> memref<10240x16xf32, #tpu.memory_space<vmem_shared>>
        tpu.enqueue_indirect_dma source(%dma_start3A_562 : memref<10240x16xf32, #tpu.memory_space<vmem_shared>>) target(%dma_start3A_556 : memref<128x16xf32, #tpu.memory_space<vmem>>) offsets(%dma_start3A_559 : memref<128xi32, #tpu.memory_space<vmem>>) semaphore(%arg11 : memref<!tpu.dma_semaphore, #tpu.memory_space<semaphore_mem>>)
        %mul3A_563 = arith.constant 8 : i32
        %mul3A_564 = arith.muli %add3A_457, %mul3A_563 : i32
        %add3A_565 = arith.constant 7 : i32
        %add3A_566 = arith.addi %mul3A_564, %add3A_565 : i32
        %dma_start3A_567 = arith.constant 7 : i32
        %dma_start3A_568 = arith.constant 0 : i32
        %dma_start3A_569 = arith.constant 0 : i32
        %dma_start3A_570 = tpu.memref_slice %arg7[%rem3A_124, %dma_start3A_567, %dma_start3A_568, %dma_start3A_569] : memref<2x8x128x16xf32, #tpu.memory_space<vmem>> -> memref<1x1x128x16xf32, #tpu.memory_space<vmem>>
        %dma_start3A_571 = tpu.memref_squeeze %dma_start3A_570 : memref<1x1x128x16xf32, #tpu.memory_space<vmem>> -> memref<128x16xf32, #tpu.memory_space<vmem>>
        %dma_start3A_572 = arith.constant 0 : i32
        %dma_start3A_573 = tpu.memref_slice %arg5[%add3A_566, %dma_start3A_572] : memref<80x128xi32, #tpu.memory_space<vmem>> -> memref<1x128xi32, #tpu.memory_space<vmem>>
        %dma_start3A_574 = tpu.memref_squeeze %dma_start3A_573 : memref<1x128xi32, #tpu.memory_space<vmem>> -> memref<128xi32, #tpu.memory_space<vmem>>
        %dma_start3A_575 = arith.constant 0 : i32
        %dma_start3A_576 = arith.constant 0 : i32
        %dma_start3A_577 = tpu.memref_slice %arg10[%dma_start3A_575, %dma_start3A_576] : memref<10240x16xf32, #tpu.memory_space<vmem_shared>> -> memref<10240x16xf32, #tpu.memory_space<vmem_shared>>
        tpu.enqueue_indirect_dma source(%dma_start3A_577 : memref<10240x16xf32, #tpu.memory_space<vmem_shared>>) target(%dma_start3A_571 : memref<128x16xf32, #tpu.memory_space<vmem>>) offsets(%dma_start3A_574 : memref<128xi32, #tpu.memory_space<vmem>>) semaphore(%arg11 : memref<!tpu.dma_semaphore, #tpu.memory_space<semaphore_mem>>)
      } else {
      }
      %mul3A_129 = arith.constant 8 : i32
      %mul3A_130 = arith.muli %scan3A_119, %mul3A_129 : i32
      %add3A_131 = arith.constant 0 : i32
      %add3A_132 = arith.addi %mul3A_130, %add3A_131 : i32
      %dma_wait3A = arith.constant 0 : i32
      %dma_wait3A_133 = arith.constant 0 : i32
      %dma_wait3A_134 = arith.constant 0 : i32
      %dma_wait3A_135 = tpu.memref_slice %arg7[%rem3A_120, %dma_wait3A, %dma_wait3A_133, %dma_wait3A_134] : memref<2x8x128x16xf32, #tpu.memory_space<vmem>> -> memref<1x1x128x16xf32, #tpu.memory_space<vmem>>
      %dma_wait3A_136 = tpu.memref_squeeze %dma_wait3A_135 : memref<1x1x128x16xf32, #tpu.memory_space<vmem>> -> memref<128x16xf32, #tpu.memory_space<vmem>>
      %dma_wait3A_137 = arith.constant 0 : i32
      %dma_wait3A_138 = tpu.memref_slice %arg5[%add3A_132, %dma_wait3A_137] : memref<80x128xi32, #tpu.memory_space<vmem>> -> memref<1x128xi32, #tpu.memory_space<vmem>>
      %dma_wait3A_139 = tpu.memref_squeeze %dma_wait3A_138 : memref<1x128xi32, #tpu.memory_space<vmem>> -> memref<128xi32, #tpu.memory_space<vmem>>
      %dma_wait3A_140 = arith.constant 0 : i32
      %dma_wait3A_141 = arith.constant 0 : i32
      %dma_wait3A_142 = tpu.memref_slice %arg10[%dma_wait3A_140, %dma_wait3A_141] : memref<10240x16xf32, #tpu.memory_space<vmem_shared>> -> memref<10240x16xf32, #tpu.memory_space<vmem_shared>>
      tpu.wait_indirect_dma semaphore(%arg11 : memref<!tpu.dma_semaphore, #tpu.memory_space<semaphore_mem>>) src(%dma_wait3A_142 : memref<10240x16xf32, #tpu.memory_space<vmem_shared>>) dst(%dma_wait3A_136 : memref<128x16xf32, #tpu.memory_space<vmem>>)
      %mul3A_143 = arith.constant 8 : i32
      %mul3A_144 = arith.muli %scan3A_119, %mul3A_143 : i32
      %add3A_145 = arith.constant 1 : i32
      %add3A_146 = arith.addi %mul3A_144, %add3A_145 : i32
      %dma_wait3A_147 = arith.constant 1 : i32
      %dma_wait3A_148 = arith.constant 0 : i32
      %dma_wait3A_149 = arith.constant 0 : i32
      %dma_wait3A_150 = tpu.memref_slice %arg7[%rem3A_120, %dma_wait3A_147, %dma_wait3A_148, %dma_wait3A_149] : memref<2x8x128x16xf32, #tpu.memory_space<vmem>> -> memref<1x1x128x16xf32, #tpu.memory_space<vmem>>
      %dma_wait3A_151 = tpu.memref_squeeze %dma_wait3A_150 : memref<1x1x128x16xf32, #tpu.memory_space<vmem>> -> memref<128x16xf32, #tpu.memory_space<vmem>>
      %dma_wait3A_152 = arith.constant 0 : i32
      %dma_wait3A_153 = tpu.memref_slice %arg5[%add3A_146, %dma_wait3A_152] : memref<80x128xi32, #tpu.memory_space<vmem>> -> memref<1x128xi32, #tpu.memory_space<vmem>>
      %dma_wait3A_154 = tpu.memref_squeeze %dma_wait3A_153 : memref<1x128xi32, #tpu.memory_space<vmem>> -> memref<128xi32, #tpu.memory_space<vmem>>
      %dma_wait3A_155 = arith.constant 0 : i32
      %dma_wait3A_156 = arith.constant 0 : i32
      %dma_wait3A_157 = tpu.memref_slice %arg10[%dma_wait3A_155, %dma_wait3A_156] : memref<10240x16xf32, #tpu.memory_space<vmem_shared>> -> memref<10240x16xf32, #tpu.memory_space<vmem_shared>>
      tpu.wait_indirect_dma semaphore(%arg11 : memref<!tpu.dma_semaphore, #tpu.memory_space<semaphore_mem>>) src(%dma_wait3A_157 : memref<10240x16xf32, #tpu.memory_space<vmem_shared>>) dst(%dma_wait3A_151 : memref<128x16xf32, #tpu.memory_space<vmem>>)
      %mul3A_158 = arith.constant 8 : i32
      %mul3A_159 = arith.muli %scan3A_119, %mul3A_158 : i32
      %add3A_160 = arith.constant 2 : i32
      %add3A_161 = arith.addi %mul3A_159, %add3A_160 : i32
      %dma_wait3A_162 = arith.constant 2 : i32
      %dma_wait3A_163 = arith.constant 0 : i32
      %dma_wait3A_164 = arith.constant 0 : i32
      %dma_wait3A_165 = tpu.memref_slice %arg7[%rem3A_120, %dma_wait3A_162, %dma_wait3A_163, %dma_wait3A_164] : memref<2x8x128x16xf32, #tpu.memory_space<vmem>> -> memref<1x1x128x16xf32, #tpu.memory_space<vmem>>
      %dma_wait3A_166 = tpu.memref_squeeze %dma_wait3A_165 : memref<1x1x128x16xf32, #tpu.memory_space<vmem>> -> memref<128x16xf32, #tpu.memory_space<vmem>>
      %dma_wait3A_167 = arith.constant 0 : i32
      %dma_wait3A_168 = tpu.memref_slice %arg5[%add3A_161, %dma_wait3A_167] : memref<80x128xi32, #tpu.memory_space<vmem>> -> memref<1x128xi32, #tpu.memory_space<vmem>>
      %dma_wait3A_169 = tpu.memref_squeeze %dma_wait3A_168 : memref<1x128xi32, #tpu.memory_space<vmem>> -> memref<128xi32, #tpu.memory_space<vmem>>
      %dma_wait3A_170 = arith.constant 0 : i32
      %dma_wait3A_171 = arith.constant 0 : i32
      %dma_wait3A_172 = tpu.memref_slice %arg10[%dma_wait3A_170, %dma_wait3A_171] : memref<10240x16xf32, #tpu.memory_space<vmem_shared>> -> memref<10240x16xf32, #tpu.memory_space<vmem_shared>>
      tpu.wait_indirect_dma semaphore(%arg11 : memref<!tpu.dma_semaphore, #tpu.memory_space<semaphore_mem>>) src(%dma_wait3A_172 : memref<10240x16xf32, #tpu.memory_space<vmem_shared>>) dst(%dma_wait3A_166 : memref<128x16xf32, #tpu.memory_space<vmem>>)
      %mul3A_173 = arith.constant 8 : i32
      %mul3A_174 = arith.muli %scan3A_119, %mul3A_173 : i32
      %add3A_175 = arith.constant 3 : i32
      %add3A_176 = arith.addi %mul3A_174, %add3A_175 : i32
      %dma_wait3A_177 = arith.constant 3 : i32
      %dma_wait3A_178 = arith.constant 0 : i32
      %dma_wait3A_179 = arith.constant 0 : i32
      %dma_wait3A_180 = tpu.memref_slice %arg7[%rem3A_120, %dma_wait3A_177, %dma_wait3A_178, %dma_wait3A_179] : memref<2x8x128x16xf32, #tpu.memory_space<vmem>> -> memref<1x1x128x16xf32, #tpu.memory_space<vmem>>
      %dma_wait3A_181 = tpu.memref_squeeze %dma_wait3A_180 : memref<1x1x128x16xf32, #tpu.memory_space<vmem>> -> memref<128x16xf32, #tpu.memory_space<vmem>>
      %dma_wait3A_182 = arith.constant 0 : i32
      %dma_wait3A_183 = tpu.memref_slice %arg5[%add3A_176, %dma_wait3A_182] : memref<80x128xi32, #tpu.memory_space<vmem>> -> memref<1x128xi32, #tpu.memory_space<vmem>>
      %dma_wait3A_184 = tpu.memref_squeeze %dma_wait3A_183 : memref<1x128xi32, #tpu.memory_space<vmem>> -> memref<128xi32, #tpu.memory_space<vmem>>
      %dma_wait3A_185 = arith.constant 0 : i32
      %dma_wait3A_186 = arith.constant 0 : i32
      %dma_wait3A_187 = tpu.memref_slice %arg10[%dma_wait3A_185, %dma_wait3A_186] : memref<10240x16xf32, #tpu.memory_space<vmem_shared>> -> memref<10240x16xf32, #tpu.memory_space<vmem_shared>>
      tpu.wait_indirect_dma semaphore(%arg11 : memref<!tpu.dma_semaphore, #tpu.memory_space<semaphore_mem>>) src(%dma_wait3A_187 : memref<10240x16xf32, #tpu.memory_space<vmem_shared>>) dst(%dma_wait3A_181 : memref<128x16xf32, #tpu.memory_space<vmem>>)
      %mul3A_188 = arith.constant 8 : i32
      %mul3A_189 = arith.muli %scan3A_119, %mul3A_188 : i32
      %add3A_190 = arith.constant 4 : i32
      %add3A_191 = arith.addi %mul3A_189, %add3A_190 : i32
      %dma_wait3A_192 = arith.constant 4 : i32
      %dma_wait3A_193 = arith.constant 0 : i32
      %dma_wait3A_194 = arith.constant 0 : i32
      %dma_wait3A_195 = tpu.memref_slice %arg7[%rem3A_120, %dma_wait3A_192, %dma_wait3A_193, %dma_wait3A_194] : memref<2x8x128x16xf32, #tpu.memory_space<vmem>> -> memref<1x1x128x16xf32, #tpu.memory_space<vmem>>
      %dma_wait3A_196 = tpu.memref_squeeze %dma_wait3A_195 : memref<1x1x128x16xf32, #tpu.memory_space<vmem>> -> memref<128x16xf32, #tpu.memory_space<vmem>>
      %dma_wait3A_197 = arith.constant 0 : i32
      %dma_wait3A_198 = tpu.memref_slice %arg5[%add3A_191, %dma_wait3A_197] : memref<80x128xi32, #tpu.memory_space<vmem>> -> memref<1x128xi32, #tpu.memory_space<vmem>>
      %dma_wait3A_199 = tpu.memref_squeeze %dma_wait3A_198 : memref<1x128xi32, #tpu.memory_space<vmem>> -> memref<128xi32, #tpu.memory_space<vmem>>
      %dma_wait3A_200 = arith.constant 0 : i32
      %dma_wait3A_201 = arith.constant 0 : i32
      %dma_wait3A_202 = tpu.memref_slice %arg10[%dma_wait3A_200, %dma_wait3A_201] : memref<10240x16xf32, #tpu.memory_space<vmem_shared>> -> memref<10240x16xf32, #tpu.memory_space<vmem_shared>>
      tpu.wait_indirect_dma semaphore(%arg11 : memref<!tpu.dma_semaphore, #tpu.memory_space<semaphore_mem>>) src(%dma_wait3A_202 : memref<10240x16xf32, #tpu.memory_space<vmem_shared>>) dst(%dma_wait3A_196 : memref<128x16xf32, #tpu.memory_space<vmem>>)
      %mul3A_203 = arith.constant 8 : i32
      %mul3A_204 = arith.muli %scan3A_119, %mul3A_203 : i32
      %add3A_205 = arith.constant 5 : i32
      %add3A_206 = arith.addi %mul3A_204, %add3A_205 : i32
      %dma_wait3A_207 = arith.constant 5 : i32
      %dma_wait3A_208 = arith.constant 0 : i32
      %dma_wait3A_209 = arith.constant 0 : i32
      %dma_wait3A_210 = tpu.memref_slice %arg7[%rem3A_120, %dma_wait3A_207, %dma_wait3A_208, %dma_wait3A_209] : memref<2x8x128x16xf32, #tpu.memory_space<vmem>> -> memref<1x1x128x16xf32, #tpu.memory_space<vmem>>
      %dma_wait3A_211 = tpu.memref_squeeze %dma_wait3A_210 : memref<1x1x128x16xf32, #tpu.memory_space<vmem>> -> memref<128x16xf32, #tpu.memory_space<vmem>>
      %dma_wait3A_212 = arith.constant 0 : i32
      %dma_wait3A_213 = tpu.memref_slice %arg5[%add3A_206, %dma_wait3A_212] : memref<80x128xi32, #tpu.memory_space<vmem>> -> memref<1x128xi32, #tpu.memory_space<vmem>>
      %dma_wait3A_214 = tpu.memref_squeeze %dma_wait3A_213 : memref<1x128xi32, #tpu.memory_space<vmem>> -> memref<128xi32, #tpu.memory_space<vmem>>
      %dma_wait3A_215 = arith.constant 0 : i32
      %dma_wait3A_216 = arith.constant 0 : i32
      %dma_wait3A_217 = tpu.memref_slice %arg10[%dma_wait3A_215, %dma_wait3A_216] : memref<10240x16xf32, #tpu.memory_space<vmem_shared>> -> memref<10240x16xf32, #tpu.memory_space<vmem_shared>>
      tpu.wait_indirect_dma semaphore(%arg11 : memref<!tpu.dma_semaphore, #tpu.memory_space<semaphore_mem>>) src(%dma_wait3A_217 : memref<10240x16xf32, #tpu.memory_space<vmem_shared>>) dst(%dma_wait3A_211 : memref<128x16xf32, #tpu.memory_space<vmem>>)
      %mul3A_218 = arith.constant 8 : i32
      %mul3A_219 = arith.muli %scan3A_119, %mul3A_218 : i32
      %add3A_220 = arith.constant 6 : i32
      %add3A_221 = arith.addi %mul3A_219, %add3A_220 : i32
      %dma_wait3A_222 = arith.constant 6 : i32
      %dma_wait3A_223 = arith.constant 0 : i32
      %dma_wait3A_224 = arith.constant 0 : i32
      %dma_wait3A_225 = tpu.memref_slice %arg7[%rem3A_120, %dma_wait3A_222, %dma_wait3A_223, %dma_wait3A_224] : memref<2x8x128x16xf32, #tpu.memory_space<vmem>> -> memref<1x1x128x16xf32, #tpu.memory_space<vmem>>
      %dma_wait3A_226 = tpu.memref_squeeze %dma_wait3A_225 : memref<1x1x128x16xf32, #tpu.memory_space<vmem>> -> memref<128x16xf32, #tpu.memory_space<vmem>>
      %dma_wait3A_227 = arith.constant 0 : i32
      %dma_wait3A_228 = tpu.memref_slice %arg5[%add3A_221, %dma_wait3A_227] : memref<80x128xi32, #tpu.memory_space<vmem>> -> memref<1x128xi32, #tpu.memory_space<vmem>>
      %dma_wait3A_229 = tpu.memref_squeeze %dma_wait3A_228 : memref<1x128xi32, #tpu.memory_space<vmem>> -> memref<128xi32, #tpu.memory_space<vmem>>
      %dma_wait3A_230 = arith.constant 0 : i32
      %dma_wait3A_231 = arith.constant 0 : i32
      %dma_wait3A_232 = tpu.memref_slice %arg10[%dma_wait3A_230, %dma_wait3A_231] : memref<10240x16xf32, #tpu.memory_space<vmem_shared>> -> memref<10240x16xf32, #tpu.memory_space<vmem_shared>>
      tpu.wait_indirect_dma semaphore(%arg11 : memref<!tpu.dma_semaphore, #tpu.memory_space<semaphore_mem>>) src(%dma_wait3A_232 : memref<10240x16xf32, #tpu.memory_space<vmem_shared>>) dst(%dma_wait3A_226 : memref<128x16xf32, #tpu.memory_space<vmem>>)
      %mul3A_233 = arith.constant 8 : i32
      %mul3A_234 = arith.muli %scan3A_119, %mul3A_233 : i32
      %add3A_235 = arith.constant 7 : i32
      %add3A_236 = arith.addi %mul3A_234, %add3A_235 : i32
      %dma_wait3A_237 = arith.constant 7 : i32
      %dma_wait3A_238 = arith.constant 0 : i32
      %dma_wait3A_239 = arith.constant 0 : i32
      %dma_wait3A_240 = tpu.memref_slice %arg7[%rem3A_120, %dma_wait3A_237, %dma_wait3A_238, %dma_wait3A_239] : memref<2x8x128x16xf32, #tpu.memory_space<vmem>> -> memref<1x1x128x16xf32, #tpu.memory_space<vmem>>
      %dma_wait3A_241 = tpu.memref_squeeze %dma_wait3A_240 : memref<1x1x128x16xf32, #tpu.memory_space<vmem>> -> memref<128x16xf32, #tpu.memory_space<vmem>>
      %dma_wait3A_242 = arith.constant 0 : i32
      %dma_wait3A_243 = tpu.memref_slice %arg5[%add3A_236, %dma_wait3A_242] : memref<80x128xi32, #tpu.memory_space<vmem>> -> memref<1x128xi32, #tpu.memory_space<vmem>>
      %dma_wait3A_244 = tpu.memref_squeeze %dma_wait3A_243 : memref<1x128xi32, #tpu.memory_space<vmem>> -> memref<128xi32, #tpu.memory_space<vmem>>
      %dma_wait3A_245 = arith.constant 0 : i32
      %dma_wait3A_246 = arith.constant 0 : i32
      %dma_wait3A_247 = tpu.memref_slice %arg10[%dma_wait3A_245, %dma_wait3A_246] : memref<10240x16xf32, #tpu.memory_space<vmem_shared>> -> memref<10240x16xf32, #tpu.memory_space<vmem_shared>>
      tpu.wait_indirect_dma semaphore(%arg11 : memref<!tpu.dma_semaphore, #tpu.memory_space<semaphore_mem>>) src(%dma_wait3A_247 : memref<10240x16xf32, #tpu.memory_space<vmem_shared>>) dst(%dma_wait3A_241 : memref<128x16xf32, #tpu.memory_space<vmem>>)
      %mul3A_248 = arith.constant 8 : i32
      %mul3A_249 = arith.muli %scan3A_119, %mul3A_248 : i32
      %add3A_250 = arith.constant 0 : i32
      %add3A_251 = arith.addi %mul3A_249, %add3A_250 : i32
      %dma_start3A_252 = arith.constant 0 : i32
      %dma_start3A_253 = arith.constant 0 : i32
      %dma_start3A_254 = arith.constant 0 : i32
      %dma_start3A_255 = tpu.memref_slice %arg7[%rem3A_120, %dma_start3A_252, %dma_start3A_253, %dma_start3A_254] : memref<2x8x128x16xf32, #tpu.memory_space<vmem>> -> memref<1x1x128x16xf32, #tpu.memory_space<vmem>>
      %dma_start3A_256 = tpu.memref_squeeze %dma_start3A_255 : memref<1x1x128x16xf32, #tpu.memory_space<vmem>> -> memref<128x16xf32, #tpu.memory_space<vmem>>
      %dma_start3A_257 = arith.constant 0 : i32
      %dma_start3A_258 = tpu.memref_slice %arg6[%add3A_251, %dma_start3A_257] : memref<80x128xi32, #tpu.memory_space<vmem>> -> memref<1x128xi32, #tpu.memory_space<vmem>>
      %dma_start3A_259 = tpu.memref_squeeze %dma_start3A_258 : memref<1x128xi32, #tpu.memory_space<vmem>> -> memref<128xi32, #tpu.memory_space<vmem>>
      %dma_start3A_260 = arith.constant 0 : i32
      %dma_start3A_261 = arith.constant 0 : i32
      %dma_start3A_262 = tpu.memref_slice %arg9[%dma_start3A_260, %dma_start3A_261] : memref<10240x16xf32, #tpu.memory_space<vmem_shared>> -> memref<10240x16xf32, #tpu.memory_space<vmem_shared>>
      tpu.enqueue_indirect_dma source(%dma_start3A_256 : memref<128x16xf32, #tpu.memory_space<vmem>>) target(%dma_start3A_262 : memref<10240x16xf32, #tpu.memory_space<vmem_shared>>) offsets(%dma_start3A_259 : memref<128xi32, #tpu.memory_space<vmem>>) semaphore(%arg12 : memref<!tpu.dma_semaphore, #tpu.memory_space<semaphore_mem>>) {add = true}
      %mul3A_263 = arith.constant 8 : i32
      %mul3A_264 = arith.muli %scan3A_119, %mul3A_263 : i32
      %add3A_265 = arith.constant 1 : i32
      %add3A_266 = arith.addi %mul3A_264, %add3A_265 : i32
      %dma_start3A_267 = arith.constant 1 : i32
      %dma_start3A_268 = arith.constant 0 : i32
      %dma_start3A_269 = arith.constant 0 : i32
      %dma_start3A_270 = tpu.memref_slice %arg7[%rem3A_120, %dma_start3A_267, %dma_start3A_268, %dma_start3A_269] : memref<2x8x128x16xf32, #tpu.memory_space<vmem>> -> memref<1x1x128x16xf32, #tpu.memory_space<vmem>>
      %dma_start3A_271 = tpu.memref_squeeze %dma_start3A_270 : memref<1x1x128x16xf32, #tpu.memory_space<vmem>> -> memref<128x16xf32, #tpu.memory_space<vmem>>
      %dma_start3A_272 = arith.constant 0 : i32
      %dma_start3A_273 = tpu.memref_slice %arg6[%add3A_266, %dma_start3A_272] : memref<80x128xi32, #tpu.memory_space<vmem>> -> memref<1x128xi32, #tpu.memory_space<vmem>>
      %dma_start3A_274 = tpu.memref_squeeze %dma_start3A_273 : memref<1x128xi32, #tpu.memory_space<vmem>> -> memref<128xi32, #tpu.memory_space<vmem>>
      %dma_start3A_275 = arith.constant 0 : i32
      %dma_start3A_276 = arith.constant 0 : i32
      %dma_start3A_277 = tpu.memref_slice %arg9[%dma_start3A_275, %dma_start3A_276] : memref<10240x16xf32, #tpu.memory_space<vmem_shared>> -> memref<10240x16xf32, #tpu.memory_space<vmem_shared>>
      tpu.enqueue_indirect_dma source(%dma_start3A_271 : memref<128x16xf32, #tpu.memory_space<vmem>>) target(%dma_start3A_277 : memref<10240x16xf32, #tpu.memory_space<vmem_shared>>) offsets(%dma_start3A_274 : memref<128xi32, #tpu.memory_space<vmem>>) semaphore(%arg12 : memref<!tpu.dma_semaphore, #tpu.memory_space<semaphore_mem>>) {add = true}
      %mul3A_278 = arith.constant 8 : i32
      %mul3A_279 = arith.muli %scan3A_119, %mul3A_278 : i32
      %add3A_280 = arith.constant 2 : i32
      %add3A_281 = arith.addi %mul3A_279, %add3A_280 : i32
      %dma_start3A_282 = arith.constant 2 : i32
      %dma_start3A_283 = arith.constant 0 : i32
      %dma_start3A_284 = arith.constant 0 : i32
      %dma_start3A_285 = tpu.memref_slice %arg7[%rem3A_120, %dma_start3A_282, %dma_start3A_283, %dma_start3A_284] : memref<2x8x128x16xf32, #tpu.memory_space<vmem>> -> memref<1x1x128x16xf32, #tpu.memory_space<vmem>>
      %dma_start3A_286 = tpu.memref_squeeze %dma_start3A_285 : memref<1x1x128x16xf32, #tpu.memory_space<vmem>> -> memref<128x16xf32, #tpu.memory_space<vmem>>
      %dma_start3A_287 = arith.constant 0 : i32
      %dma_start3A_288 = tpu.memref_slice %arg6[%add3A_281, %dma_start3A_287] : memref<80x128xi32, #tpu.memory_space<vmem>> -> memref<1x128xi32, #tpu.memory_space<vmem>>
      %dma_start3A_289 = tpu.memref_squeeze %dma_start3A_288 : memref<1x128xi32, #tpu.memory_space<vmem>> -> memref<128xi32, #tpu.memory_space<vmem>>
      %dma_start3A_290 = arith.constant 0 : i32
      %dma_start3A_291 = arith.constant 0 : i32
      %dma_start3A_292 = tpu.memref_slice %arg9[%dma_start3A_290, %dma_start3A_291] : memref<10240x16xf32, #tpu.memory_space<vmem_shared>> -> memref<10240x16xf32, #tpu.memory_space<vmem_shared>>
      tpu.enqueue_indirect_dma source(%dma_start3A_286 : memref<128x16xf32, #tpu.memory_space<vmem>>) target(%dma_start3A_292 : memref<10240x16xf32, #tpu.memory_space<vmem_shared>>) offsets(%dma_start3A_289 : memref<128xi32, #tpu.memory_space<vmem>>) semaphore(%arg12 : memref<!tpu.dma_semaphore, #tpu.memory_space<semaphore_mem>>) {add = true}
      %mul3A_293 = arith.constant 8 : i32
      %mul3A_294 = arith.muli %scan3A_119, %mul3A_293 : i32
      %add3A_295 = arith.constant 3 : i32
      %add3A_296 = arith.addi %mul3A_294, %add3A_295 : i32
      %dma_start3A_297 = arith.constant 3 : i32
      %dma_start3A_298 = arith.constant 0 : i32
      %dma_start3A_299 = arith.constant 0 : i32
      %dma_start3A_300 = tpu.memref_slice %arg7[%rem3A_120, %dma_start3A_297, %dma_start3A_298, %dma_start3A_299] : memref<2x8x128x16xf32, #tpu.memory_space<vmem>> -> memref<1x1x128x16xf32, #tpu.memory_space<vmem>>
      %dma_start3A_301 = tpu.memref_squeeze %dma_start3A_300 : memref<1x1x128x16xf32, #tpu.memory_space<vmem>> -> memref<128x16xf32, #tpu.memory_space<vmem>>
      %dma_start3A_302 = arith.constant 0 : i32
      %dma_start3A_303 = tpu.memref_slice %arg6[%add3A_296, %dma_start3A_302] : memref<80x128xi32, #tpu.memory_space<vmem>> -> memref<1x128xi32, #tpu.memory_space<vmem>>
      %dma_start3A_304 = tpu.memref_squeeze %dma_start3A_303 : memref<1x128xi32, #tpu.memory_space<vmem>> -> memref<128xi32, #tpu.memory_space<vmem>>
      %dma_start3A_305 = arith.constant 0 : i32
      %dma_start3A_306 = arith.constant 0 : i32
      %dma_start3A_307 = tpu.memref_slice %arg9[%dma_start3A_305, %dma_start3A_306] : memref<10240x16xf32, #tpu.memory_space<vmem_shared>> -> memref<10240x16xf32, #tpu.memory_space<vmem_shared>>
      tpu.enqueue_indirect_dma source(%dma_start3A_301 : memref<128x16xf32, #tpu.memory_space<vmem>>) target(%dma_start3A_307 : memref<10240x16xf32, #tpu.memory_space<vmem_shared>>) offsets(%dma_start3A_304 : memref<128xi32, #tpu.memory_space<vmem>>) semaphore(%arg12 : memref<!tpu.dma_semaphore, #tpu.memory_space<semaphore_mem>>) {add = true}
      %mul3A_308 = arith.constant 8 : i32
      %mul3A_309 = arith.muli %scan3A_119, %mul3A_308 : i32
      %add3A_310 = arith.constant 4 : i32
      %add3A_311 = arith.addi %mul3A_309, %add3A_310 : i32
      %dma_start3A_312 = arith.constant 4 : i32
      %dma_start3A_313 = arith.constant 0 : i32
      %dma_start3A_314 = arith.constant 0 : i32
      %dma_start3A_315 = tpu.memref_slice %arg7[%rem3A_120, %dma_start3A_312, %dma_start3A_313, %dma_start3A_314] : memref<2x8x128x16xf32, #tpu.memory_space<vmem>> -> memref<1x1x128x16xf32, #tpu.memory_space<vmem>>
      %dma_start3A_316 = tpu.memref_squeeze %dma_start3A_315 : memref<1x1x128x16xf32, #tpu.memory_space<vmem>> -> memref<128x16xf32, #tpu.memory_space<vmem>>
      %dma_start3A_317 = arith.constant 0 : i32
      %dma_start3A_318 = tpu.memref_slice %arg6[%add3A_311, %dma_start3A_317] : memref<80x128xi32, #tpu.memory_space<vmem>> -> memref<1x128xi32, #tpu.memory_space<vmem>>
      %dma_start3A_319 = tpu.memref_squeeze %dma_start3A_318 : memref<1x128xi32, #tpu.memory_space<vmem>> -> memref<128xi32, #tpu.memory_space<vmem>>
      %dma_start3A_320 = arith.constant 0 : i32
      %dma_start3A_321 = arith.constant 0 : i32
      %dma_start3A_322 = tpu.memref_slice %arg9[%dma_start3A_320, %dma_start3A_321] : memref<10240x16xf32, #tpu.memory_space<vmem_shared>> -> memref<10240x16xf32, #tpu.memory_space<vmem_shared>>
      tpu.enqueue_indirect_dma source(%dma_start3A_316 : memref<128x16xf32, #tpu.memory_space<vmem>>) target(%dma_start3A_322 : memref<10240x16xf32, #tpu.memory_space<vmem_shared>>) offsets(%dma_start3A_319 : memref<128xi32, #tpu.memory_space<vmem>>) semaphore(%arg12 : memref<!tpu.dma_semaphore, #tpu.memory_space<semaphore_mem>>) {add = true}
      %mul3A_323 = arith.constant 8 : i32
      %mul3A_324 = arith.muli %scan3A_119, %mul3A_323 : i32
      %add3A_325 = arith.constant 5 : i32
      %add3A_326 = arith.addi %mul3A_324, %add3A_325 : i32
      %dma_start3A_327 = arith.constant 5 : i32
      %dma_start3A_328 = arith.constant 0 : i32
      %dma_start3A_329 = arith.constant 0 : i32
      %dma_start3A_330 = tpu.memref_slice %arg7[%rem3A_120, %dma_start3A_327, %dma_start3A_328, %dma_start3A_329] : memref<2x8x128x16xf32, #tpu.memory_space<vmem>> -> memref<1x1x128x16xf32, #tpu.memory_space<vmem>>
      %dma_start3A_331 = tpu.memref_squeeze %dma_start3A_330 : memref<1x1x128x16xf32, #tpu.memory_space<vmem>> -> memref<128x16xf32, #tpu.memory_space<vmem>>
      %dma_start3A_332 = arith.constant 0 : i32
      %dma_start3A_333 = tpu.memref_slice %arg6[%add3A_326, %dma_start3A_332] : memref<80x128xi32, #tpu.memory_space<vmem>> -> memref<1x128xi32, #tpu.memory_space<vmem>>
      %dma_start3A_334 = tpu.memref_squeeze %dma_start3A_333 : memref<1x128xi32, #tpu.memory_space<vmem>> -> memref<128xi32, #tpu.memory_space<vmem>>
      %dma_start3A_335 = arith.constant 0 : i32
      %dma_start3A_336 = arith.constant 0 : i32
      %dma_start3A_337 = tpu.memref_slice %arg9[%dma_start3A_335, %dma_start3A_336] : memref<10240x16xf32, #tpu.memory_space<vmem_shared>> -> memref<10240x16xf32, #tpu.memory_space<vmem_shared>>
      tpu.enqueue_indirect_dma source(%dma_start3A_331 : memref<128x16xf32, #tpu.memory_space<vmem>>) target(%dma_start3A_337 : memref<10240x16xf32, #tpu.memory_space<vmem_shared>>) offsets(%dma_start3A_334 : memref<128xi32, #tpu.memory_space<vmem>>) semaphore(%arg12 : memref<!tpu.dma_semaphore, #tpu.memory_space<semaphore_mem>>) {add = true}
      %mul3A_338 = arith.constant 8 : i32
      %mul3A_339 = arith.muli %scan3A_119, %mul3A_338 : i32
      %add3A_340 = arith.constant 6 : i32
      %add3A_341 = arith.addi %mul3A_339, %add3A_340 : i32
      %dma_start3A_342 = arith.constant 6 : i32
      %dma_start3A_343 = arith.constant 0 : i32
      %dma_start3A_344 = arith.constant 0 : i32
      %dma_start3A_345 = tpu.memref_slice %arg7[%rem3A_120, %dma_start3A_342, %dma_start3A_343, %dma_start3A_344] : memref<2x8x128x16xf32, #tpu.memory_space<vmem>> -> memref<1x1x128x16xf32, #tpu.memory_space<vmem>>
      %dma_start3A_346 = tpu.memref_squeeze %dma_start3A_345 : memref<1x1x128x16xf32, #tpu.memory_space<vmem>> -> memref<128x16xf32, #tpu.memory_space<vmem>>
      %dma_start3A_347 = arith.constant 0 : i32
      %dma_start3A_348 = tpu.memref_slice %arg6[%add3A_341, %dma_start3A_347] : memref<80x128xi32, #tpu.memory_space<vmem>> -> memref<1x128xi32, #tpu.memory_space<vmem>>
      %dma_start3A_349 = tpu.memref_squeeze %dma_start3A_348 : memref<1x128xi32, #tpu.memory_space<vmem>> -> memref<128xi32, #tpu.memory_space<vmem>>
      %dma_start3A_350 = arith.constant 0 : i32
      %dma_start3A_351 = arith.constant 0 : i32
      %dma_start3A_352 = tpu.memref_slice %arg9[%dma_start3A_350, %dma_start3A_351] : memref<10240x16xf32, #tpu.memory_space<vmem_shared>> -> memref<10240x16xf32, #tpu.memory_space<vmem_shared>>
      tpu.enqueue_indirect_dma source(%dma_start3A_346 : memref<128x16xf32, #tpu.memory_space<vmem>>) target(%dma_start3A_352 : memref<10240x16xf32, #tpu.memory_space<vmem_shared>>) offsets(%dma_start3A_349 : memref<128xi32, #tpu.memory_space<vmem>>) semaphore(%arg12 : memref<!tpu.dma_semaphore, #tpu.memory_space<semaphore_mem>>) {add = true}
      %mul3A_353 = arith.constant 8 : i32
      %mul3A_354 = arith.muli %scan3A_119, %mul3A_353 : i32
      %add3A_355 = arith.constant 7 : i32
      %add3A_356 = arith.addi %mul3A_354, %add3A_355 : i32
      %dma_start3A_357 = arith.constant 7 : i32
      %dma_start3A_358 = arith.constant 0 : i32
      %dma_start3A_359 = arith.constant 0 : i32
      %dma_start3A_360 = tpu.memref_slice %arg7[%rem3A_120, %dma_start3A_357, %dma_start3A_358, %dma_start3A_359] : memref<2x8x128x16xf32, #tpu.memory_space<vmem>> -> memref<1x1x128x16xf32, #tpu.memory_space<vmem>>
      %dma_start3A_361 = tpu.memref_squeeze %dma_start3A_360 : memref<1x1x128x16xf32, #tpu.memory_space<vmem>> -> memref<128x16xf32, #tpu.memory_space<vmem>>
      %dma_start3A_362 = arith.constant 0 : i32
      %dma_start3A_363 = tpu.memref_slice %arg6[%add3A_356, %dma_start3A_362] : memref<80x128xi32, #tpu.memory_space<vmem>> -> memref<1x128xi32, #tpu.memory_space<vmem>>
      %dma_start3A_364 = tpu.memref_squeeze %dma_start3A_363 : memref<1x128xi32, #tpu.memory_space<vmem>> -> memref<128xi32, #tpu.memory_space<vmem>>
      %dma_start3A_365 = arith.constant 0 : i32
      %dma_start3A_366 = arith.constant 0 : i32
      %dma_start3A_367 = tpu.memref_slice %arg9[%dma_start3A_365, %dma_start3A_366] : memref<10240x16xf32, #tpu.memory_space<vmem_shared>> -> memref<10240x16xf32, #tpu.memory_space<vmem_shared>>
      tpu.enqueue_indirect_dma source(%dma_start3A_361 : memref<128x16xf32, #tpu.memory_space<vmem>>) target(%dma_start3A_367 : memref<10240x16xf32, #tpu.memory_space<vmem_shared>>) offsets(%dma_start3A_364 : memref<128xi32, #tpu.memory_space<vmem>>) semaphore(%arg12 : memref<!tpu.dma_semaphore, #tpu.memory_space<semaphore_mem>>) {add = true}
      %dma_wait3A_368 = arith.constant 0 : i32
      %dma_wait3A_369 = arith.constant 0 : i32
      %dma_wait3A_370 = arith.constant 0 : i32
      %dma_wait3A_371 = tpu.memref_slice %arg7[%rem3A_120, %dma_wait3A_368, %dma_wait3A_369, %dma_wait3A_370] : memref<2x8x128x16xf32, #tpu.memory_space<vmem>> -> memref<1x1x128x16xf32, #tpu.memory_space<vmem>>
      %dma_wait3A_372 = tpu.memref_squeeze %dma_wait3A_371 : memref<1x1x128x16xf32, #tpu.memory_space<vmem>> -> memref<128x16xf32, #tpu.memory_space<vmem>>
      %dma_wait3A_373 = arith.constant 0 : i32
      %dma_wait3A_374 = tpu.memref_slice %arg6[%add3A_251, %dma_wait3A_373] : memref<80x128xi32, #tpu.memory_space<vmem>> -> memref<1x128xi32, #tpu.memory_space<vmem>>
      %dma_wait3A_375 = tpu.memref_squeeze %dma_wait3A_374 : memref<1x128xi32, #tpu.memory_space<vmem>> -> memref<128xi32, #tpu.memory_space<vmem>>
      %dma_wait3A_376 = arith.constant 0 : i32
      %dma_wait3A_377 = arith.constant 0 : i32
      %dma_wait3A_378 = tpu.memref_slice %arg9[%dma_wait3A_376, %dma_wait3A_377] : memref<10240x16xf32, #tpu.memory_space<vmem_shared>> -> memref<10240x16xf32, #tpu.memory_space<vmem_shared>>
      tpu.wait_indirect_dma semaphore(%arg12 : memref<!tpu.dma_semaphore, #tpu.memory_space<semaphore_mem>>) src(%dma_wait3A_372 : memref<128x16xf32, #tpu.memory_space<vmem>>) dst(%dma_wait3A_378 : memref<10240x16xf32, #tpu.memory_space<vmem_shared>>)
      %dma_wait3A_379 = arith.constant 1 : i32
      %dma_wait3A_380 = arith.constant 0 : i32
      %dma_wait3A_381 = arith.constant 0 : i32
      %dma_wait3A_382 = tpu.memref_slice %arg7[%rem3A_120, %dma_wait3A_379, %dma_wait3A_380, %dma_wait3A_381] : memref<2x8x128x16xf32, #tpu.memory_space<vmem>> -> memref<1x1x128x16xf32, #tpu.memory_space<vmem>>
      %dma_wait3A_383 = tpu.memref_squeeze %dma_wait3A_382 : memref<1x1x128x16xf32, #tpu.memory_space<vmem>> -> memref<128x16xf32, #tpu.memory_space<vmem>>
      %dma_wait3A_384 = arith.constant 0 : i32
      %dma_wait3A_385 = tpu.memref_slice %arg6[%add3A_266, %dma_wait3A_384] : memref<80x128xi32, #tpu.memory_space<vmem>> -> memref<1x128xi32, #tpu.memory_space<vmem>>
      %dma_wait3A_386 = tpu.memref_squeeze %dma_wait3A_385 : memref<1x128xi32, #tpu.memory_space<vmem>> -> memref<128xi32, #tpu.memory_space<vmem>>
      %dma_wait3A_387 = arith.constant 0 : i32
      %dma_wait3A_388 = arith.constant 0 : i32
      %dma_wait3A_389 = tpu.memref_slice %arg9[%dma_wait3A_387, %dma_wait3A_388] : memref<10240x16xf32, #tpu.memory_space<vmem_shared>> -> memref<10240x16xf32, #tpu.memory_space<vmem_shared>>
      tpu.wait_indirect_dma semaphore(%arg12 : memref<!tpu.dma_semaphore, #tpu.memory_space<semaphore_mem>>) src(%dma_wait3A_383 : memref<128x16xf32, #tpu.memory_space<vmem>>) dst(%dma_wait3A_389 : memref<10240x16xf32, #tpu.memory_space<vmem_shared>>)
      %dma_wait3A_390 = arith.constant 2 : i32
      %dma_wait3A_391 = arith.constant 0 : i32
      %dma_wait3A_392 = arith.constant 0 : i32
      %dma_wait3A_393 = tpu.memref_slice %arg7[%rem3A_120, %dma_wait3A_390, %dma_wait3A_391, %dma_wait3A_392] : memref<2x8x128x16xf32, #tpu.memory_space<vmem>> -> memref<1x1x128x16xf32, #tpu.memory_space<vmem>>
      %dma_wait3A_394 = tpu.memref_squeeze %dma_wait3A_393 : memref<1x1x128x16xf32, #tpu.memory_space<vmem>> -> memref<128x16xf32, #tpu.memory_space<vmem>>
      %dma_wait3A_395 = arith.constant 0 : i32
      %dma_wait3A_396 = tpu.memref_slice %arg6[%add3A_281, %dma_wait3A_395] : memref<80x128xi32, #tpu.memory_space<vmem>> -> memref<1x128xi32, #tpu.memory_space<vmem>>
      %dma_wait3A_397 = tpu.memref_squeeze %dma_wait3A_396 : memref<1x128xi32, #tpu.memory_space<vmem>> -> memref<128xi32, #tpu.memory_space<vmem>>
      %dma_wait3A_398 = arith.constant 0 : i32
      %dma_wait3A_399 = arith.constant 0 : i32
      %dma_wait3A_400 = tpu.memref_slice %arg9[%dma_wait3A_398, %dma_wait3A_399] : memref<10240x16xf32, #tpu.memory_space<vmem_shared>> -> memref<10240x16xf32, #tpu.memory_space<vmem_shared>>
      tpu.wait_indirect_dma semaphore(%arg12 : memref<!tpu.dma_semaphore, #tpu.memory_space<semaphore_mem>>) src(%dma_wait3A_394 : memref<128x16xf32, #tpu.memory_space<vmem>>) dst(%dma_wait3A_400 : memref<10240x16xf32, #tpu.memory_space<vmem_shared>>)
      %dma_wait3A_401 = arith.constant 3 : i32
      %dma_wait3A_402 = arith.constant 0 : i32
      %dma_wait3A_403 = arith.constant 0 : i32
      %dma_wait3A_404 = tpu.memref_slice %arg7[%rem3A_120, %dma_wait3A_401, %dma_wait3A_402, %dma_wait3A_403] : memref<2x8x128x16xf32, #tpu.memory_space<vmem>> -> memref<1x1x128x16xf32, #tpu.memory_space<vmem>>
      %dma_wait3A_405 = tpu.memref_squeeze %dma_wait3A_404 : memref<1x1x128x16xf32, #tpu.memory_space<vmem>> -> memref<128x16xf32, #tpu.memory_space<vmem>>
      %dma_wait3A_406 = arith.constant 0 : i32
      %dma_wait3A_407 = tpu.memref_slice %arg6[%add3A_296, %dma_wait3A_406] : memref<80x128xi32, #tpu.memory_space<vmem>> -> memref<1x128xi32, #tpu.memory_space<vmem>>
      %dma_wait3A_408 = tpu.memref_squeeze %dma_wait3A_407 : memref<1x128xi32, #tpu.memory_space<vmem>> -> memref<128xi32, #tpu.memory_space<vmem>>
      %dma_wait3A_409 = arith.constant 0 : i32
      %dma_wait3A_410 = arith.constant 0 : i32
      %dma_wait3A_411 = tpu.memref_slice %arg9[%dma_wait3A_409, %dma_wait3A_410] : memref<10240x16xf32, #tpu.memory_space<vmem_shared>> -> memref<10240x16xf32, #tpu.memory_space<vmem_shared>>
      tpu.wait_indirect_dma semaphore(%arg12 : memref<!tpu.dma_semaphore, #tpu.memory_space<semaphore_mem>>) src(%dma_wait3A_405 : memref<128x16xf32, #tpu.memory_space<vmem>>) dst(%dma_wait3A_411 : memref<10240x16xf32, #tpu.memory_space<vmem_shared>>)
      %dma_wait3A_412 = arith.constant 4 : i32
      %dma_wait3A_413 = arith.constant 0 : i32
      %dma_wait3A_414 = arith.constant 0 : i32
      %dma_wait3A_415 = tpu.memref_slice %arg7[%rem3A_120, %dma_wait3A_412, %dma_wait3A_413, %dma_wait3A_414] : memref<2x8x128x16xf32, #tpu.memory_space<vmem>> -> memref<1x1x128x16xf32, #tpu.memory_space<vmem>>
      %dma_wait3A_416 = tpu.memref_squeeze %dma_wait3A_415 : memref<1x1x128x16xf32, #tpu.memory_space<vmem>> -> memref<128x16xf32, #tpu.memory_space<vmem>>
      %dma_wait3A_417 = arith.constant 0 : i32
      %dma_wait3A_418 = tpu.memref_slice %arg6[%add3A_311, %dma_wait3A_417] : memref<80x128xi32, #tpu.memory_space<vmem>> -> memref<1x128xi32, #tpu.memory_space<vmem>>
      %dma_wait3A_419 = tpu.memref_squeeze %dma_wait3A_418 : memref<1x128xi32, #tpu.memory_space<vmem>> -> memref<128xi32, #tpu.memory_space<vmem>>
      %dma_wait3A_420 = arith.constant 0 : i32
      %dma_wait3A_421 = arith.constant 0 : i32
      %dma_wait3A_422 = tpu.memref_slice %arg9[%dma_wait3A_420, %dma_wait3A_421] : memref<10240x16xf32, #tpu.memory_space<vmem_shared>> -> memref<10240x16xf32, #tpu.memory_space<vmem_shared>>
      tpu.wait_indirect_dma semaphore(%arg12 : memref<!tpu.dma_semaphore, #tpu.memory_space<semaphore_mem>>) src(%dma_wait3A_416 : memref<128x16xf32, #tpu.memory_space<vmem>>) dst(%dma_wait3A_422 : memref<10240x16xf32, #tpu.memory_space<vmem_shared>>)
      %dma_wait3A_423 = arith.constant 5 : i32
      %dma_wait3A_424 = arith.constant 0 : i32
      %dma_wait3A_425 = arith.constant 0 : i32
      %dma_wait3A_426 = tpu.memref_slice %arg7[%rem3A_120, %dma_wait3A_423, %dma_wait3A_424, %dma_wait3A_425] : memref<2x8x128x16xf32, #tpu.memory_space<vmem>> -> memref<1x1x128x16xf32, #tpu.memory_space<vmem>>
      %dma_wait3A_427 = tpu.memref_squeeze %dma_wait3A_426 : memref<1x1x128x16xf32, #tpu.memory_space<vmem>> -> memref<128x16xf32, #tpu.memory_space<vmem>>
      %dma_wait3A_428 = arith.constant 0 : i32
      %dma_wait3A_429 = tpu.memref_slice %arg6[%add3A_326, %dma_wait3A_428] : memref<80x128xi32, #tpu.memory_space<vmem>> -> memref<1x128xi32, #tpu.memory_space<vmem>>
      %dma_wait3A_430 = tpu.memref_squeeze %dma_wait3A_429 : memref<1x128xi32, #tpu.memory_space<vmem>> -> memref<128xi32, #tpu.memory_space<vmem>>
      %dma_wait3A_431 = arith.constant 0 : i32
      %dma_wait3A_432 = arith.constant 0 : i32
      %dma_wait3A_433 = tpu.memref_slice %arg9[%dma_wait3A_431, %dma_wait3A_432] : memref<10240x16xf32, #tpu.memory_space<vmem_shared>> -> memref<10240x16xf32, #tpu.memory_space<vmem_shared>>
      tpu.wait_indirect_dma semaphore(%arg12 : memref<!tpu.dma_semaphore, #tpu.memory_space<semaphore_mem>>) src(%dma_wait3A_427 : memref<128x16xf32, #tpu.memory_space<vmem>>) dst(%dma_wait3A_433 : memref<10240x16xf32, #tpu.memory_space<vmem_shared>>)
      %dma_wait3A_434 = arith.constant 6 : i32
      %dma_wait3A_435 = arith.constant 0 : i32
      %dma_wait3A_436 = arith.constant 0 : i32
      %dma_wait3A_437 = tpu.memref_slice %arg7[%rem3A_120, %dma_wait3A_434, %dma_wait3A_435, %dma_wait3A_436] : memref<2x8x128x16xf32, #tpu.memory_space<vmem>> -> memref<1x1x128x16xf32, #tpu.memory_space<vmem>>
      %dma_wait3A_438 = tpu.memref_squeeze %dma_wait3A_437 : memref<1x1x128x16xf32, #tpu.memory_space<vmem>> -> memref<128x16xf32, #tpu.memory_space<vmem>>
      %dma_wait3A_439 = arith.constant 0 : i32
      %dma_wait3A_440 = tpu.memref_slice %arg6[%add3A_341, %dma_wait3A_439] : memref<80x128xi32, #tpu.memory_space<vmem>> -> memref<1x128xi32, #tpu.memory_space<vmem>>
      %dma_wait3A_441 = tpu.memref_squeeze %dma_wait3A_440 : memref<1x128xi32, #tpu.memory_space<vmem>> -> memref<128xi32, #tpu.memory_space<vmem>>
      %dma_wait3A_442 = arith.constant 0 : i32
      %dma_wait3A_443 = arith.constant 0 : i32
      %dma_wait3A_444 = tpu.memref_slice %arg9[%dma_wait3A_442, %dma_wait3A_443] : memref<10240x16xf32, #tpu.memory_space<vmem_shared>> -> memref<10240x16xf32, #tpu.memory_space<vmem_shared>>
      tpu.wait_indirect_dma semaphore(%arg12 : memref<!tpu.dma_semaphore, #tpu.memory_space<semaphore_mem>>) src(%dma_wait3A_438 : memref<128x16xf32, #tpu.memory_space<vmem>>) dst(%dma_wait3A_444 : memref<10240x16xf32, #tpu.memory_space<vmem_shared>>)
      %dma_wait3A_445 = arith.constant 7 : i32
      %dma_wait3A_446 = arith.constant 0 : i32
      %dma_wait3A_447 = arith.constant 0 : i32
      %dma_wait3A_448 = tpu.memref_slice %arg7[%rem3A_120, %dma_wait3A_445, %dma_wait3A_446, %dma_wait3A_447] : memref<2x8x128x16xf32, #tpu.memory_space<vmem>> -> memref<1x1x128x16xf32, #tpu.memory_space<vmem>>
      %dma_wait3A_449 = tpu.memref_squeeze %dma_wait3A_448 : memref<1x1x128x16xf32, #tpu.memory_space<vmem>> -> memref<128x16xf32, #tpu.memory_space<vmem>>
      %dma_wait3A_450 = arith.constant 0 : i32
      %dma_wait3A_451 = tpu.memref_slice %arg6[%add3A_356, %dma_wait3A_450] : memref<80x128xi32, #tpu.memory_space<vmem>> -> memref<1x128xi32, #tpu.memory_space<vmem>>
      %dma_wait3A_452 = tpu.memref_squeeze %dma_wait3A_451 : memref<1x128xi32, #tpu.memory_space<vmem>> -> memref<128xi32, #tpu.memory_space<vmem>>
      %dma_wait3A_453 = arith.constant 0 : i32
      %dma_wait3A_454 = arith.constant 0 : i32
      %dma_wait3A_455 = tpu.memref_slice %arg9[%dma_wait3A_453, %dma_wait3A_454] : memref<10240x16xf32, #tpu.memory_space<vmem_shared>> -> memref<10240x16xf32, #tpu.memory_space<vmem_shared>>
      tpu.wait_indirect_dma semaphore(%arg12 : memref<!tpu.dma_semaphore, #tpu.memory_space<semaphore_mem>>) src(%dma_wait3A_449 : memref<128x16xf32, #tpu.memory_space<vmem>>) dst(%dma_wait3A_455 : memref<10240x16xf32, #tpu.memory_space<vmem_shared>>)
    }
    %scan3A_117 = arith.constant 10 : i32
    %barrier3A_118 = arith.constant 0 : index
    tpu.barrier barrier_id(%barrier3A_118)
    "tpu.region"() ({
      %run_scoped3A_119 = tpu.sem_alloc : memref<!tpu.dma_semaphore, #tpu.memory_space<semaphore_mem>>
      %dma_start3A_120 = arith.constant 0 : i32
      %dma_start3A_121 = tpu.memref_slice %arg9[%mul3A_2, %dma_start3A_120] : memref<10240x16xf32, #tpu.memory_space<vmem_shared>> -> memref<640x16xf32, #tpu.memory_space<vmem_shared>>
      %dma_start3A_122 = arith.constant 0 : i32
      %dma_start3A_123 = tpu.memref_slice %arg9[%mul3A_2, %dma_start3A_122] : memref<10240x16xf32, #tpu.memory_space<vmem_shared>> -> memref<640x16xf32, #tpu.memory_space<vmem_shared>>
      tpu.enqueue_dma source(%dma_start3A_123 : memref<640x16xf32, #tpu.memory_space<vmem_shared>>) target(%arg8 : memref<640x16xf32, #tpu.memory_space<vmem>>) target_semaphore(%run_scoped3A_119 : memref<!tpu.dma_semaphore, #tpu.memory_space<semaphore_mem>>)
      %dma_wait3A = arith.constant 0 : i32
      %dma_wait3A_124 = tpu.memref_slice %arg9[%mul3A_2, %dma_wait3A] : memref<10240x16xf32, #tpu.memory_space<vmem_shared>> -> memref<640x16xf32, #tpu.memory_space<vmem_shared>>
      %dma_wait3A_125 = arith.constant 0 : i32
      %dma_wait3A_126 = tpu.memref_slice %arg9[%mul3A_2, %dma_wait3A_125] : memref<10240x16xf32, #tpu.memory_space<vmem_shared>> -> memref<640x16xf32, #tpu.memory_space<vmem_shared>>
      tpu.wait_dma2 semaphore(%run_scoped3A_119 : memref<!tpu.dma_semaphore, #tpu.memory_space<semaphore_mem>>) src(%dma_wait3A_126 : memref<640x16xf32, #tpu.memory_space<vmem_shared>>) dst(%arg8 : memref<640x16xf32, #tpu.memory_space<vmem>>)
      tpu.yield
    }) : () -> ()
    "tpu.region"() ({
      %run_scoped3A_119 = tpu.sem_alloc : memref<!tpu.dma_semaphore, #tpu.memory_space<semaphore_mem>>
      %dma_start3A_120 = arith.constant 0 : i32
      %dma_start3A_121 = tpu.memref_slice %arg4[%arg0, %mul3A_2, %dma_start3A_120] : memref<2x10240x16xf32, #tpu.memory_space<hbm>> -> memref<1x640x16xf32, #tpu.memory_space<hbm>>
      %dma_start3A_122 = tpu.memref_squeeze %dma_start3A_121 : memref<1x640x16xf32, #tpu.memory_space<hbm>> -> memref<640x16xf32, #tpu.memory_space<hbm>>
      %dma_start3A_123 = arith.constant 0 : i32
      %dma_start3A_124 = tpu.memref_slice %arg4[%arg0, %mul3A_2, %dma_start3A_123] : memref<2x10240x16xf32, #tpu.memory_space<hbm>> -> memref<1x640x16xf32, #tpu.memory_space<hbm>>
      %dma_start3A_125 = tpu.memref_squeeze %dma_start3A_124 : memref<1x640x16xf32, #tpu.memory_space<hbm>> -> memref<640x16xf32, #tpu.memory_space<hbm>>
      tpu.enqueue_dma source(%arg8 : memref<640x16xf32, #tpu.memory_space<vmem>>) target(%dma_start3A_125 : memref<640x16xf32, #tpu.memory_space<hbm>>) target_semaphore(%run_scoped3A_119 : memref<!tpu.dma_semaphore, #tpu.memory_space<semaphore_mem>>)
      %dma_wait3A = arith.constant 0 : i32
      %dma_wait3A_126 = tpu.memref_slice %arg4[%arg0, %mul3A_2, %dma_wait3A] : memref<2x10240x16xf32, #tpu.memory_space<hbm>> -> memref<1x640x16xf32, #tpu.memory_space<hbm>>
      %dma_wait3A_127 = tpu.memref_squeeze %dma_wait3A_126 : memref<1x640x16xf32, #tpu.memory_space<hbm>> -> memref<640x16xf32, #tpu.memory_space<hbm>>
      %dma_wait3A_128 = arith.constant 0 : i32
      %dma_wait3A_129 = tpu.memref_slice %arg4[%arg0, %mul3A_2, %dma_wait3A_128] : memref<2x10240x16xf32, #tpu.memory_space<hbm>> -> memref<1x640x16xf32, #tpu.memory_space<hbm>>
      %dma_wait3A_130 = tpu.memref_squeeze %dma_wait3A_129 : memref<1x640x16xf32, #tpu.memory_space<hbm>> -> memref<640x16xf32, #tpu.memory_space<hbm>>
      tpu.wait_dma2 semaphore(%run_scoped3A_119 : memref<!tpu.dma_semaphore, #tpu.memory_space<semaphore_mem>>) src(%arg8 : memref<640x16xf32, #tpu.memory_space<vmem>>) dst(%dma_wait3A_130 : memref<640x16xf32, #tpu.memory_space<hbm>>)
      tpu.yield
    }) : () -> ()
    return
  }
}

module attributes {stable_mosaic.version = 14 : i64} {
  func.func @_tc_table1_body(%arg0: memref<2x1280x8xf32, #tpu.memory_space<vmem>>, %arg1: memref<1250x1024xf32, #tpu.memory_space<vmem>>, %arg2: memref<1024x128xf32, #tpu.memory_space<vmem>>, %arg3: memref<8x128xf32, #tpu.memory_space<vmem>>, %arg4: memref<1280x128xf32, #tpu.memory_space<vmem>>, %arg5: memref<1280x128xf32, #tpu.memory_space<vmem>>) attributes {dimension_semantics = [], scalar_prefetch = 0 : i64, scratch_operands = 0 : i64, tpu.core_type = #tpu.core_type<tc>} {
    %get3A = arith.constant 0 : index
    %get3A_0 = arith.constant 0 : index
    %get3A_1 = arith.constant 0 : index
    %get3A_2 = vector.load %arg0[%get3A, %get3A_0, %get3A_1] : memref<2x1280x8xf32, #tpu.memory_space<vmem>>, vector<1x1280x8xf32>
    %get3A_3 = vector.shape_cast %get3A_2 : vector<1x1280x8xf32> to vector<1280x8xf32>
    %get3A_4 = arith.constant 1 : index
    %get3A_5 = arith.constant 0 : index
    %get3A_6 = arith.constant 0 : index
    %get3A_7 = vector.load %arg0[%get3A_4, %get3A_5, %get3A_6] : memref<2x1280x8xf32, #tpu.memory_space<vmem>>, vector<1x1280x8xf32>
    %get3A_8 = vector.shape_cast %get3A_7 : vector<1x1280x8xf32> to vector<1280x8xf32>
    %add3A = arith.addf %get3A_3, %get3A_8 : vector<1280x8xf32>
    %add3A_9 = arith.constant 1.000000e+00 : f32
    %add3A_10 = vector.broadcast %add3A_9 : f32 to vector<1280x8xf32>
    %add3A_11 = arith.addf %add3A, %add3A_10 : vector<1280x8xf32>
    %rsqrt3A = math.rsqrt %add3A_11 : vector<1280x8xf32>
    %get3A_12 = arith.constant 0 : index
    %get3A_13 = arith.constant 0 : index
    %get3A_14 = vector.load %arg3[%get3A_12, %get3A_13] : memref<8x128xf32, #tpu.memory_space<vmem>>, vector<8x128xf32>
    %dot_general3A = arith.constant dense<0.000000e+00> : vector<1280x128xf32>
    %dot_general3A_15 = tpu.matmul %rsqrt3A, %get3A_14, %dot_general3A {dimension_numbers = #tpu.dot_dimension_numbers<[1], [0], [0], [1], [0, 0, 1, 1], [], []>, precision = #tpu.contract_precision<fp32>, transpose_lhs_hint = false} : vector<1280x8xf32>, vector<8x128xf32>, vector<1280x128xf32> -> vector<1280x128xf32>
    %swap3A = arith.constant 0 : index
    %swap3A_16 = arith.constant 0 : index
    %swap3A_17 = vector.load %arg5[%swap3A, %swap3A_16] : memref<1280x128xf32, #tpu.memory_space<vmem>>, vector<1280x128xf32>
    tpu.vector_store %arg5[%swap3A, %swap3A_16], %dot_general3A_15 {strides = array<i32>} : memref<1280x128xf32, #tpu.memory_space<vmem>>, vector<1280x128xf32>,
    %get3A_18 = arith.constant 0 : index
    %get3A_19 = arith.constant 0 : index
    %get3A_20 = vector.load %arg1[%get3A_18, %get3A_19] : memref<1250x1024xf32, #tpu.memory_space<vmem>>, vector<1250x1024xf32>
    %get3A_21 = arith.constant 0 : index
    %get3A_22 = arith.constant 0 : index
    %get3A_23 = vector.load %arg2[%get3A_21, %get3A_22] : memref<1024x128xf32, #tpu.memory_space<vmem>>, vector<1024x128xf32>
    %dot_general3A_24 = arith.constant dense<0.000000e+00> : vector<1250x128xf32>
    %dot_general3A_25 = tpu.matmul %get3A_20, %get3A_23, %dot_general3A_24 {dimension_numbers = #tpu.dot_dimension_numbers<[1], [0], [0], [1], [0, 0, 1, 1], [], []>, transpose_lhs_hint = false} : vector<1250x1024xf32>, vector<1024x128xf32>, vector<1250x128xf32> -> vector<1250x128xf32>
    %slice3A = vector.extract_strided_slice %dot_general3A_15 {offsets = [0, 0], sizes = [1250, 128], strides = [1, 1]} : vector<1280x128xf32> to vector<1250x128xf32>
    %mul3A = arith.mulf %dot_general3A_25, %slice3A : vector<1250x128xf32>
    %swap3A_26 = arith.constant 0 : index
    %swap3A_27 = arith.constant 0 : index
    %swap3A_28 = vector.load %arg4[%swap3A_26, %swap3A_27] : memref<1280x128xf32, #tpu.memory_space<vmem>>, vector<1250x128xf32>
    tpu.vector_store %arg4[%swap3A_26, %swap3A_27], %mul3A {strides = array<i32>} : memref<1280x128xf32, #tpu.memory_space<vmem>>, vector<1250x128xf32>,
    %broadcast_in_dim3A = arith.constant 0.000000e+00 : f32
    %broadcast_in_dim3A_29 = vector.broadcast %broadcast_in_dim3A : f32 to vector<30x128xf32>
    %swap3A_30 = arith.constant 1250 : index
    %swap3A_31 = arith.constant 0 : index
    %swap3A_32 = vector.load %arg4[%swap3A_30, %swap3A_31] : memref<1280x128xf32, #tpu.memory_space<vmem>>, vector<30x128xf32>
    tpu.vector_store %arg4[%swap3A_30, %swap3A_31], %broadcast_in_dim3A_29 {strides = array<i32>} : memref<1280x128xf32, #tpu.memory_space<vmem>>, vector<30x128xf32>,
    return
  }
}

module attributes {stable_mosaic.version = 14 : i64} {
  func.func @_tc_table2_body(%arg0: memref<2x1280x128xf32, #tpu.memory_space<vmem>>, %arg1: memref<1280x128xf32, #tpu.memory_space<vmem>>, %arg2: memref<1280x128xf32, #tpu.memory_space<vmem>>, %arg3: memref<1x128xf32, #tpu.memory_space<vmem>>, %arg4: memref<128x128xf32, #tpu.memory_space<vmem>>, %arg5: memref<1280x128xf32, #tpu.memory_space<vmem>>) attributes {dimension_semantics = [], scalar_prefetch = 0 : i64, scratch_operands = 0 : i64, tpu.core_type = #tpu.core_type<tc>} {
    %get3A = arith.constant 0 : index
    %get3A_0 = arith.constant 0 : index
    %get3A_1 = arith.constant 0 : index
    %get3A_2 = vector.load %arg0[%get3A, %get3A_0, %get3A_1] : memref<2x1280x128xf32, #tpu.memory_space<vmem>>, vector<1x1280x128xf32>
    %get3A_3 = vector.shape_cast %get3A_2 : vector<1x1280x128xf32> to vector<1280x128xf32>
    %get3A_4 = arith.constant 1 : index
    %get3A_5 = arith.constant 0 : index
    %get3A_6 = arith.constant 0 : index
    %get3A_7 = vector.load %arg0[%get3A_4, %get3A_5, %get3A_6] : memref<2x1280x128xf32, #tpu.memory_space<vmem>>, vector<1x1280x128xf32>
    %get3A_8 = vector.shape_cast %get3A_7 : vector<1x1280x128xf32> to vector<1280x128xf32>
    %add3A = arith.addf %get3A_3, %get3A_8 : vector<1280x128xf32>
    %get3A_9 = arith.constant 0 : index
    %get3A_10 = arith.constant 0 : index
    %get3A_11 = vector.load %arg1[%get3A_9, %get3A_10] : memref<1280x128xf32, #tpu.memory_space<vmem>>, vector<1280x128xf32>
    %add3A_12 = arith.addf %add3A, %get3A_11 : vector<1280x128xf32>
    %get3A_13 = arith.constant 0 : index
    %get3A_14 = arith.constant 0 : index
    %get3A_15 = vector.load %arg2[%get3A_13, %get3A_14] : memref<1280x128xf32, #tpu.memory_space<vmem>>, vector<1280x128xf32>
    %mul3A = arith.mulf %add3A_12, %get3A_15 : vector<1280x128xf32>
    %get3A_16 = arith.constant 0 : index
    %get3A_17 = arith.constant 0 : index
    %get3A_18 = vector.load %arg3[%get3A_16, %get3A_17] : memref<1x128xf32, #tpu.memory_space<vmem>>, vector<1x128xf32>
    %add3A_19 = vector.broadcast %get3A_18 : vector<1x128xf32> to vector<1280x128xf32>
    %add3A_20 = arith.addf %mul3A, %add3A_19 : vector<1280x128xf32>
    %max3A = arith.constant 0.000000e+00 : f32
    %max3A_21 = vector.broadcast %max3A : f32 to vector<1280x128xf32>
    %max3A_22 = arith.maximumf %add3A_20, %max3A_21 : vector<1280x128xf32>
    %get3A_23 = arith.constant 0 : index
    %get3A_24 = arith.constant 0 : index
    %get3A_25 = vector.load %arg4[%get3A_23, %get3A_24] : memref<128x128xf32, #tpu.memory_space<vmem>>, vector<128x128xf32>
    %dot_general3A = arith.constant dense<0.000000e+00> : vector<1280x128xf32>
    %dot_general3A_26 = tpu.matmul %max3A_22, %get3A_25, %dot_general3A {dimension_numbers = #tpu.dot_dimension_numbers<[1], [0], [0], [1], [0, 0, 1, 1], [], []>, transpose_lhs_hint = false} : vector<1280x128xf32>, vector<128x128xf32>, vector<1280x128xf32> -> vector<1280x128xf32>
    %get3A_27 = arith.constant 0 : index
    %get3A_28 = arith.constant 0 : index
    %get3A_29 = vector.load %arg2[%get3A_27, %get3A_28] : memref<1280x128xf32, #tpu.memory_space<vmem>>, vector<1280x128xf32>
    %mul3A_30 = arith.mulf %dot_general3A_26, %get3A_29 : vector<1280x128xf32>
    %swap3A = arith.constant 0 : index
    %swap3A_31 = arith.constant 0 : index
    %swap3A_32 = vector.load %arg5[%swap3A, %swap3A_31] : memref<1280x128xf32, #tpu.memory_space<vmem>>, vector<1280x128xf32>
    tpu.vector_store %arg5[%swap3A, %swap3A_31], %mul3A_30 {strides = array<i32>} : memref<1280x128xf32, #tpu.memory_space<vmem>>, vector<1280x128xf32>,
    return
  }
}

module attributes {stable_mosaic.version = 14 : i64} {
  func.func @_tc_out_body(%arg0: memref<2x1280x128xf32, #tpu.memory_space<vmem>>, %arg1: memref<1280x128xf32, #tpu.memory_space<vmem>>, %arg2: memref<1280x128xf32, #tpu.memory_space<vmem>>, %arg3: memref<1x128xf32, #tpu.memory_space<vmem>>, %arg4: memref<4x128x128xf32, #tpu.memory_space<vmem>>, %arg5: memref<128x128xf32, #tpu.memory_space<vmem>>, %arg6: memref<1280x128xf32, #tpu.memory_space<vmem>>) attributes {dimension_semantics = [], scalar_prefetch = 0 : i64, scratch_operands = 0 : i64, tpu.core_type = #tpu.core_type<tc>} {
    %get3A = arith.constant 0 : index
    %get3A_0 = arith.constant 0 : index
    %get3A_1 = arith.constant 0 : index
    %get3A_2 = vector.load %arg0[%get3A, %get3A_0, %get3A_1] : memref<2x1280x128xf32, #tpu.memory_space<vmem>>, vector<1x1280x128xf32>
    %get3A_3 = vector.shape_cast %get3A_2 : vector<1x1280x128xf32> to vector<1280x128xf32>
    %get3A_4 = arith.constant 1 : index
    %get3A_5 = arith.constant 0 : index
    %get3A_6 = arith.constant 0 : index
    %get3A_7 = vector.load %arg0[%get3A_4, %get3A_5, %get3A_6] : memref<2x1280x128xf32, #tpu.memory_space<vmem>>, vector<1x1280x128xf32>
    %get3A_8 = vector.shape_cast %get3A_7 : vector<1x1280x128xf32> to vector<1280x128xf32>
    %add3A = arith.addf %get3A_3, %get3A_8 : vector<1280x128xf32>
    %get3A_9 = arith.constant 0 : index
    %get3A_10 = arith.constant 0 : index
    %get3A_11 = vector.load %arg1[%get3A_9, %get3A_10] : memref<1280x128xf32, #tpu.memory_space<vmem>>, vector<1280x128xf32>
    %add3A_12 = arith.addf %add3A, %get3A_11 : vector<1280x128xf32>
    %get3A_13 = arith.constant 0 : index
    %get3A_14 = arith.constant 0 : index
    %get3A_15 = vector.load %arg2[%get3A_13, %get3A_14] : memref<1280x128xf32, #tpu.memory_space<vmem>>, vector<1280x128xf32>
    %mul3A = arith.mulf %add3A_12, %get3A_15 : vector<1280x128xf32>
    %get3A_16 = arith.constant 0 : index
    %get3A_17 = arith.constant 0 : index
    %get3A_18 = vector.load %arg3[%get3A_16, %get3A_17] : memref<1x128xf32, #tpu.memory_space<vmem>>, vector<1x128xf32>
    %add3A_19 = vector.broadcast %get3A_18 : vector<1x128xf32> to vector<1280x128xf32>
    %add3A_20 = arith.addf %mul3A, %add3A_19 : vector<1280x128xf32>
    %iota3A = tpu.iota {dimensions = array<i32: 1>} : vector<1280x128xi32>
    %jit3A = arith.constant 16 : i32
    %eq3A = arith.constant 0 : i32
    %eq3A_21 = arith.cmpi eq, %jit3A, %eq3A : i32
    %jit3A_22 = arith.constant 1 : i32
    %select_n3A = arith.select %eq3A_21, %jit3A_22, %jit3A : i32
    %rem3A = vector.broadcast %select_n3A : i32 to vector<1280x128xi32>
    %rem3A_23 = arith.remsi %iota3A, %rem3A : vector<1280x128xi32>
    %ne3A = arith.constant 0 : i32
    %ne3A_24 = vector.broadcast %ne3A : i32 to vector<1280x128xi32>
    %ne3A_25 = arith.cmpi ne, %rem3A_23, %ne3A_24 : vector<1280x128xi32>
    %lt3A = arith.constant 0 : i32
    %lt3A_26 = vector.broadcast %lt3A : i32 to vector<1280x128xi32>
    %lt3A_27 = arith.cmpi slt, %rem3A_23, %lt3A_26 : vector<1280x128xi32>
    %lt3A_28 = arith.constant 0 : i32
    %lt3A_29 = arith.cmpi slt, %select_n3A, %lt3A_28 : i32
    %ne3A_30 = vector.broadcast %lt3A_29 : i1 to vector<1280x128xi1>
    %ne3A_31 = vector.broadcast %ne3A_30 : vector<1280x128xi1> to vector<1280x128xi1>
    %ne3A_32 = arith.xori %lt3A_27, %ne3A_31 : vector<1280x128xi1>
    %and3A = arith.andi %ne3A_32, %ne3A_25 : vector<1280x128xi1>
    %add3A_33 = vector.broadcast %select_n3A : i32 to vector<1280x128xi32>
    %add3A_34 = arith.addi %rem3A_23, %add3A_33 : vector<1280x128xi32>
    %select_n3A_35 = arith.select %and3A, %add3A_34, %rem3A_23 : vector<1280x128xi1>, vector<1280x128xi32>
    %lt3A_36 = arith.constant 7 : i32
    %lt3A_37 = vector.broadcast %lt3A_36 : i32 to vector<1280x128xi32>
    %lt3A_38 = arith.cmpi slt, %select_n3A_35, %lt3A_37 : vector<1280x128xi32>
    %jit3A_39 = arith.constant -1.000000e+30 : f32
    %broadcast_in_dim3A = vector.broadcast %jit3A_39 : f32 to vector<1280x128xf32>
    %select_n3A_40 = arith.select %lt3A_38, %add3A_20, %broadcast_in_dim3A : vector<1280x128xi1>, vector<1280x128xf32>
    %get3A_41 = arith.constant 0 : index
    %get3A_42 = arith.constant 0 : index
    %get3A_43 = arith.constant 0 : index
    %get3A_44 = vector.load %arg4[%get3A_41, %get3A_42, %get3A_43] : memref<4x128x128xf32, #tpu.memory_space<vmem>>, vector<1x128x128xf32>
    %get3A_45 = vector.shape_cast %get3A_44 : vector<1x128x128xf32> to vector<128x128xf32>
    %dot_general3A = arith.constant dense<0.000000e+00> : vector<1280x128xf32>
    %dot_general3A_46 = tpu.matmul %select_n3A_40, %get3A_45, %dot_general3A {dimension_numbers = #tpu.dot_dimension_numbers<[1], [0], [0], [1], [0, 0, 1, 1], [], []>, precision = #tpu.contract_precision<fp32>, transpose_lhs_hint = false} : vector<1280x128xf32>, vector<128x128xf32>, vector<1280x128xf32> -> vector<1280x128xf32>
    %max3A = arith.maximumf %select_n3A_40, %dot_general3A_46 : vector<1280x128xf32>
    %get3A_47 = arith.constant 1 : index
    %get3A_48 = arith.constant 0 : index
    %get3A_49 = arith.constant 0 : index
    %get3A_50 = vector.load %arg4[%get3A_47, %get3A_48, %get3A_49] : memref<4x128x128xf32, #tpu.memory_space<vmem>>, vector<1x128x128xf32>
    %get3A_51 = vector.shape_cast %get3A_50 : vector<1x128x128xf32> to vector<128x128xf32>
    %dot_general3A_52 = arith.constant dense<0.000000e+00> : vector<1280x128xf32>
    %dot_general3A_53 = tpu.matmul %max3A, %get3A_51, %dot_general3A_52 {dimension_numbers = #tpu.dot_dimension_numbers<[1], [0], [0], [1], [0, 0, 1, 1], [], []>, precision = #tpu.contract_precision<fp32>, transpose_lhs_hint = false} : vector<1280x128xf32>, vector<128x128xf32>, vector<1280x128xf32> -> vector<1280x128xf32>
    %max3A_54 = arith.maximumf %max3A, %dot_general3A_53 : vector<1280x128xf32>
    %get3A_55 = arith.constant 2 : index
    %get3A_56 = arith.constant 0 : index
    %get3A_57 = arith.constant 0 : index
    %get3A_58 = vector.load %arg4[%get3A_55, %get3A_56, %get3A_57] : memref<4x128x128xf32, #tpu.memory_space<vmem>>, vector<1x128x128xf32>
    %get3A_59 = vector.shape_cast %get3A_58 : vector<1x128x128xf32> to vector<128x128xf32>
    %dot_general3A_60 = arith.constant dense<0.000000e+00> : vector<1280x128xf32>
    %dot_general3A_61 = tpu.matmul %max3A_54, %get3A_59, %dot_general3A_60 {dimension_numbers = #tpu.dot_dimension_numbers<[1], [0], [0], [1], [0, 0, 1, 1], [], []>, precision = #tpu.contract_precision<fp32>, transpose_lhs_hint = false} : vector<1280x128xf32>, vector<128x128xf32>, vector<1280x128xf32> -> vector<1280x128xf32>
    %max3A_62 = arith.maximumf %max3A_54, %dot_general3A_61 : vector<1280x128xf32>
    %get3A_63 = arith.constant 3 : index
    %get3A_64 = arith.constant 0 : index
    %get3A_65 = arith.constant 0 : index
    %get3A_66 = vector.load %arg4[%get3A_63, %get3A_64, %get3A_65] : memref<4x128x128xf32, #tpu.memory_space<vmem>>, vector<1x128x128xf32>
    %get3A_67 = vector.shape_cast %get3A_66 : vector<1x128x128xf32> to vector<128x128xf32>
    %dot_general3A_68 = arith.constant dense<0.000000e+00> : vector<1280x128xf32>
    %dot_general3A_69 = tpu.matmul %max3A_62, %get3A_67, %dot_general3A_68 {dimension_numbers = #tpu.dot_dimension_numbers<[1], [0], [0], [1], [0, 0, 1, 1], [], []>, precision = #tpu.contract_precision<fp32>, transpose_lhs_hint = false} : vector<1280x128xf32>, vector<128x128xf32>, vector<1280x128xf32> -> vector<1280x128xf32>
    %max3A_70 = arith.maximumf %max3A_62, %dot_general3A_69 : vector<1280x128xf32>
    %sub3A = arith.subf %select_n3A_40, %max3A_70 : vector<1280x128xf32>
    %exp3A = math.exp %sub3A : vector<1280x128xf32>
    %get3A_71 = arith.constant 0 : index
    %get3A_72 = arith.constant 0 : index
    %get3A_73 = vector.load %arg5[%get3A_71, %get3A_72] : memref<128x128xf32, #tpu.memory_space<vmem>>, vector<128x128xf32>
    %dot_general3A_74 = arith.constant dense<0.000000e+00> : vector<1280x128xf32>
    %dot_general3A_75 = tpu.matmul %exp3A, %get3A_73, %dot_general3A_74 {dimension_numbers = #tpu.dot_dimension_numbers<[1], [0], [0], [1], [0, 0, 1, 1], [], []>, precision = #tpu.contract_precision<fp32>, transpose_lhs_hint = false} : vector<1280x128xf32>, vector<128x128xf32>, vector<1280x128xf32> -> vector<1280x128xf32>
    %sub3A_76 = arith.subf %add3A_20, %max3A_70 : vector<1280x128xf32>
    %log3A = math.log %dot_general3A_75 : vector<1280x128xf32>
    %sub3A_77 = arith.subf %sub3A_76, %log3A : vector<1280x128xf32>
    %swap3A = arith.constant 0 : index
    %swap3A_78 = arith.constant 0 : index
    %swap3A_79 = vector.load %arg6[%swap3A, %swap3A_78] : memref<1280x128xf32, #tpu.memory_space<vmem>>, vector<1280x128xf32>
    tpu.vector_store %arg6[%swap3A, %swap3A_78], %sub3A_77 {strides = array<i32>} : memref<1280x128xf32, #tpu.memory_space<vmem>>, vector<1280x128xf32>,
    return
  }
}

</mosaic_0001>

<sc_bundles>
// kernel: kernel.11.cloned.1.call-start
scs
__scs_entry_jumppad:
0x0: {  	(pc) =	sbr.rel $0x88, $3  }
0x1: {  	(tag) =	ssettag $0x0;
	lr =	simm.s32 $0x1  }
0x2: {  	[smem:$0x3F9B] =	sst lr;
	_ =	strace $0xD0000000  }
0x3: {  	_ = 	snop  }
0x4: {  	_ = 	snop  }
0x5: {  	_ = 	snop  }
0x6: {  	_ = 	snop  }
0x7: {  	_ = 	snop  }
__scs_overlays_trampoline_lowered:
0x8: {  	[smem:$0x3FAA] =	sst s0  }
0x9: {  	[smem:$0x3FAB] =	sst s1  }
0xa: {  	[smem:$0x3FAC] =	sst s2  }
0xb: {  	[smem:$0x3FAD] =	sst s3  }
0xc: {  	[smem:$0x3FAE] =	sst s4  }
0xd: {  	[smem:$0x3FAF] =	sst s5  }
0xe: {  	[smem:$0x3FB0] =	sst s6  }
0xf: {  	[smem:$0x3FB1] =	sst s7  }
0x10: {  	[smem:$0x3FB2] =	sst s8  }
0x11: {  	[smem:$0x3FB3] =	sst s9;
	s0 =	simm.s32 @!p0 $0x0  }
0x12: {  	s1 =	sld [smem:$0x3F99];
	s0 =	simm.s32 @p0 $0x1  }
0x13: {  	[smem:$0x3FB4] =	sst s0;
	s0 =	simm.s32 @!p1 $0x0  }
0x14: {  	s2 =	sld [smem:$0x3F98];
	s0 =	simm.s32 @p1 $0x1  }
0x15: {  	[smem:$0x3FB5] =	sst s0;
	s0 =	simm.s32 @!p2 $0x0  }
0x16: {  	s3 =	sld [smem:$0x3FDB];
	s0 =	simm.s32 @p2 $0x1  }
0x17: {  	s4 =	simm.s32 $0x1BF5;
	[smem:$0x3FB7] =	sst s0  }
0x18: {  	s0 =	sld [smem:$0x3F9A];
	_ =	swait.ge [sflag:s4], $0x0  }
0x19: {  	s7 =	sld [smem:$0x3F9B]  }
0x1a: {  	s8 =	sadd.s32 $0xFFFFE003, lr  }
0x1b: {  	s9 =	sadd.s32 $0xFFFFFEF7, lr;
	s5 =	simm.s32 $0xFFFFFFFF;
	p2 =	slt.u32 s8, $0xFFFFF086  }
0x1c: {  	p1 =	slt.u32 s9, $0xF7A;
	s5 =	simm.s32 @!p2 $0x0  }
0x1d: {  	s5 =	simm.s32 @p1 $0x1;
	p0 =	seq.s32 s7, s2  }
0x1e: {  	s7 =	smul.u32 @!p0 $0xF7A, s2;
	p2 =	seq.s32 @!p0 s5, $0x0  }
0x1f: {  	s9 =	smul.u32 $0xF7A, s1;
	s8 =	simm.s32 @!p0 $0x1BF5;
	p2 =	por !p2, p0  }
0x20: {  	[sflag:s8] =	ssyncset.s32 @!p0 $0xFFFFF086;
	s6 =	sadd.s32 @!p0 s3, s7;
	s7 =	simm.s32 @!p0 $0x108  }
0x21: {  	s3 =	sadd.s32 s3, s9;
	s6 =	sadd.s32 @!p0 $0x88, s6;
	s7 =	simm.s32 @p2 $0x1082  }
0x22: {  	[simem:s7], [sflag:s8] =	dma.local @!p0 [hbm:s6], $0xF7A  }
0x23: {  	s9 =	sor.u32 $0xD0000000, s2;
	s6 =	simm.s32 $0x108;
	_ =	swait.ge @!p0 [sflag:s8], $0x0  }
0x24: {  	s3 =	sadd.s32 $0x88, s3;
	s6 =	simm.s32 @!p1 $0x1082;
	[sflag:s4] =	ssyncset.s32 $0xFFFFF086  }
0x25: {  	[simem:s6], [sflag:s4] =	dma.local [hbm:s3], $0xF7A  }
0x26: {  	[smem:$0x3F9B] =	sst s1;
	(tag) =	ssettag s2;
	_ =	strace s9  }
0x27: {  	s1 =	sld [smem:$0x3FAB]  }
0x28: {  	s2 =	sld [smem:$0x3FAC]  }
0x29: {  	s4 =	sld [smem:$0x3FAE]  }
0x2a: {  	p0 =	seq.s32 s5, $0x0;
	s5 =	sld [smem:$0x3FAF]  }
0x2b: {  	s6 =	sld [smem:$0x3FB0]  }
0x2c: {  	s7 =	sld [smem:$0x3FB1]  }
0x2d: {  	s3 =	simm.s32 $0x108;
	s8 =	sld [smem:$0x3FB2]  }
0x2e: {  	s3 =	simm.s32 @!p0 $0x1082;
	s9 =	sld [smem:$0x3FB3]  }
0x2f: {  	lr =	sadd.s32 s0, s3;
	s0 =	sld [smem:$0x3FAA]  }
0x30: {  	s3 =	sld [smem:$0x3FAD]  }
0x31: {  	[smem:$0x3FB6] =	sst s10  }
0x32: {  	s10 =	sld [smem:$0x3FB4];
	_ =	sdelay $0x3  }
0x33: {  	p0 =	seq.s32 s10, $0x1;
	s10 =	sld [smem:$0x3FB6];
	_ =	sdelay $0x3  }
0x34: {  	[smem:$0x3FB6] =	sst s10  }
0x35: {  	s10 =	sld [smem:$0x3FB5];
	_ =	sdelay $0x3  }
0x36: {  	p1 =	seq.s32 s10, $0x1;
	s10 =	sld [smem:$0x3FB6];
	_ =	sdelay $0x3  }
0x37: {  	[smem:$0x3FB6] =	sst s10  }
0x38: {  	s10 =	sld [smem:$0x3FB7]  }
0x39: {  	_ = 	snop;
	(pc) =	sbr.ind lr, $3  }
0x3a: {  	_ = 	snop  }
0x3b: {  	_ = 	snop  }
0x3c: {  	p2 =	seq.s32 s10, $0x1;
	s10 =	sld [smem:$0x3FB6]  }
0x3d: {  	_ =	shalt  }
0x3e: {  	_ =	shalt  }
0x3f: {  	_ =	shalt  }
0x40: {  	_ =	shalt  }
0x41: {  	_ =	shalt  }
0x42: {  	_ =	shalt  }
0x43: {  	_ =	shalt  }
0x44: {  	_ =	shalt  }
0x45: {  	_ =	shalt  }
0x46: {  	_ =	shalt  }
0x47: {  	_ =	shalt  }
0x48: {  	_ =	shalt  }
0x49: {  	_ =	shalt  }
0x4a: {  	_ =	shalt  }
0x4b: {  	_ =	shalt  }
0x4c: {  	_ =	shalt  }
0x4d: {  	_ =	shalt  }
0x4e: {  	_ =	shalt  }
0x4f: {  	_ =	shalt  }
0x50: {  	_ =	shalt  }
0x51: {  	_ =	shalt  }
0x52: {  	_ =	shalt  }
0x53: {  	_ =	shalt  }
0x54: {  	_ =	shalt  }
0x55: {  	_ =	shalt  }
0x56: {  	_ =	shalt  }
0x57: {  	_ =	shalt  }
0x58: {  	_ =	shalt  }
0x59: {  	_ =	shalt  }
0x5a: {  	_ =	shalt  }
0x5b: {  	_ =	shalt  }
0x5c: {  	_ =	shalt  }
0x5d: {  	_ =	shalt  }
0x5e: {  	_ =	shalt  }
0x5f: {  	_ =	shalt  }
0x60: {  	_ =	shalt  }
0x61: {  	_ =	shalt  }
0x62: {  	_ =	shalt  }
0x63: {  	_ =	shalt  }
0x64: {  	_ =	shalt  }
0x65: {  	_ =	shalt  }
0x66: {  	_ =	shalt  }
0x67: {  	_ =	shalt  }
0x68: {  	_ =	shalt  }
0x69: {  	_ =	shalt  }
0x6a: {  	_ =	shalt  }
0x6b: {  	_ =	shalt  }
0x6c: {  	_ =	shalt  }
0x6d: {  	_ =	shalt  }
0x6e: {  	_ =	shalt  }
0x6f: {  	_ =	shalt  }
0x70: {  	_ =	shalt  }
0x71: {  	_ =	shalt  }
0x72: {  	_ =	shalt  }
0x73: {  	_ =	shalt  }
0x74: {  	_ =	shalt  }
0x75: {  	_ =	shalt  }
0x76: {  	_ =	shalt  }
0x77: {  	_ =	shalt  }
0x78: {  	_ =	shalt  }
0x79: {  	_ =	shalt  }
0x7a: {  	_ =	shalt  }
0x7b: {  	_ =	shalt  }
0x7c: {  	_ =	shalt  }
0x7d: {  	_ =	shalt  }
0x7e: {  	_ =	shalt  }
0x7f: {  	_ =	shalt  }
0x80: {  	_ =	shalt  }
0x81: {  	_ =	shalt  }
0x82: {  	_ =	shalt  }
0x83: {  	_ =	shalt  }
0x84: {  	_ =	shalt  }
0x85: {  	_ =	shalt  }
0x86: {  	_ =	shalt  }
0x87: {  	_ =	shalt  }
.Lfunc_end0:
.L_simem_size_0:
called_computation.1_lowered:
.L_overlay_start_0:
0x88: {  	s2 =	sld [smem:$0x3FD9]  }
0x89: {  	s3 =	sld [smem:$0x3FFE];
	_ =	sdelay $0x1  }
0x8a: {  	s1 =	srdreg.scid  }
0x8b: {  	s0 =	sand.u32 $0x1, s1  }
0x8c: {  	s16 =	sshll.u32 s0, $0xA;
	s2 =	sadd.s32 s3, s2  }
0x8d: {  	s2 =	sadd.s32 s2, s16  }
0x8e: {  	[smem:$0x3FC2] =	sst s2  }
0x8f: {  	_ = 	snop  }
0x90: {  	(tm) =	ssettm $0x1  }
0x91: {  	s17 =	sld [smem:$0x3FFB];
	_ =	sdelay $0x3  }
0x92: {  	_ =	strace s17  }
0x93: {  	s2 =	sld [smem:$0x3FFC];
	_ =	sdelay $0x3  }
0x94: {  	_ =	strace s2  }
0x95: {  	s2 =	sld [smem:$0x3FFD];
	_ =	sdelay $0x3  }
0x96: {  	_ =	strace s2  }
0x97: {  	_ =	strace $0x8FFFFFFF  }
0x98: {  	s18 =	sld [smem:$0x3FDB];
	_ =	sdelay $0x1  }
0x99: {  	s19 =	simm.s32 $_scs_section_size  }
0x9a: {  	s4 =	simm.s32 $_size__tile_overlayer_lowered;
	s5 =	simm.s32 $_tile_overlayer_lowered  }
0x9b: {  	s22 =	simm.s32 $0x1BFF;
	s21 =	sshll.u32 s5, $0x1;
	s2 =	sadd.s32 s19, s18  }
0x9c: {  	s6 =	simm.s32 $0x0;
	s20 =	sshll.u32 s4, $0x1;
	s4 =	sadd.s32 s21, s2  }
0x9d: {  	[timem:s6], [sflag:s22] =	dma.local [hbm:s4], s20  }
0x9e: {  	_ =	swait.ge [sflag:s22], s20  }
0x9f: {  	s3 =	ssub.s32 $0x0, s20;
	[sflag:s22] =	ssyncset.done $0x0  }
0xa0: {  	[sflag:s22] =	ssyncadd.s32 s3;
	_ =	sdelay $0x1  }
0xa1: {  	s23 =	simm.s32 $0x1B8B  }
0xa2: {  	_ =	swait.ge [sflag:s23], $0x1  }
0xa3: {  	[sflag:s23] =	ssyncset.done $0x0  }
0xa4: {  	s25 =	simm.s32 $0x1B8E;
	s24 =	sld [smem:$0x3FFE];
	[sflag:s23] =	ssyncadd.s32 $0xFFFFFFFF  }
0xa5: {  	s26 =	simm.s32 $execute0_lowered;
	[smem:$0x3FD2] =	sst s25  }
0xa6: {  	s4 =	sshll.u32 s26, $0x1;
	_ =	strace $0x80000049;
	[dreg:$0x1] =	wrdreg $0xFFFFFFFF  }
0xa7: {  	s28 =	simm.s32 $_size_execute0_lowered;
	s2 =	sadd.s32 s2, s4;
	[dreg:$0x0] =	wrdreg $0x0  }
0xa8: {  	s4 =	sshll.u32 s28, $0x1;
	[dreg:$0x2] =	wrdreg s2  }
0xa9: {  	[dreg:$0x3] =	wrdreg s4  }
0xaa: {  	[dreg:$0x4] =	wrdreg $0xC0  }
0xab: {  	_ =	task [dreg:s6], $0x5FFFF  }
0xac: {  	[dreg:$0x1] =	wrdreg $0xFFFFFFFF  }
0xad: {  	[dreg:$0x0] =	wrdreg $0x60  }
0xae: {  	[dreg:$0x2] =	wrdreg s24  }
0xaf: {  	[dreg:$0x3] =	wrdreg $0x120000  }
0xb0: {  	[dreg:$0x4] =	wrdreg $0xF8000  }
0xb1: {  	[dreg:$0x5] =	wrdreg $0x9  }
0xb2: {  	_ =	task.clear_ibuf [dreg:s6], $0x6FFFF;
	_ =	strace $0x90000049  }
0xb3: {  	s29 =	simm.s32 $0x9;
	_ =	strace $0x8000004B  }
0xb4: {  	_ =	swait.ge [sflag:s29], $0x1  }
0xb5: {  	[sflag:s29] =	ssyncadd.s32 $0xFFFFFFFF  }
0xb6: {  	_ =	strace $0x9000004B  }
0xb7: {  	_ =	sfence  }
0xb8: {  	s30 =	sld [smem:$0x0];
	_ =	sdelay $0x2  }
0xb9: {  	s31 =	sshll.u32 s1, $0xD;
	s1 =	sshrl.u32 s1, $0x2  }
0xba: {  	s3 =	sand.u32 $0x4000, s31;
	s1 =	sadd.s32 s1, s30  }
0xbb: {  	s0 =	sor.u32 s3, s0;
	s1 =	sshll.u32 s1, $0x11  }
0xbc: {  	s0 =	sor.u32 s1, s0  }
0xbd: {  	s0 =	sadd.s32 $0x8F2B, s0  }
0xbe: {  	[sflag:s0] =	ssyncadd.remote.s32 $0x1  }
0xbf: {  	_ =	sfence.sel $0xFFFF  }
0xc0: {  	[dreg:$0x0] =	wrdreg $0xFFFFFFFF;
	(pc) =	sbr.abs _section_cstart, $3  }
0xc1: {  	[dreg:$0x1] =	wrdreg $0xFFFFFFFF  }
0xc2: {  	_ =	task.clear_ibuf [dreg:s6], $0x2FFFF;
	_ =	strace $0x9FFFFFFF  }
0xc3: {  	(tm) =	ssettm $0x7FFFFFFF  }
tec
execute0_lowered:
.L_overlay_start_1:
0x0: {  	(tag) =	ssettag $0x1  }
0x1: {  	s1 =	rddreg [dreg:$0x0]  }
0x2: {  	s0 =	srdreg.scid;
	s2 =	rddreg [dreg:$0x1]  }
0x3: {  	s5 =	stileid.u32;
	s3 =	rddreg [dreg:$0x2]  }
0x4: {  	s12 =	simm.s32 $0xD000;
	s13 =	simm.s32 $0x3;
	s15 =	simm.s32 $0x80  }
0x5: {  	s28 =	simm.s32 $0x8000;
	s29 =	simm.s32 $0x380;
	s30 =	simm.s32 $0x8800  }
0x6: {  	s31 =	simm.s32 $0x1;
	s0 =	sand.u32 $0x1, s0;
	s9 =	smul.u32 $0x2800, s5  }
0x7: {  	s4 =	sshll.u32 s0, $0x4;
	s7 =	smul.u32 $0x28000, s0;
	s0 =	ssub.s32 $0x2, s0  }
0x8: {  	s5 =	sor.u32 s5, s4;
	s4 =	simm.s32 $0x0;
	s6 =	sshrl.u32 s9, $0x3  }
0x9: {  	s26 =	sshrl.u32 s0, $0x1;
	s5 =	smul.u32 $0x2800, s5;
	[smem:$0x7FF] =	sst s4  }
0xa: {  	s6 =	sadd.s32 s6, s1;
	s7 =	sadd.s32 s9, s7;
	s0 =	ssub.s32 s0, s26  }
0xb: {  	s26 =	simm.s32 $0x300;
	_ =	strace $0x8000004A;
	s25 =	sshrl.u32 s7, $0x3  }
0xc: {  	s11 =	smax.u32 s0, $0x1;
	s0 =	simm.s32 $0x0;
	s5 =	sshrl.u32 s5, $0x3  }
0xd: {  	s8 =	sadd.s32 s5, s1;
	s1 =	sadd.s32 s25, s1;
	s5 =	sadd.s32 $0x17200, s6  }
0xe: {  	s6 =	sadd.s32 s9, s2;
	s9 =	sadd.s32 s9, s3;
	s7 =	sadd.s32 $0x3200, s8  }
0xf: {  	v0 =	vimm.f32 $0.0e+00;
	s8 =	sadd.s32 $0xD200, s8;
	s10 =	sadd.s32 $0x1C200, s1;
	s1 =	simm.s32 $0x2  }
.LBB2_1:
0x10: {  	[tilespmem:s12], [sflag:$0x3] =	stream.linear.gather [hbm4b:s5+s4], $0x2800, $0x38;
	[tilespmem:$0x14800] =	vst v63  }
0x11: {  	_ =	swait.ge [sflag:s13], $0x2800  }
0x12: {  	[sflag:s13] =	ssyncset.done $0x0  }
0x13: {  	[sflag:s13] =	ssyncadd.s32 $0xFFFFD800  }
0x14: {  	[spmem:s6] =	stream.linear.scatter [tilespmem:s12], [sflag:$0x3], $0x2800, $0x38;
	[tilespmem:$0x14800] =	vst v63  }
0x15: {  	_ =	swait.ge [sflag:s13], $0x2800  }
0x16: {  	[sflag:s13] =	ssyncset.done $0x0  }
0x17: {  	s14 =	simm.s32 $0x40;
	s16 =	simm.s32 $0x0;
	[sflag:s13] =	ssyncadd.s32 $0xFFFFD800  }
.LBB2_2:
0x18: {  	p0 =	sne.s32 s14, $0x9FC0;
	[tilespmem:s16+$0xD000] =	vst v0;
	s16 =	smov.u32 s14;
	s14 =	sadd.s32 $0x40, s14  }
.Ltmp0:
0x19: {  	(pc) =	sbr.rel @p0 .LBB2_2-.Ltmp0, $2  }
0x1a: {  	_ =	sdelay $0x2  }
0x1b: {  	s16 =	sshra.s32 s16, $0x2  }
0x1c: {  	[tilespmem:s16+$0xD000] =	vst v0;
	s14 =	simm.s32 $0x0  }
0x1d: {  	[tilespmem:s14], [sflag:$0x3] =	stream.linear.gather [hbm4b:s7+s14], $0x2800, $0x38;
	[tilespmem:$0x14800] =	vst v63  }
0x1e: {  	_ =	swait.ge [sflag:s13], $0x2800  }
0x1f: {  	[sflag:s13] =	ssyncset.done $0x0  }
0x20: {  	s17 =	simm.s32 $0x2800;
	[sflag:s13] =	ssyncadd.s32 $0xFFFFD800  }
0x21: {  	[tilespmem:s17], [sflag:$0x3] =	stream.linear.gather [hbm4b:s8+s14], $0x2800, $0x38;
	[tilespmem:$0x14800] =	vst v63  }
0x22: {  	_ =	swait.ge [sflag:s13], $0x2800  }
0x23: {  	[sflag:s13] =	ssyncset.done $0x0  }
0x24: {  	[sflag:s13] =	ssyncadd.s32 $0xFFFFD800  }
0x25: {  	[spmem:s9] =	stream.linear.scatter [tilespmem:s12], [sflag:$0x3], $0x2800, $0x38;
	[tilespmem:$0x14800] =	vst v63  }
0x26: {  	_ =	swait.ge [sflag:s13], $0x2800  }
0x27: {  	[sflag:s13] =	ssyncset.done $0x0  }
0x28: {  	[sflag:s13] =	ssyncadd.s32 $0xFFFFD800  }
0x29: {  	s18 =	simm.s32 $0x5000;
	[bflag:$0x0] =	sbarrier.arrive $0xFFFF  }
0x2a: {  	[tilespmem:s18], [sflag:$0x1] =	stream.indirect.gather [spmem:s2], $0x10, s14, s15, $0xb8;
	[tilespmem:$0x14800] =	vst v63  }
0x2b: {  	s19 =	simm.s32 $0x5800  }
0x2c: {  	[tilespmem:s19], [sflag:$0x1] =	stream.indirect.gather [spmem:s2], $0x10, s15, s15, $0xb8;
	[tilespmem:$0x14800] =	vst v63  }
0x2d: {  	s20 =	simm.s32 $0x100;
	s21 =	simm.s32 $0x6000  }
0x2e: {  	[tilespmem:s21], [sflag:$0x1] =	stream.indirect.gather [spmem:s2], $0x10, s20, s15, $0xb8;
	[tilespmem:$0x14800] =	vst v63  }
0x2f: {  	s22 =	simm.s32 $0x180;
	s23 =	simm.s32 $0x6800  }
0x30: {  	[tilespmem:s23], [sflag:$0x1] =	stream.indirect.gather [spmem:s2], $0x10, s22, s15, $0xb8;
	[tilespmem:$0x14800] =	vst v63  }
0x31: {  	s24 =	simm.s32 $0x200;
	s25 =	simm.s32 $0x7000  }
0x32: {  	[tilespmem:s25], [sflag:$0x1] =	stream.indirect.gather [spmem:s2], $0x10, s24, s15, $0xb8;
	[tilespmem:$0x14800] =	vst v63  }
0x33: {  	s17 =	simm.s32 $0x280;
	s18 =	simm.s32 $0x7800  }
0x34: {  	[tilespmem:s18], [sflag:$0x1] =	stream.indirect.gather [spmem:s2], $0x10, s17, s15, $0xb8;
	[tilespmem:$0x14800] =	vst v63  }
0x35: {  	p0 =	por $0x0, $0x0;
	s14 =	simm.s32 $0x4000  }
0x36: {  	[tilespmem:s28], [sflag:$0x1] =	stream.indirect.gather [spmem:s2], $0x10, s26, s15, $0xb8;
	[tilespmem:$0x14800] =	vst v63  }
0x37: {  	s14 =	sand.u32 @!p0 $0x4000, s14  }
0x38: {  	[tilespmem:s30], [sflag:$0x1] =	stream.indirect.gather [spmem:s2], $0x10, s29, s15, $0xb8;
	[tilespmem:$0x14800] =	vst v63  }
0x39: {  	s16 =	sadd.s32 @!p0 $0x5000, s14;
	s17 =	simm.s32 @!p0 $0x400;
	s18 =	simm.s32 @!p0 $0x80  }
0x3a: {  	[tilespmem:s16], [sflag:$0x1] =	stream.indirect.gather @!p0 [spmem:s2], $0x10, s17, s18, $0xb8;
	[tilespmem:$0x14800] =	vst v63  }
0x3b: {  	s16 =	sadd.s32 @!p0 $0x5800, s14;
	s17 =	simm.s32 @!p0 $0x480  }
0x3c: {  	[tilespmem:s16], [sflag:$0x1] =	stream.indirect.gather @!p0 [spmem:s2], $0x10, s17, s18, $0xb8;
	[tilespmem:$0x14800] =	vst v63  }
0x3d: {  	s16 =	sadd.s32 @!p0 $0x6000, s14;
	s17 =	simm.s32 @!p0 $0x500  }
0x3e: {  	[tilespmem:s16], [sflag:$0x1] =	stream.indirect.gather @!p0 [spmem:s2], $0x10, s17, s18, $0xb8;
	[tilespmem:$0x14800] =	vst v63  }
0x3f: {  	s16 =	sadd.s32 @!p0 $0x6800, s14;
	s17 =	simm.s32 @!p0 $0x580  }
0x40: {  	[tilespmem:s16], [sflag:$0x1] =	stream.indirect.gather @!p0 [spmem:s2], $0x10, s17, s18, $0xb8;
	[tilespmem:$0x14800] =	vst v63  }
0x41: {  	s16 =	sadd.s32 @!p0 $0x7000, s14;
	s17 =	simm.s32 @!p0 $0x600  }
0x42: {  	[tilespmem:s16], [sflag:$0x1] =	stream.indirect.gather @!p0 [spmem:s2], $0x10, s17, s18, $0xb8;
	[tilespmem:$0x14800] =	vst v63  }
0x43: {  	s16 =	sadd.s32 @!p0 $0x7800, s14;
	s17 =	simm.s32 @!p0 $0x680  }
0x44: {  	[tilespmem:s16], [sflag:$0x1] =	stream.indirect.gather @!p0 [spmem:s2], $0x10, s17, s18, $0xb8;
	[tilespmem:$0x14800] =	vst v63  }
0x45: {  	s16 =	sor.u32 @!p0 $0x8000, s14;
	s17 =	simm.s32 @!p0 $0x700  }
0x46: {  	[tilespmem:s16], [sflag:$0x1] =	stream.indirect.gather @!p0 [spmem:s2], $0x10, s17, s18, $0xb8;
	[tilespmem:$0x14800] =	vst v63  }
0x47: {  	s14 =	sor.u32 @!p0 $0x8800, s14;
	s16 =	simm.s32 @!p0 $0x780  }
0x48: {  	[tilespmem:s14], [sflag:$0x1] =	stream.indirect.gather @!p0 [spmem:s2], $0x10, s16, s18, $0xb8;
	[tilespmem:$0x14800] =	vst v63  }
0x49: {  	_ =	swait.ge [sflag:s31], $0x800  }
0x4a: {  	[sflag:s31] =	ssyncset.done $0x0  }
0x4b: {  	[sflag:s31] =	ssyncadd.s32 $0xFFFFF800  }
0x4c: {  	_ =	swait.ge [sflag:s31], $0x800  }
0x4d: {  	[sflag:s31] =	ssyncset.done $0x0  }
0x4e: {  	[sflag:s31] =	ssyncadd.s32 $0xFFFFF800  }
0x4f: {  	_ =	swait.ge [sflag:s31], $0x800  }
0x50: {  	[sflag:s31] =	ssyncset.done $0x0  }
0x51: {  	[sflag:s31] =	ssyncadd.s32 $0xFFFFF800  }
0x52: {  	_ =	swait.ge [sflag:s31], $0x800  }
0x53: {  	[sflag:s31] =	ssyncset.done $0x0  }
0x54: {  	[sflag:s31] =	ssyncadd.s32 $0xFFFFF800  }
0x55: {  	_ =	swait.ge [sflag:s31], $0x800  }
0x56: {  	[sflag:s31] =	ssyncset.done $0x0  }
0x57: {  	[sflag:s31] =	ssyncadd.s32 $0xFFFFF800  }
0x58: {  	_ =	swait.ge [sflag:s31], $0x800  }
0x59: {  	[sflag:s31] =	ssyncset.done $0x0  }
0x5a: {  	[sflag:s31] =	ssyncadd.s32 $0xFFFFF800  }
0x5b: {  	_ =	swait.ge [sflag:s31], $0x800  }
0x5c: {  	[sflag:s31] =	ssyncset.done $0x0  }
0x5d: {  	[sflag:s31] =	ssyncadd.s32 $0xFFFFF800  }
0x5e: {  	s19 =	simm.s32 $0x0;
	_ =	swait.ge [sflag:s31], $0x800  }
0x5f: {  	s14 =	sand.u32 $0x4000, s19;
	[sflag:s31] =	ssyncset.done $0x0  }
0x60: {  	s21 =	simm.s32 $0x2800;
	s20 =	sadd.s32 $0x5000, s14;
	[sflag:s31] =	ssyncadd.s32 $0xFFFFF800  }
0x61: {  	[spmem:s3] =	stream.indirect.scatter.add.f32 [tilespmem:s20], [sflag:$0x2], $0x10, s21, s15, $0xb8;
	[tilespmem:$0x14800] =	vst v63  }
0x62: {  	s23 =	simm.s32 $0x2880;
	s22 =	sadd.s32 $0x5800, s14  }
0x63: {  	[spmem:s3] =	stream.indirect.scatter.add.f32 [tilespmem:s22], [sflag:$0x2], $0x10, s23, s15, $0xb8;
	[tilespmem:$0x14800] =	vst v63  }
0x64: {  	s25 =	simm.s32 $0x2900;
	s24 =	sadd.s32 $0x6000, s14  }
0x65: {  	[spmem:s3] =	stream.indirect.scatter.add.f32 [tilespmem:s24], [sflag:$0x2], $0x10, s25, s15, $0xb8;
	[tilespmem:$0x14800] =	vst v63  }
0x66: {  	s18 =	simm.s32 $0x2980;
	s17 =	sadd.s32 $0x6800, s14  }
0x67: {  	[spmem:s3] =	stream.indirect.scatter.add.f32 [tilespmem:s17], [sflag:$0x2], $0x10, s18, s15, $0xb8;
	[tilespmem:$0x14800] =	vst v63  }
0x68: {  	s19 =	sadd.s32 $0x7000, s14;
	s20 =	simm.s32 $0x2A00  }
0x69: {  	[spmem:s3] =	stream.indirect.scatter.add.f32 [tilespmem:s19], [sflag:$0x2], $0x10, s20, s15, $0xb8;
	[tilespmem:$0x14800] =	vst v63  }
0x6a: {  	s21 =	sadd.s32 $0x7800, s14;
	s22 =	simm.s32 $0x2A80  }
0x6b: {  	[spmem:s3] =	stream.indirect.scatter.add.f32 [tilespmem:s21], [sflag:$0x2], $0x10, s22, s15, $0xb8;
	[tilespmem:$0x14800] =	vst v63  }
0x6c: {  	s23 =	sor.u32 $0x8000, s14;
	s24 =	simm.s32 $0x2B00  }
0x6d: {  	[spmem:s3] =	stream.indirect.scatter.add.f32 [tilespmem:s23], [sflag:$0x2], $0x10, s24, s15, $0xb8;
	[tilespmem:$0x14800] =	vst v63  }
0x6e: {  	s14 =	sor.u32 $0x8800, s14;
	s25 =	simm.s32 $0x2B80  }
0x6f: {  	[spmem:s3] =	stream.indirect.scatter.add.f32 [tilespmem:s14], [sflag:$0x2], $0x10, s25, s15, $0xb8;
	[tilespmem:$0x14800] =	vst v63  }
0x70: {  	_ =	swait.ge [sflag:s1], $0x800  }
0x71: {  	[sflag:s1] =	ssyncset.done $0x0  }
0x72: {  	[sflag:s1] =	ssyncadd.s32 $0xFFFFF800  }
0x73: {  	_ =	swait.ge [sflag:s1], $0x800  }
0x74: {  	[sflag:s1] =	ssyncset.done $0x0  }
0x75: {  	[sflag:s1] =	ssyncadd.s32 $0xFFFFF800  }
0x76: {  	_ =	swait.ge [sflag:s1], $0x800  }
0x77: {  	[sflag:s1] =	ssyncset.done $0x0  }
0x78: {  	[sflag:s1] =	ssyncadd.s32 $0xFFFFF800  }
0x79: {  	_ =	swait.ge [sflag:s1], $0x800  }
0x7a: {  	[sflag:s1] =	ssyncset.done $0x0  }
0x7b: {  	[sflag:s1] =	ssyncadd.s32 $0xFFFFF800  }
0x7c: {  	_ =	swait.ge [sflag:s1], $0x800  }
0x7d: {  	[sflag:s1] =	ssyncset.done $0x0  }
0x7e: {  	[sflag:s1] =	ssyncadd.s32 $0xFFFFF800  }
0x7f: {  	_ =	swait.ge [sflag:s1], $0x800  }
0x80: {  	[sflag:s1] =	ssyncset.done $0x0  }
0x81: {  	[sflag:s1] =	ssyncadd.s32 $0xFFFFF800  }
0x82: {  	_ =	swait.ge [sflag:s1], $0x800  }
0x83: {  	p1 =	por $0x0, $0x0;
	s16 =	simm.s32 $0x1000;
	[sflag:s1] =	ssyncset.done $0x0  }
0x84: {  	s17 =	simm.s32 $0x2000;
	s14 =	simm.s32 $0x8000;
	[sflag:s1] =	ssyncadd.s32 $0xFFFFF800  }
0x85: {  	s20 =	simm.s32 @!p1 $0x400;
	s19 =	sand.u32 @!p1 $0x4000, s14;
	_ =	swait.ge [sflag:s1], $0x800  }
.LBB2_4:
0x86: {  	s21 =	sadd.s32 @!p1 $0x5000, s19  }
0x87: {  	s22 =	sadd.s32 @!p1 $0x400, s20;
	[sflag:s1] =	ssyncset.done $0x0;
	s18 =	smov.u32 s17  }
0x88: {  	s23 =	simm.s32 @!p1 $0x80;
	s24 =	sadd.s32 @!p1 $0x5800, s19;
	[sflag:s1] =	ssyncadd.s32 $0xFFFFF800  }
0x89: {  	[tilespmem:s21], [sflag:$0x1] =	stream.indirect.gather @!p1 [spmem:s2], $0x10, s22, s23, $0xb8;
	[tilespmem:$0x14800] =	vst v63  }
0x8a: {  	s25 =	sadd.s32 @!p1 $0x500, s20;
	s21 =	sadd.s32 @!p1 $0x480, s20;
	s22 =	sadd.s32 @!p1 $0x6000, s19  }
0x8b: {  	[tilespmem:s24], [sflag:$0x1] =	stream.indirect.gather @!p1 [spmem:s2], $0x10, s21, s23, $0xb8;
	[tilespmem:$0x14800] =	vst v63  }
0x8c: {  	s17 =	sadd.s32 $0x1000, s17;
	s21 =	sadd.s32 @!p1 $0x6800, s19;
	s24 =	sadd.s32 @!p1 $0x580, s20  }
0x8d: {  	[tilespmem:s22], [sflag:$0x1] =	stream.indirect.gather @!p1 [spmem:s2], $0x10, s25, s23, $0xb8;
	[tilespmem:$0x14800] =	vst v63  }
0x8e: {  	p0 =	sne.s32 s17, $0xA000;
	s22 =	sadd.s32 @!p1 $0x7000, s19;
	s25 =	sadd.s32 @!p1 $0x600, s20  }
0x8f: {  	[tilespmem:s21], [sflag:$0x1] =	stream.indirect.gather @!p1 [spmem:s2], $0x10, s24, s23, $0xb8;
	[tilespmem:$0x14800] =	vst v63  }
0x90: {  	s21 =	sadd.s32 @!p1 $0x7800, s19;
	s24 =	sadd.s32 @!p1 $0x680, s20  }
0x91: {  	[tilespmem:s22], [sflag:$0x1] =	stream.indirect.gather @!p1 [spmem:s2], $0x10, s25, s23, $0xb8;
	[tilespmem:$0x14800] =	vst v63  }
0x92: {  	s22 =	sor.u32 @!p1 $0x8000, s19;
	s25 =	sadd.s32 @!p1 $0x700, s20  }
0x93: {  	[tilespmem:s21], [sflag:$0x1] =	stream.indirect.gather @!p1 [spmem:s2], $0x10, s24, s23, $0xb8;
	[tilespmem:$0x14800] =	vst v63  }
0x94: {  	s19 =	sor.u32 @!p1 $0x8800, s19;
	s20 =	sadd.s32 @!p1 $0x780, s20  }
0x95: {  	[tilespmem:s22], [sflag:$0x1] =	stream.indirect.gather @!p1 [spmem:s2], $0x10, s25, s23, $0xb8;
	[tilespmem:$0x14800] =	vst v63  }
0x96: {  	_ = 	snop  }
0x97: {  	[tilespmem:s19], [sflag:$0x1] =	stream.indirect.gather @!p1 [spmem:s2], $0x10, s20, s23, $0xb8;
	[tilespmem:$0x14800] =	vst v63  }
0x98: {  	_ =	swait.ge [sflag:s31], $0x800  }
0x99: {  	[sflag:s31] =	ssyncset.done $0x0  }
0x9a: {  	[sflag:s31] =	ssyncadd.s32 $0xFFFFF800  }
0x9b: {  	_ =	swait.ge [sflag:s31], $0x800  }
0x9c: {  	[sflag:s31] =	ssyncset.done $0x0  }
0x9d: {  	[sflag:s31] =	ssyncadd.s32 $0xFFFFF800  }
0x9e: {  	_ =	swait.ge [sflag:s31], $0x800  }
0x9f: {  	[sflag:s31] =	ssyncset.done $0x0  }
0xa0: {  	[sflag:s31] =	ssyncadd.s32 $0xFFFFF800  }
0xa1: {  	_ =	swait.ge [sflag:s31], $0x800  }
0xa2: {  	[sflag:s31] =	ssyncset.done $0x0  }
0xa3: {  	[sflag:s31] =	ssyncadd.s32 $0xFFFFF800  }
0xa4: {  	_ =	swait.ge [sflag:s31], $0x800  }
0xa5: {  	[sflag:s31] =	ssyncset.done $0x0  }
0xa6: {  	[sflag:s31] =	ssyncadd.s32 $0xFFFFF800  }
0xa7: {  	_ =	swait.ge [sflag:s31], $0x800  }
0xa8: {  	[sflag:s31] =	ssyncset.done $0x0  }
0xa9: {  	[sflag:s31] =	ssyncadd.s32 $0xFFFFF800  }
0xaa: {  	_ =	swait.ge [sflag:s31], $0x800  }
0xab: {  	[sflag:s31] =	ssyncset.done $0x0  }
0xac: {  	s19 =	sadd.s32 $0xFFFFC000, s14;
	[sflag:s31] =	ssyncadd.s32 $0xFFFFF800  }
0xad: {  	s20 =	sshra.s32 s16, $0x2;
	s19 =	sand.u32 $0x4000, s19;
	_ =	swait.ge [sflag:s31], $0x800  }
0xae: {  	s21 =	sadd.s32 $0x2800, s20;
	s16 =	sadd.s32 $0x5000, s19;
	[sflag:s31] =	ssyncset.done $0x0  }
0xaf: {  	s23 =	sadd.s32 $0x2880, s20;
	s22 =	sadd.s32 $0x5800, s19;
	[sflag:s31] =	ssyncadd.s32 $0xFFFFF800  }
0xb0: {  	[spmem:s3] =	stream.indirect.scatter.add.f32 [tilespmem:s16], [sflag:$0x2], $0x10, s21, s15, $0xb8;
	[tilespmem:$0x14800] =	vst v63  }
0xb1: {  	s24 =	sadd.s32 $0x2900, s20;
	s21 =	sadd.s32 $0x6000, s19;
	s16 =	smov.u32 s18  }
0xb2: {  	[spmem:s3] =	stream.indirect.scatter.add.f32 [tilespmem:s22], [sflag:$0x2], $0x10, s23, s15, $0xb8;
	[tilespmem:$0x14800] =	vst v63  }
0xb3: {  	s18 =	sadd.s32 $0x6800, s19;
	s22 =	sadd.s32 $0x2980, s20  }
0xb4: {  	[spmem:s3] =	stream.indirect.scatter.add.f32 [tilespmem:s21], [sflag:$0x2], $0x10, s24, s15, $0xb8;
	[tilespmem:$0x14800] =	vst v63  }
0xb5: {  	s23 =	sadd.s32 $0x2A00, s20;
	s21 =	sadd.s32 $0x7000, s19  }
0xb6: {  	[spmem:s3] =	stream.indirect.scatter.add.f32 [tilespmem:s18], [sflag:$0x2], $0x10, s22, s15, $0xb8;
	[tilespmem:$0x14800] =	vst v63  }
0xb7: {  	s18 =	sadd.s32 $0x7800, s19;
	s22 =	sadd.s32 $0x2A80, s20  }
0xb8: {  	[spmem:s3] =	stream.indirect.scatter.add.f32 [tilespmem:s21], [sflag:$0x2], $0x10, s23, s15, $0xb8;
	[tilespmem:$0x14800] =	vst v63  }
0xb9: {  	s21 =	sor.u32 $0x8000, s19;
	s23 =	sadd.s32 $0x2B00, s20  }
0xba: {  	[spmem:s3] =	stream.indirect.scatter.add.f32 [tilespmem:s18], [sflag:$0x2], $0x10, s22, s15, $0xb8;
	[tilespmem:$0x14800] =	vst v63  }
0xbb: {  	s18 =	sor.u32 $0x8800, s19;
	s19 =	sadd.s32 $0x2B80, s20  }
0xbc: {  	[spmem:s3] =	stream.indirect.scatter.add.f32 [tilespmem:s21], [sflag:$0x2], $0x10, s23, s15, $0xb8;
	[tilespmem:$0x14800] =	vst v63  }
0xbd: {  	_ = 	snop  }
0xbe: {  	[spmem:s3] =	stream.indirect.scatter.add.f32 [tilespmem:s18], [sflag:$0x2], $0x10, s19, s15, $0xb8;
	[tilespmem:$0x14800] =	vst v63  }
0xbf: {  	_ =	swait.ge [sflag:s1], $0x800  }
0xc0: {  	[sflag:s1] =	ssyncset.done $0x0  }
0xc1: {  	[sflag:s1] =	ssyncadd.s32 $0xFFFFF800  }
0xc2: {  	_ =	swait.ge [sflag:s1], $0x800  }
0xc3: {  	[sflag:s1] =	ssyncset.done $0x0  }
0xc4: {  	[sflag:s1] =	ssyncadd.s32 $0xFFFFF800  }
0xc5: {  	_ =	swait.ge [sflag:s1], $0x800  }
0xc6: {  	[sflag:s1] =	ssyncset.done $0x0  }
0xc7: {  	[sflag:s1] =	ssyncadd.s32 $0xFFFFF800  }
0xc8: {  	_ =	swait.ge [sflag:s1], $0x800  }
0xc9: {  	[sflag:s1] =	ssyncset.done $0x0  }
0xca: {  	[sflag:s1] =	ssyncadd.s32 $0xFFFFF800  }
0xcb: {  	_ =	swait.ge [sflag:s1], $0x800  }
0xcc: {  	[sflag:s1] =	ssyncset.done $0x0  }
0xcd: {  	[sflag:s1] =	ssyncadd.s32 $0xFFFFF800  }
0xce: {  	_ =	swait.ge [sflag:s1], $0x800  }
0xcf: {  	[sflag:s1] =	ssyncset.done $0x0  }
.Ltmp1:
0xd0: {  	[sflag:s1] =	ssyncadd.s32 $0xFFFFF800;
	(pc) =	sbr.rel @p0 .LBB2_4-.Ltmp1, $4  }
0xd1: {  	_ =	swait.ge [sflag:s1], $0x800  }
0xd2: {  	[sflag:s1] =	ssyncset.done $0x0  }
0xd3: {  	s14 =	sadd.s32 $0x4000, s14;
	p1 =	seq.s32 s16, $0x9000;
	[sflag:s1] =	ssyncadd.s32 $0xFFFFF800  }
0xd4: {  	s20 =	sshra.s32 @!p1 s16, $0x2;
	s19 =	sand.u32 @!p1 $0x4000, s14;
	_ =	swait.ge [sflag:s1], $0x800  }
0xd5: {  	s17 =	sadd.s32 @!p1 $0x5000, s19;
	[sflag:s1] =	ssyncset.done $0x0  }
0xd6: {  	s18 =	sadd.s32 @!p1 $0x400, s20;
	s21 =	simm.s32 @!p1 $0x80;
	[sflag:s1] =	ssyncadd.s32 $0xFFFFF800  }
0xd7: {  	[tilespmem:s17], [sflag:$0x1] =	stream.indirect.gather @!p1 [spmem:s2], $0x10, s18, s21, $0xb8;
	[tilespmem:$0x14800] =	vst v63  }
0xd8: {  	s17 =	sadd.s32 @!p1 $0x5800, s19;
	s18 =	sadd.s32 @!p1 $0x480, s20  }
0xd9: {  	[tilespmem:s17], [sflag:$0x1] =	stream.indirect.gather @!p1 [spmem:s2], $0x10, s18, s21, $0xb8;
	[tilespmem:$0x14800] =	vst v63  }
0xda: {  	s17 =	sadd.s32 @!p1 $0x6000, s19;
	s18 =	sadd.s32 @!p1 $0x500, s20  }
0xdb: {  	[tilespmem:s17], [sflag:$0x1] =	stream.indirect.gather @!p1 [spmem:s2], $0x10, s18, s21, $0xb8;
	[tilespmem:$0x14800] =	vst v63  }
0xdc: {  	s17 =	sadd.s32 @!p1 $0x6800, s19;
	s18 =	sadd.s32 @!p1 $0x580, s20  }
0xdd: {  	[tilespmem:s17], [sflag:$0x1] =	stream.indirect.gather @!p1 [spmem:s2], $0x10, s18, s21, $0xb8;
	[tilespmem:$0x14800] =	vst v63  }
0xde: {  	s17 =	sadd.s32 @!p1 $0x7000, s19;
	s18 =	sadd.s32 @!p1 $0x600, s20  }
0xdf: {  	[tilespmem:s17], [sflag:$0x1] =	stream.indirect.gather @!p1 [spmem:s2], $0x10, s18, s21, $0xb8;
	[tilespmem:$0x14800] =	vst v63  }
0xe0: {  	s17 =	sadd.s32 @!p1 $0x7800, s19;
	s18 =	sadd.s32 @!p1 $0x680, s20  }
0xe1: {  	[tilespmem:s17], [sflag:$0x1] =	stream.indirect.gather @!p1 [spmem:s2], $0x10, s18, s21, $0xb8;
	[tilespmem:$0x14800] =	vst v63  }
0xe2: {  	s17 =	sor.u32 @!p1 $0x8000, s19;
	s18 =	sadd.s32 @!p1 $0x700, s20  }
0xe3: {  	[tilespmem:s17], [sflag:$0x1] =	stream.indirect.gather @!p1 [spmem:s2], $0x10, s18, s21, $0xb8;
	[tilespmem:$0x14800] =	vst v63  }
0xe4: {  	s17 =	sor.u32 @!p1 $0x8800, s19;
	s18 =	sadd.s32 @!p1 $0x780, s20  }
0xe5: {  	[tilespmem:s17], [sflag:$0x1] =	stream.indirect.gather @!p1 [spmem:s2], $0x10, s18, s21, $0xb8;
	[tilespmem:$0x14800] =	vst v63  }
0xe6: {  	_ =	swait.ge [sflag:s31], $0x800  }
0xe7: {  	[sflag:s31] =	ssyncset.done $0x0  }
0xe8: {  	[sflag:s31] =	ssyncadd.s32 $0xFFFFF800  }
0xe9: {  	_ =	swait.ge [sflag:s31], $0x800  }
0xea: {  	[sflag:s31] =	ssyncset.done $0x0  }
0xeb: {  	[sflag:s31] =	ssyncadd.s32 $0xFFFFF800  }
0xec: {  	_ =	swait.ge [sflag:s31], $0x800  }
0xed: {  	[sflag:s31] =	ssyncset.done $0x0  }
0xee: {  	[sflag:s31] =	ssyncadd.s32 $0xFFFFF800  }
0xef: {  	_ =	swait.ge [sflag:s31], $0x800  }
0xf0: {  	[sflag:s31] =	ssyncset.done $0x0  }
0xf1: {  	[sflag:s31] =	ssyncadd.s32 $0xFFFFF800  }
0xf2: {  	_ =	swait.ge [sflag:s31], $0x800  }
0xf3: {  	[sflag:s31] =	ssyncset.done $0x0  }
0xf4: {  	[sflag:s31] =	ssyncadd.s32 $0xFFFFF800  }
0xf5: {  	_ =	swait.ge [sflag:s31], $0x800  }
0xf6: {  	[sflag:s31] =	ssyncset.done $0x0  }
0xf7: {  	[sflag:s31] =	ssyncadd.s32 $0xFFFFF800  }
0xf8: {  	_ =	swait.ge [sflag:s31], $0x800  }
0xf9: {  	[sflag:s31] =	ssyncset.done $0x0  }
0xfa: {  	[sflag:s31] =	ssyncadd.s32 $0xFFFFF800  }
0xfb: {  	s14 =	sadd.s32 $0xFFFFC000, s14;
	_ =	swait.ge [sflag:s31], $0x800  }
0xfc: {  	s16 =	sshra.s32 s16, $0x2;
	s14 =	sand.u32 $0x4000, s14;
	[sflag:s31] =	ssyncset.done $0x0  }
0xfd: {  	s20 =	sadd.s32 $0x5000, s14;
	s21 =	sadd.s32 $0x2800, s16;
	[sflag:s31] =	ssyncadd.s32 $0xFFFFF800  }
0xfe: {  	[spmem:s3] =	stream.indirect.scatter.add.f32 [tilespmem:s20], [sflag:$0x2], $0x10, s21, s15, $0xb8;
	[tilespmem:$0x14800] =	vst v63  }
0xff: {  	s23 =	sadd.s32 $0x2880, s16;
	s22 =	sadd.s32 $0x5800, s14  }
0x100: {  	[spmem:s3] =	stream.indirect.scatter.add.f32 [tilespmem:s22], [sflag:$0x2], $0x10, s23, s15, $0xb8;
	[tilespmem:$0x14800] =	vst v63  }
0x101: {  	s25 =	sadd.s32 $0x2900, s16;
	s24 =	sadd.s32 $0x6000, s14  }
0x102: {  	[spmem:s3] =	stream.indirect.scatter.add.f32 [tilespmem:s24], [sflag:$0x2], $0x10, s25, s15, $0xb8;
	[tilespmem:$0x14800] =	vst v63  }
0x103: {  	s19 =	sadd.s32 $0x2980, s16;
	s18 =	sadd.s32 $0x6800, s14  }
0x104: {  	[spmem:s3] =	stream.indirect.scatter.add.f32 [tilespmem:s18], [sflag:$0x2], $0x10, s19, s15, $0xb8;
	[tilespmem:$0x14800] =	vst v63  }
0x105: {  	s20 =	sadd.s32 $0x7000, s14;
	s21 =	sadd.s32 $0x2A00, s16  }
0x106: {  	[spmem:s3] =	stream.indirect.scatter.add.f32 [tilespmem:s20], [sflag:$0x2], $0x10, s21, s15, $0xb8;
	[tilespmem:$0x14800] =	vst v63  }
0x107: {  	s22 =	sadd.s32 $0x7800, s14;
	s23 =	sadd.s32 $0x2A80, s16  }
0x108: {  	[spmem:s3] =	stream.indirect.scatter.add.f32 [tilespmem:s22], [sflag:$0x2], $0x10, s23, s15, $0xb8;
	[tilespmem:$0x14800] =	vst v63  }
0x109: {  	s24 =	sor.u32 $0x8000, s14;
	s25 =	sadd.s32 $0x2B00, s16  }
0x10a: {  	[spmem:s3] =	stream.indirect.scatter.add.f32 [tilespmem:s24], [sflag:$0x2], $0x10, s25, s15, $0xb8;
	[tilespmem:$0x14800] =	vst v63  }
0x10b: {  	s14 =	sor.u32 $0x8800, s14;
	s16 =	sadd.s32 $0x2B80, s16  }
0x10c: {  	[spmem:s3] =	stream.indirect.scatter.add.f32 [tilespmem:s14], [sflag:$0x2], $0x10, s16, s15, $0xb8;
	[tilespmem:$0x14800] =	vst v63  }
0x10d: {  	_ =	swait.ge [sflag:s1], $0x800  }
0x10e: {  	[sflag:s1] =	ssyncset.done $0x0  }
0x10f: {  	[sflag:s1] =	ssyncadd.s32 $0xFFFFF800  }
0x110: {  	_ =	swait.ge [sflag:s1], $0x800  }
0x111: {  	[sflag:s1] =	ssyncset.done $0x0  }
0x112: {  	[sflag:s1] =	ssyncadd.s32 $0xFFFFF800  }
0x113: {  	_ =	swait.ge [sflag:s1], $0x800  }
0x114: {  	[sflag:s1] =	ssyncset.done $0x0  }
0x115: {  	[sflag:s1] =	ssyncadd.s32 $0xFFFFF800  }
0x116: {  	_ =	swait.ge [sflag:s1], $0x800  }
0x117: {  	[sflag:s1] =	ssyncset.done $0x0  }
0x118: {  	[sflag:s1] =	ssyncadd.s32 $0xFFFFF800  }
0x119: {  	_ =	swait.ge [sflag:s1], $0x800  }
0x11a: {  	[sflag:s1] =	ssyncset.done $0x0  }
0x11b: {  	[sflag:s1] =	ssyncadd.s32 $0xFFFFF800  }
0x11c: {  	_ =	swait.ge [sflag:s1], $0x800  }
0x11d: {  	[sflag:s1] =	ssyncset.done $0x0  }
0x11e: {  	[sflag:s1] =	ssyncadd.s32 $0xFFFFF800  }
0x11f: {  	_ =	swait.ge [sflag:s1], $0x800  }
0x120: {  	[sflag:s1] =	ssyncset.done $0x0  }
0x121: {  	[sflag:s1] =	ssyncadd.s32 $0xFFFFF800  }
0x122: {  	_ =	swait.ge [sflag:s1], $0x800  }
0x123: {  	[sflag:s1] =	ssyncset.done $0x0  }
0x124: {  	[sflag:s1] =	ssyncadd.s32 $0xFFFFF800  }
0x125: {  	[bflag:$0x0] =	sbarrier.arrive $0xFFFF  }
0x126: {  	[tilespmem:s12], [sflag:$0x3] =	stream.linear.gather [spmem:s9], $0x2800, $0x38;
	[tilespmem:$0x14800] =	vst v63  }
0x127: {  	s0 =	sadd.s32 $0x1, s0;
	_ =	swait.ge [sflag:s13], $0x2800  }
0x128: {  	p0 =	sne.s32 s0, s11;
	[sflag:s13] =	ssyncset.done $0x0  }
.Ltmp2:
0x129: {  	[sflag:s13] =	ssyncadd.s32 $0xFFFFD800;
	(pc) =	sbr.rel @p0 .LBB2_1-.Ltmp2, $4  }
0x12a: {  	[hbm4b:s10+s4] =	stream.linear.scatter [tilespmem:s12], [sflag:$0x3], $0x2800, $0x38;
	[tilespmem:$0x14800] =	vst v63  }
0x12b: {  	_ =	swait.ge [sflag:s13], $0x2800  }
0x12c: {  	[sflag:s13] =	ssyncset.done $0x0  }
0x12d: {  	[sflag:s13] =	ssyncadd.s32 $0xFFFFD800  }
0x12e: {  	_ =	sfence.sel $0x180000  }
0x12f: {  	[bflag:$0x0] =	sbarrier.arrive $0xFFFF  }
0x130: {  	_ =	strace $0x9000004A  }
0x131: {  	s0 =	stileid.u32;
	[bflag:$0x2] =	sbarrier.arrive $0xFFFF  }
0x132: {  	p0 =	sne.s32 s0, $0x0;
	s0 =	rddreg [dreg:$0x3]  }
0x133: {  	s0 =	sadd.s32 @!p0 $0x100000, s0  }
0x134: {  	[sflag:s0] =	ssyncadd.tile.s32 @!p0 $0x1;
	_ =	shalt  }
.Lfunc_end2:
_tile_overlayer_lowered:
.L_overlay_start_2:
0x135: {  	(tag) =	ssettag $0x2  }
0x136: {  	s0 =	rddreg [dreg:$0x0];
	s2 =	stileid.u32  }
0x137: {  	s1 =	rddreg [dreg:$0x1];
	p0 =	sne.s32 s2, $0x0  }
0x138: {  	s3 =	rddreg [dreg:$0x2];
	[bflag:$0x3] =	sbarrier.arrive $0xFFFF;
	s2 =	simm.s32 @!p0 $0x1C03  }
0x139: {  	[timem:s3], [sflag:s2] =	dma.local @!p0 [hbm:s0], s1  }
0x13a: {  	s0 =	simm.s32 @!p0 $0x3  }
0x13b: {  	_ =	swait.ge @!p0 [sflag:s0], s1  }
0x13c: {  	s1 =	ssub.s32 @!p0 $0x0, s1;
	[sflag:s0] =	ssyncset.done @!p0 $0x0  }
0x13d: {  	[sflag:s0] =	ssyncadd.s32 @!p0 s1  }
0x13e: {  	[bflag:$0x3] =	sbarrier.arrive $0xFFFF  }
0x13f: {  	_ =	shalt  }

// kernel: kernel.14.cloned.1.call-start
scs
__scs_entry_jumppad:
0x0: {  	(pc) =	sbr.rel $0x88, $3  }
0x1: {  	(tag) =	ssettag $0x0;
	lr =	simm.s32 $0x1  }
0x2: {  	[smem:$0x3F9B] =	sst lr;
	_ =	strace $0xD0000000  }
0x3: {  	_ = 	snop  }
0x4: {  	_ = 	snop  }
0x5: {  	_ = 	snop  }
0x6: {  	_ = 	snop  }
0x7: {  	_ = 	snop  }
__scs_overlays_trampoline_lowered:
0x8: {  	[smem:$0x3FAA] =	sst s0  }
0x9: {  	[smem:$0x3FAB] =	sst s1  }
0xa: {  	[smem:$0x3FAC] =	sst s2  }
0xb: {  	[smem:$0x3FAD] =	sst s3  }
0xc: {  	[smem:$0x3FAE] =	sst s4  }
0xd: {  	[smem:$0x3FAF] =	sst s5  }
0xe: {  	[smem:$0x3FB0] =	sst s6  }
0xf: {  	[smem:$0x3FB1] =	sst s7  }
0x10: {  	[smem:$0x3FB2] =	sst s8  }
0x11: {  	[smem:$0x3FB3] =	sst s9;
	s0 =	simm.s32 @!p0 $0x0  }
0x12: {  	s1 =	sld [smem:$0x3F99];
	s0 =	simm.s32 @p0 $0x1  }
0x13: {  	[smem:$0x3FB4] =	sst s0;
	s0 =	simm.s32 @!p1 $0x0  }
0x14: {  	s2 =	sld [smem:$0x3F98];
	s0 =	simm.s32 @p1 $0x1  }
0x15: {  	[smem:$0x3FB5] =	sst s0;
	s0 =	simm.s32 @!p2 $0x0  }
0x16: {  	s3 =	sld [smem:$0x3FDB];
	s0 =	simm.s32 @p2 $0x1  }
0x17: {  	s4 =	simm.s32 $0x1BF5;
	[smem:$0x3FB7] =	sst s0  }
0x18: {  	s0 =	sld [smem:$0x3F9A];
	_ =	swait.ge [sflag:s4], $0x0  }
0x19: {  	s7 =	sld [smem:$0x3F9B]  }
0x1a: {  	s8 =	sadd.s32 $0xFFFFE003, lr  }
0x1b: {  	s9 =	sadd.s32 $0xFFFFFEF7, lr;
	s5 =	simm.s32 $0xFFFFFFFF;
	p2 =	slt.u32 s8, $0xFFFFF086  }
0x1c: {  	p1 =	slt.u32 s9, $0xF7A;
	s5 =	simm.s32 @!p2 $0x0  }
0x1d: {  	s5 =	simm.s32 @p1 $0x1;
	p0 =	seq.s32 s7, s2  }
0x1e: {  	s7 =	smul.u32 @!p0 $0xF7A, s2;
	p2 =	seq.s32 @!p0 s5, $0x0  }
0x1f: {  	s9 =	smul.u32 $0xF7A, s1;
	s8 =	simm.s32 @!p0 $0x1BF5;
	p2 =	por !p2, p0  }
0x20: {  	[sflag:s8] =	ssyncset.s32 @!p0 $0xFFFFF086;
	s6 =	sadd.s32 @!p0 s3, s7;
	s7 =	simm.s32 @!p0 $0x108  }
0x21: {  	s3 =	sadd.s32 s3, s9;
	s6 =	sadd.s32 @!p0 $0x88, s6;
	s7 =	simm.s32 @p2 $0x1082  }
0x22: {  	[simem:s7], [sflag:s8] =	dma.local @!p0 [hbm:s6], $0xF7A  }
0x23: {  	s9 =	sor.u32 $0xD0000000, s2;
	s6 =	simm.s32 $0x108;
	_ =	swait.ge @!p0 [sflag:s8], $0x0  }
0x24: {  	s3 =	sadd.s32 $0x88, s3;
	s6 =	simm.s32 @!p1 $0x1082;
	[sflag:s4] =	ssyncset.s32 $0xFFFFF086  }
0x25: {  	[simem:s6], [sflag:s4] =	dma.local [hbm:s3], $0xF7A  }
0x26: {  	[smem:$0x3F9B] =	sst s1;
	(tag) =	ssettag s2;
	_ =	strace s9  }
0x27: {  	s1 =	sld [smem:$0x3FAB]  }
0x28: {  	s2 =	sld [smem:$0x3FAC]  }
0x29: {  	s4 =	sld [smem:$0x3FAE]  }
0x2a: {  	p0 =	seq.s32 s5, $0x0;
	s5 =	sld [smem:$0x3FAF]  }
0x2b: {  	s6 =	sld [smem:$0x3FB0]  }
0x2c: {  	s7 =	sld [smem:$0x3FB1]  }
0x2d: {  	s3 =	simm.s32 $0x108;
	s8 =	sld [smem:$0x3FB2]  }
0x2e: {  	s3 =	simm.s32 @!p0 $0x1082;
	s9 =	sld [smem:$0x3FB3]  }
0x2f: {  	lr =	sadd.s32 s0, s3;
	s0 =	sld [smem:$0x3FAA]  }
0x30: {  	s3 =	sld [smem:$0x3FAD]  }
0x31: {  	[smem:$0x3FB6] =	sst s10  }
0x32: {  	s10 =	sld [smem:$0x3FB4];
	_ =	sdelay $0x3  }
0x33: {  	p0 =	seq.s32 s10, $0x1;
	s10 =	sld [smem:$0x3FB6];
	_ =	sdelay $0x3  }
0x34: {  	[smem:$0x3FB6] =	sst s10  }
0x35: {  	s10 =	sld [smem:$0x3FB5];
	_ =	sdelay $0x3  }
0x36: {  	p1 =	seq.s32 s10, $0x1;
	s10 =	sld [smem:$0x3FB6];
	_ =	sdelay $0x3  }
0x37: {  	[smem:$0x3FB6] =	sst s10  }
0x38: {  	s10 =	sld [smem:$0x3FB7]  }
0x39: {  	_ = 	snop;
	(pc) =	sbr.ind lr, $3  }
0x3a: {  	_ = 	snop  }
0x3b: {  	_ = 	snop  }
0x3c: {  	p2 =	seq.s32 s10, $0x1;
	s10 =	sld [smem:$0x3FB6]  }
0x3d: {  	_ =	shalt  }
0x3e: {  	_ =	shalt  }
0x3f: {  	_ =	shalt  }
0x40: {  	_ =	shalt  }
0x41: {  	_ =	shalt  }
0x42: {  	_ =	shalt  }
0x43: {  	_ =	shalt  }
0x44: {  	_ =	shalt  }
0x45: {  	_ =	shalt  }
0x46: {  	_ =	shalt  }
0x47: {  	_ =	shalt  }
0x48: {  	_ =	shalt  }
0x49: {  	_ =	shalt  }
0x4a: {  	_ =	shalt  }
0x4b: {  	_ =	shalt  }
0x4c: {  	_ =	shalt  }
0x4d: {  	_ =	shalt  }
0x4e: {  	_ =	shalt  }
0x4f: {  	_ =	shalt  }
0x50: {  	_ =	shalt  }
0x51: {  	_ =	shalt  }
0x52: {  	_ =	shalt  }
0x53: {  	_ =	shalt  }
0x54: {  	_ =	shalt  }
0x55: {  	_ =	shalt  }
0x56: {  	_ =	shalt  }
0x57: {  	_ =	shalt  }
0x58: {  	_ =	shalt  }
0x59: {  	_ =	shalt  }
0x5a: {  	_ =	shalt  }
0x5b: {  	_ =	shalt  }
0x5c: {  	_ =	shalt  }
0x5d: {  	_ =	shalt  }
0x5e: {  	_ =	shalt  }
0x5f: {  	_ =	shalt  }
0x60: {  	_ =	shalt  }
0x61: {  	_ =	shalt  }
0x62: {  	_ =	shalt  }
0x63: {  	_ =	shalt  }
0x64: {  	_ =	shalt  }
0x65: {  	_ =	shalt  }
0x66: {  	_ =	shalt  }
0x67: {  	_ =	shalt  }
0x68: {  	_ =	shalt  }
0x69: {  	_ =	shalt  }
0x6a: {  	_ =	shalt  }
0x6b: {  	_ =	shalt  }
0x6c: {  	_ =	shalt  }
0x6d: {  	_ =	shalt  }
0x6e: {  	_ =	shalt  }
0x6f: {  	_ =	shalt  }
0x70: {  	_ =	shalt  }
0x71: {  	_ =	shalt  }
0x72: {  	_ =	shalt  }
0x73: {  	_ =	shalt  }
0x74: {  	_ =	shalt  }
0x75: {  	_ =	shalt  }
0x76: {  	_ =	shalt  }
0x77: {  	_ =	shalt  }
0x78: {  	_ =	shalt  }
0x79: {  	_ =	shalt  }
0x7a: {  	_ =	shalt  }
0x7b: {  	_ =	shalt  }
0x7c: {  	_ =	shalt  }
0x7d: {  	_ =	shalt  }
0x7e: {  	_ =	shalt  }
0x7f: {  	_ =	shalt  }
0x80: {  	_ =	shalt  }
0x81: {  	_ =	shalt  }
0x82: {  	_ =	shalt  }
0x83: {  	_ =	shalt  }
0x84: {  	_ =	shalt  }
0x85: {  	_ =	shalt  }
0x86: {  	_ =	shalt  }
0x87: {  	_ =	shalt  }
.Lfunc_end0:
.L_simem_size_0:
called_computation.2_lowered:
.L_overlay_start_0:
0x88: {  	s2 =	sld [smem:$0x3FD9]  }
0x89: {  	s3 =	sld [smem:$0x3FFE];
	_ =	sdelay $0x1  }
0x8a: {  	s1 =	srdreg.scid  }
0x8b: {  	s0 =	sand.u32 $0x1, s1  }
0x8c: {  	s16 =	sshll.u32 s0, $0xA;
	s2 =	sadd.s32 s3, s2  }
0x8d: {  	s2 =	sadd.s32 s2, s16  }
0x8e: {  	[smem:$0x3FC2] =	sst s2  }
0x8f: {  	_ = 	snop  }
0x90: {  	(tm) =	ssettm $0x1  }
0x91: {  	s17 =	sld [smem:$0x3FFB];
	_ =	sdelay $0x3  }
0x92: {  	_ =	strace s17  }
0x93: {  	s2 =	sld [smem:$0x3FFC];
	_ =	sdelay $0x3  }
0x94: {  	_ =	strace s2  }
0x95: {  	s2 =	sld [smem:$0x3FFD];
	_ =	sdelay $0x3  }
0x96: {  	_ =	strace s2  }
0x97: {  	_ =	strace $0x8FFFFFFF  }
0x98: {  	s18 =	sld [smem:$0x3FDB];
	_ =	sdelay $0x1  }
0x99: {  	s19 =	simm.s32 $_scs_section_size  }
0x9a: {  	s4 =	simm.s32 $_size__tile_overlayer_lowered;
	s5 =	simm.s32 $_tile_overlayer_lowered  }
0x9b: {  	s22 =	simm.s32 $0x1BFF;
	s21 =	sshll.u32 s5, $0x1;
	s2 =	sadd.s32 s19, s18  }
0x9c: {  	s6 =	simm.s32 $0x0;
	s20 =	sshll.u32 s4, $0x1;
	s4 =	sadd.s32 s21, s2  }
0x9d: {  	[timem:s6], [sflag:s22] =	dma.local [hbm:s4], s20  }
0x9e: {  	_ =	swait.ge [sflag:s22], s20  }
0x9f: {  	s3 =	ssub.s32 $0x0, s20;
	[sflag:s22] =	ssyncset.done $0x0  }
0xa0: {  	[sflag:s22] =	ssyncadd.s32 s3;
	_ =	sdelay $0x1  }
0xa1: {  	s23 =	simm.s32 $0x1B8B  }
0xa2: {  	_ =	swait.ge [sflag:s23], $0x1  }
0xa3: {  	[sflag:s23] =	ssyncset.done $0x0  }
0xa4: {  	s25 =	simm.s32 $0x1B8E;
	s24 =	sld [smem:$0x3FFE];
	[sflag:s23] =	ssyncadd.s32 $0xFFFFFFFF  }
0xa5: {  	s26 =	simm.s32 $execute0_lowered;
	[smem:$0x3FD2] =	sst s25  }
0xa6: {  	s4 =	sshll.u32 s26, $0x1;
	_ =	strace $0x8000004C;
	[dreg:$0x1] =	wrdreg $0xFFFFFFFF  }
0xa7: {  	s28 =	simm.s32 $_size_execute0_lowered;
	s2 =	sadd.s32 s2, s4;
	[dreg:$0x0] =	wrdreg $0x0  }
0xa8: {  	s4 =	sshll.u32 s28, $0x1;
	[dreg:$0x2] =	wrdreg s2  }
0xa9: {  	[dreg:$0x3] =	wrdreg s4  }
0xaa: {  	[dreg:$0x4] =	wrdreg $0xC0  }
0xab: {  	_ =	task [dreg:s6], $0x5FFFF  }
0xac: {  	[dreg:$0x1] =	wrdreg $0xFFFFFFFF  }
0xad: {  	[dreg:$0x0] =	wrdreg $0x60  }
0xae: {  	[dreg:$0x2] =	wrdreg s24  }
0xaf: {  	[dreg:$0x3] =	wrdreg $0x120000  }
0xb0: {  	[dreg:$0x4] =	wrdreg $0xF8000  }
0xb1: {  	[dreg:$0x5] =	wrdreg $0x9  }
0xb2: {  	_ =	task.clear_ibuf [dreg:s6], $0x6FFFF;
	_ =	strace $0x9000004C  }
0xb3: {  	s29 =	simm.s32 $0x9;
	_ =	strace $0x8000004E  }
0xb4: {  	_ =	swait.ge [sflag:s29], $0x1  }
0xb5: {  	[sflag:s29] =	ssyncadd.s32 $0xFFFFFFFF  }
0xb6: {  	_ =	strace $0x9000004E  }
0xb7: {  	_ =	sfence  }
0xb8: {  	s30 =	sld [smem:$0x0];
	_ =	sdelay $0x2  }
0xb9: {  	s31 =	sshll.u32 s1, $0xD;
	s1 =	sshrl.u32 s1, $0x2  }
0xba: {  	s3 =	sand.u32 $0x4000, s31;
	s1 =	sadd.s32 s1, s30  }
0xbb: {  	s0 =	sor.u32 s3, s0;
	s1 =	sshll.u32 s1, $0x11  }
0xbc: {  	s0 =	sor.u32 s1, s0  }
0xbd: {  	s0 =	sadd.s32 $0x8F2B, s0  }
0xbe: {  	[sflag:s0] =	ssyncadd.remote.s32 $0x1  }
0xbf: {  	_ =	sfence.sel $0xFFFF  }
0xc0: {  	[dreg:$0x0] =	wrdreg $0xFFFFFFFF;
	(pc) =	sbr.abs _section_cstart, $3  }
0xc1: {  	[dreg:$0x1] =	wrdreg $0xFFFFFFFF  }
0xc2: {  	_ =	task.clear_ibuf [dreg:s6], $0x2FFFF;
	_ =	strace $0x9FFFFFFF  }
0xc3: {  	(tm) =	ssettm $0x7FFFFFFF  }
tec
execute0_lowered:
.L_overlay_start_1:
0x0: {  	(tag) =	ssettag $0x1  }
0x1: {  	s1 =	rddreg [dreg:$0x0]  }
0x2: {  	s0 =	srdreg.scid;
	s2 =	rddreg [dreg:$0x1]  }
0x3: {  	s5 =	stileid.u32;
	s3 =	rddreg [dreg:$0x2]  }
0x4: {  	s12 =	simm.s32 $0xD000;
	s13 =	simm.s32 $0x3;
	s15 =	simm.s32 $0x80  }
0x5: {  	s28 =	simm.s32 $0x8000;
	s29 =	simm.s32 $0x380;
	s30 =	simm.s32 $0x8800  }
0x6: {  	s31 =	simm.s32 $0x1;
	s0 =	sand.u32 $0x1, s0;
	s9 =	smul.u32 $0x2800, s5  }
0x7: {  	s4 =	sshll.u32 s0, $0x4;
	s7 =	smul.u32 $0x28000, s0;
	s0 =	ssub.s32 $0x2, s0  }
0x8: {  	s5 =	sor.u32 s5, s4;
	s4 =	simm.s32 $0x0;
	s6 =	sshrl.u32 s9, $0x3  }
0x9: {  	s26 =	sshrl.u32 s0, $0x1;
	s5 =	smul.u32 $0x2800, s5;
	[smem:$0x7FF] =	sst s4  }
0xa: {  	s6 =	sadd.s32 s6, s1;
	s7 =	sadd.s32 s9, s7;
	s0 =	ssub.s32 s0, s26  }
0xb: {  	s26 =	simm.s32 $0x300;
	_ =	strace $0x8000004D;
	s25 =	sshrl.u32 s7, $0x3  }
0xc: {  	s11 =	smax.u32 s0, $0x1;
	s0 =	simm.s32 $0x0;
	s5 =	sshrl.u32 s5, $0x3  }
0xd: {  	s8 =	sadd.s32 s5, s1;
	s1 =	sadd.s32 s25, s1;
	s5 =	sadd.s32 $0x17200, s6  }
0xe: {  	s6 =	sadd.s32 s9, s2;
	s9 =	sadd.s32 s9, s3;
	s7 =	sadd.s32 $0x3200, s8  }
0xf: {  	v0 =	vimm.f32 $0.0e+00;
	s8 =	sadd.s32 $0xD200, s8;
	s10 =	sadd.s32 $0x1C200, s1;
	s1 =	simm.s32 $0x2  }
.LBB2_1:
0x10: {  	[tilespmem:s12], [sflag:$0x3] =	stream.linear.gather [hbm4b:s5+s4], $0x2800, $0x38;
	[tilespmem:$0x14800] =	vst v63  }
0x11: {  	_ =	swait.ge [sflag:s13], $0x2800  }
0x12: {  	[sflag:s13] =	ssyncset.done $0x0  }
0x13: {  	[sflag:s13] =	ssyncadd.s32 $0xFFFFD800  }
0x14: {  	[spmem:s6] =	stream.linear.scatter [tilespmem:s12], [sflag:$0x3], $0x2800, $0x38;
	[tilespmem:$0x14800] =	vst v63  }
0x15: {  	_ =	swait.ge [sflag:s13], $0x2800  }
0x16: {  	[sflag:s13] =	ssyncset.done $0x0  }
0x17: {  	s14 =	simm.s32 $0x40;
	s16 =	simm.s32 $0x0;
	[sflag:s13] =	ssyncadd.s32 $0xFFFFD800  }
.LBB2_2:
0x18: {  	p0 =	sne.s32 s14, $0x9FC0;
	[tilespmem:s16+$0xD000] =	vst v0;
	s16 =	smov.u32 s14;
	s14 =	sadd.s32 $0x40, s14  }
.Ltmp0:
0x19: {  	(pc) =	sbr.rel @p0 .LBB2_2-.Ltmp0, $2  }
0x1a: {  	_ =	sdelay $0x2  }
0x1b: {  	s16 =	sshra.s32 s16, $0x2  }
0x1c: {  	[tilespmem:s16+$0xD000] =	vst v0;
	s14 =	simm.s32 $0x0  }
0x1d: {  	[tilespmem:s14], [sflag:$0x3] =	stream.linear.gather [hbm4b:s7+s14], $0x2800, $0x38;
	[tilespmem:$0x14800] =	vst v63  }
0x1e: {  	_ =	swait.ge [sflag:s13], $0x2800  }
0x1f: {  	[sflag:s13] =	ssyncset.done $0x0  }
0x20: {  	s17 =	simm.s32 $0x2800;
	[sflag:s13] =	ssyncadd.s32 $0xFFFFD800  }
0x21: {  	[tilespmem:s17], [sflag:$0x3] =	stream.linear.gather [hbm4b:s8+s14], $0x2800, $0x38;
	[tilespmem:$0x14800] =	vst v63  }
0x22: {  	_ =	swait.ge [sflag:s13], $0x2800  }
0x23: {  	[sflag:s13] =	ssyncset.done $0x0  }
0x24: {  	[sflag:s13] =	ssyncadd.s32 $0xFFFFD800  }
0x25: {  	[spmem:s9] =	stream.linear.scatter [tilespmem:s12], [sflag:$0x3], $0x2800, $0x38;
	[tilespmem:$0x14800] =	vst v63  }
0x26: {  	_ =	swait.ge [sflag:s13], $0x2800  }
0x27: {  	[sflag:s13] =	ssyncset.done $0x0  }
0x28: {  	[sflag:s13] =	ssyncadd.s32 $0xFFFFD800  }
0x29: {  	s18 =	simm.s32 $0x5000;
	[bflag:$0x0] =	sbarrier.arrive $0xFFFF  }
0x2a: {  	[tilespmem:s18], [sflag:$0x1] =	stream.indirect.gather [spmem:s2], $0x10, s14, s15, $0xb8;
	[tilespmem:$0x14800] =	vst v63  }
0x2b: {  	s19 =	simm.s32 $0x5800  }
0x2c: {  	[tilespmem:s19], [sflag:$0x1] =	stream.indirect.gather [spmem:s2], $0x10, s15, s15, $0xb8;
	[tilespmem:$0x14800] =	vst v63  }
0x2d: {  	s20 =	simm.s32 $0x100;
	s21 =	simm.s32 $0x6000  }
0x2e: {  	[tilespmem:s21], [sflag:$0x1] =	stream.indirect.gather [spmem:s2], $0x10, s20, s15, $0xb8;
	[tilespmem:$0x14800] =	vst v63  }
0x2f: {  	s22 =	simm.s32 $0x180;
	s23 =	simm.s32 $0x6800  }
0x30: {  	[tilespmem:s23], [sflag:$0x1] =	stream.indirect.gather [spmem:s2], $0x10, s22, s15, $0xb8;
	[tilespmem:$0x14800] =	vst v63  }
0x31: {  	s24 =	simm.s32 $0x200;
	s25 =	simm.s32 $0x7000  }
0x32: {  	[tilespmem:s25], [sflag:$0x1] =	stream.indirect.gather [spmem:s2], $0x10, s24, s15, $0xb8;
	[tilespmem:$0x14800] =	vst v63  }
0x33: {  	s17 =	simm.s32 $0x280;
	s18 =	simm.s32 $0x7800  }
0x34: {  	[tilespmem:s18], [sflag:$0x1] =	stream.indirect.gather [spmem:s2], $0x10, s17, s15, $0xb8;
	[tilespmem:$0x14800] =	vst v63  }
0x35: {  	p0 =	por $0x0, $0x0;
	s14 =	simm.s32 $0x4000  }
0x36: {  	[tilespmem:s28], [sflag:$0x1] =	stream.indirect.gather [spmem:s2], $0x10, s26, s15, $0xb8;
	[tilespmem:$0x14800] =	vst v63  }
0x37: {  	s14 =	sand.u32 @!p0 $0x4000, s14  }
0x38: {  	[tilespmem:s30], [sflag:$0x1] =	stream.indirect.gather [spmem:s2], $0x10, s29, s15, $0xb8;
	[tilespmem:$0x14800] =	vst v63  }
0x39: {  	s16 =	sadd.s32 @!p0 $0x5000, s14;
	s17 =	simm.s32 @!p0 $0x400;
	s18 =	simm.s32 @!p0 $0x80  }
0x3a: {  	[tilespmem:s16], [sflag:$0x1] =	stream.indirect.gather @!p0 [spmem:s2], $0x10, s17, s18, $0xb8;
	[tilespmem:$0x14800] =	vst v63  }
0x3b: {  	s16 =	sadd.s32 @!p0 $0x5800, s14;
	s17 =	simm.s32 @!p0 $0x480  }
0x3c: {  	[tilespmem:s16], [sflag:$0x1] =	stream.indirect.gather @!p0 [spmem:s2], $0x10, s17, s18, $0xb8;
	[tilespmem:$0x14800] =	vst v63  }
0x3d: {  	s16 =	sadd.s32 @!p0 $0x6000, s14;
	s17 =	simm.s32 @!p0 $0x500  }
0x3e: {  	[tilespmem:s16], [sflag:$0x1] =	stream.indirect.gather @!p0 [spmem:s2], $0x10, s17, s18, $0xb8;
	[tilespmem:$0x14800] =	vst v63  }
0x3f: {  	s16 =	sadd.s32 @!p0 $0x6800, s14;
	s17 =	simm.s32 @!p0 $0x580  }
0x40: {  	[tilespmem:s16], [sflag:$0x1] =	stream.indirect.gather @!p0 [spmem:s2], $0x10, s17, s18, $0xb8;
	[tilespmem:$0x14800] =	vst v63  }
0x41: {  	s16 =	sadd.s32 @!p0 $0x7000, s14;
	s17 =	simm.s32 @!p0 $0x600  }
0x42: {  	[tilespmem:s16], [sflag:$0x1] =	stream.indirect.gather @!p0 [spmem:s2], $0x10, s17, s18, $0xb8;
	[tilespmem:$0x14800] =	vst v63  }
0x43: {  	s16 =	sadd.s32 @!p0 $0x7800, s14;
	s17 =	simm.s32 @!p0 $0x680  }
0x44: {  	[tilespmem:s16], [sflag:$0x1] =	stream.indirect.gather @!p0 [spmem:s2], $0x10, s17, s18, $0xb8;
	[tilespmem:$0x14800] =	vst v63  }
0x45: {  	s16 =	sor.u32 @!p0 $0x8000, s14;
	s17 =	simm.s32 @!p0 $0x700  }
0x46: {  	[tilespmem:s16], [sflag:$0x1] =	stream.indirect.gather @!p0 [spmem:s2], $0x10, s17, s18, $0xb8;
	[tilespmem:$0x14800] =	vst v63  }
0x47: {  	s14 =	sor.u32 @!p0 $0x8800, s14;
	s16 =	simm.s32 @!p0 $0x780  }
0x48: {  	[tilespmem:s14], [sflag:$0x1] =	stream.indirect.gather @!p0 [spmem:s2], $0x10, s16, s18, $0xb8;
	[tilespmem:$0x14800] =	vst v63  }
0x49: {  	_ =	swait.ge [sflag:s31], $0x800  }
0x4a: {  	[sflag:s31] =	ssyncset.done $0x0  }
0x4b: {  	[sflag:s31] =	ssyncadd.s32 $0xFFFFF800  }
0x4c: {  	_ =	swait.ge [sflag:s31], $0x800  }
0x4d: {  	[sflag:s31] =	ssyncset.done $0x0  }
0x4e: {  	[sflag:s31] =	ssyncadd.s32 $0xFFFFF800  }
0x4f: {  	_ =	swait.ge [sflag:s31], $0x800  }
0x50: {  	[sflag:s31] =	ssyncset.done $0x0  }
0x51: {  	[sflag:s31] =	ssyncadd.s32 $0xFFFFF800  }
0x52: {  	_ =	swait.ge [sflag:s31], $0x800  }
0x53: {  	[sflag:s31] =	ssyncset.done $0x0  }
0x54: {  	[sflag:s31] =	ssyncadd.s32 $0xFFFFF800  }
0x55: {  	_ =	swait.ge [sflag:s31], $0x800  }
0x56: {  	[sflag:s31] =	ssyncset.done $0x0  }
0x57: {  	[sflag:s31] =	ssyncadd.s32 $0xFFFFF800  }
0x58: {  	_ =	swait.ge [sflag:s31], $0x800  }
0x59: {  	[sflag:s31] =	ssyncset.done $0x0  }
0x5a: {  	[sflag:s31] =	ssyncadd.s32 $0xFFFFF800  }
0x5b: {  	_ =	swait.ge [sflag:s31], $0x800  }
0x5c: {  	[sflag:s31] =	ssyncset.done $0x0  }
0x5d: {  	[sflag:s31] =	ssyncadd.s32 $0xFFFFF800  }
0x5e: {  	s19 =	simm.s32 $0x0;
	_ =	swait.ge [sflag:s31], $0x800  }
0x5f: {  	s14 =	sand.u32 $0x4000, s19;
	[sflag:s31] =	ssyncset.done $0x0  }
0x60: {  	s21 =	simm.s32 $0x2800;
	s20 =	sadd.s32 $0x5000, s14;
	[sflag:s31] =	ssyncadd.s32 $0xFFFFF800  }
0x61: {  	[spmem:s3] =	stream.indirect.scatter.add.f32 [tilespmem:s20], [sflag:$0x2], $0x10, s21, s15, $0xb8;
	[tilespmem:$0x14800] =	vst v63  }
0x62: {  	s23 =	simm.s32 $0x2880;
	s22 =	sadd.s32 $0x5800, s14  }
0x63: {  	[spmem:s3] =	stream.indirect.scatter.add.f32 [tilespmem:s22], [sflag:$0x2], $0x10, s23, s15, $0xb8;
	[tilespmem:$0x14800] =	vst v63  }
0x64: {  	s25 =	simm.s32 $0x2900;
	s24 =	sadd.s32 $0x6000, s14  }
0x65: {  	[spmem:s3] =	stream.indirect.scatter.add.f32 [tilespmem:s24], [sflag:$0x2], $0x10, s25, s15, $0xb8;
	[tilespmem:$0x14800] =	vst v63  }
0x66: {  	s18 =	simm.s32 $0x2980;
	s17 =	sadd.s32 $0x6800, s14  }
0x67: {  	[spmem:s3] =	stream.indirect.scatter.add.f32 [tilespmem:s17], [sflag:$0x2], $0x10, s18, s15, $0xb8;
	[tilespmem:$0x14800] =	vst v63  }
0x68: {  	s19 =	sadd.s32 $0x7000, s14;
	s20 =	simm.s32 $0x2A00  }
0x69: {  	[spmem:s3] =	stream.indirect.scatter.add.f32 [tilespmem:s19], [sflag:$0x2], $0x10, s20, s15, $0xb8;
	[tilespmem:$0x14800] =	vst v63  }
0x6a: {  	s21 =	sadd.s32 $0x7800, s14;
	s22 =	simm.s32 $0x2A80  }
0x6b: {  	[spmem:s3] =	stream.indirect.scatter.add.f32 [tilespmem:s21], [sflag:$0x2], $0x10, s22, s15, $0xb8;
	[tilespmem:$0x14800] =	vst v63  }
0x6c: {  	s23 =	sor.u32 $0x8000, s14;
	s24 =	simm.s32 $0x2B00  }
0x6d: {  	[spmem:s3] =	stream.indirect.scatter.add.f32 [tilespmem:s23], [sflag:$0x2], $0x10, s24, s15, $0xb8;
	[tilespmem:$0x14800] =	vst v63  }
0x6e: {  	s14 =	sor.u32 $0x8800, s14;
	s25 =	simm.s32 $0x2B80  }
0x6f: {  	[spmem:s3] =	stream.indirect.scatter.add.f32 [tilespmem:s14], [sflag:$0x2], $0x10, s25, s15, $0xb8;
	[tilespmem:$0x14800] =	vst v63  }
0x70: {  	_ =	swait.ge [sflag:s1], $0x800  }
0x71: {  	[sflag:s1] =	ssyncset.done $0x0  }
0x72: {  	[sflag:s1] =	ssyncadd.s32 $0xFFFFF800  }
0x73: {  	_ =	swait.ge [sflag:s1], $0x800  }
0x74: {  	[sflag:s1] =	ssyncset.done $0x0  }
0x75: {  	[sflag:s1] =	ssyncadd.s32 $0xFFFFF800  }
0x76: {  	_ =	swait.ge [sflag:s1], $0x800  }
0x77: {  	[sflag:s1] =	ssyncset.done $0x0  }
0x78: {  	[sflag:s1] =	ssyncadd.s32 $0xFFFFF800  }
0x79: {  	_ =	swait.ge [sflag:s1], $0x800  }
0x7a: {  	[sflag:s1] =	ssyncset.done $0x0  }
0x7b: {  	[sflag:s1] =	ssyncadd.s32 $0xFFFFF800  }
0x7c: {  	_ =	swait.ge [sflag:s1], $0x800  }
0x7d: {  	[sflag:s1] =	ssyncset.done $0x0  }
0x7e: {  	[sflag:s1] =	ssyncadd.s32 $0xFFFFF800  }
0x7f: {  	_ =	swait.ge [sflag:s1], $0x800  }
0x80: {  	[sflag:s1] =	ssyncset.done $0x0  }
0x81: {  	[sflag:s1] =	ssyncadd.s32 $0xFFFFF800  }
0x82: {  	_ =	swait.ge [sflag:s1], $0x800  }
0x83: {  	p1 =	por $0x0, $0x0;
	s16 =	simm.s32 $0x1000;
	[sflag:s1] =	ssyncset.done $0x0  }
0x84: {  	s17 =	simm.s32 $0x2000;
	s14 =	simm.s32 $0x8000;
	[sflag:s1] =	ssyncadd.s32 $0xFFFFF800  }
0x85: {  	s20 =	simm.s32 @!p1 $0x400;
	s19 =	sand.u32 @!p1 $0x4000, s14;
	_ =	swait.ge [sflag:s1], $0x800  }
.LBB2_4:
0x86: {  	s21 =	sadd.s32 @!p1 $0x5000, s19  }
0x87: {  	s22 =	sadd.s32 @!p1 $0x400, s20;
	[sflag:s1] =	ssyncset.done $0x0;
	s18 =	smov.u32 s17  }
0x88: {  	s23 =	simm.s32 @!p1 $0x80;
	s24 =	sadd.s32 @!p1 $0x5800, s19;
	[sflag:s1] =	ssyncadd.s32 $0xFFFFF800  }
0x89: {  	[tilespmem:s21], [sflag:$0x1] =	stream.indirect.gather @!p1 [spmem:s2], $0x10, s22, s23, $0xb8;
	[tilespmem:$0x14800] =	vst v63  }
0x8a: {  	s25 =	sadd.s32 @!p1 $0x500, s20;
	s21 =	sadd.s32 @!p1 $0x480, s20;
	s22 =	sadd.s32 @!p1 $0x6000, s19  }
0x8b: {  	[tilespmem:s24], [sflag:$0x1] =	stream.indirect.gather @!p1 [spmem:s2], $0x10, s21, s23, $0xb8;
	[tilespmem:$0x14800] =	vst v63  }
0x8c: {  	s17 =	sadd.s32 $0x1000, s17;
	s21 =	sadd.s32 @!p1 $0x6800, s19;
	s24 =	sadd.s32 @!p1 $0x580, s20  }
0x8d: {  	[tilespmem:s22], [sflag:$0x1] =	stream.indirect.gather @!p1 [spmem:s2], $0x10, s25, s23, $0xb8;
	[tilespmem:$0x14800] =	vst v63  }
0x8e: {  	p0 =	sne.s32 s17, $0xA000;
	s22 =	sadd.s32 @!p1 $0x7000, s19;
	s25 =	sadd.s32 @!p1 $0x600, s20  }
0x8f: {  	[tilespmem:s21], [sflag:$0x1] =	stream.indirect.gather @!p1 [spmem:s2], $0x10, s24, s23, $0xb8;
	[tilespmem:$0x14800] =	vst v63  }
0x90: {  	s21 =	sadd.s32 @!p1 $0x7800, s19;
	s24 =	sadd.s32 @!p1 $0x680, s20  }
0x91: {  	[tilespmem:s22], [sflag:$0x1] =	stream.indirect.gather @!p1 [spmem:s2], $0x10, s25, s23, $0xb8;
	[tilespmem:$0x14800] =	vst v63  }
0x92: {  	s22 =	sor.u32 @!p1 $0x8000, s19;
	s25 =	sadd.s32 @!p1 $0x700, s20  }
0x93: {  	[tilespmem:s21], [sflag:$0x1] =	stream.indirect.gather @!p1 [spmem:s2], $0x10, s24, s23, $0xb8;
	[tilespmem:$0x14800] =	vst v63  }
0x94: {  	s19 =	sor.u32 @!p1 $0x8800, s19;
	s20 =	sadd.s32 @!p1 $0x780, s20  }
0x95: {  	[tilespmem:s22], [sflag:$0x1] =	stream.indirect.gather @!p1 [spmem:s2], $0x10, s25, s23, $0xb8;
	[tilespmem:$0x14800] =	vst v63  }
0x96: {  	_ = 	snop  }
0x97: {  	[tilespmem:s19], [sflag:$0x1] =	stream.indirect.gather @!p1 [spmem:s2], $0x10, s20, s23, $0xb8;
	[tilespmem:$0x14800] =	vst v63  }
0x98: {  	_ =	swait.ge [sflag:s31], $0x800  }
0x99: {  	[sflag:s31] =	ssyncset.done $0x0  }
0x9a: {  	[sflag:s31] =	ssyncadd.s32 $0xFFFFF800  }
0x9b: {  	_ =	swait.ge [sflag:s31], $0x800  }
0x9c: {  	[sflag:s31] =	ssyncset.done $0x0  }
0x9d: {  	[sflag:s31] =	ssyncadd.s32 $0xFFFFF800  }
0x9e: {  	_ =	swait.ge [sflag:s31], $0x800  }
0x9f: {  	[sflag:s31] =	ssyncset.done $0x0  }
0xa0: {  	[sflag:s31] =	ssyncadd.s32 $0xFFFFF800  }
0xa1: {  	_ =	swait.ge [sflag:s31], $0x800  }
0xa2: {  	[sflag:s31] =	ssyncset.done $0x0  }
0xa3: {  	[sflag:s31] =	ssyncadd.s32 $0xFFFFF800  }
0xa4: {  	_ =	swait.ge [sflag:s31], $0x800  }
0xa5: {  	[sflag:s31] =	ssyncset.done $0x0  }
0xa6: {  	[sflag:s31] =	ssyncadd.s32 $0xFFFFF800  }
0xa7: {  	_ =	swait.ge [sflag:s31], $0x800  }
0xa8: {  	[sflag:s31] =	ssyncset.done $0x0  }
0xa9: {  	[sflag:s31] =	ssyncadd.s32 $0xFFFFF800  }
0xaa: {  	_ =	swait.ge [sflag:s31], $0x800  }
0xab: {  	[sflag:s31] =	ssyncset.done $0x0  }
0xac: {  	s19 =	sadd.s32 $0xFFFFC000, s14;
	[sflag:s31] =	ssyncadd.s32 $0xFFFFF800  }
0xad: {  	s20 =	sshra.s32 s16, $0x2;
	s19 =	sand.u32 $0x4000, s19;
	_ =	swait.ge [sflag:s31], $0x800  }
0xae: {  	s21 =	sadd.s32 $0x2800, s20;
	s16 =	sadd.s32 $0x5000, s19;
	[sflag:s31] =	ssyncset.done $0x0  }
0xaf: {  	s23 =	sadd.s32 $0x2880, s20;
	s22 =	sadd.s32 $0x5800, s19;
	[sflag:s31] =	ssyncadd.s32 $0xFFFFF800  }
0xb0: {  	[spmem:s3] =	stream.indirect.scatter.add.f32 [tilespmem:s16], [sflag:$0x2], $0x10, s21, s15, $0xb8;
	[tilespmem:$0x14800] =	vst v63  }
0xb1: {  	s24 =	sadd.s32 $0x2900, s20;
	s21 =	sadd.s32 $0x6000, s19;
	s16 =	smov.u32 s18  }
0xb2: {  	[spmem:s3] =	stream.indirect.scatter.add.f32 [tilespmem:s22], [sflag:$0x2], $0x10, s23, s15, $0xb8;
	[tilespmem:$0x14800] =	vst v63  }
0xb3: {  	s18 =	sadd.s32 $0x6800, s19;
	s22 =	sadd.s32 $0x2980, s20  }
0xb4: {  	[spmem:s3] =	stream.indirect.scatter.add.f32 [tilespmem:s21], [sflag:$0x2], $0x10, s24, s15, $0xb8;
	[tilespmem:$0x14800] =	vst v63  }
0xb5: {  	s23 =	sadd.s32 $0x2A00, s20;
	s21 =	sadd.s32 $0x7000, s19  }
0xb6: {  	[spmem:s3] =	stream.indirect.scatter.add.f32 [tilespmem:s18], [sflag:$0x2], $0x10, s22, s15, $0xb8;
	[tilespmem:$0x14800] =	vst v63  }
0xb7: {  	s18 =	sadd.s32 $0x7800, s19;
	s22 =	sadd.s32 $0x2A80, s20  }
0xb8: {  	[spmem:s3] =	stream.indirect.scatter.add.f32 [tilespmem:s21], [sflag:$0x2], $0x10, s23, s15, $0xb8;
	[tilespmem:$0x14800] =	vst v63  }
0xb9: {  	s21 =	sor.u32 $0x8000, s19;
	s23 =	sadd.s32 $0x2B00, s20  }
0xba: {  	[spmem:s3] =	stream.indirect.scatter.add.f32 [tilespmem:s18], [sflag:$0x2], $0x10, s22, s15, $0xb8;
	[tilespmem:$0x14800] =	vst v63  }
0xbb: {  	s18 =	sor.u32 $0x8800, s19;
	s19 =	sadd.s32 $0x2B80, s20  }
0xbc: {  	[spmem:s3] =	stream.indirect.scatter.add.f32 [tilespmem:s21], [sflag:$0x2], $0x10, s23, s15, $0xb8;
	[tilespmem:$0x14800] =	vst v63  }
0xbd: {  	_ = 	snop  }
0xbe: {  	[spmem:s3] =	stream.indirect.scatter.add.f32 [tilespmem:s18], [sflag:$0x2], $0x10, s19, s15, $0xb8;
	[tilespmem:$0x14800] =	vst v63  }
0xbf: {  	_ =	swait.ge [sflag:s1], $0x800  }
0xc0: {  	[sflag:s1] =	ssyncset.done $0x0  }
0xc1: {  	[sflag:s1] =	ssyncadd.s32 $0xFFFFF800  }
0xc2: {  	_ =	swait.ge [sflag:s1], $0x800  }
0xc3: {  	[sflag:s1] =	ssyncset.done $0x0  }
0xc4: {  	[sflag:s1] =	ssyncadd.s32 $0xFFFFF800  }
0xc5: {  	_ =	swait.ge [sflag:s1], $0x800  }
0xc6: {  	[sflag:s1] =	ssyncset.done $0x0  }
0xc7: {  	[sflag:s1] =	ssyncadd.s32 $0xFFFFF800  }
0xc8: {  	_ =	swait.ge [sflag:s1], $0x800  }
0xc9: {  	[sflag:s1] =	ssyncset.done $0x0  }
0xca: {  	[sflag:s1] =	ssyncadd.s32 $0xFFFFF800  }
0xcb: {  	_ =	swait.ge [sflag:s1], $0x800  }
0xcc: {  	[sflag:s1] =	ssyncset.done $0x0  }
0xcd: {  	[sflag:s1] =	ssyncadd.s32 $0xFFFFF800  }
0xce: {  	_ =	swait.ge [sflag:s1], $0x800  }
0xcf: {  	[sflag:s1] =	ssyncset.done $0x0  }
.Ltmp1:
0xd0: {  	[sflag:s1] =	ssyncadd.s32 $0xFFFFF800;
	(pc) =	sbr.rel @p0 .LBB2_4-.Ltmp1, $4  }
0xd1: {  	_ =	swait.ge [sflag:s1], $0x800  }
0xd2: {  	[sflag:s1] =	ssyncset.done $0x0  }
0xd3: {  	s14 =	sadd.s32 $0x4000, s14;
	p1 =	seq.s32 s16, $0x9000;
	[sflag:s1] =	ssyncadd.s32 $0xFFFFF800  }
0xd4: {  	s20 =	sshra.s32 @!p1 s16, $0x2;
	s19 =	sand.u32 @!p1 $0x4000, s14;
	_ =	swait.ge [sflag:s1], $0x800  }
0xd5: {  	s17 =	sadd.s32 @!p1 $0x5000, s19;
	[sflag:s1] =	ssyncset.done $0x0  }
0xd6: {  	s18 =	sadd.s32 @!p1 $0x400, s20;
	s21 =	simm.s32 @!p1 $0x80;
	[sflag:s1] =	ssyncadd.s32 $0xFFFFF800  }
0xd7: {  	[tilespmem:s17], [sflag:$0x1] =	stream.indirect.gather @!p1 [spmem:s2], $0x10, s18, s21, $0xb8;
	[tilespmem:$0x14800] =	vst v63  }
0xd8: {  	s17 =	sadd.s32 @!p1 $0x5800, s19;
	s18 =	sadd.s32 @!p1 $0x480, s20  }
0xd9: {  	[tilespmem:s17], [sflag:$0x1] =	stream.indirect.gather @!p1 [spmem:s2], $0x10, s18, s21, $0xb8;
	[tilespmem:$0x14800] =	vst v63  }
0xda: {  	s17 =	sadd.s32 @!p1 $0x6000, s19;
	s18 =	sadd.s32 @!p1 $0x500, s20  }
0xdb: {  	[tilespmem:s17], [sflag:$0x1] =	stream.indirect.gather @!p1 [spmem:s2], $0x10, s18, s21, $0xb8;
	[tilespmem:$0x14800] =	vst v63  }
0xdc: {  	s17 =	sadd.s32 @!p1 $0x6800, s19;
	s18 =	sadd.s32 @!p1 $0x580, s20  }
0xdd: {  	[tilespmem:s17], [sflag:$0x1] =	stream.indirect.gather @!p1 [spmem:s2], $0x10, s18, s21, $0xb8;
	[tilespmem:$0x14800] =	vst v63  }
0xde: {  	s17 =	sadd.s32 @!p1 $0x7000, s19;
	s18 =	sadd.s32 @!p1 $0x600, s20  }
0xdf: {  	[tilespmem:s17], [sflag:$0x1] =	stream.indirect.gather @!p1 [spmem:s2], $0x10, s18, s21, $0xb8;
	[tilespmem:$0x14800] =	vst v63  }
0xe0: {  	s17 =	sadd.s32 @!p1 $0x7800, s19;
	s18 =	sadd.s32 @!p1 $0x680, s20  }
0xe1: {  	[tilespmem:s17], [sflag:$0x1] =	stream.indirect.gather @!p1 [spmem:s2], $0x10, s18, s21, $0xb8;
	[tilespmem:$0x14800] =	vst v63  }
0xe2: {  	s17 =	sor.u32 @!p1 $0x8000, s19;
	s18 =	sadd.s32 @!p1 $0x700, s20  }
0xe3: {  	[tilespmem:s17], [sflag:$0x1] =	stream.indirect.gather @!p1 [spmem:s2], $0x10, s18, s21, $0xb8;
	[tilespmem:$0x14800] =	vst v63  }
0xe4: {  	s17 =	sor.u32 @!p1 $0x8800, s19;
	s18 =	sadd.s32 @!p1 $0x780, s20  }
0xe5: {  	[tilespmem:s17], [sflag:$0x1] =	stream.indirect.gather @!p1 [spmem:s2], $0x10, s18, s21, $0xb8;
	[tilespmem:$0x14800] =	vst v63  }
0xe6: {  	_ =	swait.ge [sflag:s31], $0x800  }
0xe7: {  	[sflag:s31] =	ssyncset.done $0x0  }
0xe8: {  	[sflag:s31] =	ssyncadd.s32 $0xFFFFF800  }
0xe9: {  	_ =	swait.ge [sflag:s31], $0x800  }
0xea: {  	[sflag:s31] =	ssyncset.done $0x0  }
0xeb: {  	[sflag:s31] =	ssyncadd.s32 $0xFFFFF800  }
0xec: {  	_ =	swait.ge [sflag:s31], $0x800  }
0xed: {  	[sflag:s31] =	ssyncset.done $0x0  }
0xee: {  	[sflag:s31] =	ssyncadd.s32 $0xFFFFF800  }
0xef: {  	_ =	swait.ge [sflag:s31], $0x800  }
0xf0: {  	[sflag:s31] =	ssyncset.done $0x0  }
0xf1: {  	[sflag:s31] =	ssyncadd.s32 $0xFFFFF800  }
0xf2: {  	_ =	swait.ge [sflag:s31], $0x800  }
0xf3: {  	[sflag:s31] =	ssyncset.done $0x0  }
0xf4: {  	[sflag:s31] =	ssyncadd.s32 $0xFFFFF800  }
0xf5: {  	_ =	swait.ge [sflag:s31], $0x800  }
0xf6: {  	[sflag:s31] =	ssyncset.done $0x0  }
0xf7: {  	[sflag:s31] =	ssyncadd.s32 $0xFFFFF800  }
0xf8: {  	_ =	swait.ge [sflag:s31], $0x800  }
0xf9: {  	[sflag:s31] =	ssyncset.done $0x0  }
0xfa: {  	[sflag:s31] =	ssyncadd.s32 $0xFFFFF800  }
0xfb: {  	s14 =	sadd.s32 $0xFFFFC000, s14;
	_ =	swait.ge [sflag:s31], $0x800  }
0xfc: {  	s16 =	sshra.s32 s16, $0x2;
	s14 =	sand.u32 $0x4000, s14;
	[sflag:s31] =	ssyncset.done $0x0  }
0xfd: {  	s20 =	sadd.s32 $0x5000, s14;
	s21 =	sadd.s32 $0x2800, s16;
	[sflag:s31] =	ssyncadd.s32 $0xFFFFF800  }
0xfe: {  	[spmem:s3] =	stream.indirect.scatter.add.f32 [tilespmem:s20], [sflag:$0x2], $0x10, s21, s15, $0xb8;
	[tilespmem:$0x14800] =	vst v63  }
0xff: {  	s23 =	sadd.s32 $0x2880, s16;
	s22 =	sadd.s32 $0x5800, s14  }
0x100: {  	[spmem:s3] =	stream.indirect.scatter.add.f32 [tilespmem:s22], [sflag:$0x2], $0x10, s23, s15, $0xb8;
	[tilespmem:$0x14800] =	vst v63  }
0x101: {  	s25 =	sadd.s32 $0x2900, s16;
	s24 =	sadd.s32 $0x6000, s14  }
0x102: {  	[spmem:s3] =	stream.indirect.scatter.add.f32 [tilespmem:s24], [sflag:$0x2], $0x10, s25, s15, $0xb8;
	[tilespmem:$0x14800] =	vst v63  }
0x103: {  	s19 =	sadd.s32 $0x2980, s16;
	s18 =	sadd.s32 $0x6800, s14  }
0x104: {  	[spmem:s3] =	stream.indirect.scatter.add.f32 [tilespmem:s18], [sflag:$0x2], $0x10, s19, s15, $0xb8;
	[tilespmem:$0x14800] =	vst v63  }
0x105: {  	s20 =	sadd.s32 $0x7000, s14;
	s21 =	sadd.s32 $0x2A00, s16  }
0x106: {  	[spmem:s3] =	stream.indirect.scatter.add.f32 [tilespmem:s20], [sflag:$0x2], $0x10, s21, s15, $0xb8;
	[tilespmem:$0x14800] =	vst v63  }
0x107: {  	s22 =	sadd.s32 $0x7800, s14;
	s23 =	sadd.s32 $0x2A80, s16  }
0x108: {  	[spmem:s3] =	stream.indirect.scatter.add.f32 [tilespmem:s22], [sflag:$0x2], $0x10, s23, s15, $0xb8;
	[tilespmem:$0x14800] =	vst v63  }
0x109: {  	s24 =	sor.u32 $0x8000, s14;
	s25 =	sadd.s32 $0x2B00, s16  }
0x10a: {  	[spmem:s3] =	stream.indirect.scatter.add.f32 [tilespmem:s24], [sflag:$0x2], $0x10, s25, s15, $0xb8;
	[tilespmem:$0x14800] =	vst v63  }
0x10b: {  	s14 =	sor.u32 $0x8800, s14;
	s16 =	sadd.s32 $0x2B80, s16  }
0x10c: {  	[spmem:s3] =	stream.indirect.scatter.add.f32 [tilespmem:s14], [sflag:$0x2], $0x10, s16, s15, $0xb8;
	[tilespmem:$0x14800] =	vst v63  }
0x10d: {  	_ =	swait.ge [sflag:s1], $0x800  }
0x10e: {  	[sflag:s1] =	ssyncset.done $0x0  }
0x10f: {  	[sflag:s1] =	ssyncadd.s32 $0xFFFFF800  }
0x110: {  	_ =	swait.ge [sflag:s1], $0x800  }
0x111: {  	[sflag:s1] =	ssyncset.done $0x0  }
0x112: {  	[sflag:s1] =	ssyncadd.s32 $0xFFFFF800  }
0x113: {  	_ =	swait.ge [sflag:s1], $0x800  }
0x114: {  	[sflag:s1] =	ssyncset.done $0x0  }
0x115: {  	[sflag:s1] =	ssyncadd.s32 $0xFFFFF800  }
0x116: {  	_ =	swait.ge [sflag:s1], $0x800  }
0x117: {  	[sflag:s1] =	ssyncset.done $0x0  }
0x118: {  	[sflag:s1] =	ssyncadd.s32 $0xFFFFF800  }
0x119: {  	_ =	swait.ge [sflag:s1], $0x800  }
0x11a: {  	[sflag:s1] =	ssyncset.done $0x0  }
0x11b: {  	[sflag:s1] =	ssyncadd.s32 $0xFFFFF800  }
0x11c: {  	_ =	swait.ge [sflag:s1], $0x800  }
0x11d: {  	[sflag:s1] =	ssyncset.done $0x0  }
0x11e: {  	[sflag:s1] =	ssyncadd.s32 $0xFFFFF800  }
0x11f: {  	_ =	swait.ge [sflag:s1], $0x800  }
0x120: {  	[sflag:s1] =	ssyncset.done $0x0  }
0x121: {  	[sflag:s1] =	ssyncadd.s32 $0xFFFFF800  }
0x122: {  	_ =	swait.ge [sflag:s1], $0x800  }
0x123: {  	[sflag:s1] =	ssyncset.done $0x0  }
0x124: {  	[sflag:s1] =	ssyncadd.s32 $0xFFFFF800  }
0x125: {  	[bflag:$0x0] =	sbarrier.arrive $0xFFFF  }
0x126: {  	[tilespmem:s12], [sflag:$0x3] =	stream.linear.gather [spmem:s9], $0x2800, $0x38;
	[tilespmem:$0x14800] =	vst v63  }
0x127: {  	s0 =	sadd.s32 $0x1, s0;
	_ =	swait.ge [sflag:s13], $0x2800  }
0x128: {  	p0 =	sne.s32 s0, s11;
	[sflag:s13] =	ssyncset.done $0x0  }
.Ltmp2:
0x129: {  	[sflag:s13] =	ssyncadd.s32 $0xFFFFD800;
	(pc) =	sbr.rel @p0 .LBB2_1-.Ltmp2, $4  }
0x12a: {  	[hbm4b:s10+s4] =	stream.linear.scatter [tilespmem:s12], [sflag:$0x3], $0x2800, $0x38;
	[tilespmem:$0x14800] =	vst v63  }
0x12b: {  	_ =	swait.ge [sflag:s13], $0x2800  }
0x12c: {  	[sflag:s13] =	ssyncset.done $0x0  }
0x12d: {  	[sflag:s13] =	ssyncadd.s32 $0xFFFFD800  }
0x12e: {  	_ =	sfence.sel $0x180000  }
0x12f: {  	[bflag:$0x0] =	sbarrier.arrive $0xFFFF  }
0x130: {  	_ =	strace $0x9000004D  }
0x131: {  	s0 =	stileid.u32;
	[bflag:$0x2] =	sbarrier.arrive $0xFFFF  }
0x132: {  	p0 =	sne.s32 s0, $0x0;
	s0 =	rddreg [dreg:$0x3]  }
0x133: {  	s0 =	sadd.s32 @!p0 $0x100000, s0  }
0x134: {  	[sflag:s0] =	ssyncadd.tile.s32 @!p0 $0x1;
	_ =	shalt  }
.Lfunc_end2:
_tile_overlayer_lowered:
.L_overlay_start_2:
0x135: {  	(tag) =	ssettag $0x2  }
0x136: {  	s0 =	rddreg [dreg:$0x0];
	s2 =	stileid.u32  }
0x137: {  	s1 =	rddreg [dreg:$0x1];
	p0 =	sne.s32 s2, $0x0  }
0x138: {  	s3 =	rddreg [dreg:$0x2];
	[bflag:$0x3] =	sbarrier.arrive $0xFFFF;
	s2 =	simm.s32 @!p0 $0x1C03  }
0x139: {  	[timem:s3], [sflag:s2] =	dma.local @!p0 [hbm:s0], s1  }
0x13a: {  	s0 =	simm.s32 @!p0 $0x3  }
0x13b: {  	_ =	swait.ge @!p0 [sflag:s0], s1  }
0x13c: {  	s1 =	ssub.s32 @!p0 $0x0, s1;
	[sflag:s0] =	ssyncset.done @!p0 $0x0  }
0x13d: {  	[sflag:s0] =	ssyncadd.s32 @!p0 s1  }
0x13e: {  	[bflag:$0x3] =	sbarrier.arrive $0xFFFF  }
0x13f: {  	_ =	shalt  }

// kernel: kernel.8.cloned.1.call-start
scs
__scs_entry_jumppad:
0x0: {  	(pc) =	sbr.rel $0x88, $3  }
0x1: {  	(tag) =	ssettag $0x0;
	lr =	simm.s32 $0x1  }
0x2: {  	[smem:$0x3F9B] =	sst lr;
	_ =	strace $0xD0000000  }
0x3: {  	_ = 	snop  }
0x4: {  	_ = 	snop  }
0x5: {  	_ = 	snop  }
0x6: {  	_ = 	snop  }
0x7: {  	_ = 	snop  }
__scs_overlays_trampoline_lowered:
0x8: {  	[smem:$0x3FAA] =	sst s0  }
0x9: {  	[smem:$0x3FAB] =	sst s1  }
0xa: {  	[smem:$0x3FAC] =	sst s2  }
0xb: {  	[smem:$0x3FAD] =	sst s3  }
0xc: {  	[smem:$0x3FAE] =	sst s4  }
0xd: {  	[smem:$0x3FAF] =	sst s5  }
0xe: {  	[smem:$0x3FB0] =	sst s6  }
0xf: {  	[smem:$0x3FB1] =	sst s7  }
0x10: {  	[smem:$0x3FB2] =	sst s8  }
0x11: {  	[smem:$0x3FB3] =	sst s9;
	s0 =	simm.s32 @!p0 $0x0  }
0x12: {  	s1 =	sld [smem:$0x3F99];
	s0 =	simm.s32 @p0 $0x1  }
0x13: {  	[smem:$0x3FB4] =	sst s0;
	s0 =	simm.s32 @!p1 $0x0  }
0x14: {  	s2 =	sld [smem:$0x3F98];
	s0 =	simm.s32 @p1 $0x1  }
0x15: {  	[smem:$0x3FB5] =	sst s0;
	s0 =	simm.s32 @!p2 $0x0  }
0x16: {  	s3 =	sld [smem:$0x3FDB];
	s0 =	simm.s32 @p2 $0x1  }
0x17: {  	s4 =	simm.s32 $0x1BF5;
	[smem:$0x3FB7] =	sst s0  }
0x18: {  	s0 =	sld [smem:$0x3F9A];
	_ =	swait.ge [sflag:s4], $0x0  }
0x19: {  	s7 =	sld [smem:$0x3F9B]  }
0x1a: {  	s8 =	sadd.s32 $0xFFFFE003, lr  }
0x1b: {  	s9 =	sadd.s32 $0xFFFFFEF7, lr;
	s5 =	simm.s32 $0xFFFFFFFF;
	p2 =	slt.u32 s8, $0xFFFFF086  }
0x1c: {  	p1 =	slt.u32 s9, $0xF7A;
	s5 =	simm.s32 @!p2 $0x0  }
0x1d: {  	s5 =	simm.s32 @p1 $0x1;
	p0 =	seq.s32 s7, s2  }
0x1e: {  	s7 =	smul.u32 @!p0 $0xF7A, s2;
	p2 =	seq.s32 @!p0 s5, $0x0  }
0x1f: {  	s9 =	smul.u32 $0xF7A, s1;
	s8 =	simm.s32 @!p0 $0x1BF5;
	p2 =	por !p2, p0  }
0x20: {  	[sflag:s8] =	ssyncset.s32 @!p0 $0xFFFFF086;
	s6 =	sadd.s32 @!p0 s3, s7;
	s7 =	simm.s32 @!p0 $0x108  }
0x21: {  	s3 =	sadd.s32 s3, s9;
	s6 =	sadd.s32 @!p0 $0x88, s6;
	s7 =	simm.s32 @p2 $0x1082  }
0x22: {  	[simem:s7], [sflag:s8] =	dma.local @!p0 [hbm:s6], $0xF7A  }
0x23: {  	s9 =	sor.u32 $0xD0000000, s2;
	s6 =	simm.s32 $0x108;
	_ =	swait.ge @!p0 [sflag:s8], $0x0  }
0x24: {  	s3 =	sadd.s32 $0x88, s3;
	s6 =	simm.s32 @!p1 $0x1082;
	[sflag:s4] =	ssyncset.s32 $0xFFFFF086  }
0x25: {  	[simem:s6], [sflag:s4] =	dma.local [hbm:s3], $0xF7A  }
0x26: {  	[smem:$0x3F9B] =	sst s1;
	(tag) =	ssettag s2;
	_ =	strace s9  }
0x27: {  	s1 =	sld [smem:$0x3FAB]  }
0x28: {  	s2 =	sld [smem:$0x3FAC]  }
0x29: {  	s4 =	sld [smem:$0x3FAE]  }
0x2a: {  	p0 =	seq.s32 s5, $0x0;
	s5 =	sld [smem:$0x3FAF]  }
0x2b: {  	s6 =	sld [smem:$0x3FB0]  }
0x2c: {  	s7 =	sld [smem:$0x3FB1]  }
0x2d: {  	s3 =	simm.s32 $0x108;
	s8 =	sld [smem:$0x3FB2]  }
0x2e: {  	s3 =	simm.s32 @!p0 $0x1082;
	s9 =	sld [smem:$0x3FB3]  }
0x2f: {  	lr =	sadd.s32 s0, s3;
	s0 =	sld [smem:$0x3FAA]  }
0x30: {  	s3 =	sld [smem:$0x3FAD]  }
0x31: {  	[smem:$0x3FB6] =	sst s10  }
0x32: {  	s10 =	sld [smem:$0x3FB4];
	_ =	sdelay $0x3  }
0x33: {  	p0 =	seq.s32 s10, $0x1;
	s10 =	sld [smem:$0x3FB6];
	_ =	sdelay $0x3  }
0x34: {  	[smem:$0x3FB6] =	sst s10  }
0x35: {  	s10 =	sld [smem:$0x3FB5];
	_ =	sdelay $0x3  }
0x36: {  	p1 =	seq.s32 s10, $0x1;
	s10 =	sld [smem:$0x3FB6];
	_ =	sdelay $0x3  }
0x37: {  	[smem:$0x3FB6] =	sst s10  }
0x38: {  	s10 =	sld [smem:$0x3FB7]  }
0x39: {  	_ = 	snop;
	(pc) =	sbr.ind lr, $3  }
0x3a: {  	_ = 	snop  }
0x3b: {  	_ = 	snop  }
0x3c: {  	p2 =	seq.s32 s10, $0x1;
	s10 =	sld [smem:$0x3FB6]  }
0x3d: {  	_ =	shalt  }
0x3e: {  	_ =	shalt  }
0x3f: {  	_ =	shalt  }
0x40: {  	_ =	shalt  }
0x41: {  	_ =	shalt  }
0x42: {  	_ =	shalt  }
0x43: {  	_ =	shalt  }
0x44: {  	_ =	shalt  }
0x45: {  	_ =	shalt  }
0x46: {  	_ =	shalt  }
0x47: {  	_ =	shalt  }
0x48: {  	_ =	shalt  }
0x49: {  	_ =	shalt  }
0x4a: {  	_ =	shalt  }
0x4b: {  	_ =	shalt  }
0x4c: {  	_ =	shalt  }
0x4d: {  	_ =	shalt  }
0x4e: {  	_ =	shalt  }
0x4f: {  	_ =	shalt  }
0x50: {  	_ =	shalt  }
0x51: {  	_ =	shalt  }
0x52: {  	_ =	shalt  }
0x53: {  	_ =	shalt  }
0x54: {  	_ =	shalt  }
0x55: {  	_ =	shalt  }
0x56: {  	_ =	shalt  }
0x57: {  	_ =	shalt  }
0x58: {  	_ =	shalt  }
0x59: {  	_ =	shalt  }
0x5a: {  	_ =	shalt  }
0x5b: {  	_ =	shalt  }
0x5c: {  	_ =	shalt  }
0x5d: {  	_ =	shalt  }
0x5e: {  	_ =	shalt  }
0x5f: {  	_ =	shalt  }
0x60: {  	_ =	shalt  }
0x61: {  	_ =	shalt  }
0x62: {  	_ =	shalt  }
0x63: {  	_ =	shalt  }
0x64: {  	_ =	shalt  }
0x65: {  	_ =	shalt  }
0x66: {  	_ =	shalt  }
0x67: {  	_ =	shalt  }
0x68: {  	_ =	shalt  }
0x69: {  	_ =	shalt  }
0x6a: {  	_ =	shalt  }
0x6b: {  	_ =	shalt  }
0x6c: {  	_ =	shalt  }
0x6d: {  	_ =	shalt  }
0x6e: {  	_ =	shalt  }
0x6f: {  	_ =	shalt  }
0x70: {  	_ =	shalt  }
0x71: {  	_ =	shalt  }
0x72: {  	_ =	shalt  }
0x73: {  	_ =	shalt  }
0x74: {  	_ =	shalt  }
0x75: {  	_ =	shalt  }
0x76: {  	_ =	shalt  }
0x77: {  	_ =	shalt  }
0x78: {  	_ =	shalt  }
0x79: {  	_ =	shalt  }
0x7a: {  	_ =	shalt  }
0x7b: {  	_ =	shalt  }
0x7c: {  	_ =	shalt  }
0x7d: {  	_ =	shalt  }
0x7e: {  	_ =	shalt  }
0x7f: {  	_ =	shalt  }
0x80: {  	_ =	shalt  }
0x81: {  	_ =	shalt  }
0x82: {  	_ =	shalt  }
0x83: {  	_ =	shalt  }
0x84: {  	_ =	shalt  }
0x85: {  	_ =	shalt  }
0x86: {  	_ =	shalt  }
0x87: {  	_ =	shalt  }
.Lfunc_end0:
.L_simem_size_0:
called_computation_lowered:
.L_overlay_start_0:
0x88: {  	s2 =	sld [smem:$0x3FD9]  }
0x89: {  	s3 =	sld [smem:$0x3FFE];
	_ =	sdelay $0x1  }
0x8a: {  	s1 =	srdreg.scid  }
0x8b: {  	s0 =	sand.u32 $0x1, s1  }
0x8c: {  	s17 =	sshll.u32 s0, $0xA;
	s2 =	sadd.s32 s3, s2  }
0x8d: {  	s2 =	sadd.s32 s2, s17  }
0x8e: {  	[smem:$0x3FC2] =	sst s2  }
0x8f: {  	_ = 	snop  }
0x90: {  	s2 =	sld [smem:$0x3FD0];
	(tm) =	ssettm $0x1  }
0x91: {  	s18 =	sld [smem:$0x3FFB];
	_ =	sdelay $0x3  }
0x92: {  	_ =	strace s18  }
0x93: {  	s3 =	sld [smem:$0x3FFC];
	_ =	sdelay $0x3  }
0x94: {  	_ =	strace s3  }
0x95: {  	s3 =	sld [smem:$0x3FFD];
	_ =	sdelay $0x3  }
0x96: {  	_ =	strace s3  }
0x97: {  	_ =	strace $0x8FFFFFFF  }
0x98: {  	s19 =	sld [smem:$0x3FDB];
	_ =	sdelay $0x1  }
0x99: {  	s4 =	simm.s32 $_scs_section_size  }
0x9a: {  	s5 =	simm.s32 $_size__tile_overlayer_lowered;
	s6 =	simm.s32 $_tile_overlayer_lowered  }
0x9b: {  	s22 =	simm.s32 $0x1BFF;
	s21 =	sshll.u32 s6, $0x1;
	s3 =	sadd.s32 s4, s19  }
0x9c: {  	s7 =	simm.s32 $0x0;
	s20 =	sshll.u32 s5, $0x1;
	s5 =	sadd.s32 s21, s3  }
0x9d: {  	[timem:s7], [sflag:s22] =	dma.local [hbm:s5], s20  }
0x9e: {  	_ =	swait.ge [sflag:s22], s20  }
0x9f: {  	s4 =	ssub.s32 $0x0, s20;
	[sflag:s22] =	ssyncset.done $0x0  }
0xa0: {  	[sflag:s22] =	ssyncadd.s32 s4;
	_ =	sdelay $0x1  }
0xa1: {  	s23 =	simm.s32 $0x1B8B  }
0xa2: {  	_ =	swait.ge [sflag:s23], $0x1  }
0xa3: {  	[sflag:s23] =	ssyncset.done $0x0  }
0xa4: {  	s25 =	simm.s32 $0x1B8E;
	s24 =	sld [smem:$0x3FFE];
	[sflag:s23] =	ssyncadd.s32 $0xFFFFFFFF  }
0xa5: {  	s26 =	simm.s32 $execute0_lowered;
	[smem:$0x3FD2] =	sst s25  }
0xa6: {  	s5 =	sshll.u32 s26, $0x1;
	_ =	strace $0x80000046;
	[dreg:$0x1] =	wrdreg $0xFFFFFFFF  }
0xa7: {  	s28 =	simm.s32 $_size_execute0_lowered;
	s3 =	sadd.s32 s3, s5;
	[dreg:$0x0] =	wrdreg $0x0  }
0xa8: {  	s5 =	sshll.u32 s28, $0x1;
	[dreg:$0x2] =	wrdreg s3  }
0xa9: {  	[dreg:$0x3] =	wrdreg s5  }
0xaa: {  	[dreg:$0x4] =	wrdreg $0xC0  }
0xab: {  	_ =	task [dreg:s7], $0x5FFFF  }
0xac: {  	[dreg:$0x1] =	wrdreg $0xFFFFFFFF  }
0xad: {  	[dreg:$0x0] =	wrdreg $0x60  }
0xae: {  	[dreg:$0x2] =	wrdreg s24  }
0xaf: {  	[dreg:$0x3] =	wrdreg s2  }
0xb0: {  	[dreg:$0x4] =	wrdreg $0x2B000  }
0xb1: {  	[dreg:$0x5] =	wrdreg $0x9  }
0xb2: {  	_ =	task.clear_ibuf [dreg:s7], $0x6FFFF;
	_ =	strace $0x90000046  }
0xb3: {  	s29 =	simm.s32 $0x9;
	_ =	strace $0x80000048  }
0xb4: {  	_ =	swait.ge [sflag:s29], $0x1  }
0xb5: {  	[sflag:s29] =	ssyncadd.s32 $0xFFFFFFFF  }
0xb6: {  	_ =	strace $0x90000048  }
0xb7: {  	_ =	sfence  }
0xb8: {  	s30 =	sld [smem:$0x0];
	_ =	sdelay $0x2  }
0xb9: {  	s31 =	sshll.u32 s1, $0xD;
	s1 =	sshrl.u32 s1, $0x2  }
0xba: {  	s3 =	sand.u32 $0x4000, s31;
	s1 =	sadd.s32 s1, s30  }
0xbb: {  	s0 =	sor.u32 s3, s0;
	s1 =	sshll.u32 s1, $0x11  }
0xbc: {  	s0 =	sor.u32 s1, s0  }
0xbd: {  	s0 =	sadd.s32 $0x8F2B, s0  }
0xbe: {  	[sflag:s0] =	ssyncadd.remote.s32 $0x1  }
0xbf: {  	_ =	sfence.sel $0xFFFF  }
0xc0: {  	[dreg:$0x0] =	wrdreg $0xFFFFFFFF;
	(pc) =	sbr.abs _section_cstart, $3  }
0xc1: {  	[dreg:$0x1] =	wrdreg $0xFFFFFFFF  }
0xc2: {  	_ =	task.clear_ibuf [dreg:s7], $0x2FFFF;
	_ =	strace $0x9FFFFFFF  }
0xc3: {  	(tm) =	ssettm $0x7FFFFFFF  }
tec
execute0_lowered:
.L_overlay_start_1:
0x0: {  	(tag) =	ssettag $0x1  }
0x1: {  	s5 =	rddreg [dreg:$0x0]  }
0x2: {  	s6 =	rddreg [dreg:$0x1]  }
0x3: {  	s0 =	srdreg.scid;
	s2 =	rddreg [dreg:$0x2];
	s3 =	simm.s32 $0x0  }
0x4: {  	s11 =	simm.s32 $0x2800;
	s4 =	sand.u32 $0x1, s0;
	s0 =	stileid.u32  }
0x5: {  	s12 =	simm.s32 $0x1;
	s1 =	sshll.u32 s4, $0x4;
	s8 =	smul.u32 $0x280, s0  }
0x6: {  	s13 =	simm.s32 $0x0;
	s9 =	smul.u32 $0x2800, s4;
	s1 =	sor.u32 s0, s1  }
0x7: {  	[smem:$0x7FF] =	sst s3;
	s4 =	ssub.s32 $0x2, s4;
	s7 =	smul.u32 $0x2800, s1  }
0x8: {  	s10 =	sshrl.u32 s4, $0x1;
	s1 =	rddreg [dreg:$0x3];
	_ =	strace $0x80000047  }
0x9: {  	s30 =	sadd.s32 s8, s9;
	s31 =	ssub.s32 s4, s10;
	s7 =	sshrl.u32 s7, $0x3  }
0xa: {  	s9 =	simm.s32 $0x2880;
	s10 =	simm.s32 $0x80;
	s5 =	sadd.s32 s5, s7  }
0xb: {  	s7 =	sshrl.u32 s30, $0x3;
	s4 =	sadd.s32 $0xD200, s5;
	s5 =	sadd.s32 s8, s2  }
0xc: {  	v0 =	vimm.f32 $1.000000000e+00;
	v1 =	vimm.f32 $0.0e+00;
	s6 =	sadd.s32 s6, s7;
	s7 =	smax.u32 s31, $0x1;
	s8 =	simm.s32 $0x2  }
.LBB2_1:
0xd: {  	[tilespmem:$0x2800] =	vst v0  }
0xe: {  	[tilespmem:$0x2810] =	vst v0  }
0xf: {  	[tilespmem:$0x2820] =	vst v0  }
0x10: {  	[tilespmem:$0x2830] =	vst v0  }
0x11: {  	[tilespmem:$0x2840] =	vst v0  }
0x12: {  	[tilespmem:$0x2850] =	vst v0  }
0x13: {  	[tilespmem:$0x2860] =	vst v0  }
0x14: {  	[tilespmem:$0x2870] =	vst v0  }
0x15: {  	[tilespmem:$0x2880] =	vst v1  }
0x16: {  	[tilespmem:$0x2890] =	vst v1  }
0x17: {  	[tilespmem:$0x28A0] =	vst v1  }
0x18: {  	[tilespmem:$0x28B0] =	vst v1  }
0x19: {  	[tilespmem:$0x28C0] =	vst v1  }
0x1a: {  	[tilespmem:$0x28D0] =	vst v1  }
0x1b: {  	[tilespmem:$0x28E0] =	vst v1  }
0x1c: {  	[tilespmem:$0x28F0] =	vst v1  }
0x1d: {  	[tilespmem:$0x2900] =	vst v1  }
0x1e: {  	[tilespmem:$0x2910] =	vst v1  }
0x1f: {  	[tilespmem:$0x2920] =	vst v1  }
0x20: {  	[tilespmem:$0x2930] =	vst v1  }
0x21: {  	[tilespmem:$0x2940] =	vst v1  }
0x22: {  	[tilespmem:$0x2950] =	vst v1  }
0x23: {  	[tilespmem:$0x2960] =	vst v1  }
0x24: {  	[tilespmem:$0x2970] =	vst v1  }
0x25: {  	[tilespmem:$0x2980] =	vst v1  }
0x26: {  	[tilespmem:$0x2990] =	vst v1  }
0x27: {  	[tilespmem:$0x29A0] =	vst v1  }
0x28: {  	[tilespmem:$0x29B0] =	vst v1  }
0x29: {  	[tilespmem:$0x29C0] =	vst v1  }
0x2a: {  	[tilespmem:$0x29D0] =	vst v1  }
0x2b: {  	[tilespmem:$0x29E0] =	vst v1  }
0x2c: {  	[tilespmem:$0x29F0] =	vst v1  }
0x2d: {  	[tilespmem:$0x2A00] =	vst v1  }
0x2e: {  	[tilespmem:$0x2A10] =	vst v1  }
0x2f: {  	[tilespmem:$0x2A20] =	vst v1  }
0x30: {  	[tilespmem:$0x2A30] =	vst v1  }
0x31: {  	[tilespmem:$0x2A40] =	vst v1  }
0x32: {  	[tilespmem:$0x2A50] =	vst v1  }
0x33: {  	[tilespmem:$0x2A60] =	vst v1  }
0x34: {  	[tilespmem:$0x2A70] =	vst v1  }
0x35: {  	[tilespmem:$0x2A80] =	vst v1  }
0x36: {  	[tilespmem:$0x2A90] =	vst v1  }
0x37: {  	[tilespmem:$0x2AA0] =	vst v1  }
0x38: {  	[tilespmem:$0x2AB0] =	vst v1  }
0x39: {  	[tilespmem:$0x2AC0] =	vst v1  }
0x3a: {  	[tilespmem:$0x2AD0] =	vst v1  }
0x3b: {  	[tilespmem:$0x2AE0] =	vst v1  }
0x3c: {  	[tilespmem:$0x2AF0] =	vst v1  }
0x3d: {  	[tilespmem:s3], [sflag:$0x2] =	stream.linear.gather [hbm4b:s4+s3], $0x2800, $0x38;
	[tilespmem:$0x2D80] =	vst v63  }
0x3e: {  	_ =	swait.ge [sflag:s8], $0x2800  }
0x3f: {  	[sflag:s8] =	ssyncset.done $0x0  }
0x40: {  	[sflag:s8] =	ssyncadd.s32 $0xFFFFD800  }
0x41: {  	[spmem:s5] =	stream.linear.scatter [tilespmem:s9], [sflag:$0x2], $0x280, $0x38;
	[tilespmem:$0x2D80] =	vst v63  }
0x42: {  	_ =	swait.ge [sflag:s8], $0x280  }
0x43: {  	[sflag:s8] =	ssyncset.done $0x0  }
0x44: {  	[sflag:s8] =	ssyncadd.s32 $0xFFFFFD80  }
0x45: {  	s14 =	simm.s32 $0x0;
	[bflag:$0x0] =	sbarrier.arrive $0xFFFF  }
0x46: {  	[spmem:s2] =	stream.indirect.scatter.add.f32 [tilespmem:s11], [sflag:$0x1], $0x1, s14, s10, $0xb8;
	[tilespmem:$0x2D80] =	vst v63  }
0x47: {  	s24 =	simm.s32 $0x80  }
0x48: {  	[spmem:s2] =	stream.indirect.scatter.add.f32 [tilespmem:s11], [sflag:$0x1], $0x1, s24, s10, $0xb8;
	[tilespmem:$0x2D80] =	vst v63  }
0x49: {  	s25 =	simm.s32 $0x100  }
0x4a: {  	[spmem:s2] =	stream.indirect.scatter.add.f32 [tilespmem:s11], [sflag:$0x1], $0x1, s25, s10, $0xb8;
	[tilespmem:$0x2D80] =	vst v63  }
0x4b: {  	s26 =	simm.s32 $0x180  }
0x4c: {  	[spmem:s2] =	stream.indirect.scatter.add.f32 [tilespmem:s11], [sflag:$0x1], $0x1, s26, s10, $0xb8;
	[tilespmem:$0x2D80] =	vst v63  }
0x4d: {  	s28 =	simm.s32 $0x200  }
0x4e: {  	[spmem:s2] =	stream.indirect.scatter.add.f32 [tilespmem:s11], [sflag:$0x1], $0x1, s28, s10, $0xb8;
	[tilespmem:$0x2D80] =	vst v63  }
0x4f: {  	s29 =	simm.s32 $0x280  }
0x50: {  	[spmem:s2] =	stream.indirect.scatter.add.f32 [tilespmem:s11], [sflag:$0x1], $0x1, s29, s10, $0xb8;
	[tilespmem:$0x2D80] =	vst v63  }
0x51: {  	s30 =	simm.s32 $0x300  }
0x52: {  	[spmem:s2] =	stream.indirect.scatter.add.f32 [tilespmem:s11], [sflag:$0x1], $0x1, s30, s10, $0xb8;
	[tilespmem:$0x2D80] =	vst v63  }
0x53: {  	s31 =	simm.s32 $0x380  }
0x54: {  	[spmem:s2] =	stream.indirect.scatter.add.f32 [tilespmem:s11], [sflag:$0x1], $0x1, s31, s10, $0xb8;
	[tilespmem:$0x2D80] =	vst v63  }
0x55: {  	_ =	swait.ge [sflag:s12], $0x80  }
0x56: {  	[sflag:s12] =	ssyncset.done $0x0  }
0x57: {  	[sflag:s12] =	ssyncadd.s32 $0xFFFFFF80  }
0x58: {  	_ =	swait.ge [sflag:s12], $0x80  }
0x59: {  	[sflag:s12] =	ssyncset.done $0x0  }
0x5a: {  	[sflag:s12] =	ssyncadd.s32 $0xFFFFFF80  }
0x5b: {  	_ =	swait.ge [sflag:s12], $0x80  }
0x5c: {  	[sflag:s12] =	ssyncset.done $0x0  }
0x5d: {  	[sflag:s12] =	ssyncadd.s32 $0xFFFFFF80  }
0x5e: {  	_ =	swait.ge [sflag:s12], $0x80  }
0x5f: {  	[sflag:s12] =	ssyncset.done $0x0  }
0x60: {  	[sflag:s12] =	ssyncadd.s32 $0xFFFFFF80  }
0x61: {  	_ =	swait.ge [sflag:s12], $0x80  }
0x62: {  	[sflag:s12] =	ssyncset.done $0x0  }
0x63: {  	[sflag:s12] =	ssyncadd.s32 $0xFFFFFF80  }
0x64: {  	_ =	swait.ge [sflag:s12], $0x80  }
0x65: {  	[sflag:s12] =	ssyncset.done $0x0  }
0x66: {  	[sflag:s12] =	ssyncadd.s32 $0xFFFFFF80  }
0x67: {  	_ =	swait.ge [sflag:s12], $0x80  }
0x68: {  	[sflag:s12] =	ssyncset.done $0x0  }
0x69: {  	[sflag:s12] =	ssyncadd.s32 $0xFFFFFF80  }
0x6a: {  	_ =	swait.ge [sflag:s12], $0x80  }
0x6b: {  	s16 =	simm.s32 $0x2000;
	s14 =	simm.s32 $0x1000;
	[sflag:s12] =	ssyncset.done $0x0  }
.LBB2_2:
0x6c: {  	s17 =	sshra.s32 s14, $0x2  }
0x6d: {  	[sflag:s12] =	ssyncadd.s32 $0xFFFFFF80;
	s14 =	smov.u32 s16;
	s15 =	sadd.s32 $0x1000, s16  }
0x6e: {  	[spmem:s2] =	stream.indirect.scatter.add.f32 [tilespmem:s11], [sflag:$0x1], $0x1, s17, s10, $0xb8;
	[tilespmem:$0x2D80] =	vst v63  }
0x6f: {  	p0 =	sne.s32 s16, $0x9000;
	s16 =	sadd.s32 $0x80, s17  }
0x70: {  	[spmem:s2] =	stream.indirect.scatter.add.f32 [tilespmem:s11], [sflag:$0x1], $0x1, s16, s10, $0xb8;
	[tilespmem:$0x2D80] =	vst v63  }
0x71: {  	s16 =	sadd.s32 $0x100, s17  }
0x72: {  	[spmem:s2] =	stream.indirect.scatter.add.f32 [tilespmem:s11], [sflag:$0x1], $0x1, s16, s10, $0xb8;
	[tilespmem:$0x2D80] =	vst v63  }
0x73: {  	s16 =	sadd.s32 $0x180, s17  }
0x74: {  	[spmem:s2] =	stream.indirect.scatter.add.f32 [tilespmem:s11], [sflag:$0x1], $0x1, s16, s10, $0xb8;
	[tilespmem:$0x2D80] =	vst v63  }
0x75: {  	s16 =	sadd.s32 $0x200, s17  }
0x76: {  	[spmem:s2] =	stream.indirect.scatter.add.f32 [tilespmem:s11], [sflag:$0x1], $0x1, s16, s10, $0xb8;
	[tilespmem:$0x2D80] =	vst v63  }
0x77: {  	s16 =	sadd.s32 $0x280, s17  }
0x78: {  	[spmem:s2] =	stream.indirect.scatter.add.f32 [tilespmem:s11], [sflag:$0x1], $0x1, s16, s10, $0xb8;
	[tilespmem:$0x2D80] =	vst v63  }
0x79: {  	s16 =	sadd.s32 $0x300, s17  }
0x7a: {  	[spmem:s2] =	stream.indirect.scatter.add.f32 [tilespmem:s11], [sflag:$0x1], $0x1, s16, s10, $0xb8;
	[tilespmem:$0x2D80] =	vst v63  }
0x7b: {  	s16 =	sadd.s32 $0x380, s17  }
0x7c: {  	[spmem:s2] =	stream.indirect.scatter.add.f32 [tilespmem:s11], [sflag:$0x1], $0x1, s16, s10, $0xb8;
	[tilespmem:$0x2D80] =	vst v63  }
0x7d: {  	_ =	swait.ge [sflag:s12], $0x80  }
0x7e: {  	[sflag:s12] =	ssyncset.done $0x0  }
0x7f: {  	[sflag:s12] =	ssyncadd.s32 $0xFFFFFF80  }
0x80: {  	_ =	swait.ge [sflag:s12], $0x80  }
0x81: {  	[sflag:s12] =	ssyncset.done $0x0  }
0x82: {  	[sflag:s12] =	ssyncadd.s32 $0xFFFFFF80  }
0x83: {  	_ =	swait.ge [sflag:s12], $0x80  }
0x84: {  	[sflag:s12] =	ssyncset.done $0x0  }
0x85: {  	[sflag:s12] =	ssyncadd.s32 $0xFFFFFF80  }
0x86: {  	_ =	swait.ge [sflag:s12], $0x80  }
0x87: {  	[sflag:s12] =	ssyncset.done $0x0  }
0x88: {  	[sflag:s12] =	ssyncadd.s32 $0xFFFFFF80  }
0x89: {  	_ =	swait.ge [sflag:s12], $0x80  }
0x8a: {  	[sflag:s12] =	ssyncset.done $0x0  }
0x8b: {  	[sflag:s12] =	ssyncadd.s32 $0xFFFFFF80  }
0x8c: {  	_ =	swait.ge [sflag:s12], $0x80  }
0x8d: {  	[sflag:s12] =	ssyncset.done $0x0  }
0x8e: {  	[sflag:s12] =	ssyncadd.s32 $0xFFFFFF80  }
.Ltmp0:
0x8f: {  	_ =	swait.ge [sflag:s12], $0x80;
	(pc) =	sbr.rel @p0 .LBB2_2-.Ltmp0, $4  }
0x90: {  	[sflag:s12] =	ssyncset.done $0x0  }
0x91: {  	[sflag:s12] =	ssyncadd.s32 $0xFFFFFF80  }
0x92: {  	_ =	swait.ge [sflag:s12], $0x80  }
0x93: {  	s16 =	smov.u32 s15;
	[sflag:s12] =	ssyncset.done $0x0  }
0x94: {  	s14 =	sshra.s32 s14, $0x2;
	[sflag:s12] =	ssyncadd.s32 $0xFFFFFF80  }
0x95: {  	[spmem:s2] =	stream.indirect.scatter.add.f32 [tilespmem:s11], [sflag:$0x1], $0x1, s14, s10, $0xb8;
	[tilespmem:$0x2D80] =	vst v63  }
0x96: {  	s15 =	sadd.s32 $0x80, s14  }
0x97: {  	[spmem:s2] =	stream.indirect.scatter.add.f32 [tilespmem:s11], [sflag:$0x1], $0x1, s15, s10, $0xb8;
	[tilespmem:$0x2D80] =	vst v63  }
0x98: {  	s26 =	sadd.s32 $0x100, s14  }
0x99: {  	[spmem:s2] =	stream.indirect.scatter.add.f32 [tilespmem:s11], [sflag:$0x1], $0x1, s26, s10, $0xb8;
	[tilespmem:$0x2D80] =	vst v63  }
0x9a: {  	s28 =	sadd.s32 $0x180, s14  }
0x9b: {  	[spmem:s2] =	stream.indirect.scatter.add.f32 [tilespmem:s11], [sflag:$0x1], $0x1, s28, s10, $0xb8;
	[tilespmem:$0x2D80] =	vst v63  }
0x9c: {  	s29 =	sadd.s32 $0x200, s14  }
0x9d: {  	[spmem:s2] =	stream.indirect.scatter.add.f32 [tilespmem:s11], [sflag:$0x1], $0x1, s29, s10, $0xb8;
	[tilespmem:$0x2D80] =	vst v63  }
0x9e: {  	s30 =	sadd.s32 $0x280, s14  }
0x9f: {  	[spmem:s2] =	stream.indirect.scatter.add.f32 [tilespmem:s11], [sflag:$0x1], $0x1, s30, s10, $0xb8;
	[tilespmem:$0x2D80] =	vst v63  }
0xa0: {  	s31 =	sadd.s32 $0x300, s14  }
0xa1: {  	[spmem:s2] =	stream.indirect.scatter.add.f32 [tilespmem:s11], [sflag:$0x1], $0x1, s31, s10, $0xb8;
	[tilespmem:$0x2D80] =	vst v63  }
0xa2: {  	s14 =	sadd.s32 $0x380, s14  }
0xa3: {  	[spmem:s2] =	stream.indirect.scatter.add.f32 [tilespmem:s11], [sflag:$0x1], $0x1, s14, s10, $0xb8;
	[tilespmem:$0x2D80] =	vst v63  }
0xa4: {  	_ =	swait.ge [sflag:s12], $0x80  }
0xa5: {  	[sflag:s12] =	ssyncset.done $0x0  }
0xa6: {  	[sflag:s12] =	ssyncadd.s32 $0xFFFFFF80  }
0xa7: {  	_ =	swait.ge [sflag:s12], $0x80  }
0xa8: {  	[sflag:s12] =	ssyncset.done $0x0  }
0xa9: {  	[sflag:s12] =	ssyncadd.s32 $0xFFFFFF80  }
0xaa: {  	_ =	swait.ge [sflag:s12], $0x80  }
0xab: {  	[sflag:s12] =	ssyncset.done $0x0  }
0xac: {  	[sflag:s12] =	ssyncadd.s32 $0xFFFFFF80  }
0xad: {  	_ =	swait.ge [sflag:s12], $0x80  }
0xae: {  	[sflag:s12] =	ssyncset.done $0x0  }
0xaf: {  	[sflag:s12] =	ssyncadd.s32 $0xFFFFFF80  }
0xb0: {  	_ =	swait.ge [sflag:s12], $0x80  }
0xb1: {  	[sflag:s12] =	ssyncset.done $0x0  }
0xb2: {  	[sflag:s12] =	ssyncadd.s32 $0xFFFFFF80  }
0xb3: {  	_ =	swait.ge [sflag:s12], $0x80  }
0xb4: {  	[sflag:s12] =	ssyncset.done $0x0  }
0xb5: {  	[sflag:s12] =	ssyncadd.s32 $0xFFFFFF80  }
0xb6: {  	_ =	swait.ge [sflag:s12], $0x80  }
0xb7: {  	[sflag:s12] =	ssyncset.done $0x0  }
0xb8: {  	[sflag:s12] =	ssyncadd.s32 $0xFFFFFF80  }
0xb9: {  	_ =	swait.ge [sflag:s12], $0x80  }
0xba: {  	[sflag:s12] =	ssyncset.done $0x0  }
0xbb: {  	[sflag:s12] =	ssyncadd.s32 $0xFFFFFF80  }
0xbc: {  	[bflag:$0x0] =	sbarrier.arrive $0xFFFF  }
0xbd: {  	[tilespmem:s9], [sflag:$0x2] =	stream.linear.gather [spmem:s5], $0x280, $0x38;
	[tilespmem:$0x2D80] =	vst v63  }
0xbe: {  	s13 =	sadd.s32 $0x1, s13;
	_ =	swait.ge [sflag:s8], $0x280  }
0xbf: {  	p0 =	sne.s32 s13, s7;
	[sflag:s8] =	ssyncset.done $0x0  }
.Ltmp1:
0xc0: {  	[sflag:s8] =	ssyncadd.s32 $0xFFFFFD80;
	(pc) =	sbr.rel @p0 .LBB2_1-.Ltmp1, $4  }
0xc1: {  	[hbm4b:s6+s3] =	stream.linear.scatter [tilespmem:s9], [sflag:$0x2], $0x280, $0x38;
	[tilespmem:$0x2D80] =	vst v63  }
0xc2: {  	_ =	swait.ge [sflag:s8], $0x280  }
0xc3: {  	[sflag:s8] =	ssyncset.done $0x0  }
0xc4: {  	[sflag:s8] =	ssyncadd.s32 $0xFFFFFD80  }
0xc5: {  	_ =	sfence.sel $0x180000  }
0xc6: {  	[bflag:$0x0] =	sbarrier.arrive $0xFFFF  }
0xc7: {  	p0 =	sne.s32 s0, $0x0;
	_ =	strace $0x90000047  }
0xc8: {  	s0 =	sadd.s32 @!p0 $0x100000, s1;
	[bflag:$0x2] =	sbarrier.arrive $0xFFFF  }
0xc9: {  	[sflag:s0] =	ssyncadd.tile.s32 @!p0 $0x1;
	_ =	shalt  }
.Lfunc_end2:
_tile_overlayer_lowered:
.L_overlay_start_2:
0xca: {  	(tag) =	ssettag $0x2  }
0xcb: {  	s0 =	rddreg [dreg:$0x0];
	s2 =	stileid.u32  }
0xcc: {  	s1 =	rddreg [dreg:$0x1];
	p0 =	sne.s32 s2, $0x0  }
0xcd: {  	s3 =	rddreg [dreg:$0x2];
	[bflag:$0x3] =	sbarrier.arrive $0xFFFF;
	s2 =	simm.s32 @!p0 $0x1C02  }
0xce: {  	[timem:s3], [sflag:s2] =	dma.local @!p0 [hbm:s0], s1  }
0xcf: {  	s0 =	simm.s32 @!p0 $0x2  }
0xd0: {  	_ =	swait.ge @!p0 [sflag:s0], s1  }
0xd1: {  	s1 =	ssub.s32 @!p0 $0x0, s1;
	[sflag:s0] =	ssyncset.done @!p0 $0x0  }
0xd2: {  	[sflag:s0] =	ssyncadd.s32 @!p0 s1  }
0xd3: {  	[bflag:$0x3] =	sbarrier.arrive $0xFFFF  }
0xd4: {  	_ =	shalt  }

</sc_bundles>
